<compile_context>
chip_gen: v7x
topology: tpu7x:2x2x1
jax: 0.10.2.dev20260603
libtpu: 0.0.44.dev20260713+nightly
codegen_flags: <defaults>
</compile_context>

<pallas_src>
import functools

import jax
import jax.numpy as jnp
import numpy as np
from jax import lax
from jax.experimental import pallas as pl
from jax.experimental.pallas import tpu as pltpu
from jax.experimental.pallas import tpu_sc as plsc

N = 10000
E = 320000
D = 128
H = 8
C = 128
HP = 16
NEG = 0.2

NC = 2
NS = 16
NW = NC * NS
EPW = E // NW
CHA = 80
NCHA = EPW // CHA
CHB = 40
NCHB = EPW // CHB
NPAD = 10240
RPT = NPAD // NS

BN = 2000

_PERM = np.arange(C).reshape(4, 2, 16).transpose(0, 2, 1).reshape(C)


def _proj_body(x_ref, w_ref, as_ref, ad_ref,
               xpbf_ref, ats_ref, atd_ref, ks_ref, kd_ref):
    i = pl.program_id(0)
    xp = jnp.dot(x_ref[...], w_ref[...], preferred_element_type=jnp.float32)
    xpbf_ref[...] = xp.astype(jnp.bfloat16)
    xph = xp.reshape(BN, H, C)
    asb = jnp.sum(xph * as_ref[...][None], axis=-1)
    adb = jnp.sum(xph * ad_ref[...][None], axis=-1)
    pad = jnp.zeros((BN, HP - H), jnp.float32)
    asbp = jnp.concatenate([asb, pad], axis=1)
    adbp = jnp.concatenate([adb, pad], axis=1)
    ats_ref[...] = asbp
    atd_ref[...] = adbp

    @pl.when(i == 0)
    def _():
        ks_ref[...] = jnp.full((1, HP), -1e30, jnp.float32)
        kd_ref[...] = jnp.full((1, HP), -1e30, jnp.float32)

    ks_ref[...] = jnp.maximum(ks_ref[...], jnp.max(asbp, axis=0, keepdims=True))
    kd_ref[...] = jnp.maximum(kd_ref[...], jnp.max(adbp, axis=0, keepdims=True))


def _proj(x, w, att_src, att_dst):
    return pl.pallas_call(
        _proj_body,
        grid=(N // BN,),
        in_specs=[
            pl.BlockSpec((BN, D), lambda i: (i, 0)),
            pl.BlockSpec((D, H * C), lambda i: (0, 0)),
            pl.BlockSpec((H, C), lambda i: (0, 0)),
            pl.BlockSpec((H, C), lambda i: (0, 0)),
        ],
        out_specs=[
            pl.BlockSpec((BN, H * C), lambda i: (i, 0)),
            pl.BlockSpec((BN, HP), lambda i: (i, 0)),
            pl.BlockSpec((BN, HP), lambda i: (i, 0)),
            pl.BlockSpec((1, HP), lambda i: (0, 0)),
            pl.BlockSpec((1, HP), lambda i: (0, 0)),
        ],
        out_shape=[
            jax.ShapeDtypeStruct((N, H * C), jnp.bfloat16),
            jax.ShapeDtypeStruct((N, HP), jnp.float32),
            jax.ShapeDtypeStruct((N, HP), jnp.float32),
            jax.ShapeDtypeStruct((1, HP), jnp.float32),
            jax.ShapeDtypeStruct((1, HP), jnp.float32),
        ],
    )(x, w, att_src, att_dst)


_MESH = plsc.VectorSubcoreMesh(core_axis_name="c", subcore_axis_name="s")


@functools.partial(
    pl.kernel,
    out_type=[
        jax.ShapeDtypeStruct((E, HP), jnp.float32),
        jax.ShapeDtypeStruct((NC, NPAD, HP), jnp.float32),
    ],
    mesh=_MESH,
    compiler_params=pltpu.CompilerParams(use_tc_tiling_on_sc=False),
    scratch_types=[
        pltpu.VMEM_SHARED((NPAD, HP), jnp.float32),
        pltpu.VMEM((2, CHA), jnp.int32),
        pltpu.VMEM((CHA, HP), jnp.float32),
        pltpu.VMEM((CHA, HP), jnp.float32),
        pltpu.VMEM((CHA, HP), jnp.float32),
        pltpu.VMEM((2, CHA), jnp.int32),
        pltpu.VMEM((CHA, HP), jnp.float32),
        pltpu.VMEM((CHA, HP), jnp.float32),
        pltpu.VMEM((CHA, HP), jnp.float32),
        pltpu.VMEM((1, HP), jnp.float32),
        pltpu.VMEM((1, HP), jnp.float32),
        pltpu.SemaphoreType.DMA,
        pltpu.SemaphoreType.DMA,
        pltpu.SemaphoreType.DMA,
        pltpu.SemaphoreType.DMA,
    ],
)
def _edge_pass_a(sdA_hbm, ats_hbm, atd_hbm, ks_hbm, kd_hbm, z16_hbm,
                 e_hbm, den_hbm,
                 den_sh, sd0, ag0, bg0, eb0, sd1, ag1, bg1, eb1,
                 ksb, kdb, as0, bs0, as1, bs1):
    c = lax.axis_index("c")
    s = lax.axis_index("s")
    wid = c * NS + s
    base = wid * EPW

    pltpu.sync_copy(z16_hbm.at[pl.ds(s * RPT, RPT), :],
                    den_sh.at[pl.ds(s * RPT, RPT), :])
    plsc.subcore_barrier()

    pltpu.sync_copy(ks_hbm, ksb)
    pltpu.sync_copy(kd_hbm, kdb)
    ksum = ksb[0] + kdb[0]
    kvec = jnp.maximum(ksum, NEG * ksum)

    bufs = ((sd0, ag0, bg0, eb0, as0, bs0),
            (sd1, ag1, bg1, eb1, as1, bs1))

    def issue(ci, b):
        sd, ag, bg, eb, asem, bsem = b
        pltpu.sync_copy(sdA_hbm.at[wid].at[ci], sd)
        pltpu.async_copy(ats_hbm.at[sd.at[0]], ag, asem)
        pltpu.async_copy(atd_hbm.at[sd.at[1]], bg, bsem)

    def body(ci, b_cur, b_nxt):
        sd, ag, bg, eb, asem, bsem = b_cur
        off = base + ci * CHA

        @pl.when(ci + 1 < NCHA)
        def _():
            issue(ci + 1, b_nxt)

        pltpu.make_async_copy(ats_hbm.at[sd.at[0]], ag, asem).wait()
        pltpu.make_async_copy(atd_hbm.at[sd.at[1]], bg, bsem).wait()

        def edge(i, _):
            a = ag[i] + bg[i]
            a = jnp.maximum(a, NEG * a)
            eb[i] = jnp.exp(a - kvec)
            return 0

        lax.fori_loop(0, CHA, edge, 0)
        pltpu.sync_copy(eb, e_hbm.at[pl.ds(off, CHA), :])
        pltpu.sync_copy(eb, den_sh.at[sd.at[1]], add=True)

    issue(0, bufs[0])
    body(0, bufs[0], bufs[1])

    def pair(g, carry):
        body(2 * g + 1, bufs[1], bufs[0])
        body(2 * g + 2, bufs[0], bufs[1])
        return carry

    lax.fori_loop(0, NCHA // 2, pair, 0)

    plsc.subcore_barrier()
    pltpu.sync_copy(den_sh.at[pl.ds(s * RPT, RPT), :],
                    den_hbm.at[c].at[pl.ds(s * RPT, RPT), :])


def _rden_body(d_ref, r_ref):
    r_ref[...] = 1.0 / (d_ref[0] + d_ref[1] + 1e-16)


def _rden(den):
    return pl.pallas_call(
        _rden_body,
        out_shape=jax.ShapeDtypeStruct((NPAD, HP), jnp.float32),
    )(den)


@functools.partial(
    pl.kernel,
    out_type=jax.ShapeDtypeStruct((NC, NPAD, C), jnp.float32),
    mesh=_MESH,
    compiler_params=pltpu.CompilerParams(use_tc_tiling_on_sc=False,
                                         needs_layout_passes=False),
    scratch_types=[
        pltpu.VMEM_SHARED((NPAD, C), jnp.float32),
        pltpu.VMEM((2, CHB), jnp.int32),
        pltpu.VMEM((CHB, HP), jnp.float32),
        pltpu.VMEM((CHB, HP), jnp.float32),
        pltpu.VMEM((CHB, H, C), jnp.bfloat16),
        pltpu.VMEM((2, CHB), jnp.int32),
        pltpu.VMEM((CHB, HP), jnp.float32),
        pltpu.VMEM((CHB, HP), jnp.float32),
        pltpu.VMEM((CHB, H, C), jnp.bfloat16),
        pltpu.VMEM((CHB, C), jnp.float32),
        pltpu.SemaphoreType.DMA,
        pltpu.SemaphoreType.DMA,
        pltpu.SemaphoreType.DMA,
        pltpu.SemaphoreType.DMA,
        pltpu.SemaphoreType.DMA,
        pltpu.SemaphoreType.DMA,
    ],
)
def _edge_pass_b(sd4_hbm, e_hbm, rd_hbm, xp_hbm, z128_hbm,
                 out_hbm,
                 out_sh, sd0, eb0, rb0, xb0, sd1, eb1, rb1, xb1,
                 msgb, es0, rs0, xs0, es1, rs1, xs1):
    c = lax.axis_index("c")
    s = lax.axis_index("s")
    wid = c * NS + s
    base = wid * EPW

    pltpu.sync_copy(z128_hbm.at[pl.ds(s * RPT, RPT), :],
                    out_sh.at[pl.ds(s * RPT, RPT), :])
    plsc.subcore_barrier()

    bufs = ((sd0, eb0, rb0, xb0, es0, rs0, xs0),
            (sd1, eb1, rb1, xb1, es1, rs1, xs1))

    def issue(ci, b):
        sd, eb, rb, xb, es, rs, xs = b
        off = base + ci * CHB
        pltpu.sync_copy(sd4_hbm.at[wid].at[ci], sd)
        pltpu.async_copy(e_hbm.at[pl.ds(off, CHB), :], eb, es)
        pltpu.async_copy(rd_hbm.at[sd.at[1]], rb, rs)
        pltpu.async_copy(xp_hbm.at[sd.at[0]], xb, xs)

    def drain(ci, b):
        sd, eb, rb, xb, es, rs, xs = b
        off = base + ci * CHB
        pltpu.make_async_copy(e_hbm.at[pl.ds(off, CHB), :], eb, es).wait()
        pltpu.make_async_copy(rd_hbm.at[sd.at[1]], rb, rs).wait()
        pltpu.make_async_copy(xp_hbm.at[sd.at[0]], xb, xs).wait()

    def body(ci, b_cur, b_nxt):
        sd, eb, rb, xb, es, rs, xs = b_cur

        @pl.when(ci + 1 < NCHB)
        def _():
            issue(ci + 1, b_nxt)

        drain(ci, b_cur)

        def edge(i, _):
            cfv = eb[i] * rb[i]
            accs = [jnp.zeros((16,), jnp.float32) for _ in range(8)]
            for h in range(H):
                bs = jnp.full((16,), cfv[h], jnp.float32)
                for cc in range(4):
                    v = xb[i, h, pl.ds(cc * 32, 32)]
                    vi = plsc.bitcast(v, jnp.int32)
                    lo = plsc.bitcast(jnp.left_shift(vi, 16), jnp.float32)
                    hi = plsc.bitcast(vi, jnp.float32)
                    accs[2 * cc] = accs[2 * cc] + bs * lo
                    accs[2 * cc + 1] = accs[2 * cc + 1] + bs * hi
            for m in range(8):
                msgb[i, pl.ds(m * 16, 16)] = accs[m]
            return 0

        lax.fori_loop(0, CHB, edge, 0, unroll=2)
        pltpu.sync_copy(msgb, out_sh.at[sd.at[1]], add=True)

    issue(0, bufs[0])

    def pair(g, carry):
        body(2 * g, bufs[0], bufs[1])
        body(2 * g + 1, bufs[1], bufs[0])
        return carry

    lax.fori_loop(0, NCHB // 2, pair, 0)

    plsc.subcore_barrier()
    pltpu.sync_copy(out_sh.at[pl.ds(s * RPT, RPT), :],
                    out_hbm.at[c].at[pl.ds(s * RPT, RPT), :])


def _final_body(p_ref, b_ref, o_ref):
    o_ref[...] = (p_ref[0] + p_ref[1]) * (1.0 / H) + b_ref[...]


def _final(partials, bias2d):
    return pl.pallas_call(
        _final_body,
        grid=(N // BN,),
        in_specs=[
            pl.BlockSpec((NC, BN, C), lambda i: (0, i, 0)),
            pl.BlockSpec((1, C), lambda i: (0, 0)),
        ],
        out_specs=pl.BlockSpec((BN, C), lambda i: (i, 0)),
        out_shape=jax.ShapeDtypeStruct((N, C), jnp.float32),
    )(partials, bias2d)


def kernel(x, edge_index, W, att_src, att_dst, bias):
    src = edge_index[0]
    dst = edge_index[1]
    perm = jnp.asarray(_PERM)
    Wp = W.reshape(D, H, C)[:, :, perm].reshape(D, H * C)
    xpbf, ats, atd, ks, kd = _proj(x, Wp, att_src[:, perm], att_dst[:, perm])
    z16 = jnp.zeros((NPAD, HP), jnp.float32)
    z128 = jnp.zeros((NPAD, C), jnp.float32)
    sdA = jnp.stack([src.reshape(NW, NCHA, CHA),
                     dst.reshape(NW, NCHA, CHA)], axis=2)
    e, den = _edge_pass_a(sdA, ats, atd, ks, kd, z16)
    rden = _rden(den)
    sd4 = jnp.stack([src.reshape(NW, NCHB, CHB),
                     dst.reshape(NW, NCHB, CHB)], axis=2)
    out_p = _edge_pass_b(sd4, e, rden, xpbf.reshape(N, H, C), z128)
    return _final(out_p, bias.reshape(1, C))

# --- scband reference (transcript-rebuilt; emitter-appended) ---
"""Pipeline reference for scband-gat-12867722019099 (READ-ONLY COPY).

The authoritative reference and input builder live on the scoring server;
editing this copy changes nothing except your own understanding.
"""

import jax, jax.numpy as jnp
import numpy as np

N = 10000
E = 320000
D = 128
H = 8
C = 128  # out_dim per head; concat=False -> mean over heads
NEG_SLOPE = 0.2


def setup_inputs(seed: int = 0) -> dict:
    key = jax.random.key(seed)
    k1, k2, k3, k4, k5 = jax.random.split(key, 5)
    x = jax.random.normal(k1, (N, D), dtype=jnp.float32)
    edge_index = jax.random.randint(k2, (2, E), 0, N, dtype=jnp.int32)
    # learned params sized per init_kwargs (GATConv: lin weight, att_src, att_dst, bias)
    W = jax.random.normal(k3, (D, H * C), dtype=jnp.float32) * (1.0 / np.sqrt(D))
    att_src = jax.random.normal(k4, (H, C), dtype=jnp.float32) * 0.1
    att_dst = jax.random.normal(k5, (H, C), dtype=jnp.float32) * 0.1
    bias = jnp.zeros((C,), dtype=jnp.float32)
    return {"x": x, "edge_index": edge_index, "W": W, "att_src": att_src, "att_dst": att_dst, "bias": bias}


def reference(x, edge_index, W, att_src, att_dst, bias):
    # GATConv forward (add_self_loops=False, concat=False)
    src = edge_index[0]
    dst = edge_index[1]
    n = x.shape[0]
    xp = (x @ W).reshape(n, H, C)                      # [N, H, C]
    a_src = jnp.sum(xp * att_src[None, :, :], axis=-1)  # [N, H]
    a_dst = jnp.sum(xp * att_dst[None, :, :], axis=-1)  # [N, H]
    alpha = a_src[src] + a_dst[dst]                     # [E, H] gather
    alpha = jax.nn.leaky_relu(alpha, NEG_SLOPE)
    # softmax over incoming edges of each dst node (segment softmax)
    m = jax.ops.segment_max(alpha, dst, num_segments=n)
    m = jnp.where(jnp.isfinite(m), m, 0.0)
    e = jnp.exp(alpha - m[dst])
    denom = jax.ops.segment_sum(e, dst, num_segments=n)
    coef = e / (denom[dst] + 1e-16)                     # [E, H]
    msg = xp[src] * coef[:, :, None]                    # [E, H, C] gather + scale
    out = jax.ops.segment_sum(msg, dst, num_segments=n) # [N, H, C] scatter-add
    out = out.mean(axis=1) + bias[None, :]              # concat=False -> mean heads
    return out

if __name__ == "__main__":
    import jax
    _d = setup_inputs()
    print(jax.jit(kernel)(*tuple(_d.values())))

</pallas_src>

<mosaic_0001>
#map = affine_map<(d0, d1) -> (0, 0, 0, 0)>
#map1 = affine_map<(d0, d1) -> (0, 0)>
#map2 = affine_map<(d0, d1) -> (0, 0, 0)>
module attributes {stable_mosaic.version = 14 : i64} {
  func.func @_edge_pass_b(%arg0: i32, %arg1: i32, %arg2: memref<32x250x2x40xi32, #tpu.memory_space<hbm>>, %arg3: memref<320000x16xf32, #tpu.memory_space<hbm>>, %arg4: memref<10240x16xf32, #tpu.memory_space<hbm>>, %arg5: memref<10000x8x128xbf16, #tpu.memory_space<hbm>>, %arg6: memref<10240x128xf32, #tpu.memory_space<hbm>>, %arg7: memref<2x10240x128xf32, #tpu.memory_space<hbm>>, %arg8: memref<10240x128xf32, #tpu.memory_space<vmem_shared>>, %arg9: memref<2x40xi32, #tpu.memory_space<vmem>>, %arg10: memref<40x16xf32, #tpu.memory_space<vmem>>, %arg11: memref<40x16xf32, #tpu.memory_space<vmem>>, %arg12: memref<40x8x128xbf16, #tpu.memory_space<vmem>>, %arg13: memref<2x40xi32, #tpu.memory_space<vmem>>, %arg14: memref<40x16xf32, #tpu.memory_space<vmem>>, %arg15: memref<40x16xf32, #tpu.memory_space<vmem>>, %arg16: memref<40x8x128xbf16, #tpu.memory_space<vmem>>, %arg17: memref<40x128xf32, #tpu.memory_space<vmem>>, %arg18: memref<!tpu.dma_semaphore, #tpu.memory_space<semaphore_mem>>, %arg19: memref<!tpu.dma_semaphore, #tpu.memory_space<semaphore_mem>>, %arg20: memref<!tpu.dma_semaphore, #tpu.memory_space<semaphore_mem>>, %arg21: memref<!tpu.dma_semaphore, #tpu.memory_space<semaphore_mem>>, %arg22: memref<!tpu.dma_semaphore, #tpu.memory_space<semaphore_mem>>, %arg23: memref<!tpu.dma_semaphore, #tpu.memory_space<semaphore_mem>>) attributes {dimension_semantics = [#tpu.dimension_semantics<core_parallel>, #tpu.dimension_semantics<subcore_parallel>], iteration_bounds = array<i64: 2, 16>, scalar_prefetch = 0 : i64, scratch_operands = 16 : i64, tpu.core_type = #tpu.core_type<sc_vector_subcore>, window_params = [{transform_indices = #map}, {transform_indices = #map1}, {transform_indices = #map1}, {transform_indices = #map2}, {transform_indices = #map1}, {transform_indices = #map2}]} {
    %mul3A = arith.constant 16 : i32
    %mul3A_0 = arith.muli %arg0, %mul3A : i32
    %add3A = arith.addi %mul3A_0, %arg1 : i32
    %mul3A_1 = arith.constant 10000 : i32
    %mul3A_2 = arith.muli %add3A, %mul3A_1 : i32
    %mul3A_3 = arith.constant 640 : i32
    %mul3A_4 = arith.muli %arg1, %mul3A_3 : i32
    %mul3A_5 = arith.constant 640 : i32
    %mul3A_6 = arith.muli %arg1, %mul3A_5 : i32
    "tpu.region"() ({
      %run_scoped3A_37 = tpu.sem_alloc : memref<!tpu.dma_semaphore, #tpu.memory_space<semaphore_mem>>
      %dma_start3A_38 = arith.constant 0 : i32
      %dma_start3A_39 = tpu.memref_slice %arg8[%mul3A_6, %dma_start3A_38] : memref<10240x128xf32, #tpu.memory_space<vmem_shared>> -> memref<640x128xf32, #tpu.memory_space<vmem_shared>>
      %dma_start3A_40 = arith.constant 0 : i32
      %dma_start3A_41 = tpu.memref_slice %arg6[%mul3A_4, %dma_start3A_40] : memref<10240x128xf32, #tpu.memory_space<hbm>> -> memref<640x128xf32, #tpu.memory_space<hbm>>
      tpu.enqueue_dma source(%dma_start3A_41 : memref<640x128xf32, #tpu.memory_space<hbm>>) target(%dma_start3A_39 : memref<640x128xf32, #tpu.memory_space<vmem_shared>>) target_semaphore(%run_scoped3A_37 : memref<!tpu.dma_semaphore, #tpu.memory_space<semaphore_mem>>)
      %dma_wait3A = arith.constant 0 : i32
      %dma_wait3A_42 = tpu.memref_slice %arg8[%mul3A_6, %dma_wait3A] : memref<10240x128xf32, #tpu.memory_space<vmem_shared>> -> memref<640x128xf32, #tpu.memory_space<vmem_shared>>
      %dma_wait3A_43 = arith.constant 0 : i32
      %dma_wait3A_44 = tpu.memref_slice %arg6[%mul3A_4, %dma_wait3A_43] : memref<10240x128xf32, #tpu.memory_space<hbm>> -> memref<640x128xf32, #tpu.memory_space<hbm>>
      tpu.wait_dma2 semaphore(%run_scoped3A_37 : memref<!tpu.dma_semaphore, #tpu.memory_space<semaphore_mem>>) src(%dma_wait3A_44 : memref<640x128xf32, #tpu.memory_space<hbm>>) dst(%dma_wait3A_42 : memref<640x128xf32, #tpu.memory_space<vmem_shared>>)
      tpu.yield
    }) : () -> ()
    %barrier3A = arith.constant 0 : index
    tpu.barrier barrier_id(%barrier3A)
    %add3A_7 = arith.constant 0 : i32
    %add3A_8 = arith.addi %mul3A_2, %add3A_7 : i32
    %run_scoped3A = arith.constant 0 : i32
    "tpu.region"() ({
      %run_scoped3A_37 = tpu.sem_alloc : memref<!tpu.dma_semaphore, #tpu.memory_space<semaphore_mem>>
      %dma_start3A_38 = arith.constant 0 : i32
      %dma_start3A_39 = arith.constant 0 : i32
      %dma_start3A_40 = arith.constant 0 : i32
      %dma_start3A_41 = tpu.memref_slice %arg2[%add3A, %dma_start3A_38, %dma_start3A_39, %dma_start3A_40] : memref<32x250x2x40xi32, #tpu.memory_space<hbm>> -> memref<1x250x2x40xi32, #tpu.memory_space<hbm>>
      %dma_start3A_42 = tpu.memref_squeeze %dma_start3A_41 : memref<1x250x2x40xi32, #tpu.memory_space<hbm>> -> memref<250x2x40xi32, #tpu.memory_space<hbm>>
      %dma_start3A_43 = arith.constant 0 : i32
      %dma_start3A_44 = arith.constant 0 : i32
      %dma_start3A_45 = tpu.memref_slice %dma_start3A_42[%run_scoped3A, %dma_start3A_43, %dma_start3A_44] : memref<250x2x40xi32, #tpu.memory_space<hbm>> -> memref<1x2x40xi32, #tpu.memory_space<hbm>>
      %dma_start3A_46 = tpu.memref_squeeze %dma_start3A_45 : memref<1x2x40xi32, #tpu.memory_space<hbm>> -> memref<2x40xi32, #tpu.memory_space<hbm>>
      %dma_start3A_47 = arith.constant 0 : i32
      %dma_start3A_48 = arith.constant 0 : i32
      %dma_start3A_49 = arith.constant 0 : i32
      %dma_start3A_50 = tpu.memref_slice %arg2[%add3A, %dma_start3A_47, %dma_start3A_48, %dma_start3A_49] : memref<32x250x2x40xi32, #tpu.memory_space<hbm>> -> memref<1x250x2x40xi32, #tpu.memory_space<hbm>>
      %dma_start3A_51 = tpu.memref_squeeze %dma_start3A_50 : memref<1x250x2x40xi32, #tpu.memory_space<hbm>> -> memref<250x2x40xi32, #tpu.memory_space<hbm>>
      %dma_start3A_52 = arith.constant 0 : i32
      %dma_start3A_53 = arith.constant 0 : i32
      %dma_start3A_54 = tpu.memref_slice %dma_start3A_51[%run_scoped3A, %dma_start3A_52, %dma_start3A_53] : memref<250x2x40xi32, #tpu.memory_space<hbm>> -> memref<1x2x40xi32, #tpu.memory_space<hbm>>
      %dma_start3A_55 = tpu.memref_squeeze %dma_start3A_54 : memref<1x2x40xi32, #tpu.memory_space<hbm>> -> memref<2x40xi32, #tpu.memory_space<hbm>>
      tpu.enqueue_dma source(%dma_start3A_55 : memref<2x40xi32, #tpu.memory_space<hbm>>) target(%arg9 : memref<2x40xi32, #tpu.memory_space<vmem>>) target_semaphore(%run_scoped3A_37 : memref<!tpu.dma_semaphore, #tpu.memory_space<semaphore_mem>>)
      %dma_wait3A = arith.constant 0 : i32
      %dma_wait3A_56 = arith.constant 0 : i32
      %dma_wait3A_57 = arith.constant 0 : i32
      %dma_wait3A_58 = tpu.memref_slice %arg2[%add3A, %dma_wait3A, %dma_wait3A_56, %dma_wait3A_57] : memref<32x250x2x40xi32, #tpu.memory_space<hbm>> -> memref<1x250x2x40xi32, #tpu.memory_space<hbm>>
      %dma_wait3A_59 = tpu.memref_squeeze %dma_wait3A_58 : memref<1x250x2x40xi32, #tpu.memory_space<hbm>> -> memref<250x2x40xi32, #tpu.memory_space<hbm>>
      %dma_wait3A_60 = arith.constant 0 : i32
      %dma_wait3A_61 = arith.constant 0 : i32
      %dma_wait3A_62 = tpu.memref_slice %dma_wait3A_59[%run_scoped3A, %dma_wait3A_60, %dma_wait3A_61] : memref<250x2x40xi32, #tpu.memory_space<hbm>> -> memref<1x2x40xi32, #tpu.memory_space<hbm>>
      %dma_wait3A_63 = tpu.memref_squeeze %dma_wait3A_62 : memref<1x2x40xi32, #tpu.memory_space<hbm>> -> memref<2x40xi32, #tpu.memory_space<hbm>>
      %dma_wait3A_64 = arith.constant 0 : i32
      %dma_wait3A_65 = arith.constant 0 : i32
      %dma_wait3A_66 = arith.constant 0 : i32
      %dma_wait3A_67 = tpu.memref_slice %arg2[%add3A, %dma_wait3A_64, %dma_wait3A_65, %dma_wait3A_66] : memref<32x250x2x40xi32, #tpu.memory_space<hbm>> -> memref<1x250x2x40xi32, #tpu.memory_space<hbm>>
      %dma_wait3A_68 = tpu.memref_squeeze %dma_wait3A_67 : memref<1x250x2x40xi32, #tpu.memory_space<hbm>> -> memref<250x2x40xi32, #tpu.memory_space<hbm>>
      %dma_wait3A_69 = arith.constant 0 : i32
      %dma_wait3A_70 = arith.constant 0 : i32
      %dma_wait3A_71 = tpu.memref_slice %dma_wait3A_68[%run_scoped3A, %dma_wait3A_69, %dma_wait3A_70] : memref<250x2x40xi32, #tpu.memory_space<hbm>> -> memref<1x2x40xi32, #tpu.memory_space<hbm>>
      %dma_wait3A_72 = tpu.memref_squeeze %dma_wait3A_71 : memref<1x2x40xi32, #tpu.memory_space<hbm>> -> memref<2x40xi32, #tpu.memory_space<hbm>>
      tpu.wait_dma2 semaphore(%run_scoped3A_37 : memref<!tpu.dma_semaphore, #tpu.memory_space<semaphore_mem>>) src(%dma_wait3A_72 : memref<2x40xi32, #tpu.memory_space<hbm>>) dst(%arg9 : memref<2x40xi32, #tpu.memory_space<vmem>>)
      tpu.yield
    }) : () -> ()
    %dma_start3A = arith.constant 0 : i32
    %dma_start3A_9 = tpu.memref_slice %arg3[%add3A_8, %dma_start3A] : memref<320000x16xf32, #tpu.memory_space<hbm>> -> memref<40x16xf32, #tpu.memory_space<hbm>>
    %dma_start3A_10 = arith.constant 0 : i32
    %dma_start3A_11 = tpu.memref_slice %arg3[%add3A_8, %dma_start3A_10] : memref<320000x16xf32, #tpu.memory_space<hbm>> -> memref<40x16xf32, #tpu.memory_space<hbm>>
    tpu.enqueue_dma source(%dma_start3A_11 : memref<40x16xf32, #tpu.memory_space<hbm>>) target(%arg10 : memref<40x16xf32, #tpu.memory_space<vmem>>) target_semaphore(%arg18 : memref<!tpu.dma_semaphore, #tpu.memory_space<semaphore_mem>>)
    %dma_start3A_12 = arith.constant 1 : i32
    %dma_start3A_13 = arith.constant 0 : i32
    %dma_start3A_14 = tpu.memref_slice %arg9[%dma_start3A_12, %dma_start3A_13] : memref<2x40xi32, #tpu.memory_space<vmem>> -> memref<1x40xi32, #tpu.memory_space<vmem>>
    %dma_start3A_15 = tpu.memref_squeeze %dma_start3A_14 : memref<1x40xi32, #tpu.memory_space<vmem>> -> memref<40xi32, #tpu.memory_space<vmem>>
    %dma_start3A_16 = arith.constant 0 : i32
    %dma_start3A_17 = arith.constant 0 : i32
    %dma_start3A_18 = tpu.memref_slice %arg4[%dma_start3A_16, %dma_start3A_17] : memref<10240x16xf32, #tpu.memory_space<hbm>> -> memref<10240x16xf32, #tpu.memory_space<hbm>>
    tpu.enqueue_indirect_dma source(%dma_start3A_18 : memref<10240x16xf32, #tpu.memory_space<hbm>>) target(%arg11 : memref<40x16xf32, #tpu.memory_space<vmem>>) offsets(%dma_start3A_15 : memref<40xi32, #tpu.memory_space<vmem>>) semaphore(%arg19 : memref<!tpu.dma_semaphore, #tpu.memory_space<semaphore_mem>>)
    %dma_start3A_19 = arith.constant 0 : i32
    %dma_start3A_20 = arith.constant 0 : i32
    %dma_start3A_21 = tpu.memref_slice %arg9[%dma_start3A_19, %dma_start3A_20] : memref<2x40xi32, #tpu.memory_space<vmem>> -> memref<1x40xi32, #tpu.memory_space<vmem>>
    %dma_start3A_22 = tpu.memref_squeeze %dma_start3A_21 : memref<1x40xi32, #tpu.memory_space<vmem>> -> memref<40xi32, #tpu.memory_space<vmem>>
    %dma_start3A_23 = arith.constant 0 : i32
    %dma_start3A_24 = arith.constant 0 : i32
    %dma_start3A_25 = arith.constant 0 : i32
    %dma_start3A_26 = tpu.memref_slice %arg5[%dma_start3A_23, %dma_start3A_24, %dma_start3A_25] : memref<10000x8x128xbf16, #tpu.memory_space<hbm>> -> memref<10000x8x128xbf16, #tpu.memory_space<hbm>>
    tpu.enqueue_indirect_dma source(%dma_start3A_26 : memref<10000x8x128xbf16, #tpu.memory_space<hbm>>) target(%arg12 : memref<40x8x128xbf16, #tpu.memory_space<vmem>>) offsets(%dma_start3A_22 : memref<40xi32, #tpu.memory_space<vmem>>) semaphore(%arg20 : memref<!tpu.dma_semaphore, #tpu.memory_space<semaphore_mem>>)
    %scan3A = arith.constant 0 : i32
    %scan3A_27 = arith.constant 0 : i32
    %scan3A_28 = arith.constant 125 : i32
    %scan3A_29 = arith.addi %scan3A_27, %scan3A_28 : i32
    %scan3A_30 = arith.constant 1 : i32
    scf.for %scan3A_37 = %scan3A_27 to %scan3A_29 step %scan3A_30  : i32 {
      %mul3A_38 = arith.constant 2 : i32
      %mul3A_39 = arith.muli %mul3A_38, %scan3A_37 : i32
      %add3A_40 = arith.constant 1 : i32
      %add3A_41 = arith.addi %mul3A_39, %add3A_40 : i32
      %lt3A = arith.constant 250 : i32
      %lt3A_42 = arith.cmpi slt, %add3A_41, %lt3A : i32
      %convert_element_type3A = arith.extui %lt3A_42 : i1 to i32
      %cond3A = arith.constant 0 : i32
      %cond3A_43 = arith.cmpi ne, %convert_element_type3A, %cond3A : i32
      scf.if %cond3A_43 {
        %add3A_114 = arith.constant 1 : i32
        %add3A_115 = arith.addi %mul3A_39, %add3A_114 : i32
        %mul3A_116 = arith.constant 40 : i32
        %mul3A_117 = arith.muli %add3A_115, %mul3A_116 : i32
        %add3A_118 = arith.addi %mul3A_2, %mul3A_117 : i32
        "tpu.region"() ({
          %run_scoped3A_138 = tpu.sem_alloc : memref<!tpu.dma_semaphore, #tpu.memory_space<semaphore_mem>>
          %dma_start3A_139 = arith.constant 0 : i32
          %dma_start3A_140 = arith.constant 0 : i32
          %dma_start3A_141 = arith.constant 0 : i32
          %dma_start3A_142 = tpu.memref_slice %arg2[%add3A, %dma_start3A_139, %dma_start3A_140, %dma_start3A_141] : memref<32x250x2x40xi32, #tpu.memory_space<hbm>> -> memref<1x250x2x40xi32, #tpu.memory_space<hbm>>
          %dma_start3A_143 = tpu.memref_squeeze %dma_start3A_142 : memref<1x250x2x40xi32, #tpu.memory_space<hbm>> -> memref<250x2x40xi32, #tpu.memory_space<hbm>>
          %dma_start3A_144 = arith.constant 0 : i32
          %dma_start3A_145 = arith.constant 0 : i32
          %dma_start3A_146 = tpu.memref_slice %dma_start3A_143[%add3A_115, %dma_start3A_144, %dma_start3A_145] : memref<250x2x40xi32, #tpu.memory_space<hbm>> -> memref<1x2x40xi32, #tpu.memory_space<hbm>>
          %dma_start3A_147 = tpu.memref_squeeze %dma_start3A_146 : memref<1x2x40xi32, #tpu.memory_space<hbm>> -> memref<2x40xi32, #tpu.memory_space<hbm>>
          %dma_start3A_148 = arith.constant 0 : i32
          %dma_start3A_149 = arith.constant 0 : i32
          %dma_start3A_150 = arith.constant 0 : i32
          %dma_start3A_151 = tpu.memref_slice %arg2[%add3A, %dma_start3A_148, %dma_start3A_149, %dma_start3A_150] : memref<32x250x2x40xi32, #tpu.memory_space<hbm>> -> memref<1x250x2x40xi32, #tpu.memory_space<hbm>>
          %dma_start3A_152 = tpu.memref_squeeze %dma_start3A_151 : memref<1x250x2x40xi32, #tpu.memory_space<hbm>> -> memref<250x2x40xi32, #tpu.memory_space<hbm>>
          %dma_start3A_153 = arith.constant 0 : i32
          %dma_start3A_154 = arith.constant 0 : i32
          %dma_start3A_155 = tpu.memref_slice %dma_start3A_152[%add3A_115, %dma_start3A_153, %dma_start3A_154] : memref<250x2x40xi32, #tpu.memory_space<hbm>> -> memref<1x2x40xi32, #tpu.memory_space<hbm>>
          %dma_start3A_156 = tpu.memref_squeeze %dma_start3A_155 : memref<1x2x40xi32, #tpu.memory_space<hbm>> -> memref<2x40xi32, #tpu.memory_space<hbm>>
          tpu.enqueue_dma source(%dma_start3A_156 : memref<2x40xi32, #tpu.memory_space<hbm>>) target(%arg13 : memref<2x40xi32, #tpu.memory_space<vmem>>) target_semaphore(%run_scoped3A_138 : memref<!tpu.dma_semaphore, #tpu.memory_space<semaphore_mem>>)
          %dma_wait3A_157 = arith.constant 0 : i32
          %dma_wait3A_158 = arith.constant 0 : i32
          %dma_wait3A_159 = arith.constant 0 : i32
          %dma_wait3A_160 = tpu.memref_slice %arg2[%add3A, %dma_wait3A_157, %dma_wait3A_158, %dma_wait3A_159] : memref<32x250x2x40xi32, #tpu.memory_space<hbm>> -> memref<1x250x2x40xi32, #tpu.memory_space<hbm>>
          %dma_wait3A_161 = tpu.memref_squeeze %dma_wait3A_160 : memref<1x250x2x40xi32, #tpu.memory_space<hbm>> -> memref<250x2x40xi32, #tpu.memory_space<hbm>>
          %dma_wait3A_162 = arith.constant 0 : i32
          %dma_wait3A_163 = arith.constant 0 : i32
          %dma_wait3A_164 = tpu.memref_slice %dma_wait3A_161[%add3A_115, %dma_wait3A_162, %dma_wait3A_163] : memref<250x2x40xi32, #tpu.memory_space<hbm>> -> memref<1x2x40xi32, #tpu.memory_space<hbm>>
          %dma_wait3A_165 = tpu.memref_squeeze %dma_wait3A_164 : memref<1x2x40xi32, #tpu.memory_space<hbm>> -> memref<2x40xi32, #tpu.memory_space<hbm>>
          %dma_wait3A_166 = arith.constant 0 : i32
          %dma_wait3A_167 = arith.constant 0 : i32
          %dma_wait3A_168 = arith.constant 0 : i32
          %dma_wait3A_169 = tpu.memref_slice %arg2[%add3A, %dma_wait3A_166, %dma_wait3A_167, %dma_wait3A_168] : memref<32x250x2x40xi32, #tpu.memory_space<hbm>> -> memref<1x250x2x40xi32, #tpu.memory_space<hbm>>
          %dma_wait3A_170 = tpu.memref_squeeze %dma_wait3A_169 : memref<1x250x2x40xi32, #tpu.memory_space<hbm>> -> memref<250x2x40xi32, #tpu.memory_space<hbm>>
          %dma_wait3A_171 = arith.constant 0 : i32
          %dma_wait3A_172 = arith.constant 0 : i32
          %dma_wait3A_173 = tpu.memref_slice %dma_wait3A_170[%add3A_115, %dma_wait3A_171, %dma_wait3A_172] : memref<250x2x40xi32, #tpu.memory_space<hbm>> -> memref<1x2x40xi32, #tpu.memory_space<hbm>>
          %dma_wait3A_174 = tpu.memref_squeeze %dma_wait3A_173 : memref<1x2x40xi32, #tpu.memory_space<hbm>> -> memref<2x40xi32, #tpu.memory_space<hbm>>
          tpu.wait_dma2 semaphore(%run_scoped3A_138 : memref<!tpu.dma_semaphore, #tpu.memory_space<semaphore_mem>>) src(%dma_wait3A_174 : memref<2x40xi32, #tpu.memory_space<hbm>>) dst(%arg13 : memref<2x40xi32, #tpu.memory_space<vmem>>)
          tpu.yield
        }) : () -> ()
        %dma_start3A_119 = arith.constant 0 : i32
        %dma_start3A_120 = tpu.memref_slice %arg3[%add3A_118, %dma_start3A_119] : memref<320000x16xf32, #tpu.memory_space<hbm>> -> memref<40x16xf32, #tpu.memory_space<hbm>>
        %dma_start3A_121 = arith.constant 0 : i32
        %dma_start3A_122 = tpu.memref_slice %arg3[%add3A_118, %dma_start3A_121] : memref<320000x16xf32, #tpu.memory_space<hbm>> -> memref<40x16xf32, #tpu.memory_space<hbm>>
        tpu.enqueue_dma source(%dma_start3A_122 : memref<40x16xf32, #tpu.memory_space<hbm>>) target(%arg14 : memref<40x16xf32, #tpu.memory_space<vmem>>) target_semaphore(%arg21 : memref<!tpu.dma_semaphore, #tpu.memory_space<semaphore_mem>>)
        %dma_start3A_123 = arith.constant 1 : i32
        %dma_start3A_124 = arith.constant 0 : i32
        %dma_start3A_125 = tpu.memref_slice %arg13[%dma_start3A_123, %dma_start3A_124] : memref<2x40xi32, #tpu.memory_space<vmem>> -> memref<1x40xi32, #tpu.memory_space<vmem>>
        %dma_start3A_126 = tpu.memref_squeeze %dma_start3A_125 : memref<1x40xi32, #tpu.memory_space<vmem>> -> memref<40xi32, #tpu.memory_space<vmem>>
        %dma_start3A_127 = arith.constant 0 : i32
        %dma_start3A_128 = arith.constant 0 : i32
        %dma_start3A_129 = tpu.memref_slice %arg4[%dma_start3A_127, %dma_start3A_128] : memref<10240x16xf32, #tpu.memory_space<hbm>> -> memref<10240x16xf32, #tpu.memory_space<hbm>>
        tpu.enqueue_indirect_dma source(%dma_start3A_129 : memref<10240x16xf32, #tpu.memory_space<hbm>>) target(%arg15 : memref<40x16xf32, #tpu.memory_space<vmem>>) offsets(%dma_start3A_126 : memref<40xi32, #tpu.memory_space<vmem>>) semaphore(%arg22 : memref<!tpu.dma_semaphore, #tpu.memory_space<semaphore_mem>>)
        %dma_start3A_130 = arith.constant 0 : i32
        %dma_start3A_131 = arith.constant 0 : i32
        %dma_start3A_132 = tpu.memref_slice %arg13[%dma_start3A_130, %dma_start3A_131] : memref<2x40xi32, #tpu.memory_space<vmem>> -> memref<1x40xi32, #tpu.memory_space<vmem>>
        %dma_start3A_133 = tpu.memref_squeeze %dma_start3A_132 : memref<1x40xi32, #tpu.memory_space<vmem>> -> memref<40xi32, #tpu.memory_space<vmem>>
        %dma_start3A_134 = arith.constant 0 : i32
        %dma_start3A_135 = arith.constant 0 : i32
        %dma_start3A_136 = arith.constant 0 : i32
        %dma_start3A_137 = tpu.memref_slice %arg5[%dma_start3A_134, %dma_start3A_135, %dma_start3A_136] : memref<10000x8x128xbf16, #tpu.memory_space<hbm>> -> memref<10000x8x128xbf16, #tpu.memory_space<hbm>>
        tpu.enqueue_indirect_dma source(%dma_start3A_137 : memref<10000x8x128xbf16, #tpu.memory_space<hbm>>) target(%arg16 : memref<40x8x128xbf16, #tpu.memory_space<vmem>>) offsets(%dma_start3A_133 : memref<40xi32, #tpu.memory_space<vmem>>) semaphore(%arg23 : memref<!tpu.dma_semaphore, #tpu.memory_space<semaphore_mem>>)
      } else {
      }
      %mul3A_44 = arith.constant 40 : i32
      %mul3A_45 = arith.muli %mul3A_39, %mul3A_44 : i32
      %add3A_46 = arith.addi %mul3A_2, %mul3A_45 : i32
      %dma_wait3A = arith.constant 0 : i32
      %dma_wait3A_47 = tpu.memref_slice %arg3[%add3A_46, %dma_wait3A] : memref<320000x16xf32, #tpu.memory_space<hbm>> -> memref<40x16xf32, #tpu.memory_space<hbm>>
      %dma_wait3A_48 = arith.constant 0 : i32
      %dma_wait3A_49 = tpu.memref_slice %arg3[%add3A_46, %dma_wait3A_48] : memref<320000x16xf32, #tpu.memory_space<hbm>> -> memref<40x16xf32, #tpu.memory_space<hbm>>
      tpu.wait_dma2 semaphore(%arg18 : memref<!tpu.dma_semaphore, #tpu.memory_space<semaphore_mem>>) src(%dma_wait3A_49 : memref<40x16xf32, #tpu.memory_space<hbm>>) dst(%arg10 : memref<40x16xf32, #tpu.memory_space<vmem>>)
      %dma_wait3A_50 = arith.constant 1 : i32
      %dma_wait3A_51 = arith.constant 0 : i32
      %dma_wait3A_52 = tpu.memref_slice %arg9[%dma_wait3A_50, %dma_wait3A_51] : memref<2x40xi32, #tpu.memory_space<vmem>> -> memref<1x40xi32, #tpu.memory_space<vmem>>
      %dma_wait3A_53 = tpu.memref_squeeze %dma_wait3A_52 : memref<1x40xi32, #tpu.memory_space<vmem>> -> memref<40xi32, #tpu.memory_space<vmem>>
      %dma_wait3A_54 = arith.constant 0 : i32
      %dma_wait3A_55 = arith.constant 0 : i32
      %dma_wait3A_56 = tpu.memref_slice %arg4[%dma_wait3A_54, %dma_wait3A_55] : memref<10240x16xf32, #tpu.memory_space<hbm>> -> memref<10240x16xf32, #tpu.memory_space<hbm>>
      tpu.wait_indirect_dma semaphore(%arg19 : memref<!tpu.dma_semaphore, #tpu.memory_space<semaphore_mem>>) src(%dma_wait3A_56 : memref<10240x16xf32, #tpu.memory_space<hbm>>) dst(%arg11 : memref<40x16xf32, #tpu.memory_space<vmem>>)
      %dma_wait3A_57 = arith.constant 0 : i32
      %dma_wait3A_58 = arith.constant 0 : i32
      %dma_wait3A_59 = tpu.memref_slice %arg9[%dma_wait3A_57, %dma_wait3A_58] : memref<2x40xi32, #tpu.memory_space<vmem>> -> memref<1x40xi32, #tpu.memory_space<vmem>>
      %dma_wait3A_60 = tpu.memref_squeeze %dma_wait3A_59 : memref<1x40xi32, #tpu.memory_space<vmem>> -> memref<40xi32, #tpu.memory_space<vmem>>
      %dma_wait3A_61 = arith.constant 0 : i32
      %dma_wait3A_62 = arith.constant 0 : i32
      %dma_wait3A_63 = arith.constant 0 : i32
      %dma_wait3A_64 = tpu.memref_slice %arg5[%dma_wait3A_61, %dma_wait3A_62, %dma_wait3A_63] : memref<10000x8x128xbf16, #tpu.memory_space<hbm>> -> memref<10000x8x128xbf16, #tpu.memory_space<hbm>>
      tpu.wait_indirect_dma semaphore(%arg20 : memref<!tpu.dma_semaphore, #tpu.memory_space<semaphore_mem>>) src(%dma_wait3A_64 : memref<10000x8x128xbf16, #tpu.memory_space<hbm>>) dst(%arg12 : memref<40x8x128xbf16, #tpu.memory_space<vmem>>)
      %scan3A_65 = arith.constant 0 : i32
      %scan3A_66 = arith.constant 0 : i32
      %scan3A_67 = arith.constant 40 : i32
      %scan3A_68 = arith.addi %scan3A_66, %scan3A_67 : i32
      %scan3A_69 = arith.constant 2 : i32
      %scan3A_70 = scf.for %scan3A_114 = %scan3A_66 to %scan3A_68 step %scan3A_69 iter_args(%scan3A_115 = %scan3A_65) -> (i32)  : i32 {
        %get3A = arith.index_cast %scan3A_114 : i32 to index
        %get3A_116 = arith.constant 0 : index
        %get3A_117 = tpu.vector_load %arg10[%get3A, %get3A_116] {strides = array<i32>} : memref<40x16xf32, #tpu.memory_space<vmem>>, vector<16xf32>,
        %get3A_118 = arith.index_cast %scan3A_114 : i32 to index
        %get3A_119 = arith.constant 0 : index
        %get3A_120 = tpu.vector_load %arg11[%get3A_118, %get3A_119] {strides = array<i32>} : memref<40x16xf32, #tpu.memory_space<vmem>>, vector<16xf32>,
        %mul3A_121 = arith.mulf %get3A_117, %get3A_120 : vector<16xf32>
        %broadcast_in_dim3A = arith.constant 0.000000e+00 : f32
        %broadcast_in_dim3A_122 = vector.broadcast %broadcast_in_dim3A : f32 to vector<16xf32>
        %broadcast_in_dim3A_123 = arith.constant 0.000000e+00 : f32
        %broadcast_in_dim3A_124 = vector.broadcast %broadcast_in_dim3A_123 : f32 to vector<16xf32>
        %broadcast_in_dim3A_125 = arith.constant 0.000000e+00 : f32
        %broadcast_in_dim3A_126 = vector.broadcast %broadcast_in_dim3A_125 : f32 to vector<16xf32>
        %broadcast_in_dim3A_127 = arith.constant 0.000000e+00 : f32
        %broadcast_in_dim3A_128 = vector.broadcast %broadcast_in_dim3A_127 : f32 to vector<16xf32>
        %broadcast_in_dim3A_129 = arith.constant 0.000000e+00 : f32
        %broadcast_in_dim3A_130 = vector.broadcast %broadcast_in_dim3A_129 : f32 to vector<16xf32>
        %broadcast_in_dim3A_131 = arith.constant 0.000000e+00 : f32
        %broadcast_in_dim3A_132 = vector.broadcast %broadcast_in_dim3A_131 : f32 to vector<16xf32>
        %broadcast_in_dim3A_133 = arith.constant 0.000000e+00 : f32
        %broadcast_in_dim3A_134 = vector.broadcast %broadcast_in_dim3A_133 : f32 to vector<16xf32>
        %broadcast_in_dim3A_135 = arith.constant 0.000000e+00 : f32
        %broadcast_in_dim3A_136 = vector.broadcast %broadcast_in_dim3A_135 : f32 to vector<16xf32>
        %slice3A = vector.extract_strided_slice %mul3A_121 {offsets = [0], sizes = [1], strides = [1]} : vector<16xf32> to vector<1xf32>
        %squeeze3A = vector.extract %slice3A[0] : f32 from vector<1xf32>
        %broadcast_in_dim3A_137 = vector.broadcast %squeeze3A : f32 to vector<16xf32>
        %get3A_138 = arith.constant 0 : i32
        %get3A_139 = arith.index_cast %scan3A_114 : i32 to index
        %get3A_140 = arith.index_cast %get3A_138 : i32 to index
        %get3A_141 = arith.constant 0 : index
        %get3A_142 = tpu.vector_load %arg12[%get3A_139, %get3A_140, %get3A_141] {strides = array<i32>} : memref<40x8x128xbf16, #tpu.memory_space<vmem>>, vector<32xbf16>,
        %bitcast3A = vector.bitcast %get3A_142 : vector<32xbf16> to vector<16xi32>
        %shift_left3A = arith.constant 16 : i32
        %shift_left3A_143 = vector.broadcast %shift_left3A : i32 to vector<16xi32>
        %shift_left3A_144 = arith.shli %bitcast3A, %shift_left3A_143 : vector<16xi32>
        %bitcast3A_145 = vector.bitcast %shift_left3A_144 : vector<16xi32> to vector<16xf32>
        %bitcast3A_146 = vector.bitcast %bitcast3A : vector<16xi32> to vector<16xf32>
        %mul3A_147 = arith.mulf %broadcast_in_dim3A_137, %bitcast3A_145 : vector<16xf32>
        %add3A_148 = arith.addf %broadcast_in_dim3A_122, %mul3A_147 : vector<16xf32>
        %mul3A_149 = arith.mulf %broadcast_in_dim3A_137, %bitcast3A_146 : vector<16xf32>
        %add3A_150 = arith.addf %broadcast_in_dim3A_124, %mul3A_149 : vector<16xf32>
        %get3A_151 = arith.constant 0 : i32
        %get3A_152 = arith.index_cast %scan3A_114 : i32 to index
        %get3A_153 = arith.index_cast %get3A_151 : i32 to index
        %get3A_154 = arith.constant 32 : index
        %get3A_155 = tpu.vector_load %arg12[%get3A_152, %get3A_153, %get3A_154] {strides = array<i32>} : memref<40x8x128xbf16, #tpu.memory_space<vmem>>, vector<32xbf16>,
        %bitcast3A_156 = vector.bitcast %get3A_155 : vector<32xbf16> to vector<16xi32>
        %shift_left3A_157 = arith.constant 16 : i32
        %shift_left3A_158 = vector.broadcast %shift_left3A_157 : i32 to vector<16xi32>
        %shift_left3A_159 = arith.shli %bitcast3A_156, %shift_left3A_158 : vector<16xi32>
        %bitcast3A_160 = vector.bitcast %shift_left3A_159 : vector<16xi32> to vector<16xf32>
        %bitcast3A_161 = vector.bitcast %bitcast3A_156 : vector<16xi32> to vector<16xf32>
        %mul3A_162 = arith.mulf %broadcast_in_dim3A_137, %bitcast3A_160 : vector<16xf32>
        %add3A_163 = arith.addf %broadcast_in_dim3A_126, %mul3A_162 : vector<16xf32>
        %mul3A_164 = arith.mulf %broadcast_in_dim3A_137, %bitcast3A_161 : vector<16xf32>
        %add3A_165 = arith.addf %broadcast_in_dim3A_128, %mul3A_164 : vector<16xf32>
        %get3A_166 = arith.constant 0 : i32
        %get3A_167 = arith.index_cast %scan3A_114 : i32 to index
        %get3A_168 = arith.index_cast %get3A_166 : i32 to index
        %get3A_169 = arith.constant 64 : index
        %get3A_170 = tpu.vector_load %arg12[%get3A_167, %get3A_168, %get3A_169] {strides = array<i32>} : memref<40x8x128xbf16, #tpu.memory_space<vmem>>, vector<32xbf16>,
        %bitcast3A_171 = vector.bitcast %get3A_170 : vector<32xbf16> to vector<16xi32>
        %shift_left3A_172 = arith.constant 16 : i32
        %shift_left3A_173 = vector.broadcast %shift_left3A_172 : i32 to vector<16xi32>
        %shift_left3A_174 = arith.shli %bitcast3A_171, %shift_left3A_173 : vector<16xi32>
        %bitcast3A_175 = vector.bitcast %shift_left3A_174 : vector<16xi32> to vector<16xf32>
        %bitcast3A_176 = vector.bitcast %bitcast3A_171 : vector<16xi32> to vector<16xf32>
        %mul3A_177 = arith.mulf %broadcast_in_dim3A_137, %bitcast3A_175 : vector<16xf32>
        %add3A_178 = arith.addf %broadcast_in_dim3A_130, %mul3A_177 : vector<16xf32>
        %mul3A_179 = arith.mulf %broadcast_in_dim3A_137, %bitcast3A_176 : vector<16xf32>
        %add3A_180 = arith.addf %broadcast_in_dim3A_132, %mul3A_179 : vector<16xf32>
        %get3A_181 = arith.constant 0 : i32
        %get3A_182 = arith.index_cast %scan3A_114 : i32 to index
        %get3A_183 = arith.index_cast %get3A_181 : i32 to index
        %get3A_184 = arith.constant 96 : index
        %get3A_185 = tpu.vector_load %arg12[%get3A_182, %get3A_183, %get3A_184] {strides = array<i32>} : memref<40x8x128xbf16, #tpu.memory_space<vmem>>, vector<32xbf16>,
        %bitcast3A_186 = vector.bitcast %get3A_185 : vector<32xbf16> to vector<16xi32>
        %shift_left3A_187 = arith.constant 16 : i32
        %shift_left3A_188 = vector.broadcast %shift_left3A_187 : i32 to vector<16xi32>
        %shift_left3A_189 = arith.shli %bitcast3A_186, %shift_left3A_188 : vector<16xi32>
        %bitcast3A_190 = vector.bitcast %shift_left3A_189 : vector<16xi32> to vector<16xf32>
        %bitcast3A_191 = vector.bitcast %bitcast3A_186 : vector<16xi32> to vector<16xf32>
        %mul3A_192 = arith.mulf %broadcast_in_dim3A_137, %bitcast3A_190 : vector<16xf32>
        %add3A_193 = arith.addf %broadcast_in_dim3A_134, %mul3A_192 : vector<16xf32>
        %mul3A_194 = arith.mulf %broadcast_in_dim3A_137, %bitcast3A_191 : vector<16xf32>
        %add3A_195 = arith.addf %broadcast_in_dim3A_136, %mul3A_194 : vector<16xf32>
        %slice3A_196 = vector.extract_strided_slice %mul3A_121 {offsets = [1], sizes = [1], strides = [1]} : vector<16xf32> to vector<1xf32>
        %squeeze3A_197 = vector.extract %slice3A_196[0] : f32 from vector<1xf32>
        %broadcast_in_dim3A_198 = vector.broadcast %squeeze3A_197 : f32 to vector<16xf32>
        %get3A_199 = arith.constant 1 : i32
        %get3A_200 = arith.index_cast %scan3A_114 : i32 to index
        %get3A_201 = arith.index_cast %get3A_199 : i32 to index
        %get3A_202 = arith.constant 0 : index
        %get3A_203 = tpu.vector_load %arg12[%get3A_200, %get3A_201, %get3A_202] {strides = array<i32>} : memref<40x8x128xbf16, #tpu.memory_space<vmem>>, vector<32xbf16>,
        %bitcast3A_204 = vector.bitcast %get3A_203 : vector<32xbf16> to vector<16xi32>
        %shift_left3A_205 = arith.constant 16 : i32
        %shift_left3A_206 = vector.broadcast %shift_left3A_205 : i32 to vector<16xi32>
        %shift_left3A_207 = arith.shli %bitcast3A_204, %shift_left3A_206 : vector<16xi32>
        %bitcast3A_208 = vector.bitcast %shift_left3A_207 : vector<16xi32> to vector<16xf32>
        %bitcast3A_209 = vector.bitcast %bitcast3A_204 : vector<16xi32> to vector<16xf32>
        %mul3A_210 = arith.mulf %broadcast_in_dim3A_198, %bitcast3A_208 : vector<16xf32>
        %add3A_211 = arith.addf %add3A_148, %mul3A_210 : vector<16xf32>
        %mul3A_212 = arith.mulf %broadcast_in_dim3A_198, %bitcast3A_209 : vector<16xf32>
        %add3A_213 = arith.addf %add3A_150, %mul3A_212 : vector<16xf32>
        %get3A_214 = arith.constant 1 : i32
        %get3A_215 = arith.index_cast %scan3A_114 : i32 to index
        %get3A_216 = arith.index_cast %get3A_214 : i32 to index
        %get3A_217 = arith.constant 32 : index
        %get3A_218 = tpu.vector_load %arg12[%get3A_215, %get3A_216, %get3A_217] {strides = array<i32>} : memref<40x8x128xbf16, #tpu.memory_space<vmem>>, vector<32xbf16>,
        %bitcast3A_219 = vector.bitcast %get3A_218 : vector<32xbf16> to vector<16xi32>
        %shift_left3A_220 = arith.constant 16 : i32
        %shift_left3A_221 = vector.broadcast %shift_left3A_220 : i32 to vector<16xi32>
        %shift_left3A_222 = arith.shli %bitcast3A_219, %shift_left3A_221 : vector<16xi32>
        %bitcast3A_223 = vector.bitcast %shift_left3A_222 : vector<16xi32> to vector<16xf32>
        %bitcast3A_224 = vector.bitcast %bitcast3A_219 : vector<16xi32> to vector<16xf32>
        %mul3A_225 = arith.mulf %broadcast_in_dim3A_198, %bitcast3A_223 : vector<16xf32>
        %add3A_226 = arith.addf %add3A_163, %mul3A_225 : vector<16xf32>
        %mul3A_227 = arith.mulf %broadcast_in_dim3A_198, %bitcast3A_224 : vector<16xf32>
        %add3A_228 = arith.addf %add3A_165, %mul3A_227 : vector<16xf32>
        %get3A_229 = arith.constant 1 : i32
        %get3A_230 = arith.index_cast %scan3A_114 : i32 to index
        %get3A_231 = arith.index_cast %get3A_229 : i32 to index
        %get3A_232 = arith.constant 64 : index
        %get3A_233 = tpu.vector_load %arg12[%get3A_230, %get3A_231, %get3A_232] {strides = array<i32>} : memref<40x8x128xbf16, #tpu.memory_space<vmem>>, vector<32xbf16>,
        %bitcast3A_234 = vector.bitcast %get3A_233 : vector<32xbf16> to vector<16xi32>
        %shift_left3A_235 = arith.constant 16 : i32
        %shift_left3A_236 = vector.broadcast %shift_left3A_235 : i32 to vector<16xi32>
        %shift_left3A_237 = arith.shli %bitcast3A_234, %shift_left3A_236 : vector<16xi32>
        %bitcast3A_238 = vector.bitcast %shift_left3A_237 : vector<16xi32> to vector<16xf32>
        %bitcast3A_239 = vector.bitcast %bitcast3A_234 : vector<16xi32> to vector<16xf32>
        %mul3A_240 = arith.mulf %broadcast_in_dim3A_198, %bitcast3A_238 : vector<16xf32>
        %add3A_241 = arith.addf %add3A_178, %mul3A_240 : vector<16xf32>
        %mul3A_242 = arith.mulf %broadcast_in_dim3A_198, %bitcast3A_239 : vector<16xf32>
        %add3A_243 = arith.addf %add3A_180, %mul3A_242 : vector<16xf32>
        %get3A_244 = arith.constant 1 : i32
        %get3A_245 = arith.index_cast %scan3A_114 : i32 to index
        %get3A_246 = arith.index_cast %get3A_244 : i32 to index
        %get3A_247 = arith.constant 96 : index
        %get3A_248 = tpu.vector_load %arg12[%get3A_245, %get3A_246, %get3A_247] {strides = array<i32>} : memref<40x8x128xbf16, #tpu.memory_space<vmem>>, vector<32xbf16>,
        %bitcast3A_249 = vector.bitcast %get3A_248 : vector<32xbf16> to vector<16xi32>
        %shift_left3A_250 = arith.constant 16 : i32
        %shift_left3A_251 = vector.broadcast %shift_left3A_250 : i32 to vector<16xi32>
        %shift_left3A_252 = arith.shli %bitcast3A_249, %shift_left3A_251 : vector<16xi32>
        %bitcast3A_253 = vector.bitcast %shift_left3A_252 : vector<16xi32> to vector<16xf32>
        %bitcast3A_254 = vector.bitcast %bitcast3A_249 : vector<16xi32> to vector<16xf32>
        %mul3A_255 = arith.mulf %broadcast_in_dim3A_198, %bitcast3A_253 : vector<16xf32>
        %add3A_256 = arith.addf %add3A_193, %mul3A_255 : vector<16xf32>
        %mul3A_257 = arith.mulf %broadcast_in_dim3A_198, %bitcast3A_254 : vector<16xf32>
        %add3A_258 = arith.addf %add3A_195, %mul3A_257 : vector<16xf32>
        %slice3A_259 = vector.extract_strided_slice %mul3A_121 {offsets = [2], sizes = [1], strides = [1]} : vector<16xf32> to vector<1xf32>
        %squeeze3A_260 = vector.extract %slice3A_259[0] : f32 from vector<1xf32>
        %broadcast_in_dim3A_261 = vector.broadcast %squeeze3A_260 : f32 to vector<16xf32>
        %get3A_262 = arith.constant 2 : i32
        %get3A_263 = arith.index_cast %scan3A_114 : i32 to index
        %get3A_264 = arith.index_cast %get3A_262 : i32 to index
        %get3A_265 = arith.constant 0 : index
        %get3A_266 = tpu.vector_load %arg12[%get3A_263, %get3A_264, %get3A_265] {strides = array<i32>} : memref<40x8x128xbf16, #tpu.memory_space<vmem>>, vector<32xbf16>,
        %bitcast3A_267 = vector.bitcast %get3A_266 : vector<32xbf16> to vector<16xi32>
        %shift_left3A_268 = arith.constant 16 : i32
        %shift_left3A_269 = vector.broadcast %shift_left3A_268 : i32 to vector<16xi32>
        %shift_left3A_270 = arith.shli %bitcast3A_267, %shift_left3A_269 : vector<16xi32>
        %bitcast3A_271 = vector.bitcast %shift_left3A_270 : vector<16xi32> to vector<16xf32>
        %bitcast3A_272 = vector.bitcast %bitcast3A_267 : vector<16xi32> to vector<16xf32>
        %mul3A_273 = arith.mulf %broadcast_in_dim3A_261, %bitcast3A_271 : vector<16xf32>
        %add3A_274 = arith.addf %add3A_211, %mul3A_273 : vector<16xf32>
        %mul3A_275 = arith.mulf %broadcast_in_dim3A_261, %bitcast3A_272 : vector<16xf32>
        %add3A_276 = arith.addf %add3A_213, %mul3A_275 : vector<16xf32>
        %get3A_277 = arith.constant 2 : i32
        %get3A_278 = arith.index_cast %scan3A_114 : i32 to index
        %get3A_279 = arith.index_cast %get3A_277 : i32 to index
        %get3A_280 = arith.constant 32 : index
        %get3A_281 = tpu.vector_load %arg12[%get3A_278, %get3A_279, %get3A_280] {strides = array<i32>} : memref<40x8x128xbf16, #tpu.memory_space<vmem>>, vector<32xbf16>,
        %bitcast3A_282 = vector.bitcast %get3A_281 : vector<32xbf16> to vector<16xi32>
        %shift_left3A_283 = arith.constant 16 : i32
        %shift_left3A_284 = vector.broadcast %shift_left3A_283 : i32 to vector<16xi32>
        %shift_left3A_285 = arith.shli %bitcast3A_282, %shift_left3A_284 : vector<16xi32>
        %bitcast3A_286 = vector.bitcast %shift_left3A_285 : vector<16xi32> to vector<16xf32>
        %bitcast3A_287 = vector.bitcast %bitcast3A_282 : vector<16xi32> to vector<16xf32>
        %mul3A_288 = arith.mulf %broadcast_in_dim3A_261, %bitcast3A_286 : vector<16xf32>
        %add3A_289 = arith.addf %add3A_226, %mul3A_288 : vector<16xf32>
        %mul3A_290 = arith.mulf %broadcast_in_dim3A_261, %bitcast3A_287 : vector<16xf32>
        %add3A_291 = arith.addf %add3A_228, %mul3A_290 : vector<16xf32>
        %get3A_292 = arith.constant 2 : i32
        %get3A_293 = arith.index_cast %scan3A_114 : i32 to index
        %get3A_294 = arith.index_cast %get3A_292 : i32 to index
        %get3A_295 = arith.constant 64 : index
        %get3A_296 = tpu.vector_load %arg12[%get3A_293, %get3A_294, %get3A_295] {strides = array<i32>} : memref<40x8x128xbf16, #tpu.memory_space<vmem>>, vector<32xbf16>,
        %bitcast3A_297 = vector.bitcast %get3A_296 : vector<32xbf16> to vector<16xi32>
        %shift_left3A_298 = arith.constant 16 : i32
        %shift_left3A_299 = vector.broadcast %shift_left3A_298 : i32 to vector<16xi32>
        %shift_left3A_300 = arith.shli %bitcast3A_297, %shift_left3A_299 : vector<16xi32>
        %bitcast3A_301 = vector.bitcast %shift_left3A_300 : vector<16xi32> to vector<16xf32>
        %bitcast3A_302 = vector.bitcast %bitcast3A_297 : vector<16xi32> to vector<16xf32>
        %mul3A_303 = arith.mulf %broadcast_in_dim3A_261, %bitcast3A_301 : vector<16xf32>
        %add3A_304 = arith.addf %add3A_241, %mul3A_303 : vector<16xf32>
        %mul3A_305 = arith.mulf %broadcast_in_dim3A_261, %bitcast3A_302 : vector<16xf32>
        %add3A_306 = arith.addf %add3A_243, %mul3A_305 : vector<16xf32>
        %get3A_307 = arith.constant 2 : i32
        %get3A_308 = arith.index_cast %scan3A_114 : i32 to index
        %get3A_309 = arith.index_cast %get3A_307 : i32 to index
        %get3A_310 = arith.constant 96 : index
        %get3A_311 = tpu.vector_load %arg12[%get3A_308, %get3A_309, %get3A_310] {strides = array<i32>} : memref<40x8x128xbf16, #tpu.memory_space<vmem>>, vector<32xbf16>,
        %bitcast3A_312 = vector.bitcast %get3A_311 : vector<32xbf16> to vector<16xi32>
        %shift_left3A_313 = arith.constant 16 : i32
        %shift_left3A_314 = vector.broadcast %shift_left3A_313 : i32 to vector<16xi32>
        %shift_left3A_315 = arith.shli %bitcast3A_312, %shift_left3A_314 : vector<16xi32>
        %bitcast3A_316 = vector.bitcast %shift_left3A_315 : vector<16xi32> to vector<16xf32>
        %bitcast3A_317 = vector.bitcast %bitcast3A_312 : vector<16xi32> to vector<16xf32>
        %mul3A_318 = arith.mulf %broadcast_in_dim3A_261, %bitcast3A_316 : vector<16xf32>
        %add3A_319 = arith.addf %add3A_256, %mul3A_318 : vector<16xf32>
        %mul3A_320 = arith.mulf %broadcast_in_dim3A_261, %bitcast3A_317 : vector<16xf32>
        %add3A_321 = arith.addf %add3A_258, %mul3A_320 : vector<16xf32>
        %slice3A_322 = vector.extract_strided_slice %mul3A_121 {offsets = [3], sizes = [1], strides = [1]} : vector<16xf32> to vector<1xf32>
        %squeeze3A_323 = vector.extract %slice3A_322[0] : f32 from vector<1xf32>
        %broadcast_in_dim3A_324 = vector.broadcast %squeeze3A_323 : f32 to vector<16xf32>
        %get3A_325 = arith.constant 3 : i32
        %get3A_326 = arith.index_cast %scan3A_114 : i32 to index
        %get3A_327 = arith.index_cast %get3A_325 : i32 to index
        %get3A_328 = arith.constant 0 : index
        %get3A_329 = tpu.vector_load %arg12[%get3A_326, %get3A_327, %get3A_328] {strides = array<i32>} : memref<40x8x128xbf16, #tpu.memory_space<vmem>>, vector<32xbf16>,
        %bitcast3A_330 = vector.bitcast %get3A_329 : vector<32xbf16> to vector<16xi32>
        %shift_left3A_331 = arith.constant 16 : i32
        %shift_left3A_332 = vector.broadcast %shift_left3A_331 : i32 to vector<16xi32>
        %shift_left3A_333 = arith.shli %bitcast3A_330, %shift_left3A_332 : vector<16xi32>
        %bitcast3A_334 = vector.bitcast %shift_left3A_333 : vector<16xi32> to vector<16xf32>
        %bitcast3A_335 = vector.bitcast %bitcast3A_330 : vector<16xi32> to vector<16xf32>
        %mul3A_336 = arith.mulf %broadcast_in_dim3A_324, %bitcast3A_334 : vector<16xf32>
        %add3A_337 = arith.addf %add3A_274, %mul3A_336 : vector<16xf32>
        %mul3A_338 = arith.mulf %broadcast_in_dim3A_324, %bitcast3A_335 : vector<16xf32>
        %add3A_339 = arith.addf %add3A_276, %mul3A_338 : vector<16xf32>
        %get3A_340 = arith.constant 3 : i32
        %get3A_341 = arith.index_cast %scan3A_114 : i32 to index
        %get3A_342 = arith.index_cast %get3A_340 : i32 to index
        %get3A_343 = arith.constant 32 : index
        %get3A_344 = tpu.vector_load %arg12[%get3A_341, %get3A_342, %get3A_343] {strides = array<i32>} : memref<40x8x128xbf16, #tpu.memory_space<vmem>>, vector<32xbf16>,
        %bitcast3A_345 = vector.bitcast %get3A_344 : vector<32xbf16> to vector<16xi32>
        %shift_left3A_346 = arith.constant 16 : i32
        %shift_left3A_347 = vector.broadcast %shift_left3A_346 : i32 to vector<16xi32>
        %shift_left3A_348 = arith.shli %bitcast3A_345, %shift_left3A_347 : vector<16xi32>
        %bitcast3A_349 = vector.bitcast %shift_left3A_348 : vector<16xi32> to vector<16xf32>
        %bitcast3A_350 = vector.bitcast %bitcast3A_345 : vector<16xi32> to vector<16xf32>
        %mul3A_351 = arith.mulf %broadcast_in_dim3A_324, %bitcast3A_349 : vector<16xf32>
        %add3A_352 = arith.addf %add3A_289, %mul3A_351 : vector<16xf32>
        %mul3A_353 = arith.mulf %broadcast_in_dim3A_324, %bitcast3A_350 : vector<16xf32>
        %add3A_354 = arith.addf %add3A_291, %mul3A_353 : vector<16xf32>
        %get3A_355 = arith.constant 3 : i32
        %get3A_356 = arith.index_cast %scan3A_114 : i32 to index
        %get3A_357 = arith.index_cast %get3A_355 : i32 to index
        %get3A_358 = arith.constant 64 : index
        %get3A_359 = tpu.vector_load %arg12[%get3A_356, %get3A_357, %get3A_358] {strides = array<i32>} : memref<40x8x128xbf16, #tpu.memory_space<vmem>>, vector<32xbf16>,
        %bitcast3A_360 = vector.bitcast %get3A_359 : vector<32xbf16> to vector<16xi32>
        %shift_left3A_361 = arith.constant 16 : i32
        %shift_left3A_362 = vector.broadcast %shift_left3A_361 : i32 to vector<16xi32>
        %shift_left3A_363 = arith.shli %bitcast3A_360, %shift_left3A_362 : vector<16xi32>
        %bitcast3A_364 = vector.bitcast %shift_left3A_363 : vector<16xi32> to vector<16xf32>
        %bitcast3A_365 = vector.bitcast %bitcast3A_360 : vector<16xi32> to vector<16xf32>
        %mul3A_366 = arith.mulf %broadcast_in_dim3A_324, %bitcast3A_364 : vector<16xf32>
        %add3A_367 = arith.addf %add3A_304, %mul3A_366 : vector<16xf32>
        %mul3A_368 = arith.mulf %broadcast_in_dim3A_324, %bitcast3A_365 : vector<16xf32>
        %add3A_369 = arith.addf %add3A_306, %mul3A_368 : vector<16xf32>
        %get3A_370 = arith.constant 3 : i32
        %get3A_371 = arith.index_cast %scan3A_114 : i32 to index
        %get3A_372 = arith.index_cast %get3A_370 : i32 to index
        %get3A_373 = arith.constant 96 : index
        %get3A_374 = tpu.vector_load %arg12[%get3A_371, %get3A_372, %get3A_373] {strides = array<i32>} : memref<40x8x128xbf16, #tpu.memory_space<vmem>>, vector<32xbf16>,
        %bitcast3A_375 = vector.bitcast %get3A_374 : vector<32xbf16> to vector<16xi32>
        %shift_left3A_376 = arith.constant 16 : i32
        %shift_left3A_377 = vector.broadcast %shift_left3A_376 : i32 to vector<16xi32>
        %shift_left3A_378 = arith.shli %bitcast3A_375, %shift_left3A_377 : vector<16xi32>
        %bitcast3A_379 = vector.bitcast %shift_left3A_378 : vector<16xi32> to vector<16xf32>
        %bitcast3A_380 = vector.bitcast %bitcast3A_375 : vector<16xi32> to vector<16xf32>
        %mul3A_381 = arith.mulf %broadcast_in_dim3A_324, %bitcast3A_379 : vector<16xf32>
        %add3A_382 = arith.addf %add3A_319, %mul3A_381 : vector<16xf32>
        %mul3A_383 = arith.mulf %broadcast_in_dim3A_324, %bitcast3A_380 : vector<16xf32>
        %add3A_384 = arith.addf %add3A_321, %mul3A_383 : vector<16xf32>
        %slice3A_385 = vector.extract_strided_slice %mul3A_121 {offsets = [4], sizes = [1], strides = [1]} : vector<16xf32> to vector<1xf32>
        %squeeze3A_386 = vector.extract %slice3A_385[0] : f32 from vector<1xf32>
        %broadcast_in_dim3A_387 = vector.broadcast %squeeze3A_386 : f32 to vector<16xf32>
        %get3A_388 = arith.constant 4 : i32
        %get3A_389 = arith.index_cast %scan3A_114 : i32 to index
        %get3A_390 = arith.index_cast %get3A_388 : i32 to index
        %get3A_391 = arith.constant 0 : index
        %get3A_392 = tpu.vector_load %arg12[%get3A_389, %get3A_390, %get3A_391] {strides = array<i32>} : memref<40x8x128xbf16, #tpu.memory_space<vmem>>, vector<32xbf16>,
        %bitcast3A_393 = vector.bitcast %get3A_392 : vector<32xbf16> to vector<16xi32>
        %shift_left3A_394 = arith.constant 16 : i32
        %shift_left3A_395 = vector.broadcast %shift_left3A_394 : i32 to vector<16xi32>
        %shift_left3A_396 = arith.shli %bitcast3A_393, %shift_left3A_395 : vector<16xi32>
        %bitcast3A_397 = vector.bitcast %shift_left3A_396 : vector<16xi32> to vector<16xf32>
        %bitcast3A_398 = vector.bitcast %bitcast3A_393 : vector<16xi32> to vector<16xf32>
        %mul3A_399 = arith.mulf %broadcast_in_dim3A_387, %bitcast3A_397 : vector<16xf32>
        %add3A_400 = arith.addf %add3A_337, %mul3A_399 : vector<16xf32>
        %mul3A_401 = arith.mulf %broadcast_in_dim3A_387, %bitcast3A_398 : vector<16xf32>
        %add3A_402 = arith.addf %add3A_339, %mul3A_401 : vector<16xf32>
        %get3A_403 = arith.constant 4 : i32
        %get3A_404 = arith.index_cast %scan3A_114 : i32 to index
        %get3A_405 = arith.index_cast %get3A_403 : i32 to index
        %get3A_406 = arith.constant 32 : index
        %get3A_407 = tpu.vector_load %arg12[%get3A_404, %get3A_405, %get3A_406] {strides = array<i32>} : memref<40x8x128xbf16, #tpu.memory_space<vmem>>, vector<32xbf16>,
        %bitcast3A_408 = vector.bitcast %get3A_407 : vector<32xbf16> to vector<16xi32>
        %shift_left3A_409 = arith.constant 16 : i32
        %shift_left3A_410 = vector.broadcast %shift_left3A_409 : i32 to vector<16xi32>
        %shift_left3A_411 = arith.shli %bitcast3A_408, %shift_left3A_410 : vector<16xi32>
        %bitcast3A_412 = vector.bitcast %shift_left3A_411 : vector<16xi32> to vector<16xf32>
        %bitcast3A_413 = vector.bitcast %bitcast3A_408 : vector<16xi32> to vector<16xf32>
        %mul3A_414 = arith.mulf %broadcast_in_dim3A_387, %bitcast3A_412 : vector<16xf32>
        %add3A_415 = arith.addf %add3A_352, %mul3A_414 : vector<16xf32>
        %mul3A_416 = arith.mulf %broadcast_in_dim3A_387, %bitcast3A_413 : vector<16xf32>
        %add3A_417 = arith.addf %add3A_354, %mul3A_416 : vector<16xf32>
        %get3A_418 = arith.constant 4 : i32
        %get3A_419 = arith.index_cast %scan3A_114 : i32 to index
        %get3A_420 = arith.index_cast %get3A_418 : i32 to index
        %get3A_421 = arith.constant 64 : index
        %get3A_422 = tpu.vector_load %arg12[%get3A_419, %get3A_420, %get3A_421] {strides = array<i32>} : memref<40x8x128xbf16, #tpu.memory_space<vmem>>, vector<32xbf16>,
        %bitcast3A_423 = vector.bitcast %get3A_422 : vector<32xbf16> to vector<16xi32>
        %shift_left3A_424 = arith.constant 16 : i32
        %shift_left3A_425 = vector.broadcast %shift_left3A_424 : i32 to vector<16xi32>
        %shift_left3A_426 = arith.shli %bitcast3A_423, %shift_left3A_425 : vector<16xi32>
        %bitcast3A_427 = vector.bitcast %shift_left3A_426 : vector<16xi32> to vector<16xf32>
        %bitcast3A_428 = vector.bitcast %bitcast3A_423 : vector<16xi32> to vector<16xf32>
        %mul3A_429 = arith.mulf %broadcast_in_dim3A_387, %bitcast3A_427 : vector<16xf32>
        %add3A_430 = arith.addf %add3A_367, %mul3A_429 : vector<16xf32>
        %mul3A_431 = arith.mulf %broadcast_in_dim3A_387, %bitcast3A_428 : vector<16xf32>
        %add3A_432 = arith.addf %add3A_369, %mul3A_431 : vector<16xf32>
        %get3A_433 = arith.constant 4 : i32
        %get3A_434 = arith.index_cast %scan3A_114 : i32 to index
        %get3A_435 = arith.index_cast %get3A_433 : i32 to index
        %get3A_436 = arith.constant 96 : index
        %get3A_437 = tpu.vector_load %arg12[%get3A_434, %get3A_435, %get3A_436] {strides = array<i32>} : memref<40x8x128xbf16, #tpu.memory_space<vmem>>, vector<32xbf16>,
        %bitcast3A_438 = vector.bitcast %get3A_437 : vector<32xbf16> to vector<16xi32>
        %shift_left3A_439 = arith.constant 16 : i32
        %shift_left3A_440 = vector.broadcast %shift_left3A_439 : i32 to vector<16xi32>
        %shift_left3A_441 = arith.shli %bitcast3A_438, %shift_left3A_440 : vector<16xi32>
        %bitcast3A_442 = vector.bitcast %shift_left3A_441 : vector<16xi32> to vector<16xf32>
        %bitcast3A_443 = vector.bitcast %bitcast3A_438 : vector<16xi32> to vector<16xf32>
        %mul3A_444 = arith.mulf %broadcast_in_dim3A_387, %bitcast3A_442 : vector<16xf32>
        %add3A_445 = arith.addf %add3A_382, %mul3A_444 : vector<16xf32>
        %mul3A_446 = arith.mulf %broadcast_in_dim3A_387, %bitcast3A_443 : vector<16xf32>
        %add3A_447 = arith.addf %add3A_384, %mul3A_446 : vector<16xf32>
        %slice3A_448 = vector.extract_strided_slice %mul3A_121 {offsets = [5], sizes = [1], strides = [1]} : vector<16xf32> to vector<1xf32>
        %squeeze3A_449 = vector.extract %slice3A_448[0] : f32 from vector<1xf32>
        %broadcast_in_dim3A_450 = vector.broadcast %squeeze3A_449 : f32 to vector<16xf32>
        %get3A_451 = arith.constant 5 : i32
        %get3A_452 = arith.index_cast %scan3A_114 : i32 to index
        %get3A_453 = arith.index_cast %get3A_451 : i32 to index
        %get3A_454 = arith.constant 0 : index
        %get3A_455 = tpu.vector_load %arg12[%get3A_452, %get3A_453, %get3A_454] {strides = array<i32>} : memref<40x8x128xbf16, #tpu.memory_space<vmem>>, vector<32xbf16>,
        %bitcast3A_456 = vector.bitcast %get3A_455 : vector<32xbf16> to vector<16xi32>
        %shift_left3A_457 = arith.constant 16 : i32
        %shift_left3A_458 = vector.broadcast %shift_left3A_457 : i32 to vector<16xi32>
        %shift_left3A_459 = arith.shli %bitcast3A_456, %shift_left3A_458 : vector<16xi32>
        %bitcast3A_460 = vector.bitcast %shift_left3A_459 : vector<16xi32> to vector<16xf32>
        %bitcast3A_461 = vector.bitcast %bitcast3A_456 : vector<16xi32> to vector<16xf32>
        %mul3A_462 = arith.mulf %broadcast_in_dim3A_450, %bitcast3A_460 : vector<16xf32>
        %add3A_463 = arith.addf %add3A_400, %mul3A_462 : vector<16xf32>
        %mul3A_464 = arith.mulf %broadcast_in_dim3A_450, %bitcast3A_461 : vector<16xf32>
        %add3A_465 = arith.addf %add3A_402, %mul3A_464 : vector<16xf32>
        %get3A_466 = arith.constant 5 : i32
        %get3A_467 = arith.index_cast %scan3A_114 : i32 to index
        %get3A_468 = arith.index_cast %get3A_466 : i32 to index
        %get3A_469 = arith.constant 32 : index
        %get3A_470 = tpu.vector_load %arg12[%get3A_467, %get3A_468, %get3A_469] {strides = array<i32>} : memref<40x8x128xbf16, #tpu.memory_space<vmem>>, vector<32xbf16>,
        %bitcast3A_471 = vector.bitcast %get3A_470 : vector<32xbf16> to vector<16xi32>
        %shift_left3A_472 = arith.constant 16 : i32
        %shift_left3A_473 = vector.broadcast %shift_left3A_472 : i32 to vector<16xi32>
        %shift_left3A_474 = arith.shli %bitcast3A_471, %shift_left3A_473 : vector<16xi32>
        %bitcast3A_475 = vector.bitcast %shift_left3A_474 : vector<16xi32> to vector<16xf32>
        %bitcast3A_476 = vector.bitcast %bitcast3A_471 : vector<16xi32> to vector<16xf32>
        %mul3A_477 = arith.mulf %broadcast_in_dim3A_450, %bitcast3A_475 : vector<16xf32>
        %add3A_478 = arith.addf %add3A_415, %mul3A_477 : vector<16xf32>
        %mul3A_479 = arith.mulf %broadcast_in_dim3A_450, %bitcast3A_476 : vector<16xf32>
        %add3A_480 = arith.addf %add3A_417, %mul3A_479 : vector<16xf32>
        %get3A_481 = arith.constant 5 : i32
        %get3A_482 = arith.index_cast %scan3A_114 : i32 to index
        %get3A_483 = arith.index_cast %get3A_481 : i32 to index
        %get3A_484 = arith.constant 64 : index
        %get3A_485 = tpu.vector_load %arg12[%get3A_482, %get3A_483, %get3A_484] {strides = array<i32>} : memref<40x8x128xbf16, #tpu.memory_space<vmem>>, vector<32xbf16>,
        %bitcast3A_486 = vector.bitcast %get3A_485 : vector<32xbf16> to vector<16xi32>
        %shift_left3A_487 = arith.constant 16 : i32
        %shift_left3A_488 = vector.broadcast %shift_left3A_487 : i32 to vector<16xi32>
        %shift_left3A_489 = arith.shli %bitcast3A_486, %shift_left3A_488 : vector<16xi32>
        %bitcast3A_490 = vector.bitcast %shift_left3A_489 : vector<16xi32> to vector<16xf32>
        %bitcast3A_491 = vector.bitcast %bitcast3A_486 : vector<16xi32> to vector<16xf32>
        %mul3A_492 = arith.mulf %broadcast_in_dim3A_450, %bitcast3A_490 : vector<16xf32>
        %add3A_493 = arith.addf %add3A_430, %mul3A_492 : vector<16xf32>
        %mul3A_494 = arith.mulf %broadcast_in_dim3A_450, %bitcast3A_491 : vector<16xf32>
        %add3A_495 = arith.addf %add3A_432, %mul3A_494 : vector<16xf32>
        %get3A_496 = arith.constant 5 : i32
        %get3A_497 = arith.index_cast %scan3A_114 : i32 to index
        %get3A_498 = arith.index_cast %get3A_496 : i32 to index
        %get3A_499 = arith.constant 96 : index
        %get3A_500 = tpu.vector_load %arg12[%get3A_497, %get3A_498, %get3A_499] {strides = array<i32>} : memref<40x8x128xbf16, #tpu.memory_space<vmem>>, vector<32xbf16>,
        %bitcast3A_501 = vector.bitcast %get3A_500 : vector<32xbf16> to vector<16xi32>
        %shift_left3A_502 = arith.constant 16 : i32
        %shift_left3A_503 = vector.broadcast %shift_left3A_502 : i32 to vector<16xi32>
        %shift_left3A_504 = arith.shli %bitcast3A_501, %shift_left3A_503 : vector<16xi32>
        %bitcast3A_505 = vector.bitcast %shift_left3A_504 : vector<16xi32> to vector<16xf32>
        %bitcast3A_506 = vector.bitcast %bitcast3A_501 : vector<16xi32> to vector<16xf32>
        %mul3A_507 = arith.mulf %broadcast_in_dim3A_450, %bitcast3A_505 : vector<16xf32>
        %add3A_508 = arith.addf %add3A_445, %mul3A_507 : vector<16xf32>
        %mul3A_509 = arith.mulf %broadcast_in_dim3A_450, %bitcast3A_506 : vector<16xf32>
        %add3A_510 = arith.addf %add3A_447, %mul3A_509 : vector<16xf32>
        %slice3A_511 = vector.extract_strided_slice %mul3A_121 {offsets = [6], sizes = [1], strides = [1]} : vector<16xf32> to vector<1xf32>
        %squeeze3A_512 = vector.extract %slice3A_511[0] : f32 from vector<1xf32>
        %broadcast_in_dim3A_513 = vector.broadcast %squeeze3A_512 : f32 to vector<16xf32>
        %get3A_514 = arith.constant 6 : i32
        %get3A_515 = arith.index_cast %scan3A_114 : i32 to index
        %get3A_516 = arith.index_cast %get3A_514 : i32 to index
        %get3A_517 = arith.constant 0 : index
        %get3A_518 = tpu.vector_load %arg12[%get3A_515, %get3A_516, %get3A_517] {strides = array<i32>} : memref<40x8x128xbf16, #tpu.memory_space<vmem>>, vector<32xbf16>,
        %bitcast3A_519 = vector.bitcast %get3A_518 : vector<32xbf16> to vector<16xi32>
        %shift_left3A_520 = arith.constant 16 : i32
        %shift_left3A_521 = vector.broadcast %shift_left3A_520 : i32 to vector<16xi32>
        %shift_left3A_522 = arith.shli %bitcast3A_519, %shift_left3A_521 : vector<16xi32>
        %bitcast3A_523 = vector.bitcast %shift_left3A_522 : vector<16xi32> to vector<16xf32>
        %bitcast3A_524 = vector.bitcast %bitcast3A_519 : vector<16xi32> to vector<16xf32>
        %mul3A_525 = arith.mulf %broadcast_in_dim3A_513, %bitcast3A_523 : vector<16xf32>
        %add3A_526 = arith.addf %add3A_463, %mul3A_525 : vector<16xf32>
        %mul3A_527 = arith.mulf %broadcast_in_dim3A_513, %bitcast3A_524 : vector<16xf32>
        %add3A_528 = arith.addf %add3A_465, %mul3A_527 : vector<16xf32>
        %get3A_529 = arith.constant 6 : i32
        %get3A_530 = arith.index_cast %scan3A_114 : i32 to index
        %get3A_531 = arith.index_cast %get3A_529 : i32 to index
        %get3A_532 = arith.constant 32 : index
        %get3A_533 = tpu.vector_load %arg12[%get3A_530, %get3A_531, %get3A_532] {strides = array<i32>} : memref<40x8x128xbf16, #tpu.memory_space<vmem>>, vector<32xbf16>,
        %bitcast3A_534 = vector.bitcast %get3A_533 : vector<32xbf16> to vector<16xi32>
        %shift_left3A_535 = arith.constant 16 : i32
        %shift_left3A_536 = vector.broadcast %shift_left3A_535 : i32 to vector<16xi32>
        %shift_left3A_537 = arith.shli %bitcast3A_534, %shift_left3A_536 : vector<16xi32>
        %bitcast3A_538 = vector.bitcast %shift_left3A_537 : vector<16xi32> to vector<16xf32>
        %bitcast3A_539 = vector.bitcast %bitcast3A_534 : vector<16xi32> to vector<16xf32>
        %mul3A_540 = arith.mulf %broadcast_in_dim3A_513, %bitcast3A_538 : vector<16xf32>
        %add3A_541 = arith.addf %add3A_478, %mul3A_540 : vector<16xf32>
        %mul3A_542 = arith.mulf %broadcast_in_dim3A_513, %bitcast3A_539 : vector<16xf32>
        %add3A_543 = arith.addf %add3A_480, %mul3A_542 : vector<16xf32>
        %get3A_544 = arith.constant 6 : i32
        %get3A_545 = arith.index_cast %scan3A_114 : i32 to index
        %get3A_546 = arith.index_cast %get3A_544 : i32 to index
        %get3A_547 = arith.constant 64 : index
        %get3A_548 = tpu.vector_load %arg12[%get3A_545, %get3A_546, %get3A_547] {strides = array<i32>} : memref<40x8x128xbf16, #tpu.memory_space<vmem>>, vector<32xbf16>,
        %bitcast3A_549 = vector.bitcast %get3A_548 : vector<32xbf16> to vector<16xi32>
        %shift_left3A_550 = arith.constant 16 : i32
        %shift_left3A_551 = vector.broadcast %shift_left3A_550 : i32 to vector<16xi32>
        %shift_left3A_552 = arith.shli %bitcast3A_549, %shift_left3A_551 : vector<16xi32>
        %bitcast3A_553 = vector.bitcast %shift_left3A_552 : vector<16xi32> to vector<16xf32>
        %bitcast3A_554 = vector.bitcast %bitcast3A_549 : vector<16xi32> to vector<16xf32>
        %mul3A_555 = arith.mulf %broadcast_in_dim3A_513, %bitcast3A_553 : vector<16xf32>
        %add3A_556 = arith.addf %add3A_493, %mul3A_555 : vector<16xf32>
        %mul3A_557 = arith.mulf %broadcast_in_dim3A_513, %bitcast3A_554 : vector<16xf32>
        %add3A_558 = arith.addf %add3A_495, %mul3A_557 : vector<16xf32>
        %get3A_559 = arith.constant 6 : i32
        %get3A_560 = arith.index_cast %scan3A_114 : i32 to index
        %get3A_561 = arith.index_cast %get3A_559 : i32 to index
        %get3A_562 = arith.constant 96 : index
        %get3A_563 = tpu.vector_load %arg12[%get3A_560, %get3A_561, %get3A_562] {strides = array<i32>} : memref<40x8x128xbf16, #tpu.memory_space<vmem>>, vector<32xbf16>,
        %bitcast3A_564 = vector.bitcast %get3A_563 : vector<32xbf16> to vector<16xi32>
        %shift_left3A_565 = arith.constant 16 : i32
        %shift_left3A_566 = vector.broadcast %shift_left3A_565 : i32 to vector<16xi32>
        %shift_left3A_567 = arith.shli %bitcast3A_564, %shift_left3A_566 : vector<16xi32>
        %bitcast3A_568 = vector.bitcast %shift_left3A_567 : vector<16xi32> to vector<16xf32>
        %bitcast3A_569 = vector.bitcast %bitcast3A_564 : vector<16xi32> to vector<16xf32>
        %mul3A_570 = arith.mulf %broadcast_in_dim3A_513, %bitcast3A_568 : vector<16xf32>
        %add3A_571 = arith.addf %add3A_508, %mul3A_570 : vector<16xf32>
        %mul3A_572 = arith.mulf %broadcast_in_dim3A_513, %bitcast3A_569 : vector<16xf32>
        %add3A_573 = arith.addf %add3A_510, %mul3A_572 : vector<16xf32>
        %slice3A_574 = vector.extract_strided_slice %mul3A_121 {offsets = [7], sizes = [1], strides = [1]} : vector<16xf32> to vector<1xf32>
        %squeeze3A_575 = vector.extract %slice3A_574[0] : f32 from vector<1xf32>
        %broadcast_in_dim3A_576 = vector.broadcast %squeeze3A_575 : f32 to vector<16xf32>
        %get3A_577 = arith.constant 7 : i32
        %get3A_578 = arith.index_cast %scan3A_114 : i32 to index
        %get3A_579 = arith.index_cast %get3A_577 : i32 to index
        %get3A_580 = arith.constant 0 : index
        %get3A_581 = tpu.vector_load %arg12[%get3A_578, %get3A_579, %get3A_580] {strides = array<i32>} : memref<40x8x128xbf16, #tpu.memory_space<vmem>>, vector<32xbf16>,
        %bitcast3A_582 = vector.bitcast %get3A_581 : vector<32xbf16> to vector<16xi32>
        %shift_left3A_583 = arith.constant 16 : i32
        %shift_left3A_584 = vector.broadcast %shift_left3A_583 : i32 to vector<16xi32>
        %shift_left3A_585 = arith.shli %bitcast3A_582, %shift_left3A_584 : vector<16xi32>
        %bitcast3A_586 = vector.bitcast %shift_left3A_585 : vector<16xi32> to vector<16xf32>
        %bitcast3A_587 = vector.bitcast %bitcast3A_582 : vector<16xi32> to vector<16xf32>
        %mul3A_588 = arith.mulf %broadcast_in_dim3A_576, %bitcast3A_586 : vector<16xf32>
        %add3A_589 = arith.addf %add3A_526, %mul3A_588 : vector<16xf32>
        %mul3A_590 = arith.mulf %broadcast_in_dim3A_576, %bitcast3A_587 : vector<16xf32>
        %add3A_591 = arith.addf %add3A_528, %mul3A_590 : vector<16xf32>
        %get3A_592 = arith.constant 7 : i32
        %get3A_593 = arith.index_cast %scan3A_114 : i32 to index
        %get3A_594 = arith.index_cast %get3A_592 : i32 to index
        %get3A_595 = arith.constant 32 : index
        %get3A_596 = tpu.vector_load %arg12[%get3A_593, %get3A_594, %get3A_595] {strides = array<i32>} : memref<40x8x128xbf16, #tpu.memory_space<vmem>>, vector<32xbf16>,
        %bitcast3A_597 = vector.bitcast %get3A_596 : vector<32xbf16> to vector<16xi32>
        %shift_left3A_598 = arith.constant 16 : i32
        %shift_left3A_599 = vector.broadcast %shift_left3A_598 : i32 to vector<16xi32>
        %shift_left3A_600 = arith.shli %bitcast3A_597, %shift_left3A_599 : vector<16xi32>
        %bitcast3A_601 = vector.bitcast %shift_left3A_600 : vector<16xi32> to vector<16xf32>
        %bitcast3A_602 = vector.bitcast %bitcast3A_597 : vector<16xi32> to vector<16xf32>
        %mul3A_603 = arith.mulf %broadcast_in_dim3A_576, %bitcast3A_601 : vector<16xf32>
        %add3A_604 = arith.addf %add3A_541, %mul3A_603 : vector<16xf32>
        %mul3A_605 = arith.mulf %broadcast_in_dim3A_576, %bitcast3A_602 : vector<16xf32>
        %add3A_606 = arith.addf %add3A_543, %mul3A_605 : vector<16xf32>
        %get3A_607 = arith.constant 7 : i32
        %get3A_608 = arith.index_cast %scan3A_114 : i32 to index
        %get3A_609 = arith.index_cast %get3A_607 : i32 to index
        %get3A_610 = arith.constant 64 : index
        %get3A_611 = tpu.vector_load %arg12[%get3A_608, %get3A_609, %get3A_610] {strides = array<i32>} : memref<40x8x128xbf16, #tpu.memory_space<vmem>>, vector<32xbf16>,
        %bitcast3A_612 = vector.bitcast %get3A_611 : vector<32xbf16> to vector<16xi32>
        %shift_left3A_613 = arith.constant 16 : i32
        %shift_left3A_614 = vector.broadcast %shift_left3A_613 : i32 to vector<16xi32>
        %shift_left3A_615 = arith.shli %bitcast3A_612, %shift_left3A_614 : vector<16xi32>
        %bitcast3A_616 = vector.bitcast %shift_left3A_615 : vector<16xi32> to vector<16xf32>
        %bitcast3A_617 = vector.bitcast %bitcast3A_612 : vector<16xi32> to vector<16xf32>
        %mul3A_618 = arith.mulf %broadcast_in_dim3A_576, %bitcast3A_616 : vector<16xf32>
        %add3A_619 = arith.addf %add3A_556, %mul3A_618 : vector<16xf32>
        %mul3A_620 = arith.mulf %broadcast_in_dim3A_576, %bitcast3A_617 : vector<16xf32>
        %add3A_621 = arith.addf %add3A_558, %mul3A_620 : vector<16xf32>
        %get3A_622 = arith.constant 7 : i32
        %get3A_623 = arith.index_cast %scan3A_114 : i32 to index
        %get3A_624 = arith.index_cast %get3A_622 : i32 to index
        %get3A_625 = arith.constant 96 : index
        %get3A_626 = tpu.vector_load %arg12[%get3A_623, %get3A_624, %get3A_625] {strides = array<i32>} : memref<40x8x128xbf16, #tpu.memory_space<vmem>>, vector<32xbf16>,
        %bitcast3A_627 = vector.bitcast %get3A_626 : vector<32xbf16> to vector<16xi32>
        %shift_left3A_628 = arith.constant 16 : i32
        %shift_left3A_629 = vector.broadcast %shift_left3A_628 : i32 to vector<16xi32>
        %shift_left3A_630 = arith.shli %bitcast3A_627, %shift_left3A_629 : vector<16xi32>
        %bitcast3A_631 = vector.bitcast %shift_left3A_630 : vector<16xi32> to vector<16xf32>
        %bitcast3A_632 = vector.bitcast %bitcast3A_627 : vector<16xi32> to vector<16xf32>
        %mul3A_633 = arith.mulf %broadcast_in_dim3A_576, %bitcast3A_631 : vector<16xf32>
        %add3A_634 = arith.addf %add3A_571, %mul3A_633 : vector<16xf32>
        %mul3A_635 = arith.mulf %broadcast_in_dim3A_576, %bitcast3A_632 : vector<16xf32>
        %add3A_636 = arith.addf %add3A_573, %mul3A_635 : vector<16xf32>
        %swap3A = arith.index_cast %scan3A_114 : i32 to index
        %swap3A_637 = arith.constant 0 : index
        %swap3A_638 = tpu.vector_load %arg17[%swap3A, %swap3A_637] {strides = array<i32>} : memref<40x128xf32, #tpu.memory_space<vmem>>, vector<16xf32>,
        tpu.vector_store %arg17[%swap3A, %swap3A_637], %add3A_589 {strides = array<i32>} : memref<40x128xf32, #tpu.memory_space<vmem>>, vector<16xf32>,
        %swap3A_639 = arith.index_cast %scan3A_114 : i32 to index
        %swap3A_640 = arith.constant 16 : index
        %swap3A_641 = tpu.vector_load %arg17[%swap3A_639, %swap3A_640] {strides = array<i32>} : memref<40x128xf32, #tpu.memory_space<vmem>>, vector<16xf32>,
        tpu.vector_store %arg17[%swap3A_639, %swap3A_640], %add3A_591 {strides = array<i32>} : memref<40x128xf32, #tpu.memory_space<vmem>>, vector<16xf32>,
        %swap3A_642 = arith.index_cast %scan3A_114 : i32 to index
        %swap3A_643 = arith.constant 32 : index
        %swap3A_644 = tpu.vector_load %arg17[%swap3A_642, %swap3A_643] {strides = array<i32>} : memref<40x128xf32, #tpu.memory_space<vmem>>, vector<16xf32>,
        tpu.vector_store %arg17[%swap3A_642, %swap3A_643], %add3A_604 {strides = array<i32>} : memref<40x128xf32, #tpu.memory_space<vmem>>, vector<16xf32>,
        %swap3A_645 = arith.index_cast %scan3A_114 : i32 to index
        %swap3A_646 = arith.constant 48 : index
        %swap3A_647 = tpu.vector_load %arg17[%swap3A_645, %swap3A_646] {strides = array<i32>} : memref<40x128xf32, #tpu.memory_space<vmem>>, vector<16xf32>,
        tpu.vector_store %arg17[%swap3A_645, %swap3A_646], %add3A_606 {strides = array<i32>} : memref<40x128xf32, #tpu.memory_space<vmem>>, vector<16xf32>,
        %swap3A_648 = arith.index_cast %scan3A_114 : i32 to index
        %swap3A_649 = arith.constant 64 : index
        %swap3A_650 = tpu.vector_load %arg17[%swap3A_648, %swap3A_649] {strides = array<i32>} : memref<40x128xf32, #tpu.memory_space<vmem>>, vector<16xf32>,
        tpu.vector_store %arg17[%swap3A_648, %swap3A_649], %add3A_619 {strides = array<i32>} : memref<40x128xf32, #tpu.memory_space<vmem>>, vector<16xf32>,
        %swap3A_651 = arith.index_cast %scan3A_114 : i32 to index
        %swap3A_652 = arith.constant 80 : index
        %swap3A_653 = tpu.vector_load %arg17[%swap3A_651, %swap3A_652] {strides = array<i32>} : memref<40x128xf32, #tpu.memory_space<vmem>>, vector<16xf32>,
        tpu.vector_store %arg17[%swap3A_651, %swap3A_652], %add3A_621 {strides = array<i32>} : memref<40x128xf32, #tpu.memory_space<vmem>>, vector<16xf32>,
        %swap3A_654 = arith.index_cast %scan3A_114 : i32 to index
        %swap3A_655 = arith.constant 96 : index
        %swap3A_656 = tpu.vector_load %arg17[%swap3A_654, %swap3A_655] {strides = array<i32>} : memref<40x128xf32, #tpu.memory_space<vmem>>, vector<16xf32>,
        tpu.vector_store %arg17[%swap3A_654, %swap3A_655], %add3A_634 {strides = array<i32>} : memref<40x128xf32, #tpu.memory_space<vmem>>, vector<16xf32>,
        %swap3A_657 = arith.index_cast %scan3A_114 : i32 to index
        %swap3A_658 = arith.constant 112 : index
        %swap3A_659 = tpu.vector_load %arg17[%swap3A_657, %swap3A_658] {strides = array<i32>} : memref<40x128xf32, #tpu.memory_space<vmem>>, vector<16xf32>,
        tpu.vector_store %arg17[%swap3A_657, %swap3A_658], %add3A_636 {strides = array<i32>} : memref<40x128xf32, #tpu.memory_space<vmem>>, vector<16xf32>,
        %scan3A_660 = arith.constant 0 : i32
        %scan3A_661 = arith.constant 1 : i32
        %scan3A_662 = arith.addi %scan3A_114, %scan3A_661 : i32
        %get3A_663 = arith.index_cast %scan3A_662 : i32 to index
        %get3A_664 = arith.constant 0 : index
        %get3A_665 = tpu.vector_load %arg10[%get3A_663, %get3A_664] {strides = array<i32>} : memref<40x16xf32, #tpu.memory_space<vmem>>, vector<16xf32>,
        %get3A_666 = arith.index_cast %scan3A_662 : i32 to index
        %get3A_667 = arith.constant 0 : index
        %get3A_668 = tpu.vector_load %arg11[%get3A_666, %get3A_667] {strides = array<i32>} : memref<40x16xf32, #tpu.memory_space<vmem>>, vector<16xf32>,
        %mul3A_669 = arith.mulf %get3A_665, %get3A_668 : vector<16xf32>
        %broadcast_in_dim3A_670 = arith.constant 0.000000e+00 : f32
        %broadcast_in_dim3A_671 = vector.broadcast %broadcast_in_dim3A_670 : f32 to vector<16xf32>
        %broadcast_in_dim3A_672 = arith.constant 0.000000e+00 : f32
        %broadcast_in_dim3A_673 = vector.broadcast %broadcast_in_dim3A_672 : f32 to vector<16xf32>
        %broadcast_in_dim3A_674 = arith.constant 0.000000e+00 : f32
        %broadcast_in_dim3A_675 = vector.broadcast %broadcast_in_dim3A_674 : f32 to vector<16xf32>
        %broadcast_in_dim3A_676 = arith.constant 0.000000e+00 : f32
        %broadcast_in_dim3A_677 = vector.broadcast %broadcast_in_dim3A_676 : f32 to vector<16xf32>
        %broadcast_in_dim3A_678 = arith.constant 0.000000e+00 : f32
        %broadcast_in_dim3A_679 = vector.broadcast %broadcast_in_dim3A_678 : f32 to vector<16xf32>
        %broadcast_in_dim3A_680 = arith.constant 0.000000e+00 : f32
        %broadcast_in_dim3A_681 = vector.broadcast %broadcast_in_dim3A_680 : f32 to vector<16xf32>
        %broadcast_in_dim3A_682 = arith.constant 0.000000e+00 : f32
        %broadcast_in_dim3A_683 = vector.broadcast %broadcast_in_dim3A_682 : f32 to vector<16xf32>
        %broadcast_in_dim3A_684 = arith.constant 0.000000e+00 : f32
        %broadcast_in_dim3A_685 = vector.broadcast %broadcast_in_dim3A_684 : f32 to vector<16xf32>
        %slice3A_686 = vector.extract_strided_slice %mul3A_669 {offsets = [0], sizes = [1], strides = [1]} : vector<16xf32> to vector<1xf32>
        %squeeze3A_687 = vector.extract %slice3A_686[0] : f32 from vector<1xf32>
        %broadcast_in_dim3A_688 = vector.broadcast %squeeze3A_687 : f32 to vector<16xf32>
        %get3A_689 = arith.constant 0 : i32
        %get3A_690 = arith.index_cast %scan3A_662 : i32 to index
        %get3A_691 = arith.index_cast %get3A_689 : i32 to index
        %get3A_692 = arith.constant 0 : index
        %get3A_693 = tpu.vector_load %arg12[%get3A_690, %get3A_691, %get3A_692] {strides = array<i32>} : memref<40x8x128xbf16, #tpu.memory_space<vmem>>, vector<32xbf16>,
        %bitcast3A_694 = vector.bitcast %get3A_693 : vector<32xbf16> to vector<16xi32>
        %shift_left3A_695 = arith.constant 16 : i32
        %shift_left3A_696 = vector.broadcast %shift_left3A_695 : i32 to vector<16xi32>
        %shift_left3A_697 = arith.shli %bitcast3A_694, %shift_left3A_696 : vector<16xi32>
        %bitcast3A_698 = vector.bitcast %shift_left3A_697 : vector<16xi32> to vector<16xf32>
        %bitcast3A_699 = vector.bitcast %bitcast3A_694 : vector<16xi32> to vector<16xf32>
        %mul3A_700 = arith.mulf %broadcast_in_dim3A_688, %bitcast3A_698 : vector<16xf32>
        %add3A_701 = arith.addf %broadcast_in_dim3A_671, %mul3A_700 : vector<16xf32>
        %mul3A_702 = arith.mulf %broadcast_in_dim3A_688, %bitcast3A_699 : vector<16xf32>
        %add3A_703 = arith.addf %broadcast_in_dim3A_673, %mul3A_702 : vector<16xf32>
        %get3A_704 = arith.constant 0 : i32
        %get3A_705 = arith.index_cast %scan3A_662 : i32 to index
        %get3A_706 = arith.index_cast %get3A_704 : i32 to index
        %get3A_707 = arith.constant 32 : index
        %get3A_708 = tpu.vector_load %arg12[%get3A_705, %get3A_706, %get3A_707] {strides = array<i32>} : memref<40x8x128xbf16, #tpu.memory_space<vmem>>, vector<32xbf16>,
        %bitcast3A_709 = vector.bitcast %get3A_708 : vector<32xbf16> to vector<16xi32>
        %shift_left3A_710 = arith.constant 16 : i32
        %shift_left3A_711 = vector.broadcast %shift_left3A_710 : i32 to vector<16xi32>
        %shift_left3A_712 = arith.shli %bitcast3A_709, %shift_left3A_711 : vector<16xi32>
        %bitcast3A_713 = vector.bitcast %shift_left3A_712 : vector<16xi32> to vector<16xf32>
        %bitcast3A_714 = vector.bitcast %bitcast3A_709 : vector<16xi32> to vector<16xf32>
        %mul3A_715 = arith.mulf %broadcast_in_dim3A_688, %bitcast3A_713 : vector<16xf32>
        %add3A_716 = arith.addf %broadcast_in_dim3A_675, %mul3A_715 : vector<16xf32>
        %mul3A_717 = arith.mulf %broadcast_in_dim3A_688, %bitcast3A_714 : vector<16xf32>
        %add3A_718 = arith.addf %broadcast_in_dim3A_677, %mul3A_717 : vector<16xf32>
        %get3A_719 = arith.constant 0 : i32
        %get3A_720 = arith.index_cast %scan3A_662 : i32 to index
        %get3A_721 = arith.index_cast %get3A_719 : i32 to index
        %get3A_722 = arith.constant 64 : index
        %get3A_723 = tpu.vector_load %arg12[%get3A_720, %get3A_721, %get3A_722] {strides = array<i32>} : memref<40x8x128xbf16, #tpu.memory_space<vmem>>, vector<32xbf16>,
        %bitcast3A_724 = vector.bitcast %get3A_723 : vector<32xbf16> to vector<16xi32>
        %shift_left3A_725 = arith.constant 16 : i32
        %shift_left3A_726 = vector.broadcast %shift_left3A_725 : i32 to vector<16xi32>
        %shift_left3A_727 = arith.shli %bitcast3A_724, %shift_left3A_726 : vector<16xi32>
        %bitcast3A_728 = vector.bitcast %shift_left3A_727 : vector<16xi32> to vector<16xf32>
        %bitcast3A_729 = vector.bitcast %bitcast3A_724 : vector<16xi32> to vector<16xf32>
        %mul3A_730 = arith.mulf %broadcast_in_dim3A_688, %bitcast3A_728 : vector<16xf32>
        %add3A_731 = arith.addf %broadcast_in_dim3A_679, %mul3A_730 : vector<16xf32>
        %mul3A_732 = arith.mulf %broadcast_in_dim3A_688, %bitcast3A_729 : vector<16xf32>
        %add3A_733 = arith.addf %broadcast_in_dim3A_681, %mul3A_732 : vector<16xf32>
        %get3A_734 = arith.constant 0 : i32
        %get3A_735 = arith.index_cast %scan3A_662 : i32 to index
        %get3A_736 = arith.index_cast %get3A_734 : i32 to index
        %get3A_737 = arith.constant 96 : index
        %get3A_738 = tpu.vector_load %arg12[%get3A_735, %get3A_736, %get3A_737] {strides = array<i32>} : memref<40x8x128xbf16, #tpu.memory_space<vmem>>, vector<32xbf16>,
        %bitcast3A_739 = vector.bitcast %get3A_738 : vector<32xbf16> to vector<16xi32>
        %shift_left3A_740 = arith.constant 16 : i32
        %shift_left3A_741 = vector.broadcast %shift_left3A_740 : i32 to vector<16xi32>
        %shift_left3A_742 = arith.shli %bitcast3A_739, %shift_left3A_741 : vector<16xi32>
        %bitcast3A_743 = vector.bitcast %shift_left3A_742 : vector<16xi32> to vector<16xf32>
        %bitcast3A_744 = vector.bitcast %bitcast3A_739 : vector<16xi32> to vector<16xf32>
        %mul3A_745 = arith.mulf %broadcast_in_dim3A_688, %bitcast3A_743 : vector<16xf32>
        %add3A_746 = arith.addf %broadcast_in_dim3A_683, %mul3A_745 : vector<16xf32>
        %mul3A_747 = arith.mulf %broadcast_in_dim3A_688, %bitcast3A_744 : vector<16xf32>
        %add3A_748 = arith.addf %broadcast_in_dim3A_685, %mul3A_747 : vector<16xf32>
        %slice3A_749 = vector.extract_strided_slice %mul3A_669 {offsets = [1], sizes = [1], strides = [1]} : vector<16xf32> to vector<1xf32>
        %squeeze3A_750 = vector.extract %slice3A_749[0] : f32 from vector<1xf32>
        %broadcast_in_dim3A_751 = vector.broadcast %squeeze3A_750 : f32 to vector<16xf32>
        %get3A_752 = arith.constant 1 : i32
        %get3A_753 = arith.index_cast %scan3A_662 : i32 to index
        %get3A_754 = arith.index_cast %get3A_752 : i32 to index
        %get3A_755 = arith.constant 0 : index
        %get3A_756 = tpu.vector_load %arg12[%get3A_753, %get3A_754, %get3A_755] {strides = array<i32>} : memref<40x8x128xbf16, #tpu.memory_space<vmem>>, vector<32xbf16>,
        %bitcast3A_757 = vector.bitcast %get3A_756 : vector<32xbf16> to vector<16xi32>
        %shift_left3A_758 = arith.constant 16 : i32
        %shift_left3A_759 = vector.broadcast %shift_left3A_758 : i32 to vector<16xi32>
        %shift_left3A_760 = arith.shli %bitcast3A_757, %shift_left3A_759 : vector<16xi32>
        %bitcast3A_761 = vector.bitcast %shift_left3A_760 : vector<16xi32> to vector<16xf32>
        %bitcast3A_762 = vector.bitcast %bitcast3A_757 : vector<16xi32> to vector<16xf32>
        %mul3A_763 = arith.mulf %broadcast_in_dim3A_751, %bitcast3A_761 : vector<16xf32>
        %add3A_764 = arith.addf %add3A_701, %mul3A_763 : vector<16xf32>
        %mul3A_765 = arith.mulf %broadcast_in_dim3A_751, %bitcast3A_762 : vector<16xf32>
        %add3A_766 = arith.addf %add3A_703, %mul3A_765 : vector<16xf32>
        %get3A_767 = arith.constant 1 : i32
        %get3A_768 = arith.index_cast %scan3A_662 : i32 to index
        %get3A_769 = arith.index_cast %get3A_767 : i32 to index
        %get3A_770 = arith.constant 32 : index
        %get3A_771 = tpu.vector_load %arg12[%get3A_768, %get3A_769, %get3A_770] {strides = array<i32>} : memref<40x8x128xbf16, #tpu.memory_space<vmem>>, vector<32xbf16>,
        %bitcast3A_772 = vector.bitcast %get3A_771 : vector<32xbf16> to vector<16xi32>
        %shift_left3A_773 = arith.constant 16 : i32
        %shift_left3A_774 = vector.broadcast %shift_left3A_773 : i32 to vector<16xi32>
        %shift_left3A_775 = arith.shli %bitcast3A_772, %shift_left3A_774 : vector<16xi32>
        %bitcast3A_776 = vector.bitcast %shift_left3A_775 : vector<16xi32> to vector<16xf32>
        %bitcast3A_777 = vector.bitcast %bitcast3A_772 : vector<16xi32> to vector<16xf32>
        %mul3A_778 = arith.mulf %broadcast_in_dim3A_751, %bitcast3A_776 : vector<16xf32>
        %add3A_779 = arith.addf %add3A_716, %mul3A_778 : vector<16xf32>
        %mul3A_780 = arith.mulf %broadcast_in_dim3A_751, %bitcast3A_777 : vector<16xf32>
        %add3A_781 = arith.addf %add3A_718, %mul3A_780 : vector<16xf32>
        %get3A_782 = arith.constant 1 : i32
        %get3A_783 = arith.index_cast %scan3A_662 : i32 to index
        %get3A_784 = arith.index_cast %get3A_782 : i32 to index
        %get3A_785 = arith.constant 64 : index
        %get3A_786 = tpu.vector_load %arg12[%get3A_783, %get3A_784, %get3A_785] {strides = array<i32>} : memref<40x8x128xbf16, #tpu.memory_space<vmem>>, vector<32xbf16>,
        %bitcast3A_787 = vector.bitcast %get3A_786 : vector<32xbf16> to vector<16xi32>
        %shift_left3A_788 = arith.constant 16 : i32
        %shift_left3A_789 = vector.broadcast %shift_left3A_788 : i32 to vector<16xi32>
        %shift_left3A_790 = arith.shli %bitcast3A_787, %shift_left3A_789 : vector<16xi32>
        %bitcast3A_791 = vector.bitcast %shift_left3A_790 : vector<16xi32> to vector<16xf32>
        %bitcast3A_792 = vector.bitcast %bitcast3A_787 : vector<16xi32> to vector<16xf32>
        %mul3A_793 = arith.mulf %broadcast_in_dim3A_751, %bitcast3A_791 : vector<16xf32>
        %add3A_794 = arith.addf %add3A_731, %mul3A_793 : vector<16xf32>
        %mul3A_795 = arith.mulf %broadcast_in_dim3A_751, %bitcast3A_792 : vector<16xf32>
        %add3A_796 = arith.addf %add3A_733, %mul3A_795 : vector<16xf32>
        %get3A_797 = arith.constant 1 : i32
        %get3A_798 = arith.index_cast %scan3A_662 : i32 to index
        %get3A_799 = arith.index_cast %get3A_797 : i32 to index
        %get3A_800 = arith.constant 96 : index
        %get3A_801 = tpu.vector_load %arg12[%get3A_798, %get3A_799, %get3A_800] {strides = array<i32>} : memref<40x8x128xbf16, #tpu.memory_space<vmem>>, vector<32xbf16>,
        %bitcast3A_802 = vector.bitcast %get3A_801 : vector<32xbf16> to vector<16xi32>
        %shift_left3A_803 = arith.constant 16 : i32
        %shift_left3A_804 = vector.broadcast %shift_left3A_803 : i32 to vector<16xi32>
        %shift_left3A_805 = arith.shli %bitcast3A_802, %shift_left3A_804 : vector<16xi32>
        %bitcast3A_806 = vector.bitcast %shift_left3A_805 : vector<16xi32> to vector<16xf32>
        %bitcast3A_807 = vector.bitcast %bitcast3A_802 : vector<16xi32> to vector<16xf32>
        %mul3A_808 = arith.mulf %broadcast_in_dim3A_751, %bitcast3A_806 : vector<16xf32>
        %add3A_809 = arith.addf %add3A_746, %mul3A_808 : vector<16xf32>
        %mul3A_810 = arith.mulf %broadcast_in_dim3A_751, %bitcast3A_807 : vector<16xf32>
        %add3A_811 = arith.addf %add3A_748, %mul3A_810 : vector<16xf32>
        %slice3A_812 = vector.extract_strided_slice %mul3A_669 {offsets = [2], sizes = [1], strides = [1]} : vector<16xf32> to vector<1xf32>
        %squeeze3A_813 = vector.extract %slice3A_812[0] : f32 from vector<1xf32>
        %broadcast_in_dim3A_814 = vector.broadcast %squeeze3A_813 : f32 to vector<16xf32>
        %get3A_815 = arith.constant 2 : i32
        %get3A_816 = arith.index_cast %scan3A_662 : i32 to index
        %get3A_817 = arith.index_cast %get3A_815 : i32 to index
        %get3A_818 = arith.constant 0 : index
        %get3A_819 = tpu.vector_load %arg12[%get3A_816, %get3A_817, %get3A_818] {strides = array<i32>} : memref<40x8x128xbf16, #tpu.memory_space<vmem>>, vector<32xbf16>,
        %bitcast3A_820 = vector.bitcast %get3A_819 : vector<32xbf16> to vector<16xi32>
        %shift_left3A_821 = arith.constant 16 : i32
        %shift_left3A_822 = vector.broadcast %shift_left3A_821 : i32 to vector<16xi32>
        %shift_left3A_823 = arith.shli %bitcast3A_820, %shift_left3A_822 : vector<16xi32>
        %bitcast3A_824 = vector.bitcast %shift_left3A_823 : vector<16xi32> to vector<16xf32>
        %bitcast3A_825 = vector.bitcast %bitcast3A_820 : vector<16xi32> to vector<16xf32>
        %mul3A_826 = arith.mulf %broadcast_in_dim3A_814, %bitcast3A_824 : vector<16xf32>
        %add3A_827 = arith.addf %add3A_764, %mul3A_826 : vector<16xf32>
        %mul3A_828 = arith.mulf %broadcast_in_dim3A_814, %bitcast3A_825 : vector<16xf32>
        %add3A_829 = arith.addf %add3A_766, %mul3A_828 : vector<16xf32>
        %get3A_830 = arith.constant 2 : i32
        %get3A_831 = arith.index_cast %scan3A_662 : i32 to index
        %get3A_832 = arith.index_cast %get3A_830 : i32 to index
        %get3A_833 = arith.constant 32 : index
        %get3A_834 = tpu.vector_load %arg12[%get3A_831, %get3A_832, %get3A_833] {strides = array<i32>} : memref<40x8x128xbf16, #tpu.memory_space<vmem>>, vector<32xbf16>,
        %bitcast3A_835 = vector.bitcast %get3A_834 : vector<32xbf16> to vector<16xi32>
        %shift_left3A_836 = arith.constant 16 : i32
        %shift_left3A_837 = vector.broadcast %shift_left3A_836 : i32 to vector<16xi32>
        %shift_left3A_838 = arith.shli %bitcast3A_835, %shift_left3A_837 : vector<16xi32>
        %bitcast3A_839 = vector.bitcast %shift_left3A_838 : vector<16xi32> to vector<16xf32>
        %bitcast3A_840 = vector.bitcast %bitcast3A_835 : vector<16xi32> to vector<16xf32>
        %mul3A_841 = arith.mulf %broadcast_in_dim3A_814, %bitcast3A_839 : vector<16xf32>
        %add3A_842 = arith.addf %add3A_779, %mul3A_841 : vector<16xf32>
        %mul3A_843 = arith.mulf %broadcast_in_dim3A_814, %bitcast3A_840 : vector<16xf32>
        %add3A_844 = arith.addf %add3A_781, %mul3A_843 : vector<16xf32>
        %get3A_845 = arith.constant 2 : i32
        %get3A_846 = arith.index_cast %scan3A_662 : i32 to index
        %get3A_847 = arith.index_cast %get3A_845 : i32 to index
        %get3A_848 = arith.constant 64 : index
        %get3A_849 = tpu.vector_load %arg12[%get3A_846, %get3A_847, %get3A_848] {strides = array<i32>} : memref<40x8x128xbf16, #tpu.memory_space<vmem>>, vector<32xbf16>,
        %bitcast3A_850 = vector.bitcast %get3A_849 : vector<32xbf16> to vector<16xi32>
        %shift_left3A_851 = arith.constant 16 : i32
        %shift_left3A_852 = vector.broadcast %shift_left3A_851 : i32 to vector<16xi32>
        %shift_left3A_853 = arith.shli %bitcast3A_850, %shift_left3A_852 : vector<16xi32>
        %bitcast3A_854 = vector.bitcast %shift_left3A_853 : vector<16xi32> to vector<16xf32>
        %bitcast3A_855 = vector.bitcast %bitcast3A_850 : vector<16xi32> to vector<16xf32>
        %mul3A_856 = arith.mulf %broadcast_in_dim3A_814, %bitcast3A_854 : vector<16xf32>
        %add3A_857 = arith.addf %add3A_794, %mul3A_856 : vector<16xf32>
        %mul3A_858 = arith.mulf %broadcast_in_dim3A_814, %bitcast3A_855 : vector<16xf32>
        %add3A_859 = arith.addf %add3A_796, %mul3A_858 : vector<16xf32>
        %get3A_860 = arith.constant 2 : i32
        %get3A_861 = arith.index_cast %scan3A_662 : i32 to index
        %get3A_862 = arith.index_cast %get3A_860 : i32 to index
        %get3A_863 = arith.constant 96 : index
        %get3A_864 = tpu.vector_load %arg12[%get3A_861, %get3A_862, %get3A_863] {strides = array<i32>} : memref<40x8x128xbf16, #tpu.memory_space<vmem>>, vector<32xbf16>,
        %bitcast3A_865 = vector.bitcast %get3A_864 : vector<32xbf16> to vector<16xi32>
        %shift_left3A_866 = arith.constant 16 : i32
        %shift_left3A_867 = vector.broadcast %shift_left3A_866 : i32 to vector<16xi32>
        %shift_left3A_868 = arith.shli %bitcast3A_865, %shift_left3A_867 : vector<16xi32>
        %bitcast3A_869 = vector.bitcast %shift_left3A_868 : vector<16xi32> to vector<16xf32>
        %bitcast3A_870 = vector.bitcast %bitcast3A_865 : vector<16xi32> to vector<16xf32>
        %mul3A_871 = arith.mulf %broadcast_in_dim3A_814, %bitcast3A_869 : vector<16xf32>
        %add3A_872 = arith.addf %add3A_809, %mul3A_871 : vector<16xf32>
        %mul3A_873 = arith.mulf %broadcast_in_dim3A_814, %bitcast3A_870 : vector<16xf32>
        %add3A_874 = arith.addf %add3A_811, %mul3A_873 : vector<16xf32>
        %slice3A_875 = vector.extract_strided_slice %mul3A_669 {offsets = [3], sizes = [1], strides = [1]} : vector<16xf32> to vector<1xf32>
        %squeeze3A_876 = vector.extract %slice3A_875[0] : f32 from vector<1xf32>
        %broadcast_in_dim3A_877 = vector.broadcast %squeeze3A_876 : f32 to vector<16xf32>
        %get3A_878 = arith.constant 3 : i32
        %get3A_879 = arith.index_cast %scan3A_662 : i32 to index
        %get3A_880 = arith.index_cast %get3A_878 : i32 to index
        %get3A_881 = arith.constant 0 : index
        %get3A_882 = tpu.vector_load %arg12[%get3A_879, %get3A_880, %get3A_881] {strides = array<i32>} : memref<40x8x128xbf16, #tpu.memory_space<vmem>>, vector<32xbf16>,
        %bitcast3A_883 = vector.bitcast %get3A_882 : vector<32xbf16> to vector<16xi32>
        %shift_left3A_884 = arith.constant 16 : i32
        %shift_left3A_885 = vector.broadcast %shift_left3A_884 : i32 to vector<16xi32>
        %shift_left3A_886 = arith.shli %bitcast3A_883, %shift_left3A_885 : vector<16xi32>
        %bitcast3A_887 = vector.bitcast %shift_left3A_886 : vector<16xi32> to vector<16xf32>
        %bitcast3A_888 = vector.bitcast %bitcast3A_883 : vector<16xi32> to vector<16xf32>
        %mul3A_889 = arith.mulf %broadcast_in_dim3A_877, %bitcast3A_887 : vector<16xf32>
        %add3A_890 = arith.addf %add3A_827, %mul3A_889 : vector<16xf32>
        %mul3A_891 = arith.mulf %broadcast_in_dim3A_877, %bitcast3A_888 : vector<16xf32>
        %add3A_892 = arith.addf %add3A_829, %mul3A_891 : vector<16xf32>
        %get3A_893 = arith.constant 3 : i32
        %get3A_894 = arith.index_cast %scan3A_662 : i32 to index
        %get3A_895 = arith.index_cast %get3A_893 : i32 to index
        %get3A_896 = arith.constant 32 : index
        %get3A_897 = tpu.vector_load %arg12[%get3A_894, %get3A_895, %get3A_896] {strides = array<i32>} : memref<40x8x128xbf16, #tpu.memory_space<vmem>>, vector<32xbf16>,
        %bitcast3A_898 = vector.bitcast %get3A_897 : vector<32xbf16> to vector<16xi32>
        %shift_left3A_899 = arith.constant 16 : i32
        %shift_left3A_900 = vector.broadcast %shift_left3A_899 : i32 to vector<16xi32>
        %shift_left3A_901 = arith.shli %bitcast3A_898, %shift_left3A_900 : vector<16xi32>
        %bitcast3A_902 = vector.bitcast %shift_left3A_901 : vector<16xi32> to vector<16xf32>
        %bitcast3A_903 = vector.bitcast %bitcast3A_898 : vector<16xi32> to vector<16xf32>
        %mul3A_904 = arith.mulf %broadcast_in_dim3A_877, %bitcast3A_902 : vector<16xf32>
        %add3A_905 = arith.addf %add3A_842, %mul3A_904 : vector<16xf32>
        %mul3A_906 = arith.mulf %broadcast_in_dim3A_877, %bitcast3A_903 : vector<16xf32>
        %add3A_907 = arith.addf %add3A_844, %mul3A_906 : vector<16xf32>
        %get3A_908 = arith.constant 3 : i32
        %get3A_909 = arith.index_cast %scan3A_662 : i32 to index
        %get3A_910 = arith.index_cast %get3A_908 : i32 to index
        %get3A_911 = arith.constant 64 : index
        %get3A_912 = tpu.vector_load %arg12[%get3A_909, %get3A_910, %get3A_911] {strides = array<i32>} : memref<40x8x128xbf16, #tpu.memory_space<vmem>>, vector<32xbf16>,
        %bitcast3A_913 = vector.bitcast %get3A_912 : vector<32xbf16> to vector<16xi32>
        %shift_left3A_914 = arith.constant 16 : i32
        %shift_left3A_915 = vector.broadcast %shift_left3A_914 : i32 to vector<16xi32>
        %shift_left3A_916 = arith.shli %bitcast3A_913, %shift_left3A_915 : vector<16xi32>
        %bitcast3A_917 = vector.bitcast %shift_left3A_916 : vector<16xi32> to vector<16xf32>
        %bitcast3A_918 = vector.bitcast %bitcast3A_913 : vector<16xi32> to vector<16xf32>
        %mul3A_919 = arith.mulf %broadcast_in_dim3A_877, %bitcast3A_917 : vector<16xf32>
        %add3A_920 = arith.addf %add3A_857, %mul3A_919 : vector<16xf32>
        %mul3A_921 = arith.mulf %broadcast_in_dim3A_877, %bitcast3A_918 : vector<16xf32>
        %add3A_922 = arith.addf %add3A_859, %mul3A_921 : vector<16xf32>
        %get3A_923 = arith.constant 3 : i32
        %get3A_924 = arith.index_cast %scan3A_662 : i32 to index
        %get3A_925 = arith.index_cast %get3A_923 : i32 to index
        %get3A_926 = arith.constant 96 : index
        %get3A_927 = tpu.vector_load %arg12[%get3A_924, %get3A_925, %get3A_926] {strides = array<i32>} : memref<40x8x128xbf16, #tpu.memory_space<vmem>>, vector<32xbf16>,
        %bitcast3A_928 = vector.bitcast %get3A_927 : vector<32xbf16> to vector<16xi32>
        %shift_left3A_929 = arith.constant 16 : i32
        %shift_left3A_930 = vector.broadcast %shift_left3A_929 : i32 to vector<16xi32>
        %shift_left3A_931 = arith.shli %bitcast3A_928, %shift_left3A_930 : vector<16xi32>
        %bitcast3A_932 = vector.bitcast %shift_left3A_931 : vector<16xi32> to vector<16xf32>
        %bitcast3A_933 = vector.bitcast %bitcast3A_928 : vector<16xi32> to vector<16xf32>
        %mul3A_934 = arith.mulf %broadcast_in_dim3A_877, %bitcast3A_932 : vector<16xf32>
        %add3A_935 = arith.addf %add3A_872, %mul3A_934 : vector<16xf32>
        %mul3A_936 = arith.mulf %broadcast_in_dim3A_877, %bitcast3A_933 : vector<16xf32>
        %add3A_937 = arith.addf %add3A_874, %mul3A_936 : vector<16xf32>
        %slice3A_938 = vector.extract_strided_slice %mul3A_669 {offsets = [4], sizes = [1], strides = [1]} : vector<16xf32> to vector<1xf32>
        %squeeze3A_939 = vector.extract %slice3A_938[0] : f32 from vector<1xf32>
        %broadcast_in_dim3A_940 = vector.broadcast %squeeze3A_939 : f32 to vector<16xf32>
        %get3A_941 = arith.constant 4 : i32
        %get3A_942 = arith.index_cast %scan3A_662 : i32 to index
        %get3A_943 = arith.index_cast %get3A_941 : i32 to index
        %get3A_944 = arith.constant 0 : index
        %get3A_945 = tpu.vector_load %arg12[%get3A_942, %get3A_943, %get3A_944] {strides = array<i32>} : memref<40x8x128xbf16, #tpu.memory_space<vmem>>, vector<32xbf16>,
        %bitcast3A_946 = vector.bitcast %get3A_945 : vector<32xbf16> to vector<16xi32>
        %shift_left3A_947 = arith.constant 16 : i32
        %shift_left3A_948 = vector.broadcast %shift_left3A_947 : i32 to vector<16xi32>
        %shift_left3A_949 = arith.shli %bitcast3A_946, %shift_left3A_948 : vector<16xi32>
        %bitcast3A_950 = vector.bitcast %shift_left3A_949 : vector<16xi32> to vector<16xf32>
        %bitcast3A_951 = vector.bitcast %bitcast3A_946 : vector<16xi32> to vector<16xf32>
        %mul3A_952 = arith.mulf %broadcast_in_dim3A_940, %bitcast3A_950 : vector<16xf32>
        %add3A_953 = arith.addf %add3A_890, %mul3A_952 : vector<16xf32>
        %mul3A_954 = arith.mulf %broadcast_in_dim3A_940, %bitcast3A_951 : vector<16xf32>
        %add3A_955 = arith.addf %add3A_892, %mul3A_954 : vector<16xf32>
        %get3A_956 = arith.constant 4 : i32
        %get3A_957 = arith.index_cast %scan3A_662 : i32 to index
        %get3A_958 = arith.index_cast %get3A_956 : i32 to index
        %get3A_959 = arith.constant 32 : index
        %get3A_960 = tpu.vector_load %arg12[%get3A_957, %get3A_958, %get3A_959] {strides = array<i32>} : memref<40x8x128xbf16, #tpu.memory_space<vmem>>, vector<32xbf16>,
        %bitcast3A_961 = vector.bitcast %get3A_960 : vector<32xbf16> to vector<16xi32>
        %shift_left3A_962 = arith.constant 16 : i32
        %shift_left3A_963 = vector.broadcast %shift_left3A_962 : i32 to vector<16xi32>
        %shift_left3A_964 = arith.shli %bitcast3A_961, %shift_left3A_963 : vector<16xi32>
        %bitcast3A_965 = vector.bitcast %shift_left3A_964 : vector<16xi32> to vector<16xf32>
        %bitcast3A_966 = vector.bitcast %bitcast3A_961 : vector<16xi32> to vector<16xf32>
        %mul3A_967 = arith.mulf %broadcast_in_dim3A_940, %bitcast3A_965 : vector<16xf32>
        %add3A_968 = arith.addf %add3A_905, %mul3A_967 : vector<16xf32>
        %mul3A_969 = arith.mulf %broadcast_in_dim3A_940, %bitcast3A_966 : vector<16xf32>
        %add3A_970 = arith.addf %add3A_907, %mul3A_969 : vector<16xf32>
        %get3A_971 = arith.constant 4 : i32
        %get3A_972 = arith.index_cast %scan3A_662 : i32 to index
        %get3A_973 = arith.index_cast %get3A_971 : i32 to index
        %get3A_974 = arith.constant 64 : index
        %get3A_975 = tpu.vector_load %arg12[%get3A_972, %get3A_973, %get3A_974] {strides = array<i32>} : memref<40x8x128xbf16, #tpu.memory_space<vmem>>, vector<32xbf16>,
        %bitcast3A_976 = vector.bitcast %get3A_975 : vector<32xbf16> to vector<16xi32>
        %shift_left3A_977 = arith.constant 16 : i32
        %shift_left3A_978 = vector.broadcast %shift_left3A_977 : i32 to vector<16xi32>
        %shift_left3A_979 = arith.shli %bitcast3A_976, %shift_left3A_978 : vector<16xi32>
        %bitcast3A_980 = vector.bitcast %shift_left3A_979 : vector<16xi32> to vector<16xf32>
        %bitcast3A_981 = vector.bitcast %bitcast3A_976 : vector<16xi32> to vector<16xf32>
        %mul3A_982 = arith.mulf %broadcast_in_dim3A_940, %bitcast3A_980 : vector<16xf32>
        %add3A_983 = arith.addf %add3A_920, %mul3A_982 : vector<16xf32>
        %mul3A_984 = arith.mulf %broadcast_in_dim3A_940, %bitcast3A_981 : vector<16xf32>
        %add3A_985 = arith.addf %add3A_922, %mul3A_984 : vector<16xf32>
        %get3A_986 = arith.constant 4 : i32
        %get3A_987 = arith.index_cast %scan3A_662 : i32 to index
        %get3A_988 = arith.index_cast %get3A_986 : i32 to index
        %get3A_989 = arith.constant 96 : index
        %get3A_990 = tpu.vector_load %arg12[%get3A_987, %get3A_988, %get3A_989] {strides = array<i32>} : memref<40x8x128xbf16, #tpu.memory_space<vmem>>, vector<32xbf16>,
        %bitcast3A_991 = vector.bitcast %get3A_990 : vector<32xbf16> to vector<16xi32>
        %shift_left3A_992 = arith.constant 16 : i32
        %shift_left3A_993 = vector.broadcast %shift_left3A_992 : i32 to vector<16xi32>
        %shift_left3A_994 = arith.shli %bitcast3A_991, %shift_left3A_993 : vector<16xi32>
        %bitcast3A_995 = vector.bitcast %shift_left3A_994 : vector<16xi32> to vector<16xf32>
        %bitcast3A_996 = vector.bitcast %bitcast3A_991 : vector<16xi32> to vector<16xf32>
        %mul3A_997 = arith.mulf %broadcast_in_dim3A_940, %bitcast3A_995 : vector<16xf32>
        %add3A_998 = arith.addf %add3A_935, %mul3A_997 : vector<16xf32>
        %mul3A_999 = arith.mulf %broadcast_in_dim3A_940, %bitcast3A_996 : vector<16xf32>
        %add3A_1000 = arith.addf %add3A_937, %mul3A_999 : vector<16xf32>
        %slice3A_1001 = vector.extract_strided_slice %mul3A_669 {offsets = [5], sizes = [1], strides = [1]} : vector<16xf32> to vector<1xf32>
        %squeeze3A_1002 = vector.extract %slice3A_1001[0] : f32 from vector<1xf32>
        %broadcast_in_dim3A_1003 = vector.broadcast %squeeze3A_1002 : f32 to vector<16xf32>
        %get3A_1004 = arith.constant 5 : i32
        %get3A_1005 = arith.index_cast %scan3A_662 : i32 to index
        %get3A_1006 = arith.index_cast %get3A_1004 : i32 to index
        %get3A_1007 = arith.constant 0 : index
        %get3A_1008 = tpu.vector_load %arg12[%get3A_1005, %get3A_1006, %get3A_1007] {strides = array<i32>} : memref<40x8x128xbf16, #tpu.memory_space<vmem>>, vector<32xbf16>,
        %bitcast3A_1009 = vector.bitcast %get3A_1008 : vector<32xbf16> to vector<16xi32>
        %shift_left3A_1010 = arith.constant 16 : i32
        %shift_left3A_1011 = vector.broadcast %shift_left3A_1010 : i32 to vector<16xi32>
        %shift_left3A_1012 = arith.shli %bitcast3A_1009, %shift_left3A_1011 : vector<16xi32>
        %bitcast3A_1013 = vector.bitcast %shift_left3A_1012 : vector<16xi32> to vector<16xf32>
        %bitcast3A_1014 = vector.bitcast %bitcast3A_1009 : vector<16xi32> to vector<16xf32>
        %mul3A_1015 = arith.mulf %broadcast_in_dim3A_1003, %bitcast3A_1013 : vector<16xf32>
        %add3A_1016 = arith.addf %add3A_953, %mul3A_1015 : vector<16xf32>
        %mul3A_1017 = arith.mulf %broadcast_in_dim3A_1003, %bitcast3A_1014 : vector<16xf32>
        %add3A_1018 = arith.addf %add3A_955, %mul3A_1017 : vector<16xf32>
        %get3A_1019 = arith.constant 5 : i32
        %get3A_1020 = arith.index_cast %scan3A_662 : i32 to index
        %get3A_1021 = arith.index_cast %get3A_1019 : i32 to index
        %get3A_1022 = arith.constant 32 : index
        %get3A_1023 = tpu.vector_load %arg12[%get3A_1020, %get3A_1021, %get3A_1022] {strides = array<i32>} : memref<40x8x128xbf16, #tpu.memory_space<vmem>>, vector<32xbf16>,
        %bitcast3A_1024 = vector.bitcast %get3A_1023 : vector<32xbf16> to vector<16xi32>
        %shift_left3A_1025 = arith.constant 16 : i32
        %shift_left3A_1026 = vector.broadcast %shift_left3A_1025 : i32 to vector<16xi32>
        %shift_left3A_1027 = arith.shli %bitcast3A_1024, %shift_left3A_1026 : vector<16xi32>
        %bitcast3A_1028 = vector.bitcast %shift_left3A_1027 : vector<16xi32> to vector<16xf32>
        %bitcast3A_1029 = vector.bitcast %bitcast3A_1024 : vector<16xi32> to vector<16xf32>
        %mul3A_1030 = arith.mulf %broadcast_in_dim3A_1003, %bitcast3A_1028 : vector<16xf32>
        %add3A_1031 = arith.addf %add3A_968, %mul3A_1030 : vector<16xf32>
        %mul3A_1032 = arith.mulf %broadcast_in_dim3A_1003, %bitcast3A_1029 : vector<16xf32>
        %add3A_1033 = arith.addf %add3A_970, %mul3A_1032 : vector<16xf32>
        %get3A_1034 = arith.constant 5 : i32
        %get3A_1035 = arith.index_cast %scan3A_662 : i32 to index
        %get3A_1036 = arith.index_cast %get3A_1034 : i32 to index
        %get3A_1037 = arith.constant 64 : index
        %get3A_1038 = tpu.vector_load %arg12[%get3A_1035, %get3A_1036, %get3A_1037] {strides = array<i32>} : memref<40x8x128xbf16, #tpu.memory_space<vmem>>, vector<32xbf16>,
        %bitcast3A_1039 = vector.bitcast %get3A_1038 : vector<32xbf16> to vector<16xi32>
        %shift_left3A_1040 = arith.constant 16 : i32
        %shift_left3A_1041 = vector.broadcast %shift_left3A_1040 : i32 to vector<16xi32>
        %shift_left3A_1042 = arith.shli %bitcast3A_1039, %shift_left3A_1041 : vector<16xi32>
        %bitcast3A_1043 = vector.bitcast %shift_left3A_1042 : vector<16xi32> to vector<16xf32>
        %bitcast3A_1044 = vector.bitcast %bitcast3A_1039 : vector<16xi32> to vector<16xf32>
        %mul3A_1045 = arith.mulf %broadcast_in_dim3A_1003, %bitcast3A_1043 : vector<16xf32>
        %add3A_1046 = arith.addf %add3A_983, %mul3A_1045 : vector<16xf32>
        %mul3A_1047 = arith.mulf %broadcast_in_dim3A_1003, %bitcast3A_1044 : vector<16xf32>
        %add3A_1048 = arith.addf %add3A_985, %mul3A_1047 : vector<16xf32>
        %get3A_1049 = arith.constant 5 : i32
        %get3A_1050 = arith.index_cast %scan3A_662 : i32 to index
        %get3A_1051 = arith.index_cast %get3A_1049 : i32 to index
        %get3A_1052 = arith.constant 96 : index
        %get3A_1053 = tpu.vector_load %arg12[%get3A_1050, %get3A_1051, %get3A_1052] {strides = array<i32>} : memref<40x8x128xbf16, #tpu.memory_space<vmem>>, vector<32xbf16>,
        %bitcast3A_1054 = vector.bitcast %get3A_1053 : vector<32xbf16> to vector<16xi32>
        %shift_left3A_1055 = arith.constant 16 : i32
        %shift_left3A_1056 = vector.broadcast %shift_left3A_1055 : i32 to vector<16xi32>
        %shift_left3A_1057 = arith.shli %bitcast3A_1054, %shift_left3A_1056 : vector<16xi32>
        %bitcast3A_1058 = vector.bitcast %shift_left3A_1057 : vector<16xi32> to vector<16xf32>
        %bitcast3A_1059 = vector.bitcast %bitcast3A_1054 : vector<16xi32> to vector<16xf32>
        %mul3A_1060 = arith.mulf %broadcast_in_dim3A_1003, %bitcast3A_1058 : vector<16xf32>
        %add3A_1061 = arith.addf %add3A_998, %mul3A_1060 : vector<16xf32>
        %mul3A_1062 = arith.mulf %broadcast_in_dim3A_1003, %bitcast3A_1059 : vector<16xf32>
        %add3A_1063 = arith.addf %add3A_1000, %mul3A_1062 : vector<16xf32>
        %slice3A_1064 = vector.extract_strided_slice %mul3A_669 {offsets = [6], sizes = [1], strides = [1]} : vector<16xf32> to vector<1xf32>
        %squeeze3A_1065 = vector.extract %slice3A_1064[0] : f32 from vector<1xf32>
        %broadcast_in_dim3A_1066 = vector.broadcast %squeeze3A_1065 : f32 to vector<16xf32>
        %get3A_1067 = arith.constant 6 : i32
        %get3A_1068 = arith.index_cast %scan3A_662 : i32 to index
        %get3A_1069 = arith.index_cast %get3A_1067 : i32 to index
        %get3A_1070 = arith.constant 0 : index
        %get3A_1071 = tpu.vector_load %arg12[%get3A_1068, %get3A_1069, %get3A_1070] {strides = array<i32>} : memref<40x8x128xbf16, #tpu.memory_space<vmem>>, vector<32xbf16>,
        %bitcast3A_1072 = vector.bitcast %get3A_1071 : vector<32xbf16> to vector<16xi32>
        %shift_left3A_1073 = arith.constant 16 : i32
        %shift_left3A_1074 = vector.broadcast %shift_left3A_1073 : i32 to vector<16xi32>
        %shift_left3A_1075 = arith.shli %bitcast3A_1072, %shift_left3A_1074 : vector<16xi32>
        %bitcast3A_1076 = vector.bitcast %shift_left3A_1075 : vector<16xi32> to vector<16xf32>
        %bitcast3A_1077 = vector.bitcast %bitcast3A_1072 : vector<16xi32> to vector<16xf32>
        %mul3A_1078 = arith.mulf %broadcast_in_dim3A_1066, %bitcast3A_1076 : vector<16xf32>
        %add3A_1079 = arith.addf %add3A_1016, %mul3A_1078 : vector<16xf32>
        %mul3A_1080 = arith.mulf %broadcast_in_dim3A_1066, %bitcast3A_1077 : vector<16xf32>
        %add3A_1081 = arith.addf %add3A_1018, %mul3A_1080 : vector<16xf32>
        %get3A_1082 = arith.constant 6 : i32
        %get3A_1083 = arith.index_cast %scan3A_662 : i32 to index
        %get3A_1084 = arith.index_cast %get3A_1082 : i32 to index
        %get3A_1085 = arith.constant 32 : index
        %get3A_1086 = tpu.vector_load %arg12[%get3A_1083, %get3A_1084, %get3A_1085] {strides = array<i32>} : memref<40x8x128xbf16, #tpu.memory_space<vmem>>, vector<32xbf16>,
        %bitcast3A_1087 = vector.bitcast %get3A_1086 : vector<32xbf16> to vector<16xi32>
        %shift_left3A_1088 = arith.constant 16 : i32
        %shift_left3A_1089 = vector.broadcast %shift_left3A_1088 : i32 to vector<16xi32>
        %shift_left3A_1090 = arith.shli %bitcast3A_1087, %shift_left3A_1089 : vector<16xi32>
        %bitcast3A_1091 = vector.bitcast %shift_left3A_1090 : vector<16xi32> to vector<16xf32>
        %bitcast3A_1092 = vector.bitcast %bitcast3A_1087 : vector<16xi32> to vector<16xf32>
        %mul3A_1093 = arith.mulf %broadcast_in_dim3A_1066, %bitcast3A_1091 : vector<16xf32>
        %add3A_1094 = arith.addf %add3A_1031, %mul3A_1093 : vector<16xf32>
        %mul3A_1095 = arith.mulf %broadcast_in_dim3A_1066, %bitcast3A_1092 : vector<16xf32>
        %add3A_1096 = arith.addf %add3A_1033, %mul3A_1095 : vector<16xf32>
        %get3A_1097 = arith.constant 6 : i32
        %get3A_1098 = arith.index_cast %scan3A_662 : i32 to index
        %get3A_1099 = arith.index_cast %get3A_1097 : i32 to index
        %get3A_1100 = arith.constant 64 : index
        %get3A_1101 = tpu.vector_load %arg12[%get3A_1098, %get3A_1099, %get3A_1100] {strides = array<i32>} : memref<40x8x128xbf16, #tpu.memory_space<vmem>>, vector<32xbf16>,
        %bitcast3A_1102 = vector.bitcast %get3A_1101 : vector<32xbf16> to vector<16xi32>
        %shift_left3A_1103 = arith.constant 16 : i32
        %shift_left3A_1104 = vector.broadcast %shift_left3A_1103 : i32 to vector<16xi32>
        %shift_left3A_1105 = arith.shli %bitcast3A_1102, %shift_left3A_1104 : vector<16xi32>
        %bitcast3A_1106 = vector.bitcast %shift_left3A_1105 : vector<16xi32> to vector<16xf32>
        %bitcast3A_1107 = vector.bitcast %bitcast3A_1102 : vector<16xi32> to vector<16xf32>
        %mul3A_1108 = arith.mulf %broadcast_in_dim3A_1066, %bitcast3A_1106 : vector<16xf32>
        %add3A_1109 = arith.addf %add3A_1046, %mul3A_1108 : vector<16xf32>
        %mul3A_1110 = arith.mulf %broadcast_in_dim3A_1066, %bitcast3A_1107 : vector<16xf32>
        %add3A_1111 = arith.addf %add3A_1048, %mul3A_1110 : vector<16xf32>
        %get3A_1112 = arith.constant 6 : i32
        %get3A_1113 = arith.index_cast %scan3A_662 : i32 to index
        %get3A_1114 = arith.index_cast %get3A_1112 : i32 to index
        %get3A_1115 = arith.constant 96 : index
        %get3A_1116 = tpu.vector_load %arg12[%get3A_1113, %get3A_1114, %get3A_1115] {strides = array<i32>} : memref<40x8x128xbf16, #tpu.memory_space<vmem>>, vector<32xbf16>,
        %bitcast3A_1117 = vector.bitcast %get3A_1116 : vector<32xbf16> to vector<16xi32>
        %shift_left3A_1118 = arith.constant 16 : i32
        %shift_left3A_1119 = vector.broadcast %shift_left3A_1118 : i32 to vector<16xi32>
        %shift_left3A_1120 = arith.shli %bitcast3A_1117, %shift_left3A_1119 : vector<16xi32>
        %bitcast3A_1121 = vector.bitcast %shift_left3A_1120 : vector<16xi32> to vector<16xf32>
        %bitcast3A_1122 = vector.bitcast %bitcast3A_1117 : vector<16xi32> to vector<16xf32>
        %mul3A_1123 = arith.mulf %broadcast_in_dim3A_1066, %bitcast3A_1121 : vector<16xf32>
        %add3A_1124 = arith.addf %add3A_1061, %mul3A_1123 : vector<16xf32>
        %mul3A_1125 = arith.mulf %broadcast_in_dim3A_1066, %bitcast3A_1122 : vector<16xf32>
        %add3A_1126 = arith.addf %add3A_1063, %mul3A_1125 : vector<16xf32>
        %slice3A_1127 = vector.extract_strided_slice %mul3A_669 {offsets = [7], sizes = [1], strides = [1]} : vector<16xf32> to vector<1xf32>
        %squeeze3A_1128 = vector.extract %slice3A_1127[0] : f32 from vector<1xf32>
        %broadcast_in_dim3A_1129 = vector.broadcast %squeeze3A_1128 : f32 to vector<16xf32>
        %get3A_1130 = arith.constant 7 : i32
        %get3A_1131 = arith.index_cast %scan3A_662 : i32 to index
        %get3A_1132 = arith.index_cast %get3A_1130 : i32 to index
        %get3A_1133 = arith.constant 0 : index
        %get3A_1134 = tpu.vector_load %arg12[%get3A_1131, %get3A_1132, %get3A_1133] {strides = array<i32>} : memref<40x8x128xbf16, #tpu.memory_space<vmem>>, vector<32xbf16>,
        %bitcast3A_1135 = vector.bitcast %get3A_1134 : vector<32xbf16> to vector<16xi32>
        %shift_left3A_1136 = arith.constant 16 : i32
        %shift_left3A_1137 = vector.broadcast %shift_left3A_1136 : i32 to vector<16xi32>
        %shift_left3A_1138 = arith.shli %bitcast3A_1135, %shift_left3A_1137 : vector<16xi32>
        %bitcast3A_1139 = vector.bitcast %shift_left3A_1138 : vector<16xi32> to vector<16xf32>
        %bitcast3A_1140 = vector.bitcast %bitcast3A_1135 : vector<16xi32> to vector<16xf32>
        %mul3A_1141 = arith.mulf %broadcast_in_dim3A_1129, %bitcast3A_1139 : vector<16xf32>
        %add3A_1142 = arith.addf %add3A_1079, %mul3A_1141 : vector<16xf32>
        %mul3A_1143 = arith.mulf %broadcast_in_dim3A_1129, %bitcast3A_1140 : vector<16xf32>
        %add3A_1144 = arith.addf %add3A_1081, %mul3A_1143 : vector<16xf32>
        %get3A_1145 = arith.constant 7 : i32
        %get3A_1146 = arith.index_cast %scan3A_662 : i32 to index
        %get3A_1147 = arith.index_cast %get3A_1145 : i32 to index
        %get3A_1148 = arith.constant 32 : index
        %get3A_1149 = tpu.vector_load %arg12[%get3A_1146, %get3A_1147, %get3A_1148] {strides = array<i32>} : memref<40x8x128xbf16, #tpu.memory_space<vmem>>, vector<32xbf16>,
        %bitcast3A_1150 = vector.bitcast %get3A_1149 : vector<32xbf16> to vector<16xi32>
        %shift_left3A_1151 = arith.constant 16 : i32
        %shift_left3A_1152 = vector.broadcast %shift_left3A_1151 : i32 to vector<16xi32>
        %shift_left3A_1153 = arith.shli %bitcast3A_1150, %shift_left3A_1152 : vector<16xi32>
        %bitcast3A_1154 = vector.bitcast %shift_left3A_1153 : vector<16xi32> to vector<16xf32>
        %bitcast3A_1155 = vector.bitcast %bitcast3A_1150 : vector<16xi32> to vector<16xf32>
        %mul3A_1156 = arith.mulf %broadcast_in_dim3A_1129, %bitcast3A_1154 : vector<16xf32>
        %add3A_1157 = arith.addf %add3A_1094, %mul3A_1156 : vector<16xf32>
        %mul3A_1158 = arith.mulf %broadcast_in_dim3A_1129, %bitcast3A_1155 : vector<16xf32>
        %add3A_1159 = arith.addf %add3A_1096, %mul3A_1158 : vector<16xf32>
        %get3A_1160 = arith.constant 7 : i32
        %get3A_1161 = arith.index_cast %scan3A_662 : i32 to index
        %get3A_1162 = arith.index_cast %get3A_1160 : i32 to index
        %get3A_1163 = arith.constant 64 : index
        %get3A_1164 = tpu.vector_load %arg12[%get3A_1161, %get3A_1162, %get3A_1163] {strides = array<i32>} : memref<40x8x128xbf16, #tpu.memory_space<vmem>>, vector<32xbf16>,
        %bitcast3A_1165 = vector.bitcast %get3A_1164 : vector<32xbf16> to vector<16xi32>
        %shift_left3A_1166 = arith.constant 16 : i32
        %shift_left3A_1167 = vector.broadcast %shift_left3A_1166 : i32 to vector<16xi32>
        %shift_left3A_1168 = arith.shli %bitcast3A_1165, %shift_left3A_1167 : vector<16xi32>
        %bitcast3A_1169 = vector.bitcast %shift_left3A_1168 : vector<16xi32> to vector<16xf32>
        %bitcast3A_1170 = vector.bitcast %bitcast3A_1165 : vector<16xi32> to vector<16xf32>
        %mul3A_1171 = arith.mulf %broadcast_in_dim3A_1129, %bitcast3A_1169 : vector<16xf32>
        %add3A_1172 = arith.addf %add3A_1109, %mul3A_1171 : vector<16xf32>
        %mul3A_1173 = arith.mulf %broadcast_in_dim3A_1129, %bitcast3A_1170 : vector<16xf32>
        %add3A_1174 = arith.addf %add3A_1111, %mul3A_1173 : vector<16xf32>
        %get3A_1175 = arith.constant 7 : i32
        %get3A_1176 = arith.index_cast %scan3A_662 : i32 to index
        %get3A_1177 = arith.index_cast %get3A_1175 : i32 to index
        %get3A_1178 = arith.constant 96 : index
        %get3A_1179 = tpu.vector_load %arg12[%get3A_1176, %get3A_1177, %get3A_1178] {strides = array<i32>} : memref<40x8x128xbf16, #tpu.memory_space<vmem>>, vector<32xbf16>,
        %bitcast3A_1180 = vector.bitcast %get3A_1179 : vector<32xbf16> to vector<16xi32>
        %shift_left3A_1181 = arith.constant 16 : i32
        %shift_left3A_1182 = vector.broadcast %shift_left3A_1181 : i32 to vector<16xi32>
        %shift_left3A_1183 = arith.shli %bitcast3A_1180, %shift_left3A_1182 : vector<16xi32>
        %bitcast3A_1184 = vector.bitcast %shift_left3A_1183 : vector<16xi32> to vector<16xf32>
        %bitcast3A_1185 = vector.bitcast %bitcast3A_1180 : vector<16xi32> to vector<16xf32>
        %mul3A_1186 = arith.mulf %broadcast_in_dim3A_1129, %bitcast3A_1184 : vector<16xf32>
        %add3A_1187 = arith.addf %add3A_1124, %mul3A_1186 : vector<16xf32>
        %mul3A_1188 = arith.mulf %broadcast_in_dim3A_1129, %bitcast3A_1185 : vector<16xf32>
        %add3A_1189 = arith.addf %add3A_1126, %mul3A_1188 : vector<16xf32>
        %swap3A_1190 = arith.index_cast %scan3A_662 : i32 to index
        %swap3A_1191 = arith.constant 0 : index
        %swap3A_1192 = tpu.vector_load %arg17[%swap3A_1190, %swap3A_1191] {strides = array<i32>} : memref<40x128xf32, #tpu.memory_space<vmem>>, vector<16xf32>,
        tpu.vector_store %arg17[%swap3A_1190, %swap3A_1191], %add3A_1142 {strides = array<i32>} : memref<40x128xf32, #tpu.memory_space<vmem>>, vector<16xf32>,
        %swap3A_1193 = arith.index_cast %scan3A_662 : i32 to index
        %swap3A_1194 = arith.constant 16 : index
        %swap3A_1195 = tpu.vector_load %arg17[%swap3A_1193, %swap3A_1194] {strides = array<i32>} : memref<40x128xf32, #tpu.memory_space<vmem>>, vector<16xf32>,
        tpu.vector_store %arg17[%swap3A_1193, %swap3A_1194], %add3A_1144 {strides = array<i32>} : memref<40x128xf32, #tpu.memory_space<vmem>>, vector<16xf32>,
        %swap3A_1196 = arith.index_cast %scan3A_662 : i32 to index
        %swap3A_1197 = arith.constant 32 : index
        %swap3A_1198 = tpu.vector_load %arg17[%swap3A_1196, %swap3A_1197] {strides = array<i32>} : memref<40x128xf32, #tpu.memory_space<vmem>>, vector<16xf32>,
        tpu.vector_store %arg17[%swap3A_1196, %swap3A_1197], %add3A_1157 {strides = array<i32>} : memref<40x128xf32, #tpu.memory_space<vmem>>, vector<16xf32>,
        %swap3A_1199 = arith.index_cast %scan3A_662 : i32 to index
        %swap3A_1200 = arith.constant 48 : index
        %swap3A_1201 = tpu.vector_load %arg17[%swap3A_1199, %swap3A_1200] {strides = array<i32>} : memref<40x128xf32, #tpu.memory_space<vmem>>, vector<16xf32>,
        tpu.vector_store %arg17[%swap3A_1199, %swap3A_1200], %add3A_1159 {strides = array<i32>} : memref<40x128xf32, #tpu.memory_space<vmem>>, vector<16xf32>,
        %swap3A_1202 = arith.index_cast %scan3A_662 : i32 to index
        %swap3A_1203 = arith.constant 64 : index
        %swap3A_1204 = tpu.vector_load %arg17[%swap3A_1202, %swap3A_1203] {strides = array<i32>} : memref<40x128xf32, #tpu.memory_space<vmem>>, vector<16xf32>,
        tpu.vector_store %arg17[%swap3A_1202, %swap3A_1203], %add3A_1172 {strides = array<i32>} : memref<40x128xf32, #tpu.memory_space<vmem>>, vector<16xf32>,
        %swap3A_1205 = arith.index_cast %scan3A_662 : i32 to index
        %swap3A_1206 = arith.constant 80 : index
        %swap3A_1207 = tpu.vector_load %arg17[%swap3A_1205, %swap3A_1206] {strides = array<i32>} : memref<40x128xf32, #tpu.memory_space<vmem>>, vector<16xf32>,
        tpu.vector_store %arg17[%swap3A_1205, %swap3A_1206], %add3A_1174 {strides = array<i32>} : memref<40x128xf32, #tpu.memory_space<vmem>>, vector<16xf32>,
        %swap3A_1208 = arith.index_cast %scan3A_662 : i32 to index
        %swap3A_1209 = arith.constant 96 : index
        %swap3A_1210 = tpu.vector_load %arg17[%swap3A_1208, %swap3A_1209] {strides = array<i32>} : memref<40x128xf32, #tpu.memory_space<vmem>>, vector<16xf32>,
        tpu.vector_store %arg17[%swap3A_1208, %swap3A_1209], %add3A_1187 {strides = array<i32>} : memref<40x128xf32, #tpu.memory_space<vmem>>, vector<16xf32>,
        %swap3A_1211 = arith.index_cast %scan3A_662 : i32 to index
        %swap3A_1212 = arith.constant 112 : index
        %swap3A_1213 = tpu.vector_load %arg17[%swap3A_1211, %swap3A_1212] {strides = array<i32>} : memref<40x128xf32, #tpu.memory_space<vmem>>, vector<16xf32>,
        tpu.vector_store %arg17[%swap3A_1211, %swap3A_1212], %add3A_1189 {strides = array<i32>} : memref<40x128xf32, #tpu.memory_space<vmem>>, vector<16xf32>,
        %scan3A_1214 = arith.constant 0 : i32
        scf.yield %scan3A_1214 : i32
      }
      %scan3A_71 = arith.constant 40 : i32
      %run_scoped3A_72 = arith.constant 1 : i32
      "tpu.region"() ({
        %run_scoped3A_114 = tpu.sem_alloc : memref<!tpu.dma_semaphore, #tpu.memory_space<semaphore_mem>>
        %dma_start3A_115 = arith.constant 0 : i32
        %dma_start3A_116 = tpu.memref_slice %arg9[%run_scoped3A_72, %dma_start3A_115] : memref<2x40xi32, #tpu.memory_space<vmem>> -> memref<1x40xi32, #tpu.memory_space<vmem>>
        %dma_start3A_117 = tpu.memref_squeeze %dma_start3A_116 : memref<1x40xi32, #tpu.memory_space<vmem>> -> memref<40xi32, #tpu.memory_space<vmem>>
        %dma_start3A_118 = arith.constant 0 : i32
        %dma_start3A_119 = arith.constant 0 : i32
        %dma_start3A_120 = tpu.memref_slice %arg8[%dma_start3A_118, %dma_start3A_119] : memref<10240x128xf32, #tpu.memory_space<vmem_shared>> -> memref<10240x128xf32, #tpu.memory_space<vmem_shared>>
        tpu.enqueue_indirect_dma source(%arg17 : memref<40x128xf32, #tpu.memory_space<vmem>>) target(%dma_start3A_120 : memref<10240x128xf32, #tpu.memory_space<vmem_shared>>) offsets(%dma_start3A_117 : memref<40xi32, #tpu.memory_space<vmem>>) semaphore(%run_scoped3A_114 : memref<!tpu.dma_semaphore, #tpu.memory_space<semaphore_mem>>) {add = true}
        %dma_wait3A_121 = arith.constant 0 : i32
        %dma_wait3A_122 = tpu.memref_slice %arg9[%run_scoped3A_72, %dma_wait3A_121] : memref<2x40xi32, #tpu.memory_space<vmem>> -> memref<1x40xi32, #tpu.memory_space<vmem>>
        %dma_wait3A_123 = tpu.memref_squeeze %dma_wait3A_122 : memref<1x40xi32, #tpu.memory_space<vmem>> -> memref<40xi32, #tpu.memory_space<vmem>>
        %dma_wait3A_124 = arith.constant 0 : i32
        %dma_wait3A_125 = arith.constant 0 : i32
        %dma_wait3A_126 = tpu.memref_slice %arg8[%dma_wait3A_124, %dma_wait3A_125] : memref<10240x128xf32, #tpu.memory_space<vmem_shared>> -> memref<10240x128xf32, #tpu.memory_space<vmem_shared>>
        tpu.wait_indirect_dma semaphore(%run_scoped3A_114 : memref<!tpu.dma_semaphore, #tpu.memory_space<semaphore_mem>>) src(%arg17 : memref<40x128xf32, #tpu.memory_space<vmem>>) dst(%dma_wait3A_126 : memref<10240x128xf32, #tpu.memory_space<vmem_shared>>)
        tpu.yield
      }) : () -> ()
      %mul3A_73 = arith.constant 2 : i32
      %mul3A_74 = arith.muli %mul3A_73, %scan3A_37 : i32
      %add3A_75 = arith.constant 1 : i32
      %add3A_76 = arith.addi %mul3A_74, %add3A_75 : i32
      %add3A_77 = arith.constant 1 : i32
      %add3A_78 = arith.addi %add3A_76, %add3A_77 : i32
      %lt3A_79 = arith.constant 250 : i32
      %lt3A_80 = arith.cmpi slt, %add3A_78, %lt3A_79 : i32
      %convert_element_type3A_81 = arith.extui %lt3A_80 : i1 to i32
      %cond3A_82 = arith.constant 0 : i32
      %cond3A_83 = arith.cmpi ne, %convert_element_type3A_81, %cond3A_82 : i32
      scf.if %cond3A_83 {
        %add3A_114 = arith.constant 1 : i32
        %add3A_115 = arith.addi %add3A_76, %add3A_114 : i32
        %mul3A_116 = arith.constant 40 : i32
        %mul3A_117 = arith.muli %add3A_115, %mul3A_116 : i32
        %add3A_118 = arith.addi %mul3A_2, %mul3A_117 : i32
        "tpu.region"() ({
          %run_scoped3A_138 = tpu.sem_alloc : memref<!tpu.dma_semaphore, #tpu.memory_space<semaphore_mem>>
          %dma_start3A_139 = arith.constant 0 : i32
          %dma_start3A_140 = arith.constant 0 : i32
          %dma_start3A_141 = arith.constant 0 : i32
          %dma_start3A_142 = tpu.memref_slice %arg2[%add3A, %dma_start3A_139, %dma_start3A_140, %dma_start3A_141] : memref<32x250x2x40xi32, #tpu.memory_space<hbm>> -> memref<1x250x2x40xi32, #tpu.memory_space<hbm>>
          %dma_start3A_143 = tpu.memref_squeeze %dma_start3A_142 : memref<1x250x2x40xi32, #tpu.memory_space<hbm>> -> memref<250x2x40xi32, #tpu.memory_space<hbm>>
          %dma_start3A_144 = arith.constant 0 : i32
          %dma_start3A_145 = arith.constant 0 : i32
          %dma_start3A_146 = tpu.memref_slice %dma_start3A_143[%add3A_115, %dma_start3A_144, %dma_start3A_145] : memref<250x2x40xi32, #tpu.memory_space<hbm>> -> memref<1x2x40xi32, #tpu.memory_space<hbm>>
          %dma_start3A_147 = tpu.memref_squeeze %dma_start3A_146 : memref<1x2x40xi32, #tpu.memory_space<hbm>> -> memref<2x40xi32, #tpu.memory_space<hbm>>
          %dma_start3A_148 = arith.constant 0 : i32
          %dma_start3A_149 = arith.constant 0 : i32
          %dma_start3A_150 = arith.constant 0 : i32
          %dma_start3A_151 = tpu.memref_slice %arg2[%add3A, %dma_start3A_148, %dma_start3A_149, %dma_start3A_150] : memref<32x250x2x40xi32, #tpu.memory_space<hbm>> -> memref<1x250x2x40xi32, #tpu.memory_space<hbm>>
          %dma_start3A_152 = tpu.memref_squeeze %dma_start3A_151 : memref<1x250x2x40xi32, #tpu.memory_space<hbm>> -> memref<250x2x40xi32, #tpu.memory_space<hbm>>
          %dma_start3A_153 = arith.constant 0 : i32
          %dma_start3A_154 = arith.constant 0 : i32
          %dma_start3A_155 = tpu.memref_slice %dma_start3A_152[%add3A_115, %dma_start3A_153, %dma_start3A_154] : memref<250x2x40xi32, #tpu.memory_space<hbm>> -> memref<1x2x40xi32, #tpu.memory_space<hbm>>
          %dma_start3A_156 = tpu.memref_squeeze %dma_start3A_155 : memref<1x2x40xi32, #tpu.memory_space<hbm>> -> memref<2x40xi32, #tpu.memory_space<hbm>>
          tpu.enqueue_dma source(%dma_start3A_156 : memref<2x40xi32, #tpu.memory_space<hbm>>) target(%arg9 : memref<2x40xi32, #tpu.memory_space<vmem>>) target_semaphore(%run_scoped3A_138 : memref<!tpu.dma_semaphore, #tpu.memory_space<semaphore_mem>>)
          %dma_wait3A_157 = arith.constant 0 : i32
          %dma_wait3A_158 = arith.constant 0 : i32
          %dma_wait3A_159 = arith.constant 0 : i32
          %dma_wait3A_160 = tpu.memref_slice %arg2[%add3A, %dma_wait3A_157, %dma_wait3A_158, %dma_wait3A_159] : memref<32x250x2x40xi32, #tpu.memory_space<hbm>> -> memref<1x250x2x40xi32, #tpu.memory_space<hbm>>
          %dma_wait3A_161 = tpu.memref_squeeze %dma_wait3A_160 : memref<1x250x2x40xi32, #tpu.memory_space<hbm>> -> memref<250x2x40xi32, #tpu.memory_space<hbm>>
          %dma_wait3A_162 = arith.constant 0 : i32
          %dma_wait3A_163 = arith.constant 0 : i32
          %dma_wait3A_164 = tpu.memref_slice %dma_wait3A_161[%add3A_115, %dma_wait3A_162, %dma_wait3A_163] : memref<250x2x40xi32, #tpu.memory_space<hbm>> -> memref<1x2x40xi32, #tpu.memory_space<hbm>>
          %dma_wait3A_165 = tpu.memref_squeeze %dma_wait3A_164 : memref<1x2x40xi32, #tpu.memory_space<hbm>> -> memref<2x40xi32, #tpu.memory_space<hbm>>
          %dma_wait3A_166 = arith.constant 0 : i32
          %dma_wait3A_167 = arith.constant 0 : i32
          %dma_wait3A_168 = arith.constant 0 : i32
          %dma_wait3A_169 = tpu.memref_slice %arg2[%add3A, %dma_wait3A_166, %dma_wait3A_167, %dma_wait3A_168] : memref<32x250x2x40xi32, #tpu.memory_space<hbm>> -> memref<1x250x2x40xi32, #tpu.memory_space<hbm>>
          %dma_wait3A_170 = tpu.memref_squeeze %dma_wait3A_169 : memref<1x250x2x40xi32, #tpu.memory_space<hbm>> -> memref<250x2x40xi32, #tpu.memory_space<hbm>>
          %dma_wait3A_171 = arith.constant 0 : i32
          %dma_wait3A_172 = arith.constant 0 : i32
          %dma_wait3A_173 = tpu.memref_slice %dma_wait3A_170[%add3A_115, %dma_wait3A_171, %dma_wait3A_172] : memref<250x2x40xi32, #tpu.memory_space<hbm>> -> memref<1x2x40xi32, #tpu.memory_space<hbm>>
          %dma_wait3A_174 = tpu.memref_squeeze %dma_wait3A_173 : memref<1x2x40xi32, #tpu.memory_space<hbm>> -> memref<2x40xi32, #tpu.memory_space<hbm>>
          tpu.wait_dma2 semaphore(%run_scoped3A_138 : memref<!tpu.dma_semaphore, #tpu.memory_space<semaphore_mem>>) src(%dma_wait3A_174 : memref<2x40xi32, #tpu.memory_space<hbm>>) dst(%arg9 : memref<2x40xi32, #tpu.memory_space<vmem>>)
          tpu.yield
        }) : () -> ()
        %dma_start3A_119 = arith.constant 0 : i32
        %dma_start3A_120 = tpu.memref_slice %arg3[%add3A_118, %dma_start3A_119] : memref<320000x16xf32, #tpu.memory_space<hbm>> -> memref<40x16xf32, #tpu.memory_space<hbm>>
        %dma_start3A_121 = arith.constant 0 : i32
        %dma_start3A_122 = tpu.memref_slice %arg3[%add3A_118, %dma_start3A_121] : memref<320000x16xf32, #tpu.memory_space<hbm>> -> memref<40x16xf32, #tpu.memory_space<hbm>>
        tpu.enqueue_dma source(%dma_start3A_122 : memref<40x16xf32, #tpu.memory_space<hbm>>) target(%arg10 : memref<40x16xf32, #tpu.memory_space<vmem>>) target_semaphore(%arg18 : memref<!tpu.dma_semaphore, #tpu.memory_space<semaphore_mem>>)
        %dma_start3A_123 = arith.constant 1 : i32
        %dma_start3A_124 = arith.constant 0 : i32
        %dma_start3A_125 = tpu.memref_slice %arg9[%dma_start3A_123, %dma_start3A_124] : memref<2x40xi32, #tpu.memory_space<vmem>> -> memref<1x40xi32, #tpu.memory_space<vmem>>
        %dma_start3A_126 = tpu.memref_squeeze %dma_start3A_125 : memref<1x40xi32, #tpu.memory_space<vmem>> -> memref<40xi32, #tpu.memory_space<vmem>>
        %dma_start3A_127 = arith.constant 0 : i32
        %dma_start3A_128 = arith.constant 0 : i32
        %dma_start3A_129 = tpu.memref_slice %arg4[%dma_start3A_127, %dma_start3A_128] : memref<10240x16xf32, #tpu.memory_space<hbm>> -> memref<10240x16xf32, #tpu.memory_space<hbm>>
        tpu.enqueue_indirect_dma source(%dma_start3A_129 : memref<10240x16xf32, #tpu.memory_space<hbm>>) target(%arg11 : memref<40x16xf32, #tpu.memory_space<vmem>>) offsets(%dma_start3A_126 : memref<40xi32, #tpu.memory_space<vmem>>) semaphore(%arg19 : memref<!tpu.dma_semaphore, #tpu.memory_space<semaphore_mem>>)
        %dma_start3A_130 = arith.constant 0 : i32
        %dma_start3A_131 = arith.constant 0 : i32
        %dma_start3A_132 = tpu.memref_slice %arg9[%dma_start3A_130, %dma_start3A_131] : memref<2x40xi32, #tpu.memory_space<vmem>> -> memref<1x40xi32, #tpu.memory_space<vmem>>
        %dma_start3A_133 = tpu.memref_squeeze %dma_start3A_132 : memref<1x40xi32, #tpu.memory_space<vmem>> -> memref<40xi32, #tpu.memory_space<vmem>>
        %dma_start3A_134 = arith.constant 0 : i32
        %dma_start3A_135 = arith.constant 0 : i32
        %dma_start3A_136 = arith.constant 0 : i32
        %dma_start3A_137 = tpu.memref_slice %arg5[%dma_start3A_134, %dma_start3A_135, %dma_start3A_136] : memref<10000x8x128xbf16, #tpu.memory_space<hbm>> -> memref<10000x8x128xbf16, #tpu.memory_space<hbm>>
        tpu.enqueue_indirect_dma source(%dma_start3A_137 : memref<10000x8x128xbf16, #tpu.memory_space<hbm>>) target(%arg12 : memref<40x8x128xbf16, #tpu.memory_space<vmem>>) offsets(%dma_start3A_133 : memref<40xi32, #tpu.memory_space<vmem>>) semaphore(%arg20 : memref<!tpu.dma_semaphore, #tpu.memory_space<semaphore_mem>>)
      } else {
      }
      %mul3A_84 = arith.constant 40 : i32
      %mul3A_85 = arith.muli %add3A_76, %mul3A_84 : i32
      %add3A_86 = arith.addi %mul3A_2, %mul3A_85 : i32
      %dma_wait3A_87 = arith.constant 0 : i32
      %dma_wait3A_88 = tpu.memref_slice %arg3[%add3A_86, %dma_wait3A_87] : memref<320000x16xf32, #tpu.memory_space<hbm>> -> memref<40x16xf32, #tpu.memory_space<hbm>>
      %dma_wait3A_89 = arith.constant 0 : i32
      %dma_wait3A_90 = tpu.memref_slice %arg3[%add3A_86, %dma_wait3A_89] : memref<320000x16xf32, #tpu.memory_space<hbm>> -> memref<40x16xf32, #tpu.memory_space<hbm>>
      tpu.wait_dma2 semaphore(%arg21 : memref<!tpu.dma_semaphore, #tpu.memory_space<semaphore_mem>>) src(%dma_wait3A_90 : memref<40x16xf32, #tpu.memory_space<hbm>>) dst(%arg14 : memref<40x16xf32, #tpu.memory_space<vmem>>)
      %dma_wait3A_91 = arith.constant 1 : i32
      %dma_wait3A_92 = arith.constant 0 : i32
      %dma_wait3A_93 = tpu.memref_slice %arg13[%dma_wait3A_91, %dma_wait3A_92] : memref<2x40xi32, #tpu.memory_space<vmem>> -> memref<1x40xi32, #tpu.memory_space<vmem>>
      %dma_wait3A_94 = tpu.memref_squeeze %dma_wait3A_93 : memref<1x40xi32, #tpu.memory_space<vmem>> -> memref<40xi32, #tpu.memory_space<vmem>>
      %dma_wait3A_95 = arith.constant 0 : i32
      %dma_wait3A_96 = arith.constant 0 : i32
      %dma_wait3A_97 = tpu.memref_slice %arg4[%dma_wait3A_95, %dma_wait3A_96] : memref<10240x16xf32, #tpu.memory_space<hbm>> -> memref<10240x16xf32, #tpu.memory_space<hbm>>
      tpu.wait_indirect_dma semaphore(%arg22 : memref<!tpu.dma_semaphore, #tpu.memory_space<semaphore_mem>>) src(%dma_wait3A_97 : memref<10240x16xf32, #tpu.memory_space<hbm>>) dst(%arg15 : memref<40x16xf32, #tpu.memory_space<vmem>>)
      %dma_wait3A_98 = arith.constant 0 : i32
      %dma_wait3A_99 = arith.constant 0 : i32
      %dma_wait3A_100 = tpu.memref_slice %arg13[%dma_wait3A_98, %dma_wait3A_99] : memref<2x40xi32, #tpu.memory_space<vmem>> -> memref<1x40xi32, #tpu.memory_space<vmem>>
      %dma_wait3A_101 = tpu.memref_squeeze %dma_wait3A_100 : memref<1x40xi32, #tpu.memory_space<vmem>> -> memref<40xi32, #tpu.memory_space<vmem>>
      %dma_wait3A_102 = arith.constant 0 : i32
      %dma_wait3A_103 = arith.constant 0 : i32
      %dma_wait3A_104 = arith.constant 0 : i32
      %dma_wait3A_105 = tpu.memref_slice %arg5[%dma_wait3A_102, %dma_wait3A_103, %dma_wait3A_104] : memref<10000x8x128xbf16, #tpu.memory_space<hbm>> -> memref<10000x8x128xbf16, #tpu.memory_space<hbm>>
      tpu.wait_indirect_dma semaphore(%arg23 : memref<!tpu.dma_semaphore, #tpu.memory_space<semaphore_mem>>) src(%dma_wait3A_105 : memref<10000x8x128xbf16, #tpu.memory_space<hbm>>) dst(%arg16 : memref<40x8x128xbf16, #tpu.memory_space<vmem>>)
      %scan3A_106 = arith.constant 0 : i32
      %scan3A_107 = arith.constant 0 : i32
      %scan3A_108 = arith.constant 40 : i32
      %scan3A_109 = arith.addi %scan3A_107, %scan3A_108 : i32
      %scan3A_110 = arith.constant 2 : i32
      %scan3A_111 = scf.for %scan3A_114 = %scan3A_107 to %scan3A_109 step %scan3A_110 iter_args(%scan3A_115 = %scan3A_106) -> (i32)  : i32 {
        %get3A = arith.index_cast %scan3A_114 : i32 to index
        %get3A_116 = arith.constant 0 : index
        %get3A_117 = tpu.vector_load %arg14[%get3A, %get3A_116] {strides = array<i32>} : memref<40x16xf32, #tpu.memory_space<vmem>>, vector<16xf32>,
        %get3A_118 = arith.index_cast %scan3A_114 : i32 to index
        %get3A_119 = arith.constant 0 : index
        %get3A_120 = tpu.vector_load %arg15[%get3A_118, %get3A_119] {strides = array<i32>} : memref<40x16xf32, #tpu.memory_space<vmem>>, vector<16xf32>,
        %mul3A_121 = arith.mulf %get3A_117, %get3A_120 : vector<16xf32>
        %broadcast_in_dim3A = arith.constant 0.000000e+00 : f32
        %broadcast_in_dim3A_122 = vector.broadcast %broadcast_in_dim3A : f32 to vector<16xf32>
        %broadcast_in_dim3A_123 = arith.constant 0.000000e+00 : f32
        %broadcast_in_dim3A_124 = vector.broadcast %broadcast_in_dim3A_123 : f32 to vector<16xf32>
        %broadcast_in_dim3A_125 = arith.constant 0.000000e+00 : f32
        %broadcast_in_dim3A_126 = vector.broadcast %broadcast_in_dim3A_125 : f32 to vector<16xf32>
        %broadcast_in_dim3A_127 = arith.constant 0.000000e+00 : f32
        %broadcast_in_dim3A_128 = vector.broadcast %broadcast_in_dim3A_127 : f32 to vector<16xf32>
        %broadcast_in_dim3A_129 = arith.constant 0.000000e+00 : f32
        %broadcast_in_dim3A_130 = vector.broadcast %broadcast_in_dim3A_129 : f32 to vector<16xf32>
        %broadcast_in_dim3A_131 = arith.constant 0.000000e+00 : f32
        %broadcast_in_dim3A_132 = vector.broadcast %broadcast_in_dim3A_131 : f32 to vector<16xf32>
        %broadcast_in_dim3A_133 = arith.constant 0.000000e+00 : f32
        %broadcast_in_dim3A_134 = vector.broadcast %broadcast_in_dim3A_133 : f32 to vector<16xf32>
        %broadcast_in_dim3A_135 = arith.constant 0.000000e+00 : f32
        %broadcast_in_dim3A_136 = vector.broadcast %broadcast_in_dim3A_135 : f32 to vector<16xf32>
        %slice3A = vector.extract_strided_slice %mul3A_121 {offsets = [0], sizes = [1], strides = [1]} : vector<16xf32> to vector<1xf32>
        %squeeze3A = vector.extract %slice3A[0] : f32 from vector<1xf32>
        %broadcast_in_dim3A_137 = vector.broadcast %squeeze3A : f32 to vector<16xf32>
        %get3A_138 = arith.constant 0 : i32
        %get3A_139 = arith.index_cast %scan3A_114 : i32 to index
        %get3A_140 = arith.index_cast %get3A_138 : i32 to index
        %get3A_141 = arith.constant 0 : index
        %get3A_142 = tpu.vector_load %arg16[%get3A_139, %get3A_140, %get3A_141] {strides = array<i32>} : memref<40x8x128xbf16, #tpu.memory_space<vmem>>, vector<32xbf16>,
        %bitcast3A = vector.bitcast %get3A_142 : vector<32xbf16> to vector<16xi32>
        %shift_left3A = arith.constant 16 : i32
        %shift_left3A_143 = vector.broadcast %shift_left3A : i32 to vector<16xi32>
        %shift_left3A_144 = arith.shli %bitcast3A, %shift_left3A_143 : vector<16xi32>
        %bitcast3A_145 = vector.bitcast %shift_left3A_144 : vector<16xi32> to vector<16xf32>
        %bitcast3A_146 = vector.bitcast %bitcast3A : vector<16xi32> to vector<16xf32>
        %mul3A_147 = arith.mulf %broadcast_in_dim3A_137, %bitcast3A_145 : vector<16xf32>
        %add3A_148 = arith.addf %broadcast_in_dim3A_122, %mul3A_147 : vector<16xf32>
        %mul3A_149 = arith.mulf %broadcast_in_dim3A_137, %bitcast3A_146 : vector<16xf32>
        %add3A_150 = arith.addf %broadcast_in_dim3A_124, %mul3A_149 : vector<16xf32>
        %get3A_151 = arith.constant 0 : i32
        %get3A_152 = arith.index_cast %scan3A_114 : i32 to index
        %get3A_153 = arith.index_cast %get3A_151 : i32 to index
        %get3A_154 = arith.constant 32 : index
        %get3A_155 = tpu.vector_load %arg16[%get3A_152, %get3A_153, %get3A_154] {strides = array<i32>} : memref<40x8x128xbf16, #tpu.memory_space<vmem>>, vector<32xbf16>,
        %bitcast3A_156 = vector.bitcast %get3A_155 : vector<32xbf16> to vector<16xi32>
        %shift_left3A_157 = arith.constant 16 : i32
        %shift_left3A_158 = vector.broadcast %shift_left3A_157 : i32 to vector<16xi32>
        %shift_left3A_159 = arith.shli %bitcast3A_156, %shift_left3A_158 : vector<16xi32>
        %bitcast3A_160 = vector.bitcast %shift_left3A_159 : vector<16xi32> to vector<16xf32>
        %bitcast3A_161 = vector.bitcast %bitcast3A_156 : vector<16xi32> to vector<16xf32>
        %mul3A_162 = arith.mulf %broadcast_in_dim3A_137, %bitcast3A_160 : vector<16xf32>
        %add3A_163 = arith.addf %broadcast_in_dim3A_126, %mul3A_162 : vector<16xf32>
        %mul3A_164 = arith.mulf %broadcast_in_dim3A_137, %bitcast3A_161 : vector<16xf32>
        %add3A_165 = arith.addf %broadcast_in_dim3A_128, %mul3A_164 : vector<16xf32>
        %get3A_166 = arith.constant 0 : i32
        %get3A_167 = arith.index_cast %scan3A_114 : i32 to index
        %get3A_168 = arith.index_cast %get3A_166 : i32 to index
        %get3A_169 = arith.constant 64 : index
        %get3A_170 = tpu.vector_load %arg16[%get3A_167, %get3A_168, %get3A_169] {strides = array<i32>} : memref<40x8x128xbf16, #tpu.memory_space<vmem>>, vector<32xbf16>,
        %bitcast3A_171 = vector.bitcast %get3A_170 : vector<32xbf16> to vector<16xi32>
        %shift_left3A_172 = arith.constant 16 : i32
        %shift_left3A_173 = vector.broadcast %shift_left3A_172 : i32 to vector<16xi32>
        %shift_left3A_174 = arith.shli %bitcast3A_171, %shift_left3A_173 : vector<16xi32>
        %bitcast3A_175 = vector.bitcast %shift_left3A_174 : vector<16xi32> to vector<16xf32>
        %bitcast3A_176 = vector.bitcast %bitcast3A_171 : vector<16xi32> to vector<16xf32>
        %mul3A_177 = arith.mulf %broadcast_in_dim3A_137, %bitcast3A_175 : vector<16xf32>
        %add3A_178 = arith.addf %broadcast_in_dim3A_130, %mul3A_177 : vector<16xf32>
        %mul3A_179 = arith.mulf %broadcast_in_dim3A_137, %bitcast3A_176 : vector<16xf32>
        %add3A_180 = arith.addf %broadcast_in_dim3A_132, %mul3A_179 : vector<16xf32>
        %get3A_181 = arith.constant 0 : i32
        %get3A_182 = arith.index_cast %scan3A_114 : i32 to index
        %get3A_183 = arith.index_cast %get3A_181 : i32 to index
        %get3A_184 = arith.constant 96 : index
        %get3A_185 = tpu.vector_load %arg16[%get3A_182, %get3A_183, %get3A_184] {strides = array<i32>} : memref<40x8x128xbf16, #tpu.memory_space<vmem>>, vector<32xbf16>,
        %bitcast3A_186 = vector.bitcast %get3A_185 : vector<32xbf16> to vector<16xi32>
        %shift_left3A_187 = arith.constant 16 : i32
        %shift_left3A_188 = vector.broadcast %shift_left3A_187 : i32 to vector<16xi32>
        %shift_left3A_189 = arith.shli %bitcast3A_186, %shift_left3A_188 : vector<16xi32>
        %bitcast3A_190 = vector.bitcast %shift_left3A_189 : vector<16xi32> to vector<16xf32>
        %bitcast3A_191 = vector.bitcast %bitcast3A_186 : vector<16xi32> to vector<16xf32>
        %mul3A_192 = arith.mulf %broadcast_in_dim3A_137, %bitcast3A_190 : vector<16xf32>
        %add3A_193 = arith.addf %broadcast_in_dim3A_134, %mul3A_192 : vector<16xf32>
        %mul3A_194 = arith.mulf %broadcast_in_dim3A_137, %bitcast3A_191 : vector<16xf32>
        %add3A_195 = arith.addf %broadcast_in_dim3A_136, %mul3A_194 : vector<16xf32>
        %slice3A_196 = vector.extract_strided_slice %mul3A_121 {offsets = [1], sizes = [1], strides = [1]} : vector<16xf32> to vector<1xf32>
        %squeeze3A_197 = vector.extract %slice3A_196[0] : f32 from vector<1xf32>
        %broadcast_in_dim3A_198 = vector.broadcast %squeeze3A_197 : f32 to vector<16xf32>
        %get3A_199 = arith.constant 1 : i32
        %get3A_200 = arith.index_cast %scan3A_114 : i32 to index
        %get3A_201 = arith.index_cast %get3A_199 : i32 to index
        %get3A_202 = arith.constant 0 : index
        %get3A_203 = tpu.vector_load %arg16[%get3A_200, %get3A_201, %get3A_202] {strides = array<i32>} : memref<40x8x128xbf16, #tpu.memory_space<vmem>>, vector<32xbf16>,
        %bitcast3A_204 = vector.bitcast %get3A_203 : vector<32xbf16> to vector<16xi32>
        %shift_left3A_205 = arith.constant 16 : i32
        %shift_left3A_206 = vector.broadcast %shift_left3A_205 : i32 to vector<16xi32>
        %shift_left3A_207 = arith.shli %bitcast3A_204, %shift_left3A_206 : vector<16xi32>
        %bitcast3A_208 = vector.bitcast %shift_left3A_207 : vector<16xi32> to vector<16xf32>
        %bitcast3A_209 = vector.bitcast %bitcast3A_204 : vector<16xi32> to vector<16xf32>
        %mul3A_210 = arith.mulf %broadcast_in_dim3A_198, %bitcast3A_208 : vector<16xf32>
        %add3A_211 = arith.addf %add3A_148, %mul3A_210 : vector<16xf32>
        %mul3A_212 = arith.mulf %broadcast_in_dim3A_198, %bitcast3A_209 : vector<16xf32>
        %add3A_213 = arith.addf %add3A_150, %mul3A_212 : vector<16xf32>
        %get3A_214 = arith.constant 1 : i32
        %get3A_215 = arith.index_cast %scan3A_114 : i32 to index
        %get3A_216 = arith.index_cast %get3A_214 : i32 to index
        %get3A_217 = arith.constant 32 : index
        %get3A_218 = tpu.vector_load %arg16[%get3A_215, %get3A_216, %get3A_217] {strides = array<i32>} : memref<40x8x128xbf16, #tpu.memory_space<vmem>>, vector<32xbf16>,
        %bitcast3A_219 = vector.bitcast %get3A_218 : vector<32xbf16> to vector<16xi32>
        %shift_left3A_220 = arith.constant 16 : i32
        %shift_left3A_221 = vector.broadcast %shift_left3A_220 : i32 to vector<16xi32>
        %shift_left3A_222 = arith.shli %bitcast3A_219, %shift_left3A_221 : vector<16xi32>
        %bitcast3A_223 = vector.bitcast %shift_left3A_222 : vector<16xi32> to vector<16xf32>
        %bitcast3A_224 = vector.bitcast %bitcast3A_219 : vector<16xi32> to vector<16xf32>
        %mul3A_225 = arith.mulf %broadcast_in_dim3A_198, %bitcast3A_223 : vector<16xf32>
        %add3A_226 = arith.addf %add3A_163, %mul3A_225 : vector<16xf32>
        %mul3A_227 = arith.mulf %broadcast_in_dim3A_198, %bitcast3A_224 : vector<16xf32>
        %add3A_228 = arith.addf %add3A_165, %mul3A_227 : vector<16xf32>
        %get3A_229 = arith.constant 1 : i32
        %get3A_230 = arith.index_cast %scan3A_114 : i32 to index
        %get3A_231 = arith.index_cast %get3A_229 : i32 to index
        %get3A_232 = arith.constant 64 : index
        %get3A_233 = tpu.vector_load %arg16[%get3A_230, %get3A_231, %get3A_232] {strides = array<i32>} : memref<40x8x128xbf16, #tpu.memory_space<vmem>>, vector<32xbf16>,
        %bitcast3A_234 = vector.bitcast %get3A_233 : vector<32xbf16> to vector<16xi32>
        %shift_left3A_235 = arith.constant 16 : i32
        %shift_left3A_236 = vector.broadcast %shift_left3A_235 : i32 to vector<16xi32>
        %shift_left3A_237 = arith.shli %bitcast3A_234, %shift_left3A_236 : vector<16xi32>
        %bitcast3A_238 = vector.bitcast %shift_left3A_237 : vector<16xi32> to vector<16xf32>
        %bitcast3A_239 = vector.bitcast %bitcast3A_234 : vector<16xi32> to vector<16xf32>
        %mul3A_240 = arith.mulf %broadcast_in_dim3A_198, %bitcast3A_238 : vector<16xf32>
        %add3A_241 = arith.addf %add3A_178, %mul3A_240 : vector<16xf32>
        %mul3A_242 = arith.mulf %broadcast_in_dim3A_198, %bitcast3A_239 : vector<16xf32>
        %add3A_243 = arith.addf %add3A_180, %mul3A_242 : vector<16xf32>
        %get3A_244 = arith.constant 1 : i32
        %get3A_245 = arith.index_cast %scan3A_114 : i32 to index
        %get3A_246 = arith.index_cast %get3A_244 : i32 to index
        %get3A_247 = arith.constant 96 : index
        %get3A_248 = tpu.vector_load %arg16[%get3A_245, %get3A_246, %get3A_247] {strides = array<i32>} : memref<40x8x128xbf16, #tpu.memory_space<vmem>>, vector<32xbf16>,
        %bitcast3A_249 = vector.bitcast %get3A_248 : vector<32xbf16> to vector<16xi32>
        %shift_left3A_250 = arith.constant 16 : i32
        %shift_left3A_251 = vector.broadcast %shift_left3A_250 : i32 to vector<16xi32>
        %shift_left3A_252 = arith.shli %bitcast3A_249, %shift_left3A_251 : vector<16xi32>
        %bitcast3A_253 = vector.bitcast %shift_left3A_252 : vector<16xi32> to vector<16xf32>
        %bitcast3A_254 = vector.bitcast %bitcast3A_249 : vector<16xi32> to vector<16xf32>
        %mul3A_255 = arith.mulf %broadcast_in_dim3A_198, %bitcast3A_253 : vector<16xf32>
        %add3A_256 = arith.addf %add3A_193, %mul3A_255 : vector<16xf32>
        %mul3A_257 = arith.mulf %broadcast_in_dim3A_198, %bitcast3A_254 : vector<16xf32>
        %add3A_258 = arith.addf %add3A_195, %mul3A_257 : vector<16xf32>
        %slice3A_259 = vector.extract_strided_slice %mul3A_121 {offsets = [2], sizes = [1], strides = [1]} : vector<16xf32> to vector<1xf32>
        %squeeze3A_260 = vector.extract %slice3A_259[0] : f32 from vector<1xf32>
        %broadcast_in_dim3A_261 = vector.broadcast %squeeze3A_260 : f32 to vector<16xf32>
        %get3A_262 = arith.constant 2 : i32
        %get3A_263 = arith.index_cast %scan3A_114 : i32 to index
        %get3A_264 = arith.index_cast %get3A_262 : i32 to index
        %get3A_265 = arith.constant 0 : index
        %get3A_266 = tpu.vector_load %arg16[%get3A_263, %get3A_264, %get3A_265] {strides = array<i32>} : memref<40x8x128xbf16, #tpu.memory_space<vmem>>, vector<32xbf16>,
        %bitcast3A_267 = vector.bitcast %get3A_266 : vector<32xbf16> to vector<16xi32>
        %shift_left3A_268 = arith.constant 16 : i32
        %shift_left3A_269 = vector.broadcast %shift_left3A_268 : i32 to vector<16xi32>
        %shift_left3A_270 = arith.shli %bitcast3A_267, %shift_left3A_269 : vector<16xi32>
        %bitcast3A_271 = vector.bitcast %shift_left3A_270 : vector<16xi32> to vector<16xf32>
        %bitcast3A_272 = vector.bitcast %bitcast3A_267 : vector<16xi32> to vector<16xf32>
        %mul3A_273 = arith.mulf %broadcast_in_dim3A_261, %bitcast3A_271 : vector<16xf32>
        %add3A_274 = arith.addf %add3A_211, %mul3A_273 : vector<16xf32>
        %mul3A_275 = arith.mulf %broadcast_in_dim3A_261, %bitcast3A_272 : vector<16xf32>
        %add3A_276 = arith.addf %add3A_213, %mul3A_275 : vector<16xf32>
        %get3A_277 = arith.constant 2 : i32
        %get3A_278 = arith.index_cast %scan3A_114 : i32 to index
        %get3A_279 = arith.index_cast %get3A_277 : i32 to index
        %get3A_280 = arith.constant 32 : index
        %get3A_281 = tpu.vector_load %arg16[%get3A_278, %get3A_279, %get3A_280] {strides = array<i32>} : memref<40x8x128xbf16, #tpu.memory_space<vmem>>, vector<32xbf16>,
        %bitcast3A_282 = vector.bitcast %get3A_281 : vector<32xbf16> to vector<16xi32>
        %shift_left3A_283 = arith.constant 16 : i32
        %shift_left3A_284 = vector.broadcast %shift_left3A_283 : i32 to vector<16xi32>
        %shift_left3A_285 = arith.shli %bitcast3A_282, %shift_left3A_284 : vector<16xi32>
        %bitcast3A_286 = vector.bitcast %shift_left3A_285 : vector<16xi32> to vector<16xf32>
        %bitcast3A_287 = vector.bitcast %bitcast3A_282 : vector<16xi32> to vector<16xf32>
        %mul3A_288 = arith.mulf %broadcast_in_dim3A_261, %bitcast3A_286 : vector<16xf32>
        %add3A_289 = arith.addf %add3A_226, %mul3A_288 : vector<16xf32>
        %mul3A_290 = arith.mulf %broadcast_in_dim3A_261, %bitcast3A_287 : vector<16xf32>
        %add3A_291 = arith.addf %add3A_228, %mul3A_290 : vector<16xf32>
        %get3A_292 = arith.constant 2 : i32
        %get3A_293 = arith.index_cast %scan3A_114 : i32 to index
        %get3A_294 = arith.index_cast %get3A_292 : i32 to index
        %get3A_295 = arith.constant 64 : index
        %get3A_296 = tpu.vector_load %arg16[%get3A_293, %get3A_294, %get3A_295] {strides = array<i32>} : memref<40x8x128xbf16, #tpu.memory_space<vmem>>, vector<32xbf16>,
        %bitcast3A_297 = vector.bitcast %get3A_296 : vector<32xbf16> to vector<16xi32>
        %shift_left3A_298 = arith.constant 16 : i32
        %shift_left3A_299 = vector.broadcast %shift_left3A_298 : i32 to vector<16xi32>
        %shift_left3A_300 = arith.shli %bitcast3A_297, %shift_left3A_299 : vector<16xi32>
        %bitcast3A_301 = vector.bitcast %shift_left3A_300 : vector<16xi32> to vector<16xf32>
        %bitcast3A_302 = vector.bitcast %bitcast3A_297 : vector<16xi32> to vector<16xf32>
        %mul3A_303 = arith.mulf %broadcast_in_dim3A_261, %bitcast3A_301 : vector<16xf32>
        %add3A_304 = arith.addf %add3A_241, %mul3A_303 : vector<16xf32>
        %mul3A_305 = arith.mulf %broadcast_in_dim3A_261, %bitcast3A_302 : vector<16xf32>
        %add3A_306 = arith.addf %add3A_243, %mul3A_305 : vector<16xf32>
        %get3A_307 = arith.constant 2 : i32
        %get3A_308 = arith.index_cast %scan3A_114 : i32 to index
        %get3A_309 = arith.index_cast %get3A_307 : i32 to index
        %get3A_310 = arith.constant 96 : index
        %get3A_311 = tpu.vector_load %arg16[%get3A_308, %get3A_309, %get3A_310] {strides = array<i32>} : memref<40x8x128xbf16, #tpu.memory_space<vmem>>, vector<32xbf16>,
        %bitcast3A_312 = vector.bitcast %get3A_311 : vector<32xbf16> to vector<16xi32>
        %shift_left3A_313 = arith.constant 16 : i32
        %shift_left3A_314 = vector.broadcast %shift_left3A_313 : i32 to vector<16xi32>
        %shift_left3A_315 = arith.shli %bitcast3A_312, %shift_left3A_314 : vector<16xi32>
        %bitcast3A_316 = vector.bitcast %shift_left3A_315 : vector<16xi32> to vector<16xf32>
        %bitcast3A_317 = vector.bitcast %bitcast3A_312 : vector<16xi32> to vector<16xf32>
        %mul3A_318 = arith.mulf %broadcast_in_dim3A_261, %bitcast3A_316 : vector<16xf32>
        %add3A_319 = arith.addf %add3A_256, %mul3A_318 : vector<16xf32>
        %mul3A_320 = arith.mulf %broadcast_in_dim3A_261, %bitcast3A_317 : vector<16xf32>
        %add3A_321 = arith.addf %add3A_258, %mul3A_320 : vector<16xf32>
        %slice3A_322 = vector.extract_strided_slice %mul3A_121 {offsets = [3], sizes = [1], strides = [1]} : vector<16xf32> to vector<1xf32>
        %squeeze3A_323 = vector.extract %slice3A_322[0] : f32 from vector<1xf32>
        %broadcast_in_dim3A_324 = vector.broadcast %squeeze3A_323 : f32 to vector<16xf32>
        %get3A_325 = arith.constant 3 : i32
        %get3A_326 = arith.index_cast %scan3A_114 : i32 to index
        %get3A_327 = arith.index_cast %get3A_325 : i32 to index
        %get3A_328 = arith.constant 0 : index
        %get3A_329 = tpu.vector_load %arg16[%get3A_326, %get3A_327, %get3A_328] {strides = array<i32>} : memref<40x8x128xbf16, #tpu.memory_space<vmem>>, vector<32xbf16>,
        %bitcast3A_330 = vector.bitcast %get3A_329 : vector<32xbf16> to vector<16xi32>
        %shift_left3A_331 = arith.constant 16 : i32
        %shift_left3A_332 = vector.broadcast %shift_left3A_331 : i32 to vector<16xi32>
        %shift_left3A_333 = arith.shli %bitcast3A_330, %shift_left3A_332 : vector<16xi32>
        %bitcast3A_334 = vector.bitcast %shift_left3A_333 : vector<16xi32> to vector<16xf32>
        %bitcast3A_335 = vector.bitcast %bitcast3A_330 : vector<16xi32> to vector<16xf32>
        %mul3A_336 = arith.mulf %broadcast_in_dim3A_324, %bitcast3A_334 : vector<16xf32>
        %add3A_337 = arith.addf %add3A_274, %mul3A_336 : vector<16xf32>
        %mul3A_338 = arith.mulf %broadcast_in_dim3A_324, %bitcast3A_335 : vector<16xf32>
        %add3A_339 = arith.addf %add3A_276, %mul3A_338 : vector<16xf32>
        %get3A_340 = arith.constant 3 : i32
        %get3A_341 = arith.index_cast %scan3A_114 : i32 to index
        %get3A_342 = arith.index_cast %get3A_340 : i32 to index
        %get3A_343 = arith.constant 32 : index
        %get3A_344 = tpu.vector_load %arg16[%get3A_341, %get3A_342, %get3A_343] {strides = array<i32>} : memref<40x8x128xbf16, #tpu.memory_space<vmem>>, vector<32xbf16>,
        %bitcast3A_345 = vector.bitcast %get3A_344 : vector<32xbf16> to vector<16xi32>
        %shift_left3A_346 = arith.constant 16 : i32
        %shift_left3A_347 = vector.broadcast %shift_left3A_346 : i32 to vector<16xi32>
        %shift_left3A_348 = arith.shli %bitcast3A_345, %shift_left3A_347 : vector<16xi32>
        %bitcast3A_349 = vector.bitcast %shift_left3A_348 : vector<16xi32> to vector<16xf32>
        %bitcast3A_350 = vector.bitcast %bitcast3A_345 : vector<16xi32> to vector<16xf32>
        %mul3A_351 = arith.mulf %broadcast_in_dim3A_324, %bitcast3A_349 : vector<16xf32>
        %add3A_352 = arith.addf %add3A_289, %mul3A_351 : vector<16xf32>
        %mul3A_353 = arith.mulf %broadcast_in_dim3A_324, %bitcast3A_350 : vector<16xf32>
        %add3A_354 = arith.addf %add3A_291, %mul3A_353 : vector<16xf32>
        %get3A_355 = arith.constant 3 : i32
        %get3A_356 = arith.index_cast %scan3A_114 : i32 to index
        %get3A_357 = arith.index_cast %get3A_355 : i32 to index
        %get3A_358 = arith.constant 64 : index
        %get3A_359 = tpu.vector_load %arg16[%get3A_356, %get3A_357, %get3A_358] {strides = array<i32>} : memref<40x8x128xbf16, #tpu.memory_space<vmem>>, vector<32xbf16>,
        %bitcast3A_360 = vector.bitcast %get3A_359 : vector<32xbf16> to vector<16xi32>
        %shift_left3A_361 = arith.constant 16 : i32
        %shift_left3A_362 = vector.broadcast %shift_left3A_361 : i32 to vector<16xi32>
        %shift_left3A_363 = arith.shli %bitcast3A_360, %shift_left3A_362 : vector<16xi32>
        %bitcast3A_364 = vector.bitcast %shift_left3A_363 : vector<16xi32> to vector<16xf32>
        %bitcast3A_365 = vector.bitcast %bitcast3A_360 : vector<16xi32> to vector<16xf32>
        %mul3A_366 = arith.mulf %broadcast_in_dim3A_324, %bitcast3A_364 : vector<16xf32>
        %add3A_367 = arith.addf %add3A_304, %mul3A_366 : vector<16xf32>
        %mul3A_368 = arith.mulf %broadcast_in_dim3A_324, %bitcast3A_365 : vector<16xf32>
        %add3A_369 = arith.addf %add3A_306, %mul3A_368 : vector<16xf32>
        %get3A_370 = arith.constant 3 : i32
        %get3A_371 = arith.index_cast %scan3A_114 : i32 to index
        %get3A_372 = arith.index_cast %get3A_370 : i32 to index
        %get3A_373 = arith.constant 96 : index
        %get3A_374 = tpu.vector_load %arg16[%get3A_371, %get3A_372, %get3A_373] {strides = array<i32>} : memref<40x8x128xbf16, #tpu.memory_space<vmem>>, vector<32xbf16>,
        %bitcast3A_375 = vector.bitcast %get3A_374 : vector<32xbf16> to vector<16xi32>
        %shift_left3A_376 = arith.constant 16 : i32
        %shift_left3A_377 = vector.broadcast %shift_left3A_376 : i32 to vector<16xi32>
        %shift_left3A_378 = arith.shli %bitcast3A_375, %shift_left3A_377 : vector<16xi32>
        %bitcast3A_379 = vector.bitcast %shift_left3A_378 : vector<16xi32> to vector<16xf32>
        %bitcast3A_380 = vector.bitcast %bitcast3A_375 : vector<16xi32> to vector<16xf32>
        %mul3A_381 = arith.mulf %broadcast_in_dim3A_324, %bitcast3A_379 : vector<16xf32>
        %add3A_382 = arith.addf %add3A_319, %mul3A_381 : vector<16xf32>
        %mul3A_383 = arith.mulf %broadcast_in_dim3A_324, %bitcast3A_380 : vector<16xf32>
        %add3A_384 = arith.addf %add3A_321, %mul3A_383 : vector<16xf32>
        %slice3A_385 = vector.extract_strided_slice %mul3A_121 {offsets = [4], sizes = [1], strides = [1]} : vector<16xf32> to vector<1xf32>
        %squeeze3A_386 = vector.extract %slice3A_385[0] : f32 from vector<1xf32>
        %broadcast_in_dim3A_387 = vector.broadcast %squeeze3A_386 : f32 to vector<16xf32>
        %get3A_388 = arith.constant 4 : i32
        %get3A_389 = arith.index_cast %scan3A_114 : i32 to index
        %get3A_390 = arith.index_cast %get3A_388 : i32 to index
        %get3A_391 = arith.constant 0 : index
        %get3A_392 = tpu.vector_load %arg16[%get3A_389, %get3A_390, %get3A_391] {strides = array<i32>} : memref<40x8x128xbf16, #tpu.memory_space<vmem>>, vector<32xbf16>,
        %bitcast3A_393 = vector.bitcast %get3A_392 : vector<32xbf16> to vector<16xi32>
        %shift_left3A_394 = arith.constant 16 : i32
        %shift_left3A_395 = vector.broadcast %shift_left3A_394 : i32 to vector<16xi32>
        %shift_left3A_396 = arith.shli %bitcast3A_393, %shift_left3A_395 : vector<16xi32>
        %bitcast3A_397 = vector.bitcast %shift_left3A_396 : vector<16xi32> to vector<16xf32>
        %bitcast3A_398 = vector.bitcast %bitcast3A_393 : vector<16xi32> to vector<16xf32>
        %mul3A_399 = arith.mulf %broadcast_in_dim3A_387, %bitcast3A_397 : vector<16xf32>
        %add3A_400 = arith.addf %add3A_337, %mul3A_399 : vector<16xf32>
        %mul3A_401 = arith.mulf %broadcast_in_dim3A_387, %bitcast3A_398 : vector<16xf32>
        %add3A_402 = arith.addf %add3A_339, %mul3A_401 : vector<16xf32>
        %get3A_403 = arith.constant 4 : i32
        %get3A_404 = arith.index_cast %scan3A_114 : i32 to index
        %get3A_405 = arith.index_cast %get3A_403 : i32 to index
        %get3A_406 = arith.constant 32 : index
        %get3A_407 = tpu.vector_load %arg16[%get3A_404, %get3A_405, %get3A_406] {strides = array<i32>} : memref<40x8x128xbf16, #tpu.memory_space<vmem>>, vector<32xbf16>,
        %bitcast3A_408 = vector.bitcast %get3A_407 : vector<32xbf16> to vector<16xi32>
        %shift_left3A_409 = arith.constant 16 : i32
        %shift_left3A_410 = vector.broadcast %shift_left3A_409 : i32 to vector<16xi32>
        %shift_left3A_411 = arith.shli %bitcast3A_408, %shift_left3A_410 : vector<16xi32>
        %bitcast3A_412 = vector.bitcast %shift_left3A_411 : vector<16xi32> to vector<16xf32>
        %bitcast3A_413 = vector.bitcast %bitcast3A_408 : vector<16xi32> to vector<16xf32>
        %mul3A_414 = arith.mulf %broadcast_in_dim3A_387, %bitcast3A_412 : vector<16xf32>
        %add3A_415 = arith.addf %add3A_352, %mul3A_414 : vector<16xf32>
        %mul3A_416 = arith.mulf %broadcast_in_dim3A_387, %bitcast3A_413 : vector<16xf32>
        %add3A_417 = arith.addf %add3A_354, %mul3A_416 : vector<16xf32>
        %get3A_418 = arith.constant 4 : i32
        %get3A_419 = arith.index_cast %scan3A_114 : i32 to index
        %get3A_420 = arith.index_cast %get3A_418 : i32 to index
        %get3A_421 = arith.constant 64 : index
        %get3A_422 = tpu.vector_load %arg16[%get3A_419, %get3A_420, %get3A_421] {strides = array<i32>} : memref<40x8x128xbf16, #tpu.memory_space<vmem>>, vector<32xbf16>,
        %bitcast3A_423 = vector.bitcast %get3A_422 : vector<32xbf16> to vector<16xi32>
        %shift_left3A_424 = arith.constant 16 : i32
        %shift_left3A_425 = vector.broadcast %shift_left3A_424 : i32 to vector<16xi32>
        %shift_left3A_426 = arith.shli %bitcast3A_423, %shift_left3A_425 : vector<16xi32>
        %bitcast3A_427 = vector.bitcast %shift_left3A_426 : vector<16xi32> to vector<16xf32>
        %bitcast3A_428 = vector.bitcast %bitcast3A_423 : vector<16xi32> to vector<16xf32>
        %mul3A_429 = arith.mulf %broadcast_in_dim3A_387, %bitcast3A_427 : vector<16xf32>
        %add3A_430 = arith.addf %add3A_367, %mul3A_429 : vector<16xf32>
        %mul3A_431 = arith.mulf %broadcast_in_dim3A_387, %bitcast3A_428 : vector<16xf32>
        %add3A_432 = arith.addf %add3A_369, %mul3A_431 : vector<16xf32>
        %get3A_433 = arith.constant 4 : i32
        %get3A_434 = arith.index_cast %scan3A_114 : i32 to index
        %get3A_435 = arith.index_cast %get3A_433 : i32 to index
        %get3A_436 = arith.constant 96 : index
        %get3A_437 = tpu.vector_load %arg16[%get3A_434, %get3A_435, %get3A_436] {strides = array<i32>} : memref<40x8x128xbf16, #tpu.memory_space<vmem>>, vector<32xbf16>,
        %bitcast3A_438 = vector.bitcast %get3A_437 : vector<32xbf16> to vector<16xi32>
        %shift_left3A_439 = arith.constant 16 : i32
        %shift_left3A_440 = vector.broadcast %shift_left3A_439 : i32 to vector<16xi32>
        %shift_left3A_441 = arith.shli %bitcast3A_438, %shift_left3A_440 : vector<16xi32>
        %bitcast3A_442 = vector.bitcast %shift_left3A_441 : vector<16xi32> to vector<16xf32>
        %bitcast3A_443 = vector.bitcast %bitcast3A_438 : vector<16xi32> to vector<16xf32>
        %mul3A_444 = arith.mulf %broadcast_in_dim3A_387, %bitcast3A_442 : vector<16xf32>
        %add3A_445 = arith.addf %add3A_382, %mul3A_444 : vector<16xf32>
        %mul3A_446 = arith.mulf %broadcast_in_dim3A_387, %bitcast3A_443 : vector<16xf32>
        %add3A_447 = arith.addf %add3A_384, %mul3A_446 : vector<16xf32>
        %slice3A_448 = vector.extract_strided_slice %mul3A_121 {offsets = [5], sizes = [1], strides = [1]} : vector<16xf32> to vector<1xf32>
        %squeeze3A_449 = vector.extract %slice3A_448[0] : f32 from vector<1xf32>
        %broadcast_in_dim3A_450 = vector.broadcast %squeeze3A_449 : f32 to vector<16xf32>
        %get3A_451 = arith.constant 5 : i32
        %get3A_452 = arith.index_cast %scan3A_114 : i32 to index
        %get3A_453 = arith.index_cast %get3A_451 : i32 to index
        %get3A_454 = arith.constant 0 : index
        %get3A_455 = tpu.vector_load %arg16[%get3A_452, %get3A_453, %get3A_454] {strides = array<i32>} : memref<40x8x128xbf16, #tpu.memory_space<vmem>>, vector<32xbf16>,
        %bitcast3A_456 = vector.bitcast %get3A_455 : vector<32xbf16> to vector<16xi32>
        %shift_left3A_457 = arith.constant 16 : i32
        %shift_left3A_458 = vector.broadcast %shift_left3A_457 : i32 to vector<16xi32>
        %shift_left3A_459 = arith.shli %bitcast3A_456, %shift_left3A_458 : vector<16xi32>
        %bitcast3A_460 = vector.bitcast %shift_left3A_459 : vector<16xi32> to vector<16xf32>
        %bitcast3A_461 = vector.bitcast %bitcast3A_456 : vector<16xi32> to vector<16xf32>
        %mul3A_462 = arith.mulf %broadcast_in_dim3A_450, %bitcast3A_460 : vector<16xf32>
        %add3A_463 = arith.addf %add3A_400, %mul3A_462 : vector<16xf32>
        %mul3A_464 = arith.mulf %broadcast_in_dim3A_450, %bitcast3A_461 : vector<16xf32>
        %add3A_465 = arith.addf %add3A_402, %mul3A_464 : vector<16xf32>
        %get3A_466 = arith.constant 5 : i32
        %get3A_467 = arith.index_cast %scan3A_114 : i32 to index
        %get3A_468 = arith.index_cast %get3A_466 : i32 to index
        %get3A_469 = arith.constant 32 : index
        %get3A_470 = tpu.vector_load %arg16[%get3A_467, %get3A_468, %get3A_469] {strides = array<i32>} : memref<40x8x128xbf16, #tpu.memory_space<vmem>>, vector<32xbf16>,
        %bitcast3A_471 = vector.bitcast %get3A_470 : vector<32xbf16> to vector<16xi32>
        %shift_left3A_472 = arith.constant 16 : i32
        %shift_left3A_473 = vector.broadcast %shift_left3A_472 : i32 to vector<16xi32>
        %shift_left3A_474 = arith.shli %bitcast3A_471, %shift_left3A_473 : vector<16xi32>
        %bitcast3A_475 = vector.bitcast %shift_left3A_474 : vector<16xi32> to vector<16xf32>
        %bitcast3A_476 = vector.bitcast %bitcast3A_471 : vector<16xi32> to vector<16xf32>
        %mul3A_477 = arith.mulf %broadcast_in_dim3A_450, %bitcast3A_475 : vector<16xf32>
        %add3A_478 = arith.addf %add3A_415, %mul3A_477 : vector<16xf32>
        %mul3A_479 = arith.mulf %broadcast_in_dim3A_450, %bitcast3A_476 : vector<16xf32>
        %add3A_480 = arith.addf %add3A_417, %mul3A_479 : vector<16xf32>
        %get3A_481 = arith.constant 5 : i32
        %get3A_482 = arith.index_cast %scan3A_114 : i32 to index
        %get3A_483 = arith.index_cast %get3A_481 : i32 to index
        %get3A_484 = arith.constant 64 : index
        %get3A_485 = tpu.vector_load %arg16[%get3A_482, %get3A_483, %get3A_484] {strides = array<i32>} : memref<40x8x128xbf16, #tpu.memory_space<vmem>>, vector<32xbf16>,
        %bitcast3A_486 = vector.bitcast %get3A_485 : vector<32xbf16> to vector<16xi32>
        %shift_left3A_487 = arith.constant 16 : i32
        %shift_left3A_488 = vector.broadcast %shift_left3A_487 : i32 to vector<16xi32>
        %shift_left3A_489 = arith.shli %bitcast3A_486, %shift_left3A_488 : vector<16xi32>
        %bitcast3A_490 = vector.bitcast %shift_left3A_489 : vector<16xi32> to vector<16xf32>
        %bitcast3A_491 = vector.bitcast %bitcast3A_486 : vector<16xi32> to vector<16xf32>
        %mul3A_492 = arith.mulf %broadcast_in_dim3A_450, %bitcast3A_490 : vector<16xf32>
        %add3A_493 = arith.addf %add3A_430, %mul3A_492 : vector<16xf32>
        %mul3A_494 = arith.mulf %broadcast_in_dim3A_450, %bitcast3A_491 : vector<16xf32>
        %add3A_495 = arith.addf %add3A_432, %mul3A_494 : vector<16xf32>
        %get3A_496 = arith.constant 5 : i32
        %get3A_497 = arith.index_cast %scan3A_114 : i32 to index
        %get3A_498 = arith.index_cast %get3A_496 : i32 to index
        %get3A_499 = arith.constant 96 : index
        %get3A_500 = tpu.vector_load %arg16[%get3A_497, %get3A_498, %get3A_499] {strides = array<i32>} : memref<40x8x128xbf16, #tpu.memory_space<vmem>>, vector<32xbf16>,
        %bitcast3A_501 = vector.bitcast %get3A_500 : vector<32xbf16> to vector<16xi32>
        %shift_left3A_502 = arith.constant 16 : i32
        %shift_left3A_503 = vector.broadcast %shift_left3A_502 : i32 to vector<16xi32>
        %shift_left3A_504 = arith.shli %bitcast3A_501, %shift_left3A_503 : vector<16xi32>
        %bitcast3A_505 = vector.bitcast %shift_left3A_504 : vector<16xi32> to vector<16xf32>
        %bitcast3A_506 = vector.bitcast %bitcast3A_501 : vector<16xi32> to vector<16xf32>
        %mul3A_507 = arith.mulf %broadcast_in_dim3A_450, %bitcast3A_505 : vector<16xf32>
        %add3A_508 = arith.addf %add3A_445, %mul3A_507 : vector<16xf32>
        %mul3A_509 = arith.mulf %broadcast_in_dim3A_450, %bitcast3A_506 : vector<16xf32>
        %add3A_510 = arith.addf %add3A_447, %mul3A_509 : vector<16xf32>
        %slice3A_511 = vector.extract_strided_slice %mul3A_121 {offsets = [6], sizes = [1], strides = [1]} : vector<16xf32> to vector<1xf32>
        %squeeze3A_512 = vector.extract %slice3A_511[0] : f32 from vector<1xf32>
        %broadcast_in_dim3A_513 = vector.broadcast %squeeze3A_512 : f32 to vector<16xf32>
        %get3A_514 = arith.constant 6 : i32
        %get3A_515 = arith.index_cast %scan3A_114 : i32 to index
        %get3A_516 = arith.index_cast %get3A_514 : i32 to index
        %get3A_517 = arith.constant 0 : index
        %get3A_518 = tpu.vector_load %arg16[%get3A_515, %get3A_516, %get3A_517] {strides = array<i32>} : memref<40x8x128xbf16, #tpu.memory_space<vmem>>, vector<32xbf16>,
        %bitcast3A_519 = vector.bitcast %get3A_518 : vector<32xbf16> to vector<16xi32>
        %shift_left3A_520 = arith.constant 16 : i32
        %shift_left3A_521 = vector.broadcast %shift_left3A_520 : i32 to vector<16xi32>
        %shift_left3A_522 = arith.shli %bitcast3A_519, %shift_left3A_521 : vector<16xi32>
        %bitcast3A_523 = vector.bitcast %shift_left3A_522 : vector<16xi32> to vector<16xf32>
        %bitcast3A_524 = vector.bitcast %bitcast3A_519 : vector<16xi32> to vector<16xf32>
        %mul3A_525 = arith.mulf %broadcast_in_dim3A_513, %bitcast3A_523 : vector<16xf32>
        %add3A_526 = arith.addf %add3A_463, %mul3A_525 : vector<16xf32>
        %mul3A_527 = arith.mulf %broadcast_in_dim3A_513, %bitcast3A_524 : vector<16xf32>
        %add3A_528 = arith.addf %add3A_465, %mul3A_527 : vector<16xf32>
        %get3A_529 = arith.constant 6 : i32
        %get3A_530 = arith.index_cast %scan3A_114 : i32 to index
        %get3A_531 = arith.index_cast %get3A_529 : i32 to index
        %get3A_532 = arith.constant 32 : index
        %get3A_533 = tpu.vector_load %arg16[%get3A_530, %get3A_531, %get3A_532] {strides = array<i32>} : memref<40x8x128xbf16, #tpu.memory_space<vmem>>, vector<32xbf16>,
        %bitcast3A_534 = vector.bitcast %get3A_533 : vector<32xbf16> to vector<16xi32>
        %shift_left3A_535 = arith.constant 16 : i32
        %shift_left3A_536 = vector.broadcast %shift_left3A_535 : i32 to vector<16xi32>
        %shift_left3A_537 = arith.shli %bitcast3A_534, %shift_left3A_536 : vector<16xi32>
        %bitcast3A_538 = vector.bitcast %shift_left3A_537 : vector<16xi32> to vector<16xf32>
        %bitcast3A_539 = vector.bitcast %bitcast3A_534 : vector<16xi32> to vector<16xf32>
        %mul3A_540 = arith.mulf %broadcast_in_dim3A_513, %bitcast3A_538 : vector<16xf32>
        %add3A_541 = arith.addf %add3A_478, %mul3A_540 : vector<16xf32>
        %mul3A_542 = arith.mulf %broadcast_in_dim3A_513, %bitcast3A_539 : vector<16xf32>
        %add3A_543 = arith.addf %add3A_480, %mul3A_542 : vector<16xf32>
        %get3A_544 = arith.constant 6 : i32
        %get3A_545 = arith.index_cast %scan3A_114 : i32 to index
        %get3A_546 = arith.index_cast %get3A_544 : i32 to index
        %get3A_547 = arith.constant 64 : index
        %get3A_548 = tpu.vector_load %arg16[%get3A_545, %get3A_546, %get3A_547] {strides = array<i32>} : memref<40x8x128xbf16, #tpu.memory_space<vmem>>, vector<32xbf16>,
        %bitcast3A_549 = vector.bitcast %get3A_548 : vector<32xbf16> to vector<16xi32>
        %shift_left3A_550 = arith.constant 16 : i32
        %shift_left3A_551 = vector.broadcast %shift_left3A_550 : i32 to vector<16xi32>
        %shift_left3A_552 = arith.shli %bitcast3A_549, %shift_left3A_551 : vector<16xi32>
        %bitcast3A_553 = vector.bitcast %shift_left3A_552 : vector<16xi32> to vector<16xf32>
        %bitcast3A_554 = vector.bitcast %bitcast3A_549 : vector<16xi32> to vector<16xf32>
        %mul3A_555 = arith.mulf %broadcast_in_dim3A_513, %bitcast3A_553 : vector<16xf32>
        %add3A_556 = arith.addf %add3A_493, %mul3A_555 : vector<16xf32>
        %mul3A_557 = arith.mulf %broadcast_in_dim3A_513, %bitcast3A_554 : vector<16xf32>
        %add3A_558 = arith.addf %add3A_495, %mul3A_557 : vector<16xf32>
        %get3A_559 = arith.constant 6 : i32
        %get3A_560 = arith.index_cast %scan3A_114 : i32 to index
        %get3A_561 = arith.index_cast %get3A_559 : i32 to index
        %get3A_562 = arith.constant 96 : index
        %get3A_563 = tpu.vector_load %arg16[%get3A_560, %get3A_561, %get3A_562] {strides = array<i32>} : memref<40x8x128xbf16, #tpu.memory_space<vmem>>, vector<32xbf16>,
        %bitcast3A_564 = vector.bitcast %get3A_563 : vector<32xbf16> to vector<16xi32>
        %shift_left3A_565 = arith.constant 16 : i32
        %shift_left3A_566 = vector.broadcast %shift_left3A_565 : i32 to vector<16xi32>
        %shift_left3A_567 = arith.shli %bitcast3A_564, %shift_left3A_566 : vector<16xi32>
        %bitcast3A_568 = vector.bitcast %shift_left3A_567 : vector<16xi32> to vector<16xf32>
        %bitcast3A_569 = vector.bitcast %bitcast3A_564 : vector<16xi32> to vector<16xf32>
        %mul3A_570 = arith.mulf %broadcast_in_dim3A_513, %bitcast3A_568 : vector<16xf32>
        %add3A_571 = arith.addf %add3A_508, %mul3A_570 : vector<16xf32>
        %mul3A_572 = arith.mulf %broadcast_in_dim3A_513, %bitcast3A_569 : vector<16xf32>
        %add3A_573 = arith.addf %add3A_510, %mul3A_572 : vector<16xf32>
        %slice3A_574 = vector.extract_strided_slice %mul3A_121 {offsets = [7], sizes = [1], strides = [1]} : vector<16xf32> to vector<1xf32>
        %squeeze3A_575 = vector.extract %slice3A_574[0] : f32 from vector<1xf32>
        %broadcast_in_dim3A_576 = vector.broadcast %squeeze3A_575 : f32 to vector<16xf32>
        %get3A_577 = arith.constant 7 : i32
        %get3A_578 = arith.index_cast %scan3A_114 : i32 to index
        %get3A_579 = arith.index_cast %get3A_577 : i32 to index
        %get3A_580 = arith.constant 0 : index
        %get3A_581 = tpu.vector_load %arg16[%get3A_578, %get3A_579, %get3A_580] {strides = array<i32>} : memref<40x8x128xbf16, #tpu.memory_space<vmem>>, vector<32xbf16>,
        %bitcast3A_582 = vector.bitcast %get3A_581 : vector<32xbf16> to vector<16xi32>
        %shift_left3A_583 = arith.constant 16 : i32
        %shift_left3A_584 = vector.broadcast %shift_left3A_583 : i32 to vector<16xi32>
        %shift_left3A_585 = arith.shli %bitcast3A_582, %shift_left3A_584 : vector<16xi32>
        %bitcast3A_586 = vector.bitcast %shift_left3A_585 : vector<16xi32> to vector<16xf32>
        %bitcast3A_587 = vector.bitcast %bitcast3A_582 : vector<16xi32> to vector<16xf32>
        %mul3A_588 = arith.mulf %broadcast_in_dim3A_576, %bitcast3A_586 : vector<16xf32>
        %add3A_589 = arith.addf %add3A_526, %mul3A_588 : vector<16xf32>
        %mul3A_590 = arith.mulf %broadcast_in_dim3A_576, %bitcast3A_587 : vector<16xf32>
        %add3A_591 = arith.addf %add3A_528, %mul3A_590 : vector<16xf32>
        %get3A_592 = arith.constant 7 : i32
        %get3A_593 = arith.index_cast %scan3A_114 : i32 to index
        %get3A_594 = arith.index_cast %get3A_592 : i32 to index
        %get3A_595 = arith.constant 32 : index
        %get3A_596 = tpu.vector_load %arg16[%get3A_593, %get3A_594, %get3A_595] {strides = array<i32>} : memref<40x8x128xbf16, #tpu.memory_space<vmem>>, vector<32xbf16>,
        %bitcast3A_597 = vector.bitcast %get3A_596 : vector<32xbf16> to vector<16xi32>
        %shift_left3A_598 = arith.constant 16 : i32
        %shift_left3A_599 = vector.broadcast %shift_left3A_598 : i32 to vector<16xi32>
        %shift_left3A_600 = arith.shli %bitcast3A_597, %shift_left3A_599 : vector<16xi32>
        %bitcast3A_601 = vector.bitcast %shift_left3A_600 : vector<16xi32> to vector<16xf32>
        %bitcast3A_602 = vector.bitcast %bitcast3A_597 : vector<16xi32> to vector<16xf32>
        %mul3A_603 = arith.mulf %broadcast_in_dim3A_576, %bitcast3A_601 : vector<16xf32>
        %add3A_604 = arith.addf %add3A_541, %mul3A_603 : vector<16xf32>
        %mul3A_605 = arith.mulf %broadcast_in_dim3A_576, %bitcast3A_602 : vector<16xf32>
        %add3A_606 = arith.addf %add3A_543, %mul3A_605 : vector<16xf32>
        %get3A_607 = arith.constant 7 : i32
        %get3A_608 = arith.index_cast %scan3A_114 : i32 to index
        %get3A_609 = arith.index_cast %get3A_607 : i32 to index
        %get3A_610 = arith.constant 64 : index
        %get3A_611 = tpu.vector_load %arg16[%get3A_608, %get3A_609, %get3A_610] {strides = array<i32>} : memref<40x8x128xbf16, #tpu.memory_space<vmem>>, vector<32xbf16>,
        %bitcast3A_612 = vector.bitcast %get3A_611 : vector<32xbf16> to vector<16xi32>
        %shift_left3A_613 = arith.constant 16 : i32
        %shift_left3A_614 = vector.broadcast %shift_left3A_613 : i32 to vector<16xi32>
        %shift_left3A_615 = arith.shli %bitcast3A_612, %shift_left3A_614 : vector<16xi32>
        %bitcast3A_616 = vector.bitcast %shift_left3A_615 : vector<16xi32> to vector<16xf32>
        %bitcast3A_617 = vector.bitcast %bitcast3A_612 : vector<16xi32> to vector<16xf32>
        %mul3A_618 = arith.mulf %broadcast_in_dim3A_576, %bitcast3A_616 : vector<16xf32>
        %add3A_619 = arith.addf %add3A_556, %mul3A_618 : vector<16xf32>
        %mul3A_620 = arith.mulf %broadcast_in_dim3A_576, %bitcast3A_617 : vector<16xf32>
        %add3A_621 = arith.addf %add3A_558, %mul3A_620 : vector<16xf32>
        %get3A_622 = arith.constant 7 : i32
        %get3A_623 = arith.index_cast %scan3A_114 : i32 to index
        %get3A_624 = arith.index_cast %get3A_622 : i32 to index
        %get3A_625 = arith.constant 96 : index
        %get3A_626 = tpu.vector_load %arg16[%get3A_623, %get3A_624, %get3A_625] {strides = array<i32>} : memref<40x8x128xbf16, #tpu.memory_space<vmem>>, vector<32xbf16>,
        %bitcast3A_627 = vector.bitcast %get3A_626 : vector<32xbf16> to vector<16xi32>
        %shift_left3A_628 = arith.constant 16 : i32
        %shift_left3A_629 = vector.broadcast %shift_left3A_628 : i32 to vector<16xi32>
        %shift_left3A_630 = arith.shli %bitcast3A_627, %shift_left3A_629 : vector<16xi32>
        %bitcast3A_631 = vector.bitcast %shift_left3A_630 : vector<16xi32> to vector<16xf32>
        %bitcast3A_632 = vector.bitcast %bitcast3A_627 : vector<16xi32> to vector<16xf32>
        %mul3A_633 = arith.mulf %broadcast_in_dim3A_576, %bitcast3A_631 : vector<16xf32>
        %add3A_634 = arith.addf %add3A_571, %mul3A_633 : vector<16xf32>
        %mul3A_635 = arith.mulf %broadcast_in_dim3A_576, %bitcast3A_632 : vector<16xf32>
        %add3A_636 = arith.addf %add3A_573, %mul3A_635 : vector<16xf32>
        %swap3A = arith.index_cast %scan3A_114 : i32 to index
        %swap3A_637 = arith.constant 0 : index
        %swap3A_638 = tpu.vector_load %arg17[%swap3A, %swap3A_637] {strides = array<i32>} : memref<40x128xf32, #tpu.memory_space<vmem>>, vector<16xf32>,
        tpu.vector_store %arg17[%swap3A, %swap3A_637], %add3A_589 {strides = array<i32>} : memref<40x128xf32, #tpu.memory_space<vmem>>, vector<16xf32>,
        %swap3A_639 = arith.index_cast %scan3A_114 : i32 to index
        %swap3A_640 = arith.constant 16 : index
        %swap3A_641 = tpu.vector_load %arg17[%swap3A_639, %swap3A_640] {strides = array<i32>} : memref<40x128xf32, #tpu.memory_space<vmem>>, vector<16xf32>,
        tpu.vector_store %arg17[%swap3A_639, %swap3A_640], %add3A_591 {strides = array<i32>} : memref<40x128xf32, #tpu.memory_space<vmem>>, vector<16xf32>,
        %swap3A_642 = arith.index_cast %scan3A_114 : i32 to index
        %swap3A_643 = arith.constant 32 : index
        %swap3A_644 = tpu.vector_load %arg17[%swap3A_642, %swap3A_643] {strides = array<i32>} : memref<40x128xf32, #tpu.memory_space<vmem>>, vector<16xf32>,
        tpu.vector_store %arg17[%swap3A_642, %swap3A_643], %add3A_604 {strides = array<i32>} : memref<40x128xf32, #tpu.memory_space<vmem>>, vector<16xf32>,
        %swap3A_645 = arith.index_cast %scan3A_114 : i32 to index
        %swap3A_646 = arith.constant 48 : index
        %swap3A_647 = tpu.vector_load %arg17[%swap3A_645, %swap3A_646] {strides = array<i32>} : memref<40x128xf32, #tpu.memory_space<vmem>>, vector<16xf32>,
        tpu.vector_store %arg17[%swap3A_645, %swap3A_646], %add3A_606 {strides = array<i32>} : memref<40x128xf32, #tpu.memory_space<vmem>>, vector<16xf32>,
        %swap3A_648 = arith.index_cast %scan3A_114 : i32 to index
        %swap3A_649 = arith.constant 64 : index
        %swap3A_650 = tpu.vector_load %arg17[%swap3A_648, %swap3A_649] {strides = array<i32>} : memref<40x128xf32, #tpu.memory_space<vmem>>, vector<16xf32>,
        tpu.vector_store %arg17[%swap3A_648, %swap3A_649], %add3A_619 {strides = array<i32>} : memref<40x128xf32, #tpu.memory_space<vmem>>, vector<16xf32>,
        %swap3A_651 = arith.index_cast %scan3A_114 : i32 to index
        %swap3A_652 = arith.constant 80 : index
        %swap3A_653 = tpu.vector_load %arg17[%swap3A_651, %swap3A_652] {strides = array<i32>} : memref<40x128xf32, #tpu.memory_space<vmem>>, vector<16xf32>,
        tpu.vector_store %arg17[%swap3A_651, %swap3A_652], %add3A_621 {strides = array<i32>} : memref<40x128xf32, #tpu.memory_space<vmem>>, vector<16xf32>,
        %swap3A_654 = arith.index_cast %scan3A_114 : i32 to index
        %swap3A_655 = arith.constant 96 : index
        %swap3A_656 = tpu.vector_load %arg17[%swap3A_654, %swap3A_655] {strides = array<i32>} : memref<40x128xf32, #tpu.memory_space<vmem>>, vector<16xf32>,
        tpu.vector_store %arg17[%swap3A_654, %swap3A_655], %add3A_634 {strides = array<i32>} : memref<40x128xf32, #tpu.memory_space<vmem>>, vector<16xf32>,
        %swap3A_657 = arith.index_cast %scan3A_114 : i32 to index
        %swap3A_658 = arith.constant 112 : index
        %swap3A_659 = tpu.vector_load %arg17[%swap3A_657, %swap3A_658] {strides = array<i32>} : memref<40x128xf32, #tpu.memory_space<vmem>>, vector<16xf32>,
        tpu.vector_store %arg17[%swap3A_657, %swap3A_658], %add3A_636 {strides = array<i32>} : memref<40x128xf32, #tpu.memory_space<vmem>>, vector<16xf32>,
        %scan3A_660 = arith.constant 0 : i32
        %scan3A_661 = arith.constant 1 : i32
        %scan3A_662 = arith.addi %scan3A_114, %scan3A_661 : i32
        %get3A_663 = arith.index_cast %scan3A_662 : i32 to index
        %get3A_664 = arith.constant 0 : index
        %get3A_665 = tpu.vector_load %arg14[%get3A_663, %get3A_664] {strides = array<i32>} : memref<40x16xf32, #tpu.memory_space<vmem>>, vector<16xf32>,
        %get3A_666 = arith.index_cast %scan3A_662 : i32 to index
        %get3A_667 = arith.constant 0 : index
        %get3A_668 = tpu.vector_load %arg15[%get3A_666, %get3A_667] {strides = array<i32>} : memref<40x16xf32, #tpu.memory_space<vmem>>, vector<16xf32>,
        %mul3A_669 = arith.mulf %get3A_665, %get3A_668 : vector<16xf32>
        %broadcast_in_dim3A_670 = arith.constant 0.000000e+00 : f32
        %broadcast_in_dim3A_671 = vector.broadcast %broadcast_in_dim3A_670 : f32 to vector<16xf32>
        %broadcast_in_dim3A_672 = arith.constant 0.000000e+00 : f32
        %broadcast_in_dim3A_673 = vector.broadcast %broadcast_in_dim3A_672 : f32 to vector<16xf32>
        %broadcast_in_dim3A_674 = arith.constant 0.000000e+00 : f32
        %broadcast_in_dim3A_675 = vector.broadcast %broadcast_in_dim3A_674 : f32 to vector<16xf32>
        %broadcast_in_dim3A_676 = arith.constant 0.000000e+00 : f32
        %broadcast_in_dim3A_677 = vector.broadcast %broadcast_in_dim3A_676 : f32 to vector<16xf32>
        %broadcast_in_dim3A_678 = arith.constant 0.000000e+00 : f32
        %broadcast_in_dim3A_679 = vector.broadcast %broadcast_in_dim3A_678 : f32 to vector<16xf32>
        %broadcast_in_dim3A_680 = arith.constant 0.000000e+00 : f32
        %broadcast_in_dim3A_681 = vector.broadcast %broadcast_in_dim3A_680 : f32 to vector<16xf32>
        %broadcast_in_dim3A_682 = arith.constant 0.000000e+00 : f32
        %broadcast_in_dim3A_683 = vector.broadcast %broadcast_in_dim3A_682 : f32 to vector<16xf32>
        %broadcast_in_dim3A_684 = arith.constant 0.000000e+00 : f32
        %broadcast_in_dim3A_685 = vector.broadcast %broadcast_in_dim3A_684 : f32 to vector<16xf32>
        %slice3A_686 = vector.extract_strided_slice %mul3A_669 {offsets = [0], sizes = [1], strides = [1]} : vector<16xf32> to vector<1xf32>
        %squeeze3A_687 = vector.extract %slice3A_686[0] : f32 from vector<1xf32>
        %broadcast_in_dim3A_688 = vector.broadcast %squeeze3A_687 : f32 to vector<16xf32>
        %get3A_689 = arith.constant 0 : i32
        %get3A_690 = arith.index_cast %scan3A_662 : i32 to index
        %get3A_691 = arith.index_cast %get3A_689 : i32 to index
        %get3A_692 = arith.constant 0 : index
        %get3A_693 = tpu.vector_load %arg16[%get3A_690, %get3A_691, %get3A_692] {strides = array<i32>} : memref<40x8x128xbf16, #tpu.memory_space<vmem>>, vector<32xbf16>,
        %bitcast3A_694 = vector.bitcast %get3A_693 : vector<32xbf16> to vector<16xi32>
        %shift_left3A_695 = arith.constant 16 : i32
        %shift_left3A_696 = vector.broadcast %shift_left3A_695 : i32 to vector<16xi32>
        %shift_left3A_697 = arith.shli %bitcast3A_694, %shift_left3A_696 : vector<16xi32>
        %bitcast3A_698 = vector.bitcast %shift_left3A_697 : vector<16xi32> to vector<16xf32>
        %bitcast3A_699 = vector.bitcast %bitcast3A_694 : vector<16xi32> to vector<16xf32>
        %mul3A_700 = arith.mulf %broadcast_in_dim3A_688, %bitcast3A_698 : vector<16xf32>
        %add3A_701 = arith.addf %broadcast_in_dim3A_671, %mul3A_700 : vector<16xf32>
        %mul3A_702 = arith.mulf %broadcast_in_dim3A_688, %bitcast3A_699 : vector<16xf32>
        %add3A_703 = arith.addf %broadcast_in_dim3A_673, %mul3A_702 : vector<16xf32>
        %get3A_704 = arith.constant 0 : i32
        %get3A_705 = arith.index_cast %scan3A_662 : i32 to index
        %get3A_706 = arith.index_cast %get3A_704 : i32 to index
        %get3A_707 = arith.constant 32 : index
        %get3A_708 = tpu.vector_load %arg16[%get3A_705, %get3A_706, %get3A_707] {strides = array<i32>} : memref<40x8x128xbf16, #tpu.memory_space<vmem>>, vector<32xbf16>,
        %bitcast3A_709 = vector.bitcast %get3A_708 : vector<32xbf16> to vector<16xi32>
        %shift_left3A_710 = arith.constant 16 : i32
        %shift_left3A_711 = vector.broadcast %shift_left3A_710 : i32 to vector<16xi32>
        %shift_left3A_712 = arith.shli %bitcast3A_709, %shift_left3A_711 : vector<16xi32>
        %bitcast3A_713 = vector.bitcast %shift_left3A_712 : vector<16xi32> to vector<16xf32>
        %bitcast3A_714 = vector.bitcast %bitcast3A_709 : vector<16xi32> to vector<16xf32>
        %mul3A_715 = arith.mulf %broadcast_in_dim3A_688, %bitcast3A_713 : vector<16xf32>
        %add3A_716 = arith.addf %broadcast_in_dim3A_675, %mul3A_715 : vector<16xf32>
        %mul3A_717 = arith.mulf %broadcast_in_dim3A_688, %bitcast3A_714 : vector<16xf32>
        %add3A_718 = arith.addf %broadcast_in_dim3A_677, %mul3A_717 : vector<16xf32>
        %get3A_719 = arith.constant 0 : i32
        %get3A_720 = arith.index_cast %scan3A_662 : i32 to index
        %get3A_721 = arith.index_cast %get3A_719 : i32 to index
        %get3A_722 = arith.constant 64 : index
        %get3A_723 = tpu.vector_load %arg16[%get3A_720, %get3A_721, %get3A_722] {strides = array<i32>} : memref<40x8x128xbf16, #tpu.memory_space<vmem>>, vector<32xbf16>,
        %bitcast3A_724 = vector.bitcast %get3A_723 : vector<32xbf16> to vector<16xi32>
        %shift_left3A_725 = arith.constant 16 : i32
        %shift_left3A_726 = vector.broadcast %shift_left3A_725 : i32 to vector<16xi32>
        %shift_left3A_727 = arith.shli %bitcast3A_724, %shift_left3A_726 : vector<16xi32>
        %bitcast3A_728 = vector.bitcast %shift_left3A_727 : vector<16xi32> to vector<16xf32>
        %bitcast3A_729 = vector.bitcast %bitcast3A_724 : vector<16xi32> to vector<16xf32>
        %mul3A_730 = arith.mulf %broadcast_in_dim3A_688, %bitcast3A_728 : vector<16xf32>
        %add3A_731 = arith.addf %broadcast_in_dim3A_679, %mul3A_730 : vector<16xf32>
        %mul3A_732 = arith.mulf %broadcast_in_dim3A_688, %bitcast3A_729 : vector<16xf32>
        %add3A_733 = arith.addf %broadcast_in_dim3A_681, %mul3A_732 : vector<16xf32>
        %get3A_734 = arith.constant 0 : i32
        %get3A_735 = arith.index_cast %scan3A_662 : i32 to index
        %get3A_736 = arith.index_cast %get3A_734 : i32 to index
        %get3A_737 = arith.constant 96 : index
        %get3A_738 = tpu.vector_load %arg16[%get3A_735, %get3A_736, %get3A_737] {strides = array<i32>} : memref<40x8x128xbf16, #tpu.memory_space<vmem>>, vector<32xbf16>,
        %bitcast3A_739 = vector.bitcast %get3A_738 : vector<32xbf16> to vector<16xi32>
        %shift_left3A_740 = arith.constant 16 : i32
        %shift_left3A_741 = vector.broadcast %shift_left3A_740 : i32 to vector<16xi32>
        %shift_left3A_742 = arith.shli %bitcast3A_739, %shift_left3A_741 : vector<16xi32>
        %bitcast3A_743 = vector.bitcast %shift_left3A_742 : vector<16xi32> to vector<16xf32>
        %bitcast3A_744 = vector.bitcast %bitcast3A_739 : vector<16xi32> to vector<16xf32>
        %mul3A_745 = arith.mulf %broadcast_in_dim3A_688, %bitcast3A_743 : vector<16xf32>
        %add3A_746 = arith.addf %broadcast_in_dim3A_683, %mul3A_745 : vector<16xf32>
        %mul3A_747 = arith.mulf %broadcast_in_dim3A_688, %bitcast3A_744 : vector<16xf32>
        %add3A_748 = arith.addf %broadcast_in_dim3A_685, %mul3A_747 : vector<16xf32>
        %slice3A_749 = vector.extract_strided_slice %mul3A_669 {offsets = [1], sizes = [1], strides = [1]} : vector<16xf32> to vector<1xf32>
        %squeeze3A_750 = vector.extract %slice3A_749[0] : f32 from vector<1xf32>
        %broadcast_in_dim3A_751 = vector.broadcast %squeeze3A_750 : f32 to vector<16xf32>
        %get3A_752 = arith.constant 1 : i32
        %get3A_753 = arith.index_cast %scan3A_662 : i32 to index
        %get3A_754 = arith.index_cast %get3A_752 : i32 to index
        %get3A_755 = arith.constant 0 : index
        %get3A_756 = tpu.vector_load %arg16[%get3A_753, %get3A_754, %get3A_755] {strides = array<i32>} : memref<40x8x128xbf16, #tpu.memory_space<vmem>>, vector<32xbf16>,
        %bitcast3A_757 = vector.bitcast %get3A_756 : vector<32xbf16> to vector<16xi32>
        %shift_left3A_758 = arith.constant 16 : i32
        %shift_left3A_759 = vector.broadcast %shift_left3A_758 : i32 to vector<16xi32>
        %shift_left3A_760 = arith.shli %bitcast3A_757, %shift_left3A_759 : vector<16xi32>
        %bitcast3A_761 = vector.bitcast %shift_left3A_760 : vector<16xi32> to vector<16xf32>
        %bitcast3A_762 = vector.bitcast %bitcast3A_757 : vector<16xi32> to vector<16xf32>
        %mul3A_763 = arith.mulf %broadcast_in_dim3A_751, %bitcast3A_761 : vector<16xf32>
        %add3A_764 = arith.addf %add3A_701, %mul3A_763 : vector<16xf32>
        %mul3A_765 = arith.mulf %broadcast_in_dim3A_751, %bitcast3A_762 : vector<16xf32>
        %add3A_766 = arith.addf %add3A_703, %mul3A_765 : vector<16xf32>
        %get3A_767 = arith.constant 1 : i32
        %get3A_768 = arith.index_cast %scan3A_662 : i32 to index
        %get3A_769 = arith.index_cast %get3A_767 : i32 to index
        %get3A_770 = arith.constant 32 : index
        %get3A_771 = tpu.vector_load %arg16[%get3A_768, %get3A_769, %get3A_770] {strides = array<i32>} : memref<40x8x128xbf16, #tpu.memory_space<vmem>>, vector<32xbf16>,
        %bitcast3A_772 = vector.bitcast %get3A_771 : vector<32xbf16> to vector<16xi32>
        %shift_left3A_773 = arith.constant 16 : i32
        %shift_left3A_774 = vector.broadcast %shift_left3A_773 : i32 to vector<16xi32>
        %shift_left3A_775 = arith.shli %bitcast3A_772, %shift_left3A_774 : vector<16xi32>
        %bitcast3A_776 = vector.bitcast %shift_left3A_775 : vector<16xi32> to vector<16xf32>
        %bitcast3A_777 = vector.bitcast %bitcast3A_772 : vector<16xi32> to vector<16xf32>
        %mul3A_778 = arith.mulf %broadcast_in_dim3A_751, %bitcast3A_776 : vector<16xf32>
        %add3A_779 = arith.addf %add3A_716, %mul3A_778 : vector<16xf32>
        %mul3A_780 = arith.mulf %broadcast_in_dim3A_751, %bitcast3A_777 : vector<16xf32>
        %add3A_781 = arith.addf %add3A_718, %mul3A_780 : vector<16xf32>
        %get3A_782 = arith.constant 1 : i32
        %get3A_783 = arith.index_cast %scan3A_662 : i32 to index
        %get3A_784 = arith.index_cast %get3A_782 : i32 to index
        %get3A_785 = arith.constant 64 : index
        %get3A_786 = tpu.vector_load %arg16[%get3A_783, %get3A_784, %get3A_785] {strides = array<i32>} : memref<40x8x128xbf16, #tpu.memory_space<vmem>>, vector<32xbf16>,
        %bitcast3A_787 = vector.bitcast %get3A_786 : vector<32xbf16> to vector<16xi32>
        %shift_left3A_788 = arith.constant 16 : i32
        %shift_left3A_789 = vector.broadcast %shift_left3A_788 : i32 to vector<16xi32>
        %shift_left3A_790 = arith.shli %bitcast3A_787, %shift_left3A_789 : vector<16xi32>
        %bitcast3A_791 = vector.bitcast %shift_left3A_790 : vector<16xi32> to vector<16xf32>
        %bitcast3A_792 = vector.bitcast %bitcast3A_787 : vector<16xi32> to vector<16xf32>
        %mul3A_793 = arith.mulf %broadcast_in_dim3A_751, %bitcast3A_791 : vector<16xf32>
        %add3A_794 = arith.addf %add3A_731, %mul3A_793 : vector<16xf32>
        %mul3A_795 = arith.mulf %broadcast_in_dim3A_751, %bitcast3A_792 : vector<16xf32>
        %add3A_796 = arith.addf %add3A_733, %mul3A_795 : vector<16xf32>
        %get3A_797 = arith.constant 1 : i32
        %get3A_798 = arith.index_cast %scan3A_662 : i32 to index
        %get3A_799 = arith.index_cast %get3A_797 : i32 to index
        %get3A_800 = arith.constant 96 : index
        %get3A_801 = tpu.vector_load %arg16[%get3A_798, %get3A_799, %get3A_800] {strides = array<i32>} : memref<40x8x128xbf16, #tpu.memory_space<vmem>>, vector<32xbf16>,
        %bitcast3A_802 = vector.bitcast %get3A_801 : vector<32xbf16> to vector<16xi32>
        %shift_left3A_803 = arith.constant 16 : i32
        %shift_left3A_804 = vector.broadcast %shift_left3A_803 : i32 to vector<16xi32>
        %shift_left3A_805 = arith.shli %bitcast3A_802, %shift_left3A_804 : vector<16xi32>
        %bitcast3A_806 = vector.bitcast %shift_left3A_805 : vector<16xi32> to vector<16xf32>
        %bitcast3A_807 = vector.bitcast %bitcast3A_802 : vector<16xi32> to vector<16xf32>
        %mul3A_808 = arith.mulf %broadcast_in_dim3A_751, %bitcast3A_806 : vector<16xf32>
        %add3A_809 = arith.addf %add3A_746, %mul3A_808 : vector<16xf32>
        %mul3A_810 = arith.mulf %broadcast_in_dim3A_751, %bitcast3A_807 : vector<16xf32>
        %add3A_811 = arith.addf %add3A_748, %mul3A_810 : vector<16xf32>
        %slice3A_812 = vector.extract_strided_slice %mul3A_669 {offsets = [2], sizes = [1], strides = [1]} : vector<16xf32> to vector<1xf32>
        %squeeze3A_813 = vector.extract %slice3A_812[0] : f32 from vector<1xf32>
        %broadcast_in_dim3A_814 = vector.broadcast %squeeze3A_813 : f32 to vector<16xf32>
        %get3A_815 = arith.constant 2 : i32
        %get3A_816 = arith.index_cast %scan3A_662 : i32 to index
        %get3A_817 = arith.index_cast %get3A_815 : i32 to index
        %get3A_818 = arith.constant 0 : index
        %get3A_819 = tpu.vector_load %arg16[%get3A_816, %get3A_817, %get3A_818] {strides = array<i32>} : memref<40x8x128xbf16, #tpu.memory_space<vmem>>, vector<32xbf16>,
        %bitcast3A_820 = vector.bitcast %get3A_819 : vector<32xbf16> to vector<16xi32>
        %shift_left3A_821 = arith.constant 16 : i32
        %shift_left3A_822 = vector.broadcast %shift_left3A_821 : i32 to vector<16xi32>
        %shift_left3A_823 = arith.shli %bitcast3A_820, %shift_left3A_822 : vector<16xi32>
        %bitcast3A_824 = vector.bitcast %shift_left3A_823 : vector<16xi32> to vector<16xf32>
        %bitcast3A_825 = vector.bitcast %bitcast3A_820 : vector<16xi32> to vector<16xf32>
        %mul3A_826 = arith.mulf %broadcast_in_dim3A_814, %bitcast3A_824 : vector<16xf32>
        %add3A_827 = arith.addf %add3A_764, %mul3A_826 : vector<16xf32>
        %mul3A_828 = arith.mulf %broadcast_in_dim3A_814, %bitcast3A_825 : vector<16xf32>
        %add3A_829 = arith.addf %add3A_766, %mul3A_828 : vector<16xf32>
        %get3A_830 = arith.constant 2 : i32
        %get3A_831 = arith.index_cast %scan3A_662 : i32 to index
        %get3A_832 = arith.index_cast %get3A_830 : i32 to index
        %get3A_833 = arith.constant 32 : index
        %get3A_834 = tpu.vector_load %arg16[%get3A_831, %get3A_832, %get3A_833] {strides = array<i32>} : memref<40x8x128xbf16, #tpu.memory_space<vmem>>, vector<32xbf16>,
        %bitcast3A_835 = vector.bitcast %get3A_834 : vector<32xbf16> to vector<16xi32>
        %shift_left3A_836 = arith.constant 16 : i32
        %shift_left3A_837 = vector.broadcast %shift_left3A_836 : i32 to vector<16xi32>
        %shift_left3A_838 = arith.shli %bitcast3A_835, %shift_left3A_837 : vector<16xi32>
        %bitcast3A_839 = vector.bitcast %shift_left3A_838 : vector<16xi32> to vector<16xf32>
        %bitcast3A_840 = vector.bitcast %bitcast3A_835 : vector<16xi32> to vector<16xf32>
        %mul3A_841 = arith.mulf %broadcast_in_dim3A_814, %bitcast3A_839 : vector<16xf32>
        %add3A_842 = arith.addf %add3A_779, %mul3A_841 : vector<16xf32>
        %mul3A_843 = arith.mulf %broadcast_in_dim3A_814, %bitcast3A_840 : vector<16xf32>
        %add3A_844 = arith.addf %add3A_781, %mul3A_843 : vector<16xf32>
        %get3A_845 = arith.constant 2 : i32
        %get3A_846 = arith.index_cast %scan3A_662 : i32 to index
        %get3A_847 = arith.index_cast %get3A_845 : i32 to index
        %get3A_848 = arith.constant 64 : index
        %get3A_849 = tpu.vector_load %arg16[%get3A_846, %get3A_847, %get3A_848] {strides = array<i32>} : memref<40x8x128xbf16, #tpu.memory_space<vmem>>, vector<32xbf16>,
        %bitcast3A_850 = vector.bitcast %get3A_849 : vector<32xbf16> to vector<16xi32>
        %shift_left3A_851 = arith.constant 16 : i32
        %shift_left3A_852 = vector.broadcast %shift_left3A_851 : i32 to vector<16xi32>
        %shift_left3A_853 = arith.shli %bitcast3A_850, %shift_left3A_852 : vector<16xi32>
        %bitcast3A_854 = vector.bitcast %shift_left3A_853 : vector<16xi32> to vector<16xf32>
        %bitcast3A_855 = vector.bitcast %bitcast3A_850 : vector<16xi32> to vector<16xf32>
        %mul3A_856 = arith.mulf %broadcast_in_dim3A_814, %bitcast3A_854 : vector<16xf32>
        %add3A_857 = arith.addf %add3A_794, %mul3A_856 : vector<16xf32>
        %mul3A_858 = arith.mulf %broadcast_in_dim3A_814, %bitcast3A_855 : vector<16xf32>
        %add3A_859 = arith.addf %add3A_796, %mul3A_858 : vector<16xf32>
        %get3A_860 = arith.constant 2 : i32
        %get3A_861 = arith.index_cast %scan3A_662 : i32 to index
        %get3A_862 = arith.index_cast %get3A_860 : i32 to index
        %get3A_863 = arith.constant 96 : index
        %get3A_864 = tpu.vector_load %arg16[%get3A_861, %get3A_862, %get3A_863] {strides = array<i32>} : memref<40x8x128xbf16, #tpu.memory_space<vmem>>, vector<32xbf16>,
        %bitcast3A_865 = vector.bitcast %get3A_864 : vector<32xbf16> to vector<16xi32>
        %shift_left3A_866 = arith.constant 16 : i32
        %shift_left3A_867 = vector.broadcast %shift_left3A_866 : i32 to vector<16xi32>
        %shift_left3A_868 = arith.shli %bitcast3A_865, %shift_left3A_867 : vector<16xi32>
        %bitcast3A_869 = vector.bitcast %shift_left3A_868 : vector<16xi32> to vector<16xf32>
        %bitcast3A_870 = vector.bitcast %bitcast3A_865 : vector<16xi32> to vector<16xf32>
        %mul3A_871 = arith.mulf %broadcast_in_dim3A_814, %bitcast3A_869 : vector<16xf32>
        %add3A_872 = arith.addf %add3A_809, %mul3A_871 : vector<16xf32>
        %mul3A_873 = arith.mulf %broadcast_in_dim3A_814, %bitcast3A_870 : vector<16xf32>
        %add3A_874 = arith.addf %add3A_811, %mul3A_873 : vector<16xf32>
        %slice3A_875 = vector.extract_strided_slice %mul3A_669 {offsets = [3], sizes = [1], strides = [1]} : vector<16xf32> to vector<1xf32>
        %squeeze3A_876 = vector.extract %slice3A_875[0] : f32 from vector<1xf32>
        %broadcast_in_dim3A_877 = vector.broadcast %squeeze3A_876 : f32 to vector<16xf32>
        %get3A_878 = arith.constant 3 : i32
        %get3A_879 = arith.index_cast %scan3A_662 : i32 to index
        %get3A_880 = arith.index_cast %get3A_878 : i32 to index
        %get3A_881 = arith.constant 0 : index
        %get3A_882 = tpu.vector_load %arg16[%get3A_879, %get3A_880, %get3A_881] {strides = array<i32>} : memref<40x8x128xbf16, #tpu.memory_space<vmem>>, vector<32xbf16>,
        %bitcast3A_883 = vector.bitcast %get3A_882 : vector<32xbf16> to vector<16xi32>
        %shift_left3A_884 = arith.constant 16 : i32
        %shift_left3A_885 = vector.broadcast %shift_left3A_884 : i32 to vector<16xi32>
        %shift_left3A_886 = arith.shli %bitcast3A_883, %shift_left3A_885 : vector<16xi32>
        %bitcast3A_887 = vector.bitcast %shift_left3A_886 : vector<16xi32> to vector<16xf32>
        %bitcast3A_888 = vector.bitcast %bitcast3A_883 : vector<16xi32> to vector<16xf32>
        %mul3A_889 = arith.mulf %broadcast_in_dim3A_877, %bitcast3A_887 : vector<16xf32>
        %add3A_890 = arith.addf %add3A_827, %mul3A_889 : vector<16xf32>
        %mul3A_891 = arith.mulf %broadcast_in_dim3A_877, %bitcast3A_888 : vector<16xf32>
        %add3A_892 = arith.addf %add3A_829, %mul3A_891 : vector<16xf32>
        %get3A_893 = arith.constant 3 : i32
        %get3A_894 = arith.index_cast %scan3A_662 : i32 to index
        %get3A_895 = arith.index_cast %get3A_893 : i32 to index
        %get3A_896 = arith.constant 32 : index
        %get3A_897 = tpu.vector_load %arg16[%get3A_894, %get3A_895, %get3A_896] {strides = array<i32>} : memref<40x8x128xbf16, #tpu.memory_space<vmem>>, vector<32xbf16>,
        %bitcast3A_898 = vector.bitcast %get3A_897 : vector<32xbf16> to vector<16xi32>
        %shift_left3A_899 = arith.constant 16 : i32
        %shift_left3A_900 = vector.broadcast %shift_left3A_899 : i32 to vector<16xi32>
        %shift_left3A_901 = arith.shli %bitcast3A_898, %shift_left3A_900 : vector<16xi32>
        %bitcast3A_902 = vector.bitcast %shift_left3A_901 : vector<16xi32> to vector<16xf32>
        %bitcast3A_903 = vector.bitcast %bitcast3A_898 : vector<16xi32> to vector<16xf32>
        %mul3A_904 = arith.mulf %broadcast_in_dim3A_877, %bitcast3A_902 : vector<16xf32>
        %add3A_905 = arith.addf %add3A_842, %mul3A_904 : vector<16xf32>
        %mul3A_906 = arith.mulf %broadcast_in_dim3A_877, %bitcast3A_903 : vector<16xf32>
        %add3A_907 = arith.addf %add3A_844, %mul3A_906 : vector<16xf32>
        %get3A_908 = arith.constant 3 : i32
        %get3A_909 = arith.index_cast %scan3A_662 : i32 to index
        %get3A_910 = arith.index_cast %get3A_908 : i32 to index
        %get3A_911 = arith.constant 64 : index
        %get3A_912 = tpu.vector_load %arg16[%get3A_909, %get3A_910, %get3A_911] {strides = array<i32>} : memref<40x8x128xbf16, #tpu.memory_space<vmem>>, vector<32xbf16>,
        %bitcast3A_913 = vector.bitcast %get3A_912 : vector<32xbf16> to vector<16xi32>
        %shift_left3A_914 = arith.constant 16 : i32
        %shift_left3A_915 = vector.broadcast %shift_left3A_914 : i32 to vector<16xi32>
        %shift_left3A_916 = arith.shli %bitcast3A_913, %shift_left3A_915 : vector<16xi32>
        %bitcast3A_917 = vector.bitcast %shift_left3A_916 : vector<16xi32> to vector<16xf32>
        %bitcast3A_918 = vector.bitcast %bitcast3A_913 : vector<16xi32> to vector<16xf32>
        %mul3A_919 = arith.mulf %broadcast_in_dim3A_877, %bitcast3A_917 : vector<16xf32>
        %add3A_920 = arith.addf %add3A_857, %mul3A_919 : vector<16xf32>
        %mul3A_921 = arith.mulf %broadcast_in_dim3A_877, %bitcast3A_918 : vector<16xf32>
        %add3A_922 = arith.addf %add3A_859, %mul3A_921 : vector<16xf32>
        %get3A_923 = arith.constant 3 : i32
        %get3A_924 = arith.index_cast %scan3A_662 : i32 to index
        %get3A_925 = arith.index_cast %get3A_923 : i32 to index
        %get3A_926 = arith.constant 96 : index
        %get3A_927 = tpu.vector_load %arg16[%get3A_924, %get3A_925, %get3A_926] {strides = array<i32>} : memref<40x8x128xbf16, #tpu.memory_space<vmem>>, vector<32xbf16>,
        %bitcast3A_928 = vector.bitcast %get3A_927 : vector<32xbf16> to vector<16xi32>
        %shift_left3A_929 = arith.constant 16 : i32
        %shift_left3A_930 = vector.broadcast %shift_left3A_929 : i32 to vector<16xi32>
        %shift_left3A_931 = arith.shli %bitcast3A_928, %shift_left3A_930 : vector<16xi32>
        %bitcast3A_932 = vector.bitcast %shift_left3A_931 : vector<16xi32> to vector<16xf32>
        %bitcast3A_933 = vector.bitcast %bitcast3A_928 : vector<16xi32> to vector<16xf32>
        %mul3A_934 = arith.mulf %broadcast_in_dim3A_877, %bitcast3A_932 : vector<16xf32>
        %add3A_935 = arith.addf %add3A_872, %mul3A_934 : vector<16xf32>
        %mul3A_936 = arith.mulf %broadcast_in_dim3A_877, %bitcast3A_933 : vector<16xf32>
        %add3A_937 = arith.addf %add3A_874, %mul3A_936 : vector<16xf32>
        %slice3A_938 = vector.extract_strided_slice %mul3A_669 {offsets = [4], sizes = [1], strides = [1]} : vector<16xf32> to vector<1xf32>
        %squeeze3A_939 = vector.extract %slice3A_938[0] : f32 from vector<1xf32>
        %broadcast_in_dim3A_940 = vector.broadcast %squeeze3A_939 : f32 to vector<16xf32>
        %get3A_941 = arith.constant 4 : i32
        %get3A_942 = arith.index_cast %scan3A_662 : i32 to index
        %get3A_943 = arith.index_cast %get3A_941 : i32 to index
        %get3A_944 = arith.constant 0 : index
        %get3A_945 = tpu.vector_load %arg16[%get3A_942, %get3A_943, %get3A_944] {strides = array<i32>} : memref<40x8x128xbf16, #tpu.memory_space<vmem>>, vector<32xbf16>,
        %bitcast3A_946 = vector.bitcast %get3A_945 : vector<32xbf16> to vector<16xi32>
        %shift_left3A_947 = arith.constant 16 : i32
        %shift_left3A_948 = vector.broadcast %shift_left3A_947 : i32 to vector<16xi32>
        %shift_left3A_949 = arith.shli %bitcast3A_946, %shift_left3A_948 : vector<16xi32>
        %bitcast3A_950 = vector.bitcast %shift_left3A_949 : vector<16xi32> to vector<16xf32>
        %bitcast3A_951 = vector.bitcast %bitcast3A_946 : vector<16xi32> to vector<16xf32>
        %mul3A_952 = arith.mulf %broadcast_in_dim3A_940, %bitcast3A_950 : vector<16xf32>
        %add3A_953 = arith.addf %add3A_890, %mul3A_952 : vector<16xf32>
        %mul3A_954 = arith.mulf %broadcast_in_dim3A_940, %bitcast3A_951 : vector<16xf32>
        %add3A_955 = arith.addf %add3A_892, %mul3A_954 : vector<16xf32>
        %get3A_956 = arith.constant 4 : i32
        %get3A_957 = arith.index_cast %scan3A_662 : i32 to index
        %get3A_958 = arith.index_cast %get3A_956 : i32 to index
        %get3A_959 = arith.constant 32 : index
        %get3A_960 = tpu.vector_load %arg16[%get3A_957, %get3A_958, %get3A_959] {strides = array<i32>} : memref<40x8x128xbf16, #tpu.memory_space<vmem>>, vector<32xbf16>,
        %bitcast3A_961 = vector.bitcast %get3A_960 : vector<32xbf16> to vector<16xi32>
        %shift_left3A_962 = arith.constant 16 : i32
        %shift_left3A_963 = vector.broadcast %shift_left3A_962 : i32 to vector<16xi32>
        %shift_left3A_964 = arith.shli %bitcast3A_961, %shift_left3A_963 : vector<16xi32>
        %bitcast3A_965 = vector.bitcast %shift_left3A_964 : vector<16xi32> to vector<16xf32>
        %bitcast3A_966 = vector.bitcast %bitcast3A_961 : vector<16xi32> to vector<16xf32>
        %mul3A_967 = arith.mulf %broadcast_in_dim3A_940, %bitcast3A_965 : vector<16xf32>
        %add3A_968 = arith.addf %add3A_905, %mul3A_967 : vector<16xf32>
        %mul3A_969 = arith.mulf %broadcast_in_dim3A_940, %bitcast3A_966 : vector<16xf32>
        %add3A_970 = arith.addf %add3A_907, %mul3A_969 : vector<16xf32>
        %get3A_971 = arith.constant 4 : i32
        %get3A_972 = arith.index_cast %scan3A_662 : i32 to index
        %get3A_973 = arith.index_cast %get3A_971 : i32 to index
        %get3A_974 = arith.constant 64 : index
        %get3A_975 = tpu.vector_load %arg16[%get3A_972, %get3A_973, %get3A_974] {strides = array<i32>} : memref<40x8x128xbf16, #tpu.memory_space<vmem>>, vector<32xbf16>,
        %bitcast3A_976 = vector.bitcast %get3A_975 : vector<32xbf16> to vector<16xi32>
        %shift_left3A_977 = arith.constant 16 : i32
        %shift_left3A_978 = vector.broadcast %shift_left3A_977 : i32 to vector<16xi32>
        %shift_left3A_979 = arith.shli %bitcast3A_976, %shift_left3A_978 : vector<16xi32>
        %bitcast3A_980 = vector.bitcast %shift_left3A_979 : vector<16xi32> to vector<16xf32>
        %bitcast3A_981 = vector.bitcast %bitcast3A_976 : vector<16xi32> to vector<16xf32>
        %mul3A_982 = arith.mulf %broadcast_in_dim3A_940, %bitcast3A_980 : vector<16xf32>
        %add3A_983 = arith.addf %add3A_920, %mul3A_982 : vector<16xf32>
        %mul3A_984 = arith.mulf %broadcast_in_dim3A_940, %bitcast3A_981 : vector<16xf32>
        %add3A_985 = arith.addf %add3A_922, %mul3A_984 : vector<16xf32>
        %get3A_986 = arith.constant 4 : i32
        %get3A_987 = arith.index_cast %scan3A_662 : i32 to index
        %get3A_988 = arith.index_cast %get3A_986 : i32 to index
        %get3A_989 = arith.constant 96 : index
        %get3A_990 = tpu.vector_load %arg16[%get3A_987, %get3A_988, %get3A_989] {strides = array<i32>} : memref<40x8x128xbf16, #tpu.memory_space<vmem>>, vector<32xbf16>,
        %bitcast3A_991 = vector.bitcast %get3A_990 : vector<32xbf16> to vector<16xi32>
        %shift_left3A_992 = arith.constant 16 : i32
        %shift_left3A_993 = vector.broadcast %shift_left3A_992 : i32 to vector<16xi32>
        %shift_left3A_994 = arith.shli %bitcast3A_991, %shift_left3A_993 : vector<16xi32>
        %bitcast3A_995 = vector.bitcast %shift_left3A_994 : vector<16xi32> to vector<16xf32>
        %bitcast3A_996 = vector.bitcast %bitcast3A_991 : vector<16xi32> to vector<16xf32>
        %mul3A_997 = arith.mulf %broadcast_in_dim3A_940, %bitcast3A_995 : vector<16xf32>
        %add3A_998 = arith.addf %add3A_935, %mul3A_997 : vector<16xf32>
        %mul3A_999 = arith.mulf %broadcast_in_dim3A_940, %bitcast3A_996 : vector<16xf32>
        %add3A_1000 = arith.addf %add3A_937, %mul3A_999 : vector<16xf32>
        %slice3A_1001 = vector.extract_strided_slice %mul3A_669 {offsets = [5], sizes = [1], strides = [1]} : vector<16xf32> to vector<1xf32>
        %squeeze3A_1002 = vector.extract %slice3A_1001[0] : f32 from vector<1xf32>
        %broadcast_in_dim3A_1003 = vector.broadcast %squeeze3A_1002 : f32 to vector<16xf32>
        %get3A_1004 = arith.constant 5 : i32
        %get3A_1005 = arith.index_cast %scan3A_662 : i32 to index
        %get3A_1006 = arith.index_cast %get3A_1004 : i32 to index
        %get3A_1007 = arith.constant 0 : index
        %get3A_1008 = tpu.vector_load %arg16[%get3A_1005, %get3A_1006, %get3A_1007] {strides = array<i32>} : memref<40x8x128xbf16, #tpu.memory_space<vmem>>, vector<32xbf16>,
        %bitcast3A_1009 = vector.bitcast %get3A_1008 : vector<32xbf16> to vector<16xi32>
        %shift_left3A_1010 = arith.constant 16 : i32
        %shift_left3A_1011 = vector.broadcast %shift_left3A_1010 : i32 to vector<16xi32>
        %shift_left3A_1012 = arith.shli %bitcast3A_1009, %shift_left3A_1011 : vector<16xi32>
        %bitcast3A_1013 = vector.bitcast %shift_left3A_1012 : vector<16xi32> to vector<16xf32>
        %bitcast3A_1014 = vector.bitcast %bitcast3A_1009 : vector<16xi32> to vector<16xf32>
        %mul3A_1015 = arith.mulf %broadcast_in_dim3A_1003, %bitcast3A_1013 : vector<16xf32>
        %add3A_1016 = arith.addf %add3A_953, %mul3A_1015 : vector<16xf32>
        %mul3A_1017 = arith.mulf %broadcast_in_dim3A_1003, %bitcast3A_1014 : vector<16xf32>
        %add3A_1018 = arith.addf %add3A_955, %mul3A_1017 : vector<16xf32>
        %get3A_1019 = arith.constant 5 : i32
        %get3A_1020 = arith.index_cast %scan3A_662 : i32 to index
        %get3A_1021 = arith.index_cast %get3A_1019 : i32 to index
        %get3A_1022 = arith.constant 32 : index
        %get3A_1023 = tpu.vector_load %arg16[%get3A_1020, %get3A_1021, %get3A_1022] {strides = array<i32>} : memref<40x8x128xbf16, #tpu.memory_space<vmem>>, vector<32xbf16>,
        %bitcast3A_1024 = vector.bitcast %get3A_1023 : vector<32xbf16> to vector<16xi32>
        %shift_left3A_1025 = arith.constant 16 : i32
        %shift_left3A_1026 = vector.broadcast %shift_left3A_1025 : i32 to vector<16xi32>
        %shift_left3A_1027 = arith.shli %bitcast3A_1024, %shift_left3A_1026 : vector<16xi32>
        %bitcast3A_1028 = vector.bitcast %shift_left3A_1027 : vector<16xi32> to vector<16xf32>
        %bitcast3A_1029 = vector.bitcast %bitcast3A_1024 : vector<16xi32> to vector<16xf32>
        %mul3A_1030 = arith.mulf %broadcast_in_dim3A_1003, %bitcast3A_1028 : vector<16xf32>
        %add3A_1031 = arith.addf %add3A_968, %mul3A_1030 : vector<16xf32>
        %mul3A_1032 = arith.mulf %broadcast_in_dim3A_1003, %bitcast3A_1029 : vector<16xf32>
        %add3A_1033 = arith.addf %add3A_970, %mul3A_1032 : vector<16xf32>
        %get3A_1034 = arith.constant 5 : i32
        %get3A_1035 = arith.index_cast %scan3A_662 : i32 to index
        %get3A_1036 = arith.index_cast %get3A_1034 : i32 to index
        %get3A_1037 = arith.constant 64 : index
        %get3A_1038 = tpu.vector_load %arg16[%get3A_1035, %get3A_1036, %get3A_1037] {strides = array<i32>} : memref<40x8x128xbf16, #tpu.memory_space<vmem>>, vector<32xbf16>,
        %bitcast3A_1039 = vector.bitcast %get3A_1038 : vector<32xbf16> to vector<16xi32>
        %shift_left3A_1040 = arith.constant 16 : i32
        %shift_left3A_1041 = vector.broadcast %shift_left3A_1040 : i32 to vector<16xi32>
        %shift_left3A_1042 = arith.shli %bitcast3A_1039, %shift_left3A_1041 : vector<16xi32>
        %bitcast3A_1043 = vector.bitcast %shift_left3A_1042 : vector<16xi32> to vector<16xf32>
        %bitcast3A_1044 = vector.bitcast %bitcast3A_1039 : vector<16xi32> to vector<16xf32>
        %mul3A_1045 = arith.mulf %broadcast_in_dim3A_1003, %bitcast3A_1043 : vector<16xf32>
        %add3A_1046 = arith.addf %add3A_983, %mul3A_1045 : vector<16xf32>
        %mul3A_1047 = arith.mulf %broadcast_in_dim3A_1003, %bitcast3A_1044 : vector<16xf32>
        %add3A_1048 = arith.addf %add3A_985, %mul3A_1047 : vector<16xf32>
        %get3A_1049 = arith.constant 5 : i32
        %get3A_1050 = arith.index_cast %scan3A_662 : i32 to index
        %get3A_1051 = arith.index_cast %get3A_1049 : i32 to index
        %get3A_1052 = arith.constant 96 : index
        %get3A_1053 = tpu.vector_load %arg16[%get3A_1050, %get3A_1051, %get3A_1052] {strides = array<i32>} : memref<40x8x128xbf16, #tpu.memory_space<vmem>>, vector<32xbf16>,
        %bitcast3A_1054 = vector.bitcast %get3A_1053 : vector<32xbf16> to vector<16xi32>
        %shift_left3A_1055 = arith.constant 16 : i32
        %shift_left3A_1056 = vector.broadcast %shift_left3A_1055 : i32 to vector<16xi32>
        %shift_left3A_1057 = arith.shli %bitcast3A_1054, %shift_left3A_1056 : vector<16xi32>
        %bitcast3A_1058 = vector.bitcast %shift_left3A_1057 : vector<16xi32> to vector<16xf32>
        %bitcast3A_1059 = vector.bitcast %bitcast3A_1054 : vector<16xi32> to vector<16xf32>
        %mul3A_1060 = arith.mulf %broadcast_in_dim3A_1003, %bitcast3A_1058 : vector<16xf32>
        %add3A_1061 = arith.addf %add3A_998, %mul3A_1060 : vector<16xf32>
        %mul3A_1062 = arith.mulf %broadcast_in_dim3A_1003, %bitcast3A_1059 : vector<16xf32>
        %add3A_1063 = arith.addf %add3A_1000, %mul3A_1062 : vector<16xf32>
        %slice3A_1064 = vector.extract_strided_slice %mul3A_669 {offsets = [6], sizes = [1], strides = [1]} : vector<16xf32> to vector<1xf32>
        %squeeze3A_1065 = vector.extract %slice3A_1064[0] : f32 from vector<1xf32>
        %broadcast_in_dim3A_1066 = vector.broadcast %squeeze3A_1065 : f32 to vector<16xf32>
        %get3A_1067 = arith.constant 6 : i32
        %get3A_1068 = arith.index_cast %scan3A_662 : i32 to index
        %get3A_1069 = arith.index_cast %get3A_1067 : i32 to index
        %get3A_1070 = arith.constant 0 : index
        %get3A_1071 = tpu.vector_load %arg16[%get3A_1068, %get3A_1069, %get3A_1070] {strides = array<i32>} : memref<40x8x128xbf16, #tpu.memory_space<vmem>>, vector<32xbf16>,
        %bitcast3A_1072 = vector.bitcast %get3A_1071 : vector<32xbf16> to vector<16xi32>
        %shift_left3A_1073 = arith.constant 16 : i32
        %shift_left3A_1074 = vector.broadcast %shift_left3A_1073 : i32 to vector<16xi32>
        %shift_left3A_1075 = arith.shli %bitcast3A_1072, %shift_left3A_1074 : vector<16xi32>
        %bitcast3A_1076 = vector.bitcast %shift_left3A_1075 : vector<16xi32> to vector<16xf32>
        %bitcast3A_1077 = vector.bitcast %bitcast3A_1072 : vector<16xi32> to vector<16xf32>
        %mul3A_1078 = arith.mulf %broadcast_in_dim3A_1066, %bitcast3A_1076 : vector<16xf32>
        %add3A_1079 = arith.addf %add3A_1016, %mul3A_1078 : vector<16xf32>
        %mul3A_1080 = arith.mulf %broadcast_in_dim3A_1066, %bitcast3A_1077 : vector<16xf32>
        %add3A_1081 = arith.addf %add3A_1018, %mul3A_1080 : vector<16xf32>
        %get3A_1082 = arith.constant 6 : i32
        %get3A_1083 = arith.index_cast %scan3A_662 : i32 to index
        %get3A_1084 = arith.index_cast %get3A_1082 : i32 to index
        %get3A_1085 = arith.constant 32 : index
        %get3A_1086 = tpu.vector_load %arg16[%get3A_1083, %get3A_1084, %get3A_1085] {strides = array<i32>} : memref<40x8x128xbf16, #tpu.memory_space<vmem>>, vector<32xbf16>,
        %bitcast3A_1087 = vector.bitcast %get3A_1086 : vector<32xbf16> to vector<16xi32>
        %shift_left3A_1088 = arith.constant 16 : i32
        %shift_left3A_1089 = vector.broadcast %shift_left3A_1088 : i32 to vector<16xi32>
        %shift_left3A_1090 = arith.shli %bitcast3A_1087, %shift_left3A_1089 : vector<16xi32>
        %bitcast3A_1091 = vector.bitcast %shift_left3A_1090 : vector<16xi32> to vector<16xf32>
        %bitcast3A_1092 = vector.bitcast %bitcast3A_1087 : vector<16xi32> to vector<16xf32>
        %mul3A_1093 = arith.mulf %broadcast_in_dim3A_1066, %bitcast3A_1091 : vector<16xf32>
        %add3A_1094 = arith.addf %add3A_1031, %mul3A_1093 : vector<16xf32>
        %mul3A_1095 = arith.mulf %broadcast_in_dim3A_1066, %bitcast3A_1092 : vector<16xf32>
        %add3A_1096 = arith.addf %add3A_1033, %mul3A_1095 : vector<16xf32>
        %get3A_1097 = arith.constant 6 : i32
        %get3A_1098 = arith.index_cast %scan3A_662 : i32 to index
        %get3A_1099 = arith.index_cast %get3A_1097 : i32 to index
        %get3A_1100 = arith.constant 64 : index
        %get3A_1101 = tpu.vector_load %arg16[%get3A_1098, %get3A_1099, %get3A_1100] {strides = array<i32>} : memref<40x8x128xbf16, #tpu.memory_space<vmem>>, vector<32xbf16>,
        %bitcast3A_1102 = vector.bitcast %get3A_1101 : vector<32xbf16> to vector<16xi32>
        %shift_left3A_1103 = arith.constant 16 : i32
        %shift_left3A_1104 = vector.broadcast %shift_left3A_1103 : i32 to vector<16xi32>
        %shift_left3A_1105 = arith.shli %bitcast3A_1102, %shift_left3A_1104 : vector<16xi32>
        %bitcast3A_1106 = vector.bitcast %shift_left3A_1105 : vector<16xi32> to vector<16xf32>
        %bitcast3A_1107 = vector.bitcast %bitcast3A_1102 : vector<16xi32> to vector<16xf32>
        %mul3A_1108 = arith.mulf %broadcast_in_dim3A_1066, %bitcast3A_1106 : vector<16xf32>
        %add3A_1109 = arith.addf %add3A_1046, %mul3A_1108 : vector<16xf32>
        %mul3A_1110 = arith.mulf %broadcast_in_dim3A_1066, %bitcast3A_1107 : vector<16xf32>
        %add3A_1111 = arith.addf %add3A_1048, %mul3A_1110 : vector<16xf32>
        %get3A_1112 = arith.constant 6 : i32
        %get3A_1113 = arith.index_cast %scan3A_662 : i32 to index
        %get3A_1114 = arith.index_cast %get3A_1112 : i32 to index
        %get3A_1115 = arith.constant 96 : index
        %get3A_1116 = tpu.vector_load %arg16[%get3A_1113, %get3A_1114, %get3A_1115] {strides = array<i32>} : memref<40x8x128xbf16, #tpu.memory_space<vmem>>, vector<32xbf16>,
        %bitcast3A_1117 = vector.bitcast %get3A_1116 : vector<32xbf16> to vector<16xi32>
        %shift_left3A_1118 = arith.constant 16 : i32
        %shift_left3A_1119 = vector.broadcast %shift_left3A_1118 : i32 to vector<16xi32>
        %shift_left3A_1120 = arith.shli %bitcast3A_1117, %shift_left3A_1119 : vector<16xi32>
        %bitcast3A_1121 = vector.bitcast %shift_left3A_1120 : vector<16xi32> to vector<16xf32>
        %bitcast3A_1122 = vector.bitcast %bitcast3A_1117 : vector<16xi32> to vector<16xf32>
        %mul3A_1123 = arith.mulf %broadcast_in_dim3A_1066, %bitcast3A_1121 : vector<16xf32>
        %add3A_1124 = arith.addf %add3A_1061, %mul3A_1123 : vector<16xf32>
        %mul3A_1125 = arith.mulf %broadcast_in_dim3A_1066, %bitcast3A_1122 : vector<16xf32>
        %add3A_1126 = arith.addf %add3A_1063, %mul3A_1125 : vector<16xf32>
        %slice3A_1127 = vector.extract_strided_slice %mul3A_669 {offsets = [7], sizes = [1], strides = [1]} : vector<16xf32> to vector<1xf32>
        %squeeze3A_1128 = vector.extract %slice3A_1127[0] : f32 from vector<1xf32>
        %broadcast_in_dim3A_1129 = vector.broadcast %squeeze3A_1128 : f32 to vector<16xf32>
        %get3A_1130 = arith.constant 7 : i32
        %get3A_1131 = arith.index_cast %scan3A_662 : i32 to index
        %get3A_1132 = arith.index_cast %get3A_1130 : i32 to index
        %get3A_1133 = arith.constant 0 : index
        %get3A_1134 = tpu.vector_load %arg16[%get3A_1131, %get3A_1132, %get3A_1133] {strides = array<i32>} : memref<40x8x128xbf16, #tpu.memory_space<vmem>>, vector<32xbf16>,
        %bitcast3A_1135 = vector.bitcast %get3A_1134 : vector<32xbf16> to vector<16xi32>
        %shift_left3A_1136 = arith.constant 16 : i32
        %shift_left3A_1137 = vector.broadcast %shift_left3A_1136 : i32 to vector<16xi32>
        %shift_left3A_1138 = arith.shli %bitcast3A_1135, %shift_left3A_1137 : vector<16xi32>
        %bitcast3A_1139 = vector.bitcast %shift_left3A_1138 : vector<16xi32> to vector<16xf32>
        %bitcast3A_1140 = vector.bitcast %bitcast3A_1135 : vector<16xi32> to vector<16xf32>
        %mul3A_1141 = arith.mulf %broadcast_in_dim3A_1129, %bitcast3A_1139 : vector<16xf32>
        %add3A_1142 = arith.addf %add3A_1079, %mul3A_1141 : vector<16xf32>
        %mul3A_1143 = arith.mulf %broadcast_in_dim3A_1129, %bitcast3A_1140 : vector<16xf32>
        %add3A_1144 = arith.addf %add3A_1081, %mul3A_1143 : vector<16xf32>
        %get3A_1145 = arith.constant 7 : i32
        %get3A_1146 = arith.index_cast %scan3A_662 : i32 to index
        %get3A_1147 = arith.index_cast %get3A_1145 : i32 to index
        %get3A_1148 = arith.constant 32 : index
        %get3A_1149 = tpu.vector_load %arg16[%get3A_1146, %get3A_1147, %get3A_1148] {strides = array<i32>} : memref<40x8x128xbf16, #tpu.memory_space<vmem>>, vector<32xbf16>,
        %bitcast3A_1150 = vector.bitcast %get3A_1149 : vector<32xbf16> to vector<16xi32>
        %shift_left3A_1151 = arith.constant 16 : i32
        %shift_left3A_1152 = vector.broadcast %shift_left3A_1151 : i32 to vector<16xi32>
        %shift_left3A_1153 = arith.shli %bitcast3A_1150, %shift_left3A_1152 : vector<16xi32>
        %bitcast3A_1154 = vector.bitcast %shift_left3A_1153 : vector<16xi32> to vector<16xf32>
        %bitcast3A_1155 = vector.bitcast %bitcast3A_1150 : vector<16xi32> to vector<16xf32>
        %mul3A_1156 = arith.mulf %broadcast_in_dim3A_1129, %bitcast3A_1154 : vector<16xf32>
        %add3A_1157 = arith.addf %add3A_1094, %mul3A_1156 : vector<16xf32>
        %mul3A_1158 = arith.mulf %broadcast_in_dim3A_1129, %bitcast3A_1155 : vector<16xf32>
        %add3A_1159 = arith.addf %add3A_1096, %mul3A_1158 : vector<16xf32>
        %get3A_1160 = arith.constant 7 : i32
        %get3A_1161 = arith.index_cast %scan3A_662 : i32 to index
        %get3A_1162 = arith.index_cast %get3A_1160 : i32 to index
        %get3A_1163 = arith.constant 64 : index
        %get3A_1164 = tpu.vector_load %arg16[%get3A_1161, %get3A_1162, %get3A_1163] {strides = array<i32>} : memref<40x8x128xbf16, #tpu.memory_space<vmem>>, vector<32xbf16>,
        %bitcast3A_1165 = vector.bitcast %get3A_1164 : vector<32xbf16> to vector<16xi32>
        %shift_left3A_1166 = arith.constant 16 : i32
        %shift_left3A_1167 = vector.broadcast %shift_left3A_1166 : i32 to vector<16xi32>
        %shift_left3A_1168 = arith.shli %bitcast3A_1165, %shift_left3A_1167 : vector<16xi32>
        %bitcast3A_1169 = vector.bitcast %shift_left3A_1168 : vector<16xi32> to vector<16xf32>
        %bitcast3A_1170 = vector.bitcast %bitcast3A_1165 : vector<16xi32> to vector<16xf32>
        %mul3A_1171 = arith.mulf %broadcast_in_dim3A_1129, %bitcast3A_1169 : vector<16xf32>
        %add3A_1172 = arith.addf %add3A_1109, %mul3A_1171 : vector<16xf32>
        %mul3A_1173 = arith.mulf %broadcast_in_dim3A_1129, %bitcast3A_1170 : vector<16xf32>
        %add3A_1174 = arith.addf %add3A_1111, %mul3A_1173 : vector<16xf32>
        %get3A_1175 = arith.constant 7 : i32
        %get3A_1176 = arith.index_cast %scan3A_662 : i32 to index
        %get3A_1177 = arith.index_cast %get3A_1175 : i32 to index
        %get3A_1178 = arith.constant 96 : index
        %get3A_1179 = tpu.vector_load %arg16[%get3A_1176, %get3A_1177, %get3A_1178] {strides = array<i32>} : memref<40x8x128xbf16, #tpu.memory_space<vmem>>, vector<32xbf16>,
        %bitcast3A_1180 = vector.bitcast %get3A_1179 : vector<32xbf16> to vector<16xi32>
        %shift_left3A_1181 = arith.constant 16 : i32
        %shift_left3A_1182 = vector.broadcast %shift_left3A_1181 : i32 to vector<16xi32>
        %shift_left3A_1183 = arith.shli %bitcast3A_1180, %shift_left3A_1182 : vector<16xi32>
        %bitcast3A_1184 = vector.bitcast %shift_left3A_1183 : vector<16xi32> to vector<16xf32>
        %bitcast3A_1185 = vector.bitcast %bitcast3A_1180 : vector<16xi32> to vector<16xf32>
        %mul3A_1186 = arith.mulf %broadcast_in_dim3A_1129, %bitcast3A_1184 : vector<16xf32>
        %add3A_1187 = arith.addf %add3A_1124, %mul3A_1186 : vector<16xf32>
        %mul3A_1188 = arith.mulf %broadcast_in_dim3A_1129, %bitcast3A_1185 : vector<16xf32>
        %add3A_1189 = arith.addf %add3A_1126, %mul3A_1188 : vector<16xf32>
        %swap3A_1190 = arith.index_cast %scan3A_662 : i32 to index
        %swap3A_1191 = arith.constant 0 : index
        %swap3A_1192 = tpu.vector_load %arg17[%swap3A_1190, %swap3A_1191] {strides = array<i32>} : memref<40x128xf32, #tpu.memory_space<vmem>>, vector<16xf32>,
        tpu.vector_store %arg17[%swap3A_1190, %swap3A_1191], %add3A_1142 {strides = array<i32>} : memref<40x128xf32, #tpu.memory_space<vmem>>, vector<16xf32>,
        %swap3A_1193 = arith.index_cast %scan3A_662 : i32 to index
        %swap3A_1194 = arith.constant 16 : index
        %swap3A_1195 = tpu.vector_load %arg17[%swap3A_1193, %swap3A_1194] {strides = array<i32>} : memref<40x128xf32, #tpu.memory_space<vmem>>, vector<16xf32>,
        tpu.vector_store %arg17[%swap3A_1193, %swap3A_1194], %add3A_1144 {strides = array<i32>} : memref<40x128xf32, #tpu.memory_space<vmem>>, vector<16xf32>,
        %swap3A_1196 = arith.index_cast %scan3A_662 : i32 to index
        %swap3A_1197 = arith.constant 32 : index
        %swap3A_1198 = tpu.vector_load %arg17[%swap3A_1196, %swap3A_1197] {strides = array<i32>} : memref<40x128xf32, #tpu.memory_space<vmem>>, vector<16xf32>,
        tpu.vector_store %arg17[%swap3A_1196, %swap3A_1197], %add3A_1157 {strides = array<i32>} : memref<40x128xf32, #tpu.memory_space<vmem>>, vector<16xf32>,
        %swap3A_1199 = arith.index_cast %scan3A_662 : i32 to index
        %swap3A_1200 = arith.constant 48 : index
        %swap3A_1201 = tpu.vector_load %arg17[%swap3A_1199, %swap3A_1200] {strides = array<i32>} : memref<40x128xf32, #tpu.memory_space<vmem>>, vector<16xf32>,
        tpu.vector_store %arg17[%swap3A_1199, %swap3A_1200], %add3A_1159 {strides = array<i32>} : memref<40x128xf32, #tpu.memory_space<vmem>>, vector<16xf32>,
        %swap3A_1202 = arith.index_cast %scan3A_662 : i32 to index
        %swap3A_1203 = arith.constant 64 : index
        %swap3A_1204 = tpu.vector_load %arg17[%swap3A_1202, %swap3A_1203] {strides = array<i32>} : memref<40x128xf32, #tpu.memory_space<vmem>>, vector<16xf32>,
        tpu.vector_store %arg17[%swap3A_1202, %swap3A_1203], %add3A_1172 {strides = array<i32>} : memref<40x128xf32, #tpu.memory_space<vmem>>, vector<16xf32>,
        %swap3A_1205 = arith.index_cast %scan3A_662 : i32 to index
        %swap3A_1206 = arith.constant 80 : index
        %swap3A_1207 = tpu.vector_load %arg17[%swap3A_1205, %swap3A_1206] {strides = array<i32>} : memref<40x128xf32, #tpu.memory_space<vmem>>, vector<16xf32>,
        tpu.vector_store %arg17[%swap3A_1205, %swap3A_1206], %add3A_1174 {strides = array<i32>} : memref<40x128xf32, #tpu.memory_space<vmem>>, vector<16xf32>,
        %swap3A_1208 = arith.index_cast %scan3A_662 : i32 to index
        %swap3A_1209 = arith.constant 96 : index
        %swap3A_1210 = tpu.vector_load %arg17[%swap3A_1208, %swap3A_1209] {strides = array<i32>} : memref<40x128xf32, #tpu.memory_space<vmem>>, vector<16xf32>,
        tpu.vector_store %arg17[%swap3A_1208, %swap3A_1209], %add3A_1187 {strides = array<i32>} : memref<40x128xf32, #tpu.memory_space<vmem>>, vector<16xf32>,
        %swap3A_1211 = arith.index_cast %scan3A_662 : i32 to index
        %swap3A_1212 = arith.constant 112 : index
        %swap3A_1213 = tpu.vector_load %arg17[%swap3A_1211, %swap3A_1212] {strides = array<i32>} : memref<40x128xf32, #tpu.memory_space<vmem>>, vector<16xf32>,
        tpu.vector_store %arg17[%swap3A_1211, %swap3A_1212], %add3A_1189 {strides = array<i32>} : memref<40x128xf32, #tpu.memory_space<vmem>>, vector<16xf32>,
        %scan3A_1214 = arith.constant 0 : i32
        scf.yield %scan3A_1214 : i32
      }
      %scan3A_112 = arith.constant 40 : i32
      %run_scoped3A_113 = arith.constant 1 : i32
      "tpu.region"() ({
        %run_scoped3A_114 = tpu.sem_alloc : memref<!tpu.dma_semaphore, #tpu.memory_space<semaphore_mem>>
        %dma_start3A_115 = arith.constant 0 : i32
        %dma_start3A_116 = tpu.memref_slice %arg13[%run_scoped3A_113, %dma_start3A_115] : memref<2x40xi32, #tpu.memory_space<vmem>> -> memref<1x40xi32, #tpu.memory_space<vmem>>
        %dma_start3A_117 = tpu.memref_squeeze %dma_start3A_116 : memref<1x40xi32, #tpu.memory_space<vmem>> -> memref<40xi32, #tpu.memory_space<vmem>>
        %dma_start3A_118 = arith.constant 0 : i32
        %dma_start3A_119 = arith.constant 0 : i32
        %dma_start3A_120 = tpu.memref_slice %arg8[%dma_start3A_118, %dma_start3A_119] : memref<10240x128xf32, #tpu.memory_space<vmem_shared>> -> memref<10240x128xf32, #tpu.memory_space<vmem_shared>>
        tpu.enqueue_indirect_dma source(%arg17 : memref<40x128xf32, #tpu.memory_space<vmem>>) target(%dma_start3A_120 : memref<10240x128xf32, #tpu.memory_space<vmem_shared>>) offsets(%dma_start3A_117 : memref<40xi32, #tpu.memory_space<vmem>>) semaphore(%run_scoped3A_114 : memref<!tpu.dma_semaphore, #tpu.memory_space<semaphore_mem>>) {add = true}
        %dma_wait3A_121 = arith.constant 0 : i32
        %dma_wait3A_122 = tpu.memref_slice %arg13[%run_scoped3A_113, %dma_wait3A_121] : memref<2x40xi32, #tpu.memory_space<vmem>> -> memref<1x40xi32, #tpu.memory_space<vmem>>
        %dma_wait3A_123 = tpu.memref_squeeze %dma_wait3A_122 : memref<1x40xi32, #tpu.memory_space<vmem>> -> memref<40xi32, #tpu.memory_space<vmem>>
        %dma_wait3A_124 = arith.constant 0 : i32
        %dma_wait3A_125 = arith.constant 0 : i32
        %dma_wait3A_126 = tpu.memref_slice %arg8[%dma_wait3A_124, %dma_wait3A_125] : memref<10240x128xf32, #tpu.memory_space<vmem_shared>> -> memref<10240x128xf32, #tpu.memory_space<vmem_shared>>
        tpu.wait_indirect_dma semaphore(%run_scoped3A_114 : memref<!tpu.dma_semaphore, #tpu.memory_space<semaphore_mem>>) src(%arg17 : memref<40x128xf32, #tpu.memory_space<vmem>>) dst(%dma_wait3A_126 : memref<10240x128xf32, #tpu.memory_space<vmem_shared>>)
        tpu.yield
      }) : () -> ()
    }
    %scan3A_31 = arith.constant 125 : i32
    %barrier3A_32 = arith.constant 0 : index
    tpu.barrier barrier_id(%barrier3A_32)
    %mul3A_33 = arith.constant 640 : i32
    %mul3A_34 = arith.muli %arg1, %mul3A_33 : i32
    %mul3A_35 = arith.constant 640 : i32
    %mul3A_36 = arith.muli %arg1, %mul3A_35 : i32
    "tpu.region"() ({
      %run_scoped3A_37 = tpu.sem_alloc : memref<!tpu.dma_semaphore, #tpu.memory_space<semaphore_mem>>
      %dma_start3A_38 = arith.constant 0 : i32
      %dma_start3A_39 = arith.constant 0 : i32
      %dma_start3A_40 = tpu.memref_slice %arg7[%arg0, %dma_start3A_38, %dma_start3A_39] : memref<2x10240x128xf32, #tpu.memory_space<hbm>> -> memref<1x10240x128xf32, #tpu.memory_space<hbm>>
      %dma_start3A_41 = tpu.memref_squeeze %dma_start3A_40 : memref<1x10240x128xf32, #tpu.memory_space<hbm>> -> memref<10240x128xf32, #tpu.memory_space<hbm>>
      %dma_start3A_42 = arith.constant 0 : i32
      %dma_start3A_43 = tpu.memref_slice %dma_start3A_41[%mul3A_36, %dma_start3A_42] : memref<10240x128xf32, #tpu.memory_space<hbm>> -> memref<640x128xf32, #tpu.memory_space<hbm>>
      %dma_start3A_44 = arith.constant 0 : i32
      %dma_start3A_45 = tpu.memref_slice %arg8[%mul3A_34, %dma_start3A_44] : memref<10240x128xf32, #tpu.memory_space<vmem_shared>> -> memref<640x128xf32, #tpu.memory_space<vmem_shared>>
      tpu.enqueue_dma source(%dma_start3A_45 : memref<640x128xf32, #tpu.memory_space<vmem_shared>>) target(%dma_start3A_43 : memref<640x128xf32, #tpu.memory_space<hbm>>) target_semaphore(%run_scoped3A_37 : memref<!tpu.dma_semaphore, #tpu.memory_space<semaphore_mem>>)
      %dma_wait3A = arith.constant 0 : i32
      %dma_wait3A_46 = arith.constant 0 : i32
      %dma_wait3A_47 = tpu.memref_slice %arg7[%arg0, %dma_wait3A, %dma_wait3A_46] : memref<2x10240x128xf32, #tpu.memory_space<hbm>> -> memref<1x10240x128xf32, #tpu.memory_space<hbm>>
      %dma_wait3A_48 = tpu.memref_squeeze %dma_wait3A_47 : memref<1x10240x128xf32, #tpu.memory_space<hbm>> -> memref<10240x128xf32, #tpu.memory_space<hbm>>
      %dma_wait3A_49 = arith.constant 0 : i32
      %dma_wait3A_50 = tpu.memref_slice %dma_wait3A_48[%mul3A_36, %dma_wait3A_49] : memref<10240x128xf32, #tpu.memory_space<hbm>> -> memref<640x128xf32, #tpu.memory_space<hbm>>
      %dma_wait3A_51 = arith.constant 0 : i32
      %dma_wait3A_52 = tpu.memref_slice %arg8[%mul3A_34, %dma_wait3A_51] : memref<10240x128xf32, #tpu.memory_space<vmem_shared>> -> memref<640x128xf32, #tpu.memory_space<vmem_shared>>
      tpu.wait_dma2 semaphore(%run_scoped3A_37 : memref<!tpu.dma_semaphore, #tpu.memory_space<semaphore_mem>>) src(%dma_wait3A_52 : memref<640x128xf32, #tpu.memory_space<vmem_shared>>) dst(%dma_wait3A_50 : memref<640x128xf32, #tpu.memory_space<hbm>>)
      tpu.yield
    }) : () -> ()
    return
  }
}

#map = affine_map<(d0, d1) -> (0, 0, 0, 0)>
#map1 = affine_map<(d0, d1) -> (0, 0)>
#map2 = affine_map<(d0, d1) -> (0, 0, 0)>
module attributes {stable_mosaic.version = 14 : i64} {
  func.func @_edge_pass_a(%arg0: i32, %arg1: i32, %arg2: memref<32x125x2x80xi32, #tpu.memory_space<hbm>>, %arg3: memref<10000x16xf32, #tpu.memory_space<hbm>>, %arg4: memref<10000x16xf32, #tpu.memory_space<hbm>>, %arg5: memref<1x16xf32, #tpu.memory_space<hbm>>, %arg6: memref<1x16xf32, #tpu.memory_space<hbm>>, %arg7: memref<10240x16xf32, #tpu.memory_space<hbm>>, %arg8: memref<320000x16xf32, #tpu.memory_space<hbm>>, %arg9: memref<2x10240x16xf32, #tpu.memory_space<hbm>>, %arg10: memref<10240x16xf32, #tpu.memory_space<vmem_shared>>, %arg11: memref<2x80xi32, #tpu.memory_space<vmem>>, %arg12: memref<80x16xf32, #tpu.memory_space<vmem>>, %arg13: memref<80x16xf32, #tpu.memory_space<vmem>>, %arg14: memref<80x16xf32, #tpu.memory_space<vmem>>, %arg15: memref<2x80xi32, #tpu.memory_space<vmem>>, %arg16: memref<80x16xf32, #tpu.memory_space<vmem>>, %arg17: memref<80x16xf32, #tpu.memory_space<vmem>>, %arg18: memref<80x16xf32, #tpu.memory_space<vmem>>, %arg19: memref<1x16xf32, #tpu.memory_space<vmem>>, %arg20: memref<1x16xf32, #tpu.memory_space<vmem>>, %arg21: memref<!tpu.dma_semaphore, #tpu.memory_space<semaphore_mem>>, %arg22: memref<!tpu.dma_semaphore, #tpu.memory_space<semaphore_mem>>, %arg23: memref<!tpu.dma_semaphore, #tpu.memory_space<semaphore_mem>>, %arg24: memref<!tpu.dma_semaphore, #tpu.memory_space<semaphore_mem>>) attributes {dimension_semantics = [#tpu.dimension_semantics<core_parallel>, #tpu.dimension_semantics<subcore_parallel>], iteration_bounds = array<i64: 2, 16>, scalar_prefetch = 0 : i64, scratch_operands = 15 : i64, tpu.core_type = #tpu.core_type<sc_vector_subcore>, window_params = [{transform_indices = #map}, {transform_indices = #map1}, {transform_indices = #map1}, {transform_indices = #map1}, {transform_indices = #map1}, {transform_indices = #map1}, {transform_indices = #map1}, {transform_indices = #map2}]} {
    %mul3A = arith.constant 16 : i32
    %mul3A_0 = arith.muli %arg0, %mul3A : i32
    %add3A = arith.addi %mul3A_0, %arg1 : i32
    %mul3A_1 = arith.constant 10000 : i32
    %mul3A_2 = arith.muli %add3A, %mul3A_1 : i32
    %mul3A_3 = arith.constant 640 : i32
    %mul3A_4 = arith.muli %arg1, %mul3A_3 : i32
    %mul3A_5 = arith.constant 640 : i32
    %mul3A_6 = arith.muli %arg1, %mul3A_5 : i32
    "tpu.region"() ({
      %run_scoped3A_81 = tpu.sem_alloc : memref<!tpu.dma_semaphore, #tpu.memory_space<semaphore_mem>>
      %dma_start3A_82 = arith.constant 0 : i32
      %dma_start3A_83 = tpu.memref_slice %arg10[%mul3A_6, %dma_start3A_82] : memref<10240x16xf32, #tpu.memory_space<vmem_shared>> -> memref<640x16xf32, #tpu.memory_space<vmem_shared>>
      %dma_start3A_84 = arith.constant 0 : i32
      %dma_start3A_85 = tpu.memref_slice %arg7[%mul3A_4, %dma_start3A_84] : memref<10240x16xf32, #tpu.memory_space<hbm>> -> memref<640x16xf32, #tpu.memory_space<hbm>>
      tpu.enqueue_dma source(%dma_start3A_85 : memref<640x16xf32, #tpu.memory_space<hbm>>) target(%dma_start3A_83 : memref<640x16xf32, #tpu.memory_space<vmem_shared>>) target_semaphore(%run_scoped3A_81 : memref<!tpu.dma_semaphore, #tpu.memory_space<semaphore_mem>>)
      %dma_wait3A_86 = arith.constant 0 : i32
      %dma_wait3A_87 = tpu.memref_slice %arg10[%mul3A_6, %dma_wait3A_86] : memref<10240x16xf32, #tpu.memory_space<vmem_shared>> -> memref<640x16xf32, #tpu.memory_space<vmem_shared>>
      %dma_wait3A_88 = arith.constant 0 : i32
      %dma_wait3A_89 = tpu.memref_slice %arg7[%mul3A_4, %dma_wait3A_88] : memref<10240x16xf32, #tpu.memory_space<hbm>> -> memref<640x16xf32, #tpu.memory_space<hbm>>
      tpu.wait_dma2 semaphore(%run_scoped3A_81 : memref<!tpu.dma_semaphore, #tpu.memory_space<semaphore_mem>>) src(%dma_wait3A_89 : memref<640x16xf32, #tpu.memory_space<hbm>>) dst(%dma_wait3A_87 : memref<640x16xf32, #tpu.memory_space<vmem_shared>>)
      tpu.yield
    }) : () -> ()
    %barrier3A = arith.constant 0 : index
    tpu.barrier barrier_id(%barrier3A)
    "tpu.region"() ({
      %run_scoped3A_81 = tpu.sem_alloc : memref<!tpu.dma_semaphore, #tpu.memory_space<semaphore_mem>>
      tpu.enqueue_dma source(%arg5 : memref<1x16xf32, #tpu.memory_space<hbm>>) target(%arg19 : memref<1x16xf32, #tpu.memory_space<vmem>>) target_semaphore(%run_scoped3A_81 : memref<!tpu.dma_semaphore, #tpu.memory_space<semaphore_mem>>)
      tpu.wait_dma2 semaphore(%run_scoped3A_81 : memref<!tpu.dma_semaphore, #tpu.memory_space<semaphore_mem>>) src(%arg5 : memref<1x16xf32, #tpu.memory_space<hbm>>) dst(%arg19 : memref<1x16xf32, #tpu.memory_space<vmem>>)
      tpu.yield
    }) : () -> ()
    "tpu.region"() ({
      %run_scoped3A_81 = tpu.sem_alloc : memref<!tpu.dma_semaphore, #tpu.memory_space<semaphore_mem>>
      tpu.enqueue_dma source(%arg6 : memref<1x16xf32, #tpu.memory_space<hbm>>) target(%arg20 : memref<1x16xf32, #tpu.memory_space<vmem>>) target_semaphore(%run_scoped3A_81 : memref<!tpu.dma_semaphore, #tpu.memory_space<semaphore_mem>>)
      tpu.wait_dma2 semaphore(%run_scoped3A_81 : memref<!tpu.dma_semaphore, #tpu.memory_space<semaphore_mem>>) src(%arg6 : memref<1x16xf32, #tpu.memory_space<hbm>>) dst(%arg20 : memref<1x16xf32, #tpu.memory_space<vmem>>)
      tpu.yield
    }) : () -> ()
    %get3A = arith.constant 0 : i32
    %get3A_7 = arith.index_cast %get3A : i32 to index
    %get3A_8 = arith.constant 0 : index
    %get3A_9 = tpu.vector_load %arg19[%get3A_7, %get3A_8] {strides = array<i32>} : memref<1x16xf32, #tpu.memory_space<vmem>>, vector<1x16xf32>,
    %get3A_10 = vector.shape_cast %get3A_9 : vector<1x16xf32> to vector<16xf32>
    %get3A_11 = arith.constant 0 : i32
    %get3A_12 = arith.index_cast %get3A_11 : i32 to index
    %get3A_13 = arith.constant 0 : index
    %get3A_14 = tpu.vector_load %arg20[%get3A_12, %get3A_13] {strides = array<i32>} : memref<1x16xf32, #tpu.memory_space<vmem>>, vector<1x16xf32>,
    %get3A_15 = vector.shape_cast %get3A_14 : vector<1x16xf32> to vector<16xf32>
    %add3A_16 = arith.addf %get3A_10, %get3A_15 : vector<16xf32>
    %mul3A_17 = arith.constant 2.000000e-01 : f32
    %mul3A_18 = vector.broadcast %mul3A_17 : f32 to vector<16xf32>
    %mul3A_19 = arith.mulf %mul3A_18, %add3A_16 : vector<16xf32>
    %max3A = arith.maximumf %add3A_16, %mul3A_19 : vector<16xf32>
    %run_scoped3A = arith.constant 0 : i32
    "tpu.region"() ({
      %run_scoped3A_81 = tpu.sem_alloc : memref<!tpu.dma_semaphore, #tpu.memory_space<semaphore_mem>>
      %dma_start3A_82 = arith.constant 0 : i32
      %dma_start3A_83 = arith.constant 0 : i32
      %dma_start3A_84 = arith.constant 0 : i32
      %dma_start3A_85 = tpu.memref_slice %arg2[%add3A, %dma_start3A_82, %dma_start3A_83, %dma_start3A_84] : memref<32x125x2x80xi32, #tpu.memory_space<hbm>> -> memref<1x125x2x80xi32, #tpu.memory_space<hbm>>
      %dma_start3A_86 = tpu.memref_squeeze %dma_start3A_85 : memref<1x125x2x80xi32, #tpu.memory_space<hbm>> -> memref<125x2x80xi32, #tpu.memory_space<hbm>>
      %dma_start3A_87 = arith.constant 0 : i32
      %dma_start3A_88 = arith.constant 0 : i32
      %dma_start3A_89 = tpu.memref_slice %dma_start3A_86[%run_scoped3A, %dma_start3A_87, %dma_start3A_88] : memref<125x2x80xi32, #tpu.memory_space<hbm>> -> memref<1x2x80xi32, #tpu.memory_space<hbm>>
      %dma_start3A_90 = tpu.memref_squeeze %dma_start3A_89 : memref<1x2x80xi32, #tpu.memory_space<hbm>> -> memref<2x80xi32, #tpu.memory_space<hbm>>
      %dma_start3A_91 = arith.constant 0 : i32
      %dma_start3A_92 = arith.constant 0 : i32
      %dma_start3A_93 = arith.constant 0 : i32
      %dma_start3A_94 = tpu.memref_slice %arg2[%add3A, %dma_start3A_91, %dma_start3A_92, %dma_start3A_93] : memref<32x125x2x80xi32, #tpu.memory_space<hbm>> -> memref<1x125x2x80xi32, #tpu.memory_space<hbm>>
      %dma_start3A_95 = tpu.memref_squeeze %dma_start3A_94 : memref<1x125x2x80xi32, #tpu.memory_space<hbm>> -> memref<125x2x80xi32, #tpu.memory_space<hbm>>
      %dma_start3A_96 = arith.constant 0 : i32
      %dma_start3A_97 = arith.constant 0 : i32
      %dma_start3A_98 = tpu.memref_slice %dma_start3A_95[%run_scoped3A, %dma_start3A_96, %dma_start3A_97] : memref<125x2x80xi32, #tpu.memory_space<hbm>> -> memref<1x2x80xi32, #tpu.memory_space<hbm>>
      %dma_start3A_99 = tpu.memref_squeeze %dma_start3A_98 : memref<1x2x80xi32, #tpu.memory_space<hbm>> -> memref<2x80xi32, #tpu.memory_space<hbm>>
      tpu.enqueue_dma source(%dma_start3A_99 : memref<2x80xi32, #tpu.memory_space<hbm>>) target(%arg11 : memref<2x80xi32, #tpu.memory_space<vmem>>) target_semaphore(%run_scoped3A_81 : memref<!tpu.dma_semaphore, #tpu.memory_space<semaphore_mem>>)
      %dma_wait3A_100 = arith.constant 0 : i32
      %dma_wait3A_101 = arith.constant 0 : i32
      %dma_wait3A_102 = arith.constant 0 : i32
      %dma_wait3A_103 = tpu.memref_slice %arg2[%add3A, %dma_wait3A_100, %dma_wait3A_101, %dma_wait3A_102] : memref<32x125x2x80xi32, #tpu.memory_space<hbm>> -> memref<1x125x2x80xi32, #tpu.memory_space<hbm>>
      %dma_wait3A_104 = tpu.memref_squeeze %dma_wait3A_103 : memref<1x125x2x80xi32, #tpu.memory_space<hbm>> -> memref<125x2x80xi32, #tpu.memory_space<hbm>>
      %dma_wait3A_105 = arith.constant 0 : i32
      %dma_wait3A_106 = arith.constant 0 : i32
      %dma_wait3A_107 = tpu.memref_slice %dma_wait3A_104[%run_scoped3A, %dma_wait3A_105, %dma_wait3A_106] : memref<125x2x80xi32, #tpu.memory_space<hbm>> -> memref<1x2x80xi32, #tpu.memory_space<hbm>>
      %dma_wait3A_108 = tpu.memref_squeeze %dma_wait3A_107 : memref<1x2x80xi32, #tpu.memory_space<hbm>> -> memref<2x80xi32, #tpu.memory_space<hbm>>
      %dma_wait3A_109 = arith.constant 0 : i32
      %dma_wait3A_110 = arith.constant 0 : i32
      %dma_wait3A_111 = arith.constant 0 : i32
      %dma_wait3A_112 = tpu.memref_slice %arg2[%add3A, %dma_wait3A_109, %dma_wait3A_110, %dma_wait3A_111] : memref<32x125x2x80xi32, #tpu.memory_space<hbm>> -> memref<1x125x2x80xi32, #tpu.memory_space<hbm>>
      %dma_wait3A_113 = tpu.memref_squeeze %dma_wait3A_112 : memref<1x125x2x80xi32, #tpu.memory_space<hbm>> -> memref<125x2x80xi32, #tpu.memory_space<hbm>>
      %dma_wait3A_114 = arith.constant 0 : i32
      %dma_wait3A_115 = arith.constant 0 : i32
      %dma_wait3A_116 = tpu.memref_slice %dma_wait3A_113[%run_scoped3A, %dma_wait3A_114, %dma_wait3A_115] : memref<125x2x80xi32, #tpu.memory_space<hbm>> -> memref<1x2x80xi32, #tpu.memory_space<hbm>>
      %dma_wait3A_117 = tpu.memref_squeeze %dma_wait3A_116 : memref<1x2x80xi32, #tpu.memory_space<hbm>> -> memref<2x80xi32, #tpu.memory_space<hbm>>
      tpu.wait_dma2 semaphore(%run_scoped3A_81 : memref<!tpu.dma_semaphore, #tpu.memory_space<semaphore_mem>>) src(%dma_wait3A_117 : memref<2x80xi32, #tpu.memory_space<hbm>>) dst(%arg11 : memref<2x80xi32, #tpu.memory_space<vmem>>)
      tpu.yield
    }) : () -> ()
    %dma_start3A = arith.constant 0 : i32
    %dma_start3A_20 = arith.constant 0 : i32
    %dma_start3A_21 = tpu.memref_slice %arg11[%dma_start3A, %dma_start3A_20] : memref<2x80xi32, #tpu.memory_space<vmem>> -> memref<1x80xi32, #tpu.memory_space<vmem>>
    %dma_start3A_22 = tpu.memref_squeeze %dma_start3A_21 : memref<1x80xi32, #tpu.memory_space<vmem>> -> memref<80xi32, #tpu.memory_space<vmem>>
    %dma_start3A_23 = arith.constant 0 : i32
    %dma_start3A_24 = arith.constant 0 : i32
    %dma_start3A_25 = tpu.memref_slice %arg3[%dma_start3A_23, %dma_start3A_24] : memref<10000x16xf32, #tpu.memory_space<hbm>> -> memref<10000x16xf32, #tpu.memory_space<hbm>>
    tpu.enqueue_indirect_dma source(%dma_start3A_25 : memref<10000x16xf32, #tpu.memory_space<hbm>>) target(%arg12 : memref<80x16xf32, #tpu.memory_space<vmem>>) offsets(%dma_start3A_22 : memref<80xi32, #tpu.memory_space<vmem>>) semaphore(%arg21 : memref<!tpu.dma_semaphore, #tpu.memory_space<semaphore_mem>>)
    %dma_start3A_26 = arith.constant 1 : i32
    %dma_start3A_27 = arith.constant 0 : i32
    %dma_start3A_28 = tpu.memref_slice %arg11[%dma_start3A_26, %dma_start3A_27] : memref<2x80xi32, #tpu.memory_space<vmem>> -> memref<1x80xi32, #tpu.memory_space<vmem>>
    %dma_start3A_29 = tpu.memref_squeeze %dma_start3A_28 : memref<1x80xi32, #tpu.memory_space<vmem>> -> memref<80xi32, #tpu.memory_space<vmem>>
    %dma_start3A_30 = arith.constant 0 : i32
    %dma_start3A_31 = arith.constant 0 : i32
    %dma_start3A_32 = tpu.memref_slice %arg4[%dma_start3A_30, %dma_start3A_31] : memref<10000x16xf32, #tpu.memory_space<hbm>> -> memref<10000x16xf32, #tpu.memory_space<hbm>>
    tpu.enqueue_indirect_dma source(%dma_start3A_32 : memref<10000x16xf32, #tpu.memory_space<hbm>>) target(%arg13 : memref<80x16xf32, #tpu.memory_space<vmem>>) offsets(%dma_start3A_29 : memref<80xi32, #tpu.memory_space<vmem>>) semaphore(%arg22 : memref<!tpu.dma_semaphore, #tpu.memory_space<semaphore_mem>>)
    %add3A_33 = arith.constant 0 : i32
    %add3A_34 = arith.addi %mul3A_2, %add3A_33 : i32
    %run_scoped3A_35 = arith.constant 1 : i32
    "tpu.region"() ({
      %run_scoped3A_81 = tpu.sem_alloc : memref<!tpu.dma_semaphore, #tpu.memory_space<semaphore_mem>>
      %dma_start3A_82 = arith.constant 0 : i32
      %dma_start3A_83 = arith.constant 0 : i32
      %dma_start3A_84 = arith.constant 0 : i32
      %dma_start3A_85 = tpu.memref_slice %arg2[%add3A, %dma_start3A_82, %dma_start3A_83, %dma_start3A_84] : memref<32x125x2x80xi32, #tpu.memory_space<hbm>> -> memref<1x125x2x80xi32, #tpu.memory_space<hbm>>
      %dma_start3A_86 = tpu.memref_squeeze %dma_start3A_85 : memref<1x125x2x80xi32, #tpu.memory_space<hbm>> -> memref<125x2x80xi32, #tpu.memory_space<hbm>>
      %dma_start3A_87 = arith.constant 0 : i32
      %dma_start3A_88 = arith.constant 0 : i32
      %dma_start3A_89 = tpu.memref_slice %dma_start3A_86[%run_scoped3A_35, %dma_start3A_87, %dma_start3A_88] : memref<125x2x80xi32, #tpu.memory_space<hbm>> -> memref<1x2x80xi32, #tpu.memory_space<hbm>>
      %dma_start3A_90 = tpu.memref_squeeze %dma_start3A_89 : memref<1x2x80xi32, #tpu.memory_space<hbm>> -> memref<2x80xi32, #tpu.memory_space<hbm>>
      %dma_start3A_91 = arith.constant 0 : i32
      %dma_start3A_92 = arith.constant 0 : i32
      %dma_start3A_93 = arith.constant 0 : i32
      %dma_start3A_94 = tpu.memref_slice %arg2[%add3A, %dma_start3A_91, %dma_start3A_92, %dma_start3A_93] : memref<32x125x2x80xi32, #tpu.memory_space<hbm>> -> memref<1x125x2x80xi32, #tpu.memory_space<hbm>>
      %dma_start3A_95 = tpu.memref_squeeze %dma_start3A_94 : memref<1x125x2x80xi32, #tpu.memory_space<hbm>> -> memref<125x2x80xi32, #tpu.memory_space<hbm>>
      %dma_start3A_96 = arith.constant 0 : i32
      %dma_start3A_97 = arith.constant 0 : i32
      %dma_start3A_98 = tpu.memref_slice %dma_start3A_95[%run_scoped3A_35, %dma_start3A_96, %dma_start3A_97] : memref<125x2x80xi32, #tpu.memory_space<hbm>> -> memref<1x2x80xi32, #tpu.memory_space<hbm>>
      %dma_start3A_99 = tpu.memref_squeeze %dma_start3A_98 : memref<1x2x80xi32, #tpu.memory_space<hbm>> -> memref<2x80xi32, #tpu.memory_space<hbm>>
      tpu.enqueue_dma source(%dma_start3A_99 : memref<2x80xi32, #tpu.memory_space<hbm>>) target(%arg15 : memref<2x80xi32, #tpu.memory_space<vmem>>) target_semaphore(%run_scoped3A_81 : memref<!tpu.dma_semaphore, #tpu.memory_space<semaphore_mem>>)
      %dma_wait3A_100 = arith.constant 0 : i32
      %dma_wait3A_101 = arith.constant 0 : i32
      %dma_wait3A_102 = arith.constant 0 : i32
      %dma_wait3A_103 = tpu.memref_slice %arg2[%add3A, %dma_wait3A_100, %dma_wait3A_101, %dma_wait3A_102] : memref<32x125x2x80xi32, #tpu.memory_space<hbm>> -> memref<1x125x2x80xi32, #tpu.memory_space<hbm>>
      %dma_wait3A_104 = tpu.memref_squeeze %dma_wait3A_103 : memref<1x125x2x80xi32, #tpu.memory_space<hbm>> -> memref<125x2x80xi32, #tpu.memory_space<hbm>>
      %dma_wait3A_105 = arith.constant 0 : i32
      %dma_wait3A_106 = arith.constant 0 : i32
      %dma_wait3A_107 = tpu.memref_slice %dma_wait3A_104[%run_scoped3A_35, %dma_wait3A_105, %dma_wait3A_106] : memref<125x2x80xi32, #tpu.memory_space<hbm>> -> memref<1x2x80xi32, #tpu.memory_space<hbm>>
      %dma_wait3A_108 = tpu.memref_squeeze %dma_wait3A_107 : memref<1x2x80xi32, #tpu.memory_space<hbm>> -> memref<2x80xi32, #tpu.memory_space<hbm>>
      %dma_wait3A_109 = arith.constant 0 : i32
      %dma_wait3A_110 = arith.constant 0 : i32
      %dma_wait3A_111 = arith.constant 0 : i32
      %dma_wait3A_112 = tpu.memref_slice %arg2[%add3A, %dma_wait3A_109, %dma_wait3A_110, %dma_wait3A_111] : memref<32x125x2x80xi32, #tpu.memory_space<hbm>> -> memref<1x125x2x80xi32, #tpu.memory_space<hbm>>
      %dma_wait3A_113 = tpu.memref_squeeze %dma_wait3A_112 : memref<1x125x2x80xi32, #tpu.memory_space<hbm>> -> memref<125x2x80xi32, #tpu.memory_space<hbm>>
      %dma_wait3A_114 = arith.constant 0 : i32
      %dma_wait3A_115 = arith.constant 0 : i32
      %dma_wait3A_116 = tpu.memref_slice %dma_wait3A_113[%run_scoped3A_35, %dma_wait3A_114, %dma_wait3A_115] : memref<125x2x80xi32, #tpu.memory_space<hbm>> -> memref<1x2x80xi32, #tpu.memory_space<hbm>>
      %dma_wait3A_117 = tpu.memref_squeeze %dma_wait3A_116 : memref<1x2x80xi32, #tpu.memory_space<hbm>> -> memref<2x80xi32, #tpu.memory_space<hbm>>
      tpu.wait_dma2 semaphore(%run_scoped3A_81 : memref<!tpu.dma_semaphore, #tpu.memory_space<semaphore_mem>>) src(%dma_wait3A_117 : memref<2x80xi32, #tpu.memory_space<hbm>>) dst(%arg15 : memref<2x80xi32, #tpu.memory_space<vmem>>)
      tpu.yield
    }) : () -> ()
    %dma_start3A_36 = arith.constant 0 : i32
    %dma_start3A_37 = arith.constant 0 : i32
    %dma_start3A_38 = tpu.memref_slice %arg15[%dma_start3A_36, %dma_start3A_37] : memref<2x80xi32, #tpu.memory_space<vmem>> -> memref<1x80xi32, #tpu.memory_space<vmem>>
    %dma_start3A_39 = tpu.memref_squeeze %dma_start3A_38 : memref<1x80xi32, #tpu.memory_space<vmem>> -> memref<80xi32, #tpu.memory_space<vmem>>
    %dma_start3A_40 = arith.constant 0 : i32
    %dma_start3A_41 = arith.constant 0 : i32
    %dma_start3A_42 = tpu.memref_slice %arg3[%dma_start3A_40, %dma_start3A_41] : memref<10000x16xf32, #tpu.memory_space<hbm>> -> memref<10000x16xf32, #tpu.memory_space<hbm>>
    tpu.enqueue_indirect_dma source(%dma_start3A_42 : memref<10000x16xf32, #tpu.memory_space<hbm>>) target(%arg16 : memref<80x16xf32, #tpu.memory_space<vmem>>) offsets(%dma_start3A_39 : memref<80xi32, #tpu.memory_space<vmem>>) semaphore(%arg23 : memref<!tpu.dma_semaphore, #tpu.memory_space<semaphore_mem>>)
    %dma_start3A_43 = arith.constant 1 : i32
    %dma_start3A_44 = arith.constant 0 : i32
    %dma_start3A_45 = tpu.memref_slice %arg15[%dma_start3A_43, %dma_start3A_44] : memref<2x80xi32, #tpu.memory_space<vmem>> -> memref<1x80xi32, #tpu.memory_space<vmem>>
    %dma_start3A_46 = tpu.memref_squeeze %dma_start3A_45 : memref<1x80xi32, #tpu.memory_space<vmem>> -> memref<80xi32, #tpu.memory_space<vmem>>
    %dma_start3A_47 = arith.constant 0 : i32
    %dma_start3A_48 = arith.constant 0 : i32
    %dma_start3A_49 = tpu.memref_slice %arg4[%dma_start3A_47, %dma_start3A_48] : memref<10000x16xf32, #tpu.memory_space<hbm>> -> memref<10000x16xf32, #tpu.memory_space<hbm>>
    tpu.enqueue_indirect_dma source(%dma_start3A_49 : memref<10000x16xf32, #tpu.memory_space<hbm>>) target(%arg17 : memref<80x16xf32, #tpu.memory_space<vmem>>) offsets(%dma_start3A_46 : memref<80xi32, #tpu.memory_space<vmem>>) semaphore(%arg24 : memref<!tpu.dma_semaphore, #tpu.memory_space<semaphore_mem>>)
    %dma_wait3A = arith.constant 0 : i32
    %dma_wait3A_50 = arith.constant 0 : i32
    %dma_wait3A_51 = tpu.memref_slice %arg11[%dma_wait3A, %dma_wait3A_50] : memref<2x80xi32, #tpu.memory_space<vmem>> -> memref<1x80xi32, #tpu.memory_space<vmem>>
    %dma_wait3A_52 = tpu.memref_squeeze %dma_wait3A_51 : memref<1x80xi32, #tpu.memory_space<vmem>> -> memref<80xi32, #tpu.memory_space<vmem>>
    %dma_wait3A_53 = arith.constant 0 : i32
    %dma_wait3A_54 = arith.constant 0 : i32
    %dma_wait3A_55 = tpu.memref_slice %arg3[%dma_wait3A_53, %dma_wait3A_54] : memref<10000x16xf32, #tpu.memory_space<hbm>> -> memref<10000x16xf32, #tpu.memory_space<hbm>>
    tpu.wait_indirect_dma semaphore(%arg21 : memref<!tpu.dma_semaphore, #tpu.memory_space<semaphore_mem>>) src(%dma_wait3A_55 : memref<10000x16xf32, #tpu.memory_space<hbm>>) dst(%arg12 : memref<80x16xf32, #tpu.memory_space<vmem>>)
    %dma_wait3A_56 = arith.constant 1 : i32
    %dma_wait3A_57 = arith.constant 0 : i32
    %dma_wait3A_58 = tpu.memref_slice %arg11[%dma_wait3A_56, %dma_wait3A_57] : memref<2x80xi32, #tpu.memory_space<vmem>> -> memref<1x80xi32, #tpu.memory_space<vmem>>
    %dma_wait3A_59 = tpu.memref_squeeze %dma_wait3A_58 : memref<1x80xi32, #tpu.memory_space<vmem>> -> memref<80xi32, #tpu.memory_space<vmem>>
    %dma_wait3A_60 = arith.constant 0 : i32
    %dma_wait3A_61 = arith.constant 0 : i32
    %dma_wait3A_62 = tpu.memref_slice %arg4[%dma_wait3A_60, %dma_wait3A_61] : memref<10000x16xf32, #tpu.memory_space<hbm>> -> memref<10000x16xf32, #tpu.memory_space<hbm>>
    tpu.wait_indirect_dma semaphore(%arg22 : memref<!tpu.dma_semaphore, #tpu.memory_space<semaphore_mem>>) src(%dma_wait3A_62 : memref<10000x16xf32, #tpu.memory_space<hbm>>) dst(%arg13 : memref<80x16xf32, #tpu.memory_space<vmem>>)
    %scan3A = arith.constant 0 : i32
    %scan3A_63 = arith.constant 0 : i32
    %scan3A_64 = arith.constant 80 : i32
    %scan3A_65 = arith.addi %scan3A_63, %scan3A_64 : i32
    %scan3A_66 = arith.constant 1 : i32
    %scan3A_67 = scf.for %scan3A_81 = %scan3A_63 to %scan3A_65 step %scan3A_66 iter_args(%scan3A_82 = %scan3A) -> (i32)  : i32 {
      %get3A_83 = arith.index_cast %scan3A_81 : i32 to index
      %get3A_84 = arith.constant 0 : index
      %get3A_85 = tpu.vector_load %arg12[%get3A_83, %get3A_84] {strides = array<i32>} : memref<80x16xf32, #tpu.memory_space<vmem>>, vector<1x16xf32>,
      %get3A_86 = vector.shape_cast %get3A_85 : vector<1x16xf32> to vector<16xf32>
      %get3A_87 = arith.index_cast %scan3A_81 : i32 to index
      %get3A_88 = arith.constant 0 : index
      %get3A_89 = tpu.vector_load %arg13[%get3A_87, %get3A_88] {strides = array<i32>} : memref<80x16xf32, #tpu.memory_space<vmem>>, vector<1x16xf32>,
      %get3A_90 = vector.shape_cast %get3A_89 : vector<1x16xf32> to vector<16xf32>
      %add3A_91 = arith.addf %get3A_86, %get3A_90 : vector<16xf32>
      %mul3A_92 = arith.constant 2.000000e-01 : f32
      %mul3A_93 = vector.broadcast %mul3A_92 : f32 to vector<16xf32>
      %mul3A_94 = arith.mulf %mul3A_93, %add3A_91 : vector<16xf32>
      %max3A_95 = arith.maximumf %add3A_91, %mul3A_94 : vector<16xf32>
      %sub3A = arith.subf %max3A_95, %max3A : vector<16xf32>
      %exp3A = math.exp %sub3A : vector<16xf32>
      %swap3A = arith.index_cast %scan3A_81 : i32 to index
      %swap3A_96 = arith.constant 0 : index
      %swap3A_97 = tpu.vector_load %arg14[%swap3A, %swap3A_96] {strides = array<i32>} : memref<80x16xf32, #tpu.memory_space<vmem>>, vector<1x16xf32>,
      %swap3A_98 = vector.shape_cast %swap3A_97 : vector<1x16xf32> to vector<16xf32>
      %swap3A_99 = vector.shape_cast %exp3A : vector<16xf32> to vector<1x16xf32>
      tpu.vector_store %arg14[%swap3A, %swap3A_96], %swap3A_99 {strides = array<i32>} : memref<80x16xf32, #tpu.memory_space<vmem>>, vector<1x16xf32>,
      %scan3A_100 = arith.constant 0 : i32
      scf.yield %scan3A_100 : i32
    }
    %scan3A_68 = arith.constant 80 : i32
    "tpu.region"() ({
      %run_scoped3A_81 = tpu.sem_alloc : memref<!tpu.dma_semaphore, #tpu.memory_space<semaphore_mem>>
      %dma_start3A_82 = arith.constant 0 : i32
      %dma_start3A_83 = tpu.memref_slice %arg8[%add3A_34, %dma_start3A_82] : memref<320000x16xf32, #tpu.memory_space<hbm>> -> memref<80x16xf32, #tpu.memory_space<hbm>>
      %dma_start3A_84 = arith.constant 0 : i32
      %dma_start3A_85 = tpu.memref_slice %arg8[%add3A_34, %dma_start3A_84] : memref<320000x16xf32, #tpu.memory_space<hbm>> -> memref<80x16xf32, #tpu.memory_space<hbm>>
      tpu.enqueue_dma source(%arg14 : memref<80x16xf32, #tpu.memory_space<vmem>>) target(%dma_start3A_85 : memref<80x16xf32, #tpu.memory_space<hbm>>) target_semaphore(%run_scoped3A_81 : memref<!tpu.dma_semaphore, #tpu.memory_space<semaphore_mem>>)
      %dma_wait3A_86 = arith.constant 0 : i32
      %dma_wait3A_87 = tpu.memref_slice %arg8[%add3A_34, %dma_wait3A_86] : memref<320000x16xf32, #tpu.memory_space<hbm>> -> memref<80x16xf32, #tpu.memory_space<hbm>>
      %dma_wait3A_88 = arith.constant 0 : i32
      %dma_wait3A_89 = tpu.memref_slice %arg8[%add3A_34, %dma_wait3A_88] : memref<320000x16xf32, #tpu.memory_space<hbm>> -> memref<80x16xf32, #tpu.memory_space<hbm>>
      tpu.wait_dma2 semaphore(%run_scoped3A_81 : memref<!tpu.dma_semaphore, #tpu.memory_space<semaphore_mem>>) src(%arg14 : memref<80x16xf32, #tpu.memory_space<vmem>>) dst(%dma_wait3A_89 : memref<80x16xf32, #tpu.memory_space<hbm>>)
      tpu.yield
    }) : () -> ()
    %run_scoped3A_69 = arith.constant 1 : i32
    "tpu.region"() ({
      %run_scoped3A_81 = tpu.sem_alloc : memref<!tpu.dma_semaphore, #tpu.memory_space<semaphore_mem>>
      %dma_start3A_82 = arith.constant 0 : i32
      %dma_start3A_83 = tpu.memref_slice %arg11[%run_scoped3A_69, %dma_start3A_82] : memref<2x80xi32, #tpu.memory_space<vmem>> -> memref<1x80xi32, #tpu.memory_space<vmem>>
      %dma_start3A_84 = tpu.memref_squeeze %dma_start3A_83 : memref<1x80xi32, #tpu.memory_space<vmem>> -> memref<80xi32, #tpu.memory_space<vmem>>
      %dma_start3A_85 = arith.constant 0 : i32
      %dma_start3A_86 = arith.constant 0 : i32
      %dma_start3A_87 = tpu.memref_slice %arg10[%dma_start3A_85, %dma_start3A_86] : memref<10240x16xf32, #tpu.memory_space<vmem_shared>> -> memref<10240x16xf32, #tpu.memory_space<vmem_shared>>
      tpu.enqueue_indirect_dma source(%arg14 : memref<80x16xf32, #tpu.memory_space<vmem>>) target(%dma_start3A_87 : memref<10240x16xf32, #tpu.memory_space<vmem_shared>>) offsets(%dma_start3A_84 : memref<80xi32, #tpu.memory_space<vmem>>) semaphore(%run_scoped3A_81 : memref<!tpu.dma_semaphore, #tpu.memory_space<semaphore_mem>>) {add = true}
      %dma_wait3A_88 = arith.constant 0 : i32
      %dma_wait3A_89 = tpu.memref_slice %arg11[%run_scoped3A_69, %dma_wait3A_88] : memref<2x80xi32, #tpu.memory_space<vmem>> -> memref<1x80xi32, #tpu.memory_space<vmem>>
      %dma_wait3A_90 = tpu.memref_squeeze %dma_wait3A_89 : memref<1x80xi32, #tpu.memory_space<vmem>> -> memref<80xi32, #tpu.memory_space<vmem>>
      %dma_wait3A_91 = arith.constant 0 : i32
      %dma_wait3A_92 = arith.constant 0 : i32
      %dma_wait3A_93 = tpu.memref_slice %arg10[%dma_wait3A_91, %dma_wait3A_92] : memref<10240x16xf32, #tpu.memory_space<vmem_shared>> -> memref<10240x16xf32, #tpu.memory_space<vmem_shared>>
      tpu.wait_indirect_dma semaphore(%run_scoped3A_81 : memref<!tpu.dma_semaphore, #tpu.memory_space<semaphore_mem>>) src(%arg14 : memref<80x16xf32, #tpu.memory_space<vmem>>) dst(%dma_wait3A_93 : memref<10240x16xf32, #tpu.memory_space<vmem_shared>>)
      tpu.yield
    }) : () -> ()
    %scan3A_70 = arith.constant 0 : i32
    %scan3A_71 = arith.constant 0 : i32
    %scan3A_72 = arith.constant 62 : i32
    %scan3A_73 = arith.addi %scan3A_71, %scan3A_72 : i32
    %scan3A_74 = arith.constant 1 : i32
    scf.for %scan3A_81 = %scan3A_71 to %scan3A_73 step %scan3A_74  : i32 {
      %mul3A_82 = arith.constant 2 : i32
      %mul3A_83 = arith.muli %mul3A_82, %scan3A_81 : i32
      %add3A_84 = arith.constant 1 : i32
      %add3A_85 = arith.addi %mul3A_83, %add3A_84 : i32
      %mul3A_86 = arith.constant 80 : i32
      %mul3A_87 = arith.muli %add3A_85, %mul3A_86 : i32
      %add3A_88 = arith.addi %mul3A_2, %mul3A_87 : i32
      %add3A_89 = arith.constant 1 : i32
      %add3A_90 = arith.addi %add3A_85, %add3A_89 : i32
      %lt3A = arith.constant 125 : i32
      %lt3A_91 = arith.cmpi slt, %add3A_90, %lt3A : i32
      %convert_element_type3A = arith.extui %lt3A_91 : i1 to i32
      %cond3A = arith.constant 0 : i32
      %cond3A_92 = arith.cmpi ne, %convert_element_type3A, %cond3A : i32
      scf.if %cond3A_92 {
        %add3A_151 = arith.constant 1 : i32
        %add3A_152 = arith.addi %add3A_85, %add3A_151 : i32
        "tpu.region"() ({
          %run_scoped3A_167 = tpu.sem_alloc : memref<!tpu.dma_semaphore, #tpu.memory_space<semaphore_mem>>
          %dma_start3A_168 = arith.constant 0 : i32
          %dma_start3A_169 = arith.constant 0 : i32
          %dma_start3A_170 = arith.constant 0 : i32
          %dma_start3A_171 = tpu.memref_slice %arg2[%add3A, %dma_start3A_168, %dma_start3A_169, %dma_start3A_170] : memref<32x125x2x80xi32, #tpu.memory_space<hbm>> -> memref<1x125x2x80xi32, #tpu.memory_space<hbm>>
          %dma_start3A_172 = tpu.memref_squeeze %dma_start3A_171 : memref<1x125x2x80xi32, #tpu.memory_space<hbm>> -> memref<125x2x80xi32, #tpu.memory_space<hbm>>
          %dma_start3A_173 = arith.constant 0 : i32
          %dma_start3A_174 = arith.constant 0 : i32
          %dma_start3A_175 = tpu.memref_slice %dma_start3A_172[%add3A_152, %dma_start3A_173, %dma_start3A_174] : memref<125x2x80xi32, #tpu.memory_space<hbm>> -> memref<1x2x80xi32, #tpu.memory_space<hbm>>
          %dma_start3A_176 = tpu.memref_squeeze %dma_start3A_175 : memref<1x2x80xi32, #tpu.memory_space<hbm>> -> memref<2x80xi32, #tpu.memory_space<hbm>>
          %dma_start3A_177 = arith.constant 0 : i32
          %dma_start3A_178 = arith.constant 0 : i32
          %dma_start3A_179 = arith.constant 0 : i32
          %dma_start3A_180 = tpu.memref_slice %arg2[%add3A, %dma_start3A_177, %dma_start3A_178, %dma_start3A_179] : memref<32x125x2x80xi32, #tpu.memory_space<hbm>> -> memref<1x125x2x80xi32, #tpu.memory_space<hbm>>
          %dma_start3A_181 = tpu.memref_squeeze %dma_start3A_180 : memref<1x125x2x80xi32, #tpu.memory_space<hbm>> -> memref<125x2x80xi32, #tpu.memory_space<hbm>>
          %dma_start3A_182 = arith.constant 0 : i32
          %dma_start3A_183 = arith.constant 0 : i32
          %dma_start3A_184 = tpu.memref_slice %dma_start3A_181[%add3A_152, %dma_start3A_182, %dma_start3A_183] : memref<125x2x80xi32, #tpu.memory_space<hbm>> -> memref<1x2x80xi32, #tpu.memory_space<hbm>>
          %dma_start3A_185 = tpu.memref_squeeze %dma_start3A_184 : memref<1x2x80xi32, #tpu.memory_space<hbm>> -> memref<2x80xi32, #tpu.memory_space<hbm>>
          tpu.enqueue_dma source(%dma_start3A_185 : memref<2x80xi32, #tpu.memory_space<hbm>>) target(%arg11 : memref<2x80xi32, #tpu.memory_space<vmem>>) target_semaphore(%run_scoped3A_167 : memref<!tpu.dma_semaphore, #tpu.memory_space<semaphore_mem>>)
          %dma_wait3A_186 = arith.constant 0 : i32
          %dma_wait3A_187 = arith.constant 0 : i32
          %dma_wait3A_188 = arith.constant 0 : i32
          %dma_wait3A_189 = tpu.memref_slice %arg2[%add3A, %dma_wait3A_186, %dma_wait3A_187, %dma_wait3A_188] : memref<32x125x2x80xi32, #tpu.memory_space<hbm>> -> memref<1x125x2x80xi32, #tpu.memory_space<hbm>>
          %dma_wait3A_190 = tpu.memref_squeeze %dma_wait3A_189 : memref<1x125x2x80xi32, #tpu.memory_space<hbm>> -> memref<125x2x80xi32, #tpu.memory_space<hbm>>
          %dma_wait3A_191 = arith.constant 0 : i32
          %dma_wait3A_192 = arith.constant 0 : i32
          %dma_wait3A_193 = tpu.memref_slice %dma_wait3A_190[%add3A_152, %dma_wait3A_191, %dma_wait3A_192] : memref<125x2x80xi32, #tpu.memory_space<hbm>> -> memref<1x2x80xi32, #tpu.memory_space<hbm>>
          %dma_wait3A_194 = tpu.memref_squeeze %dma_wait3A_193 : memref<1x2x80xi32, #tpu.memory_space<hbm>> -> memref<2x80xi32, #tpu.memory_space<hbm>>
          %dma_wait3A_195 = arith.constant 0 : i32
          %dma_wait3A_196 = arith.constant 0 : i32
          %dma_wait3A_197 = arith.constant 0 : i32
          %dma_wait3A_198 = tpu.memref_slice %arg2[%add3A, %dma_wait3A_195, %dma_wait3A_196, %dma_wait3A_197] : memref<32x125x2x80xi32, #tpu.memory_space<hbm>> -> memref<1x125x2x80xi32, #tpu.memory_space<hbm>>
          %dma_wait3A_199 = tpu.memref_squeeze %dma_wait3A_198 : memref<1x125x2x80xi32, #tpu.memory_space<hbm>> -> memref<125x2x80xi32, #tpu.memory_space<hbm>>
          %dma_wait3A_200 = arith.constant 0 : i32
          %dma_wait3A_201 = arith.constant 0 : i32
          %dma_wait3A_202 = tpu.memref_slice %dma_wait3A_199[%add3A_152, %dma_wait3A_200, %dma_wait3A_201] : memref<125x2x80xi32, #tpu.memory_space<hbm>> -> memref<1x2x80xi32, #tpu.memory_space<hbm>>
          %dma_wait3A_203 = tpu.memref_squeeze %dma_wait3A_202 : memref<1x2x80xi32, #tpu.memory_space<hbm>> -> memref<2x80xi32, #tpu.memory_space<hbm>>
          tpu.wait_dma2 semaphore(%run_scoped3A_167 : memref<!tpu.dma_semaphore, #tpu.memory_space<semaphore_mem>>) src(%dma_wait3A_203 : memref<2x80xi32, #tpu.memory_space<hbm>>) dst(%arg11 : memref<2x80xi32, #tpu.memory_space<vmem>>)
          tpu.yield
        }) : () -> ()
        %dma_start3A_153 = arith.constant 0 : i32
        %dma_start3A_154 = arith.constant 0 : i32
        %dma_start3A_155 = tpu.memref_slice %arg11[%dma_start3A_153, %dma_start3A_154] : memref<2x80xi32, #tpu.memory_space<vmem>> -> memref<1x80xi32, #tpu.memory_space<vmem>>
        %dma_start3A_156 = tpu.memref_squeeze %dma_start3A_155 : memref<1x80xi32, #tpu.memory_space<vmem>> -> memref<80xi32, #tpu.memory_space<vmem>>
        %dma_start3A_157 = arith.constant 0 : i32
        %dma_start3A_158 = arith.constant 0 : i32
        %dma_start3A_159 = tpu.memref_slice %arg3[%dma_start3A_157, %dma_start3A_158] : memref<10000x16xf32, #tpu.memory_space<hbm>> -> memref<10000x16xf32, #tpu.memory_space<hbm>>
        tpu.enqueue_indirect_dma source(%dma_start3A_159 : memref<10000x16xf32, #tpu.memory_space<hbm>>) target(%arg12 : memref<80x16xf32, #tpu.memory_space<vmem>>) offsets(%dma_start3A_156 : memref<80xi32, #tpu.memory_space<vmem>>) semaphore(%arg21 : memref<!tpu.dma_semaphore, #tpu.memory_space<semaphore_mem>>)
        %dma_start3A_160 = arith.constant 1 : i32
        %dma_start3A_161 = arith.constant 0 : i32
        %dma_start3A_162 = tpu.memref_slice %arg11[%dma_start3A_160, %dma_start3A_161] : memref<2x80xi32, #tpu.memory_space<vmem>> -> memref<1x80xi32, #tpu.memory_space<vmem>>
        %dma_start3A_163 = tpu.memref_squeeze %dma_start3A_162 : memref<1x80xi32, #tpu.memory_space<vmem>> -> memref<80xi32, #tpu.memory_space<vmem>>
        %dma_start3A_164 = arith.constant 0 : i32
        %dma_start3A_165 = arith.constant 0 : i32
        %dma_start3A_166 = tpu.memref_slice %arg4[%dma_start3A_164, %dma_start3A_165] : memref<10000x16xf32, #tpu.memory_space<hbm>> -> memref<10000x16xf32, #tpu.memory_space<hbm>>
        tpu.enqueue_indirect_dma source(%dma_start3A_166 : memref<10000x16xf32, #tpu.memory_space<hbm>>) target(%arg13 : memref<80x16xf32, #tpu.memory_space<vmem>>) offsets(%dma_start3A_163 : memref<80xi32, #tpu.memory_space<vmem>>) semaphore(%arg22 : memref<!tpu.dma_semaphore, #tpu.memory_space<semaphore_mem>>)
      } else {
      }
      %dma_wait3A_93 = arith.constant 0 : i32
      %dma_wait3A_94 = arith.constant 0 : i32
      %dma_wait3A_95 = tpu.memref_slice %arg15[%dma_wait3A_93, %dma_wait3A_94] : memref<2x80xi32, #tpu.memory_space<vmem>> -> memref<1x80xi32, #tpu.memory_space<vmem>>
      %dma_wait3A_96 = tpu.memref_squeeze %dma_wait3A_95 : memref<1x80xi32, #tpu.memory_space<vmem>> -> memref<80xi32, #tpu.memory_space<vmem>>
      %dma_wait3A_97 = arith.constant 0 : i32
      %dma_wait3A_98 = arith.constant 0 : i32
      %dma_wait3A_99 = tpu.memref_slice %arg3[%dma_wait3A_97, %dma_wait3A_98] : memref<10000x16xf32, #tpu.memory_space<hbm>> -> memref<10000x16xf32, #tpu.memory_space<hbm>>
      tpu.wait_indirect_dma semaphore(%arg23 : memref<!tpu.dma_semaphore, #tpu.memory_space<semaphore_mem>>) src(%dma_wait3A_99 : memref<10000x16xf32, #tpu.memory_space<hbm>>) dst(%arg16 : memref<80x16xf32, #tpu.memory_space<vmem>>)
      %dma_wait3A_100 = arith.constant 1 : i32
      %dma_wait3A_101 = arith.constant 0 : i32
      %dma_wait3A_102 = tpu.memref_slice %arg15[%dma_wait3A_100, %dma_wait3A_101] : memref<2x80xi32, #tpu.memory_space<vmem>> -> memref<1x80xi32, #tpu.memory_space<vmem>>
      %dma_wait3A_103 = tpu.memref_squeeze %dma_wait3A_102 : memref<1x80xi32, #tpu.memory_space<vmem>> -> memref<80xi32, #tpu.memory_space<vmem>>
      %dma_wait3A_104 = arith.constant 0 : i32
      %dma_wait3A_105 = arith.constant 0 : i32
      %dma_wait3A_106 = tpu.memref_slice %arg4[%dma_wait3A_104, %dma_wait3A_105] : memref<10000x16xf32, #tpu.memory_space<hbm>> -> memref<10000x16xf32, #tpu.memory_space<hbm>>
      tpu.wait_indirect_dma semaphore(%arg24 : memref<!tpu.dma_semaphore, #tpu.memory_space<semaphore_mem>>) src(%dma_wait3A_106 : memref<10000x16xf32, #tpu.memory_space<hbm>>) dst(%arg17 : memref<80x16xf32, #tpu.memory_space<vmem>>)
      %scan3A_107 = arith.constant 0 : i32
      %scan3A_108 = arith.constant 0 : i32
      %scan3A_109 = arith.constant 80 : i32
      %scan3A_110 = arith.addi %scan3A_108, %scan3A_109 : i32
      %scan3A_111 = arith.constant 1 : i32
      %scan3A_112 = scf.for %scan3A_151 = %scan3A_108 to %scan3A_110 step %scan3A_111 iter_args(%scan3A_152 = %scan3A_107) -> (i32)  : i32 {
        %get3A_153 = arith.index_cast %scan3A_151 : i32 to index
        %get3A_154 = arith.constant 0 : index
        %get3A_155 = tpu.vector_load %arg16[%get3A_153, %get3A_154] {strides = array<i32>} : memref<80x16xf32, #tpu.memory_space<vmem>>, vector<1x16xf32>,
        %get3A_156 = vector.shape_cast %get3A_155 : vector<1x16xf32> to vector<16xf32>
        %get3A_157 = arith.index_cast %scan3A_151 : i32 to index
        %get3A_158 = arith.constant 0 : index
        %get3A_159 = tpu.vector_load %arg17[%get3A_157, %get3A_158] {strides = array<i32>} : memref<80x16xf32, #tpu.memory_space<vmem>>, vector<1x16xf32>,
        %get3A_160 = vector.shape_cast %get3A_159 : vector<1x16xf32> to vector<16xf32>
        %add3A_161 = arith.addf %get3A_156, %get3A_160 : vector<16xf32>
        %mul3A_162 = arith.constant 2.000000e-01 : f32
        %mul3A_163 = vector.broadcast %mul3A_162 : f32 to vector<16xf32>
        %mul3A_164 = arith.mulf %mul3A_163, %add3A_161 : vector<16xf32>
        %max3A_165 = arith.maximumf %add3A_161, %mul3A_164 : vector<16xf32>
        %sub3A = arith.subf %max3A_165, %max3A : vector<16xf32>
        %exp3A = math.exp %sub3A : vector<16xf32>
        %swap3A = arith.index_cast %scan3A_151 : i32 to index
        %swap3A_166 = arith.constant 0 : index
        %swap3A_167 = tpu.vector_load %arg18[%swap3A, %swap3A_166] {strides = array<i32>} : memref<80x16xf32, #tpu.memory_space<vmem>>, vector<1x16xf32>,
        %swap3A_168 = vector.shape_cast %swap3A_167 : vector<1x16xf32> to vector<16xf32>
        %swap3A_169 = vector.shape_cast %exp3A : vector<16xf32> to vector<1x16xf32>
        tpu.vector_store %arg18[%swap3A, %swap3A_166], %swap3A_169 {strides = array<i32>} : memref<80x16xf32, #tpu.memory_space<vmem>>, vector<1x16xf32>,
        %scan3A_170 = arith.constant 0 : i32
        scf.yield %scan3A_170 : i32
      }
      %scan3A_113 = arith.constant 80 : i32
      "tpu.region"() ({
        %run_scoped3A_151 = tpu.sem_alloc : memref<!tpu.dma_semaphore, #tpu.memory_space<semaphore_mem>>
        %dma_start3A_152 = arith.constant 0 : i32
        %dma_start3A_153 = tpu.memref_slice %arg8[%add3A_88, %dma_start3A_152] : memref<320000x16xf32, #tpu.memory_space<hbm>> -> memref<80x16xf32, #tpu.memory_space<hbm>>
        %dma_start3A_154 = arith.constant 0 : i32
        %dma_start3A_155 = tpu.memref_slice %arg8[%add3A_88, %dma_start3A_154] : memref<320000x16xf32, #tpu.memory_space<hbm>> -> memref<80x16xf32, #tpu.memory_space<hbm>>
        tpu.enqueue_dma source(%arg18 : memref<80x16xf32, #tpu.memory_space<vmem>>) target(%dma_start3A_155 : memref<80x16xf32, #tpu.memory_space<hbm>>) target_semaphore(%run_scoped3A_151 : memref<!tpu.dma_semaphore, #tpu.memory_space<semaphore_mem>>)
        %dma_wait3A_156 = arith.constant 0 : i32
        %dma_wait3A_157 = tpu.memref_slice %arg8[%add3A_88, %dma_wait3A_156] : memref<320000x16xf32, #tpu.memory_space<hbm>> -> memref<80x16xf32, #tpu.memory_space<hbm>>
        %dma_wait3A_158 = arith.constant 0 : i32
        %dma_wait3A_159 = tpu.memref_slice %arg8[%add3A_88, %dma_wait3A_158] : memref<320000x16xf32, #tpu.memory_space<hbm>> -> memref<80x16xf32, #tpu.memory_space<hbm>>
        tpu.wait_dma2 semaphore(%run_scoped3A_151 : memref<!tpu.dma_semaphore, #tpu.memory_space<semaphore_mem>>) src(%arg18 : memref<80x16xf32, #tpu.memory_space<vmem>>) dst(%dma_wait3A_159 : memref<80x16xf32, #tpu.memory_space<hbm>>)
        tpu.yield
      }) : () -> ()
      %run_scoped3A_114 = arith.constant 1 : i32
      "tpu.region"() ({
        %run_scoped3A_151 = tpu.sem_alloc : memref<!tpu.dma_semaphore, #tpu.memory_space<semaphore_mem>>
        %dma_start3A_152 = arith.constant 0 : i32
        %dma_start3A_153 = tpu.memref_slice %arg15[%run_scoped3A_114, %dma_start3A_152] : memref<2x80xi32, #tpu.memory_space<vmem>> -> memref<1x80xi32, #tpu.memory_space<vmem>>
        %dma_start3A_154 = tpu.memref_squeeze %dma_start3A_153 : memref<1x80xi32, #tpu.memory_space<vmem>> -> memref<80xi32, #tpu.memory_space<vmem>>
        %dma_start3A_155 = arith.constant 0 : i32
        %dma_start3A_156 = arith.constant 0 : i32
        %dma_start3A_157 = tpu.memref_slice %arg10[%dma_start3A_155, %dma_start3A_156] : memref<10240x16xf32, #tpu.memory_space<vmem_shared>> -> memref<10240x16xf32, #tpu.memory_space<vmem_shared>>
        tpu.enqueue_indirect_dma source(%arg18 : memref<80x16xf32, #tpu.memory_space<vmem>>) target(%dma_start3A_157 : memref<10240x16xf32, #tpu.memory_space<vmem_shared>>) offsets(%dma_start3A_154 : memref<80xi32, #tpu.memory_space<vmem>>) semaphore(%run_scoped3A_151 : memref<!tpu.dma_semaphore, #tpu.memory_space<semaphore_mem>>) {add = true}
        %dma_wait3A_158 = arith.constant 0 : i32
        %dma_wait3A_159 = tpu.memref_slice %arg15[%run_scoped3A_114, %dma_wait3A_158] : memref<2x80xi32, #tpu.memory_space<vmem>> -> memref<1x80xi32, #tpu.memory_space<vmem>>
        %dma_wait3A_160 = tpu.memref_squeeze %dma_wait3A_159 : memref<1x80xi32, #tpu.memory_space<vmem>> -> memref<80xi32, #tpu.memory_space<vmem>>
        %dma_wait3A_161 = arith.constant 0 : i32
        %dma_wait3A_162 = arith.constant 0 : i32
        %dma_wait3A_163 = tpu.memref_slice %arg10[%dma_wait3A_161, %dma_wait3A_162] : memref<10240x16xf32, #tpu.memory_space<vmem_shared>> -> memref<10240x16xf32, #tpu.memory_space<vmem_shared>>
        tpu.wait_indirect_dma semaphore(%run_scoped3A_151 : memref<!tpu.dma_semaphore, #tpu.memory_space<semaphore_mem>>) src(%arg18 : memref<80x16xf32, #tpu.memory_space<vmem>>) dst(%dma_wait3A_163 : memref<10240x16xf32, #tpu.memory_space<vmem_shared>>)
        tpu.yield
      }) : () -> ()
      %mul3A_115 = arith.constant 2 : i32
      %mul3A_116 = arith.muli %mul3A_115, %scan3A_81 : i32
      %add3A_117 = arith.constant 2 : i32
      %add3A_118 = arith.addi %mul3A_116, %add3A_117 : i32
      %mul3A_119 = arith.constant 80 : i32
      %mul3A_120 = arith.muli %add3A_118, %mul3A_119 : i32
      %add3A_121 = arith.addi %mul3A_2, %mul3A_120 : i32
      %add3A_122 = arith.constant 1 : i32
      %add3A_123 = arith.addi %add3A_118, %add3A_122 : i32
      %lt3A_124 = arith.constant 125 : i32
      %lt3A_125 = arith.cmpi slt, %add3A_123, %lt3A_124 : i32
      %convert_element_type3A_126 = arith.extui %lt3A_125 : i1 to i32
      %cond3A_127 = arith.constant 0 : i32
      %cond3A_128 = arith.cmpi ne, %convert_element_type3A_126, %cond3A_127 : i32
      scf.if %cond3A_128 {
        %add3A_151 = arith.constant 1 : i32
        %add3A_152 = arith.addi %add3A_118, %add3A_151 : i32
        "tpu.region"() ({
          %run_scoped3A_167 = tpu.sem_alloc : memref<!tpu.dma_semaphore, #tpu.memory_space<semaphore_mem>>
          %dma_start3A_168 = arith.constant 0 : i32
          %dma_start3A_169 = arith.constant 0 : i32
          %dma_start3A_170 = arith.constant 0 : i32
          %dma_start3A_171 = tpu.memref_slice %arg2[%add3A, %dma_start3A_168, %dma_start3A_169, %dma_start3A_170] : memref<32x125x2x80xi32, #tpu.memory_space<hbm>> -> memref<1x125x2x80xi32, #tpu.memory_space<hbm>>
          %dma_start3A_172 = tpu.memref_squeeze %dma_start3A_171 : memref<1x125x2x80xi32, #tpu.memory_space<hbm>> -> memref<125x2x80xi32, #tpu.memory_space<hbm>>
          %dma_start3A_173 = arith.constant 0 : i32
          %dma_start3A_174 = arith.constant 0 : i32
          %dma_start3A_175 = tpu.memref_slice %dma_start3A_172[%add3A_152, %dma_start3A_173, %dma_start3A_174] : memref<125x2x80xi32, #tpu.memory_space<hbm>> -> memref<1x2x80xi32, #tpu.memory_space<hbm>>
          %dma_start3A_176 = tpu.memref_squeeze %dma_start3A_175 : memref<1x2x80xi32, #tpu.memory_space<hbm>> -> memref<2x80xi32, #tpu.memory_space<hbm>>
          %dma_start3A_177 = arith.constant 0 : i32
          %dma_start3A_178 = arith.constant 0 : i32
          %dma_start3A_179 = arith.constant 0 : i32
          %dma_start3A_180 = tpu.memref_slice %arg2[%add3A, %dma_start3A_177, %dma_start3A_178, %dma_start3A_179] : memref<32x125x2x80xi32, #tpu.memory_space<hbm>> -> memref<1x125x2x80xi32, #tpu.memory_space<hbm>>
          %dma_start3A_181 = tpu.memref_squeeze %dma_start3A_180 : memref<1x125x2x80xi32, #tpu.memory_space<hbm>> -> memref<125x2x80xi32, #tpu.memory_space<hbm>>
          %dma_start3A_182 = arith.constant 0 : i32
          %dma_start3A_183 = arith.constant 0 : i32
          %dma_start3A_184 = tpu.memref_slice %dma_start3A_181[%add3A_152, %dma_start3A_182, %dma_start3A_183] : memref<125x2x80xi32, #tpu.memory_space<hbm>> -> memref<1x2x80xi32, #tpu.memory_space<hbm>>
          %dma_start3A_185 = tpu.memref_squeeze %dma_start3A_184 : memref<1x2x80xi32, #tpu.memory_space<hbm>> -> memref<2x80xi32, #tpu.memory_space<hbm>>
          tpu.enqueue_dma source(%dma_start3A_185 : memref<2x80xi32, #tpu.memory_space<hbm>>) target(%arg15 : memref<2x80xi32, #tpu.memory_space<vmem>>) target_semaphore(%run_scoped3A_167 : memref<!tpu.dma_semaphore, #tpu.memory_space<semaphore_mem>>)
          %dma_wait3A_186 = arith.constant 0 : i32
          %dma_wait3A_187 = arith.constant 0 : i32
          %dma_wait3A_188 = arith.constant 0 : i32
          %dma_wait3A_189 = tpu.memref_slice %arg2[%add3A, %dma_wait3A_186, %dma_wait3A_187, %dma_wait3A_188] : memref<32x125x2x80xi32, #tpu.memory_space<hbm>> -> memref<1x125x2x80xi32, #tpu.memory_space<hbm>>
          %dma_wait3A_190 = tpu.memref_squeeze %dma_wait3A_189 : memref<1x125x2x80xi32, #tpu.memory_space<hbm>> -> memref<125x2x80xi32, #tpu.memory_space<hbm>>
          %dma_wait3A_191 = arith.constant 0 : i32
          %dma_wait3A_192 = arith.constant 0 : i32
          %dma_wait3A_193 = tpu.memref_slice %dma_wait3A_190[%add3A_152, %dma_wait3A_191, %dma_wait3A_192] : memref<125x2x80xi32, #tpu.memory_space<hbm>> -> memref<1x2x80xi32, #tpu.memory_space<hbm>>
          %dma_wait3A_194 = tpu.memref_squeeze %dma_wait3A_193 : memref<1x2x80xi32, #tpu.memory_space<hbm>> -> memref<2x80xi32, #tpu.memory_space<hbm>>
          %dma_wait3A_195 = arith.constant 0 : i32
          %dma_wait3A_196 = arith.constant 0 : i32
          %dma_wait3A_197 = arith.constant 0 : i32
          %dma_wait3A_198 = tpu.memref_slice %arg2[%add3A, %dma_wait3A_195, %dma_wait3A_196, %dma_wait3A_197] : memref<32x125x2x80xi32, #tpu.memory_space<hbm>> -> memref<1x125x2x80xi32, #tpu.memory_space<hbm>>
          %dma_wait3A_199 = tpu.memref_squeeze %dma_wait3A_198 : memref<1x125x2x80xi32, #tpu.memory_space<hbm>> -> memref<125x2x80xi32, #tpu.memory_space<hbm>>
          %dma_wait3A_200 = arith.constant 0 : i32
          %dma_wait3A_201 = arith.constant 0 : i32
          %dma_wait3A_202 = tpu.memref_slice %dma_wait3A_199[%add3A_152, %dma_wait3A_200, %dma_wait3A_201] : memref<125x2x80xi32, #tpu.memory_space<hbm>> -> memref<1x2x80xi32, #tpu.memory_space<hbm>>
          %dma_wait3A_203 = tpu.memref_squeeze %dma_wait3A_202 : memref<1x2x80xi32, #tpu.memory_space<hbm>> -> memref<2x80xi32, #tpu.memory_space<hbm>>
          tpu.wait_dma2 semaphore(%run_scoped3A_167 : memref<!tpu.dma_semaphore, #tpu.memory_space<semaphore_mem>>) src(%dma_wait3A_203 : memref<2x80xi32, #tpu.memory_space<hbm>>) dst(%arg15 : memref<2x80xi32, #tpu.memory_space<vmem>>)
          tpu.yield
        }) : () -> ()
        %dma_start3A_153 = arith.constant 0 : i32
        %dma_start3A_154 = arith.constant 0 : i32
        %dma_start3A_155 = tpu.memref_slice %arg15[%dma_start3A_153, %dma_start3A_154] : memref<2x80xi32, #tpu.memory_space<vmem>> -> memref<1x80xi32, #tpu.memory_space<vmem>>
        %dma_start3A_156 = tpu.memref_squeeze %dma_start3A_155 : memref<1x80xi32, #tpu.memory_space<vmem>> -> memref<80xi32, #tpu.memory_space<vmem>>
        %dma_start3A_157 = arith.constant 0 : i32
        %dma_start3A_158 = arith.constant 0 : i32
        %dma_start3A_159 = tpu.memref_slice %arg3[%dma_start3A_157, %dma_start3A_158] : memref<10000x16xf32, #tpu.memory_space<hbm>> -> memref<10000x16xf32, #tpu.memory_space<hbm>>
        tpu.enqueue_indirect_dma source(%dma_start3A_159 : memref<10000x16xf32, #tpu.memory_space<hbm>>) target(%arg16 : memref<80x16xf32, #tpu.memory_space<vmem>>) offsets(%dma_start3A_156 : memref<80xi32, #tpu.memory_space<vmem>>) semaphore(%arg23 : memref<!tpu.dma_semaphore, #tpu.memory_space<semaphore_mem>>)
        %dma_start3A_160 = arith.constant 1 : i32
        %dma_start3A_161 = arith.constant 0 : i32
        %dma_start3A_162 = tpu.memref_slice %arg15[%dma_start3A_160, %dma_start3A_161] : memref<2x80xi32, #tpu.memory_space<vmem>> -> memref<1x80xi32, #tpu.memory_space<vmem>>
        %dma_start3A_163 = tpu.memref_squeeze %dma_start3A_162 : memref<1x80xi32, #tpu.memory_space<vmem>> -> memref<80xi32, #tpu.memory_space<vmem>>
        %dma_start3A_164 = arith.constant 0 : i32
        %dma_start3A_165 = arith.constant 0 : i32
        %dma_start3A_166 = tpu.memref_slice %arg4[%dma_start3A_164, %dma_start3A_165] : memref<10000x16xf32, #tpu.memory_space<hbm>> -> memref<10000x16xf32, #tpu.memory_space<hbm>>
        tpu.enqueue_indirect_dma source(%dma_start3A_166 : memref<10000x16xf32, #tpu.memory_space<hbm>>) target(%arg17 : memref<80x16xf32, #tpu.memory_space<vmem>>) offsets(%dma_start3A_163 : memref<80xi32, #tpu.memory_space<vmem>>) semaphore(%arg24 : memref<!tpu.dma_semaphore, #tpu.memory_space<semaphore_mem>>)
      } else {
      }
      %dma_wait3A_129 = arith.constant 0 : i32
      %dma_wait3A_130 = arith.constant 0 : i32
      %dma_wait3A_131 = tpu.memref_slice %arg11[%dma_wait3A_129, %dma_wait3A_130] : memref<2x80xi32, #tpu.memory_space<vmem>> -> memref<1x80xi32, #tpu.memory_space<vmem>>
      %dma_wait3A_132 = tpu.memref_squeeze %dma_wait3A_131 : memref<1x80xi32, #tpu.memory_space<vmem>> -> memref<80xi32, #tpu.memory_space<vmem>>
      %dma_wait3A_133 = arith.constant 0 : i32
      %dma_wait3A_134 = arith.constant 0 : i32
      %dma_wait3A_135 = tpu.memref_slice %arg3[%dma_wait3A_133, %dma_wait3A_134] : memref<10000x16xf32, #tpu.memory_space<hbm>> -> memref<10000x16xf32, #tpu.memory_space<hbm>>
      tpu.wait_indirect_dma semaphore(%arg21 : memref<!tpu.dma_semaphore, #tpu.memory_space<semaphore_mem>>) src(%dma_wait3A_135 : memref<10000x16xf32, #tpu.memory_space<hbm>>) dst(%arg12 : memref<80x16xf32, #tpu.memory_space<vmem>>)
      %dma_wait3A_136 = arith.constant 1 : i32
      %dma_wait3A_137 = arith.constant 0 : i32
      %dma_wait3A_138 = tpu.memref_slice %arg11[%dma_wait3A_136, %dma_wait3A_137] : memref<2x80xi32, #tpu.memory_space<vmem>> -> memref<1x80xi32, #tpu.memory_space<vmem>>
      %dma_wait3A_139 = tpu.memref_squeeze %dma_wait3A_138 : memref<1x80xi32, #tpu.memory_space<vmem>> -> memref<80xi32, #tpu.memory_space<vmem>>
      %dma_wait3A_140 = arith.constant 0 : i32
      %dma_wait3A_141 = arith.constant 0 : i32
      %dma_wait3A_142 = tpu.memref_slice %arg4[%dma_wait3A_140, %dma_wait3A_141] : memref<10000x16xf32, #tpu.memory_space<hbm>> -> memref<10000x16xf32, #tpu.memory_space<hbm>>
      tpu.wait_indirect_dma semaphore(%arg22 : memref<!tpu.dma_semaphore, #tpu.memory_space<semaphore_mem>>) src(%dma_wait3A_142 : memref<10000x16xf32, #tpu.memory_space<hbm>>) dst(%arg13 : memref<80x16xf32, #tpu.memory_space<vmem>>)
      %scan3A_143 = arith.constant 0 : i32
      %scan3A_144 = arith.constant 0 : i32
      %scan3A_145 = arith.constant 80 : i32
      %scan3A_146 = arith.addi %scan3A_144, %scan3A_145 : i32
      %scan3A_147 = arith.constant 1 : i32
      %scan3A_148 = scf.for %scan3A_151 = %scan3A_144 to %scan3A_146 step %scan3A_147 iter_args(%scan3A_152 = %scan3A_143) -> (i32)  : i32 {
        %get3A_153 = arith.index_cast %scan3A_151 : i32 to index
        %get3A_154 = arith.constant 0 : index
        %get3A_155 = tpu.vector_load %arg12[%get3A_153, %get3A_154] {strides = array<i32>} : memref<80x16xf32, #tpu.memory_space<vmem>>, vector<1x16xf32>,
        %get3A_156 = vector.shape_cast %get3A_155 : vector<1x16xf32> to vector<16xf32>
        %get3A_157 = arith.index_cast %scan3A_151 : i32 to index
        %get3A_158 = arith.constant 0 : index
        %get3A_159 = tpu.vector_load %arg13[%get3A_157, %get3A_158] {strides = array<i32>} : memref<80x16xf32, #tpu.memory_space<vmem>>, vector<1x16xf32>,
        %get3A_160 = vector.shape_cast %get3A_159 : vector<1x16xf32> to vector<16xf32>
        %add3A_161 = arith.addf %get3A_156, %get3A_160 : vector<16xf32>
        %mul3A_162 = arith.constant 2.000000e-01 : f32
        %mul3A_163 = vector.broadcast %mul3A_162 : f32 to vector<16xf32>
        %mul3A_164 = arith.mulf %mul3A_163, %add3A_161 : vector<16xf32>
        %max3A_165 = arith.maximumf %add3A_161, %mul3A_164 : vector<16xf32>
        %sub3A = arith.subf %max3A_165, %max3A : vector<16xf32>
        %exp3A = math.exp %sub3A : vector<16xf32>
        %swap3A = arith.index_cast %scan3A_151 : i32 to index
        %swap3A_166 = arith.constant 0 : index
        %swap3A_167 = tpu.vector_load %arg14[%swap3A, %swap3A_166] {strides = array<i32>} : memref<80x16xf32, #tpu.memory_space<vmem>>, vector<1x16xf32>,
        %swap3A_168 = vector.shape_cast %swap3A_167 : vector<1x16xf32> to vector<16xf32>
        %swap3A_169 = vector.shape_cast %exp3A : vector<16xf32> to vector<1x16xf32>
        tpu.vector_store %arg14[%swap3A, %swap3A_166], %swap3A_169 {strides = array<i32>} : memref<80x16xf32, #tpu.memory_space<vmem>>, vector<1x16xf32>,
        %scan3A_170 = arith.constant 0 : i32
        scf.yield %scan3A_170 : i32
      }
      %scan3A_149 = arith.constant 80 : i32
      "tpu.region"() ({
        %run_scoped3A_151 = tpu.sem_alloc : memref<!tpu.dma_semaphore, #tpu.memory_space<semaphore_mem>>
        %dma_start3A_152 = arith.constant 0 : i32
        %dma_start3A_153 = tpu.memref_slice %arg8[%add3A_121, %dma_start3A_152] : memref<320000x16xf32, #tpu.memory_space<hbm>> -> memref<80x16xf32, #tpu.memory_space<hbm>>
        %dma_start3A_154 = arith.constant 0 : i32
        %dma_start3A_155 = tpu.memref_slice %arg8[%add3A_121, %dma_start3A_154] : memref<320000x16xf32, #tpu.memory_space<hbm>> -> memref<80x16xf32, #tpu.memory_space<hbm>>
        tpu.enqueue_dma source(%arg14 : memref<80x16xf32, #tpu.memory_space<vmem>>) target(%dma_start3A_155 : memref<80x16xf32, #tpu.memory_space<hbm>>) target_semaphore(%run_scoped3A_151 : memref<!tpu.dma_semaphore, #tpu.memory_space<semaphore_mem>>)
        %dma_wait3A_156 = arith.constant 0 : i32
        %dma_wait3A_157 = tpu.memref_slice %arg8[%add3A_121, %dma_wait3A_156] : memref<320000x16xf32, #tpu.memory_space<hbm>> -> memref<80x16xf32, #tpu.memory_space<hbm>>
        %dma_wait3A_158 = arith.constant 0 : i32
        %dma_wait3A_159 = tpu.memref_slice %arg8[%add3A_121, %dma_wait3A_158] : memref<320000x16xf32, #tpu.memory_space<hbm>> -> memref<80x16xf32, #tpu.memory_space<hbm>>
        tpu.wait_dma2 semaphore(%run_scoped3A_151 : memref<!tpu.dma_semaphore, #tpu.memory_space<semaphore_mem>>) src(%arg14 : memref<80x16xf32, #tpu.memory_space<vmem>>) dst(%dma_wait3A_159 : memref<80x16xf32, #tpu.memory_space<hbm>>)
        tpu.yield
      }) : () -> ()
      %run_scoped3A_150 = arith.constant 1 : i32
      "tpu.region"() ({
        %run_scoped3A_151 = tpu.sem_alloc : memref<!tpu.dma_semaphore, #tpu.memory_space<semaphore_mem>>
        %dma_start3A_152 = arith.constant 0 : i32
        %dma_start3A_153 = tpu.memref_slice %arg11[%run_scoped3A_150, %dma_start3A_152] : memref<2x80xi32, #tpu.memory_space<vmem>> -> memref<1x80xi32, #tpu.memory_space<vmem>>
        %dma_start3A_154 = tpu.memref_squeeze %dma_start3A_153 : memref<1x80xi32, #tpu.memory_space<vmem>> -> memref<80xi32, #tpu.memory_space<vmem>>
        %dma_start3A_155 = arith.constant 0 : i32
        %dma_start3A_156 = arith.constant 0 : i32
        %dma_start3A_157 = tpu.memref_slice %arg10[%dma_start3A_155, %dma_start3A_156] : memref<10240x16xf32, #tpu.memory_space<vmem_shared>> -> memref<10240x16xf32, #tpu.memory_space<vmem_shared>>
        tpu.enqueue_indirect_dma source(%arg14 : memref<80x16xf32, #tpu.memory_space<vmem>>) target(%dma_start3A_157 : memref<10240x16xf32, #tpu.memory_space<vmem_shared>>) offsets(%dma_start3A_154 : memref<80xi32, #tpu.memory_space<vmem>>) semaphore(%run_scoped3A_151 : memref<!tpu.dma_semaphore, #tpu.memory_space<semaphore_mem>>) {add = true}
        %dma_wait3A_158 = arith.constant 0 : i32
        %dma_wait3A_159 = tpu.memref_slice %arg11[%run_scoped3A_150, %dma_wait3A_158] : memref<2x80xi32, #tpu.memory_space<vmem>> -> memref<1x80xi32, #tpu.memory_space<vmem>>
        %dma_wait3A_160 = tpu.memref_squeeze %dma_wait3A_159 : memref<1x80xi32, #tpu.memory_space<vmem>> -> memref<80xi32, #tpu.memory_space<vmem>>
        %dma_wait3A_161 = arith.constant 0 : i32
        %dma_wait3A_162 = arith.constant 0 : i32
        %dma_wait3A_163 = tpu.memref_slice %arg10[%dma_wait3A_161, %dma_wait3A_162] : memref<10240x16xf32, #tpu.memory_space<vmem_shared>> -> memref<10240x16xf32, #tpu.memory_space<vmem_shared>>
        tpu.wait_indirect_dma semaphore(%run_scoped3A_151 : memref<!tpu.dma_semaphore, #tpu.memory_space<semaphore_mem>>) src(%arg14 : memref<80x16xf32, #tpu.memory_space<vmem>>) dst(%dma_wait3A_163 : memref<10240x16xf32, #tpu.memory_space<vmem_shared>>)
        tpu.yield
      }) : () -> ()
    }
    %scan3A_75 = arith.constant 62 : i32
    %barrier3A_76 = arith.constant 0 : index
    tpu.barrier barrier_id(%barrier3A_76)
    %mul3A_77 = arith.constant 640 : i32
    %mul3A_78 = arith.muli %arg1, %mul3A_77 : i32
    %mul3A_79 = arith.constant 640 : i32
    %mul3A_80 = arith.muli %arg1, %mul3A_79 : i32
    "tpu.region"() ({
      %run_scoped3A_81 = tpu.sem_alloc : memref<!tpu.dma_semaphore, #tpu.memory_space<semaphore_mem>>
      %dma_start3A_82 = arith.constant 0 : i32
      %dma_start3A_83 = arith.constant 0 : i32
      %dma_start3A_84 = tpu.memref_slice %arg9[%arg0, %dma_start3A_82, %dma_start3A_83] : memref<2x10240x16xf32, #tpu.memory_space<hbm>> -> memref<1x10240x16xf32, #tpu.memory_space<hbm>>
      %dma_start3A_85 = tpu.memref_squeeze %dma_start3A_84 : memref<1x10240x16xf32, #tpu.memory_space<hbm>> -> memref<10240x16xf32, #tpu.memory_space<hbm>>
      %dma_start3A_86 = arith.constant 0 : i32
      %dma_start3A_87 = tpu.memref_slice %dma_start3A_85[%mul3A_80, %dma_start3A_86] : memref<10240x16xf32, #tpu.memory_space<hbm>> -> memref<640x16xf32, #tpu.memory_space<hbm>>
      %dma_start3A_88 = arith.constant 0 : i32
      %dma_start3A_89 = tpu.memref_slice %arg10[%mul3A_78, %dma_start3A_88] : memref<10240x16xf32, #tpu.memory_space<vmem_shared>> -> memref<640x16xf32, #tpu.memory_space<vmem_shared>>
      tpu.enqueue_dma source(%dma_start3A_89 : memref<640x16xf32, #tpu.memory_space<vmem_shared>>) target(%dma_start3A_87 : memref<640x16xf32, #tpu.memory_space<hbm>>) target_semaphore(%run_scoped3A_81 : memref<!tpu.dma_semaphore, #tpu.memory_space<semaphore_mem>>)
      %dma_wait3A_90 = arith.constant 0 : i32
      %dma_wait3A_91 = arith.constant 0 : i32
      %dma_wait3A_92 = tpu.memref_slice %arg9[%arg0, %dma_wait3A_90, %dma_wait3A_91] : memref<2x10240x16xf32, #tpu.memory_space<hbm>> -> memref<1x10240x16xf32, #tpu.memory_space<hbm>>
      %dma_wait3A_93 = tpu.memref_squeeze %dma_wait3A_92 : memref<1x10240x16xf32, #tpu.memory_space<hbm>> -> memref<10240x16xf32, #tpu.memory_space<hbm>>
      %dma_wait3A_94 = arith.constant 0 : i32
      %dma_wait3A_95 = tpu.memref_slice %dma_wait3A_93[%mul3A_80, %dma_wait3A_94] : memref<10240x16xf32, #tpu.memory_space<hbm>> -> memref<640x16xf32, #tpu.memory_space<hbm>>
      %dma_wait3A_96 = arith.constant 0 : i32
      %dma_wait3A_97 = tpu.memref_slice %arg10[%mul3A_78, %dma_wait3A_96] : memref<10240x16xf32, #tpu.memory_space<vmem_shared>> -> memref<640x16xf32, #tpu.memory_space<vmem_shared>>
      tpu.wait_dma2 semaphore(%run_scoped3A_81 : memref<!tpu.dma_semaphore, #tpu.memory_space<semaphore_mem>>) src(%dma_wait3A_97 : memref<640x16xf32, #tpu.memory_space<vmem_shared>>) dst(%dma_wait3A_95 : memref<640x16xf32, #tpu.memory_space<hbm>>)
      tpu.yield
    }) : () -> ()
    return
  }
}

module attributes {stable_mosaic.version = 14 : i64} {
  func.func @_proj_body(%arg0: i32, %arg1: memref<2000x128xf32, #tpu.memory_space<vmem>>, %arg2: memref<128x1024xf32, #tpu.memory_space<vmem>>, %arg3: memref<8x128xf32, #tpu.memory_space<vmem>>, %arg4: memref<8x128xf32, #tpu.memory_space<vmem>>, %arg5: memref<2000x1024xbf16, #tpu.memory_space<vmem>>, %arg6: memref<2000x16xf32, #tpu.memory_space<vmem>>, %arg7: memref<2000x16xf32, #tpu.memory_space<vmem>>, %arg8: memref<1x16xf32, #tpu.memory_space<vmem>>, %arg9: memref<1x16xf32, #tpu.memory_space<vmem>>) attributes {dimension_semantics = [#tpu.dimension_semantics<arbitrary>], iteration_bounds = array<i64: 5>, scalar_prefetch = 0 : i64, scratch_operands = 0 : i64, tpu.core_type = #tpu.core_type<tc>, window_params = [{transform_indices = @transform_0, window_bounds = array<i64: 2000, 128>}, {pipeline_mode = #tpu.pipeline_mode<synchronous>, transform_indices = @transform_1, window_bounds = array<i64: 128, 1024>}, {pipeline_mode = #tpu.pipeline_mode<synchronous>, transform_indices = @transform_2, window_bounds = array<i64: 8, 128>}, {pipeline_mode = #tpu.pipeline_mode<synchronous>, transform_indices = @transform_3, window_bounds = array<i64: 8, 128>}, {transform_indices = @transform_4, window_bounds = array<i64: 2000, 1024>}, {transform_indices = @transform_5, window_bounds = array<i64: 2000, 16>}, {transform_indices = @transform_6, window_bounds = array<i64: 2000, 16>}, {pipeline_mode = #tpu.pipeline_mode<synchronous>, transform_indices = @transform_7, window_bounds = array<i64: 1, 16>}, {pipeline_mode = #tpu.pipeline_mode<synchronous>, transform_indices = @transform_8, window_bounds = array<i64: 1, 16>}]} {
    %get3A = arith.constant 0 : index
    %get3A_0 = arith.constant 0 : index
    %get3A_1 = vector.load %arg1[%get3A, %get3A_0] : memref<2000x128xf32, #tpu.memory_space<vmem>>, vector<2000x128xf32>
    %get3A_2 = arith.constant 0 : index
    %get3A_3 = arith.constant 0 : index
    %get3A_4 = vector.load %arg2[%get3A_2, %get3A_3] : memref<128x1024xf32, #tpu.memory_space<vmem>>, vector<128x1024xf32>
    %dot_general3A = arith.constant dense<0.000000e+00> : vector<2000x1024xf32>
    %dot_general3A_5 = tpu.matmul %get3A_1, %get3A_4, %dot_general3A {dimension_numbers = #tpu.dot_dimension_numbers<[1], [0], [0], [1], [0, 0, 1, 1], [], []>, transpose_lhs_hint = false} : vector<2000x128xf32>, vector<128x1024xf32>, vector<2000x1024xf32> -> vector<2000x1024xf32>
    %convert_element_type3A = arith.truncf %dot_general3A_5 : vector<2000x1024xf32> to vector<2000x1024xbf16>
    %swap3A = arith.constant 0 : index
    %swap3A_6 = arith.constant 0 : index
    %swap3A_7 = vector.load %arg5[%swap3A, %swap3A_6] : memref<2000x1024xbf16, #tpu.memory_space<vmem>>, vector<2000x1024xbf16>
    tpu.vector_store %arg5[%swap3A, %swap3A_6], %convert_element_type3A {strides = array<i32>} : memref<2000x1024xbf16, #tpu.memory_space<vmem>>, vector<2000x1024xbf16>,
    %reshape3A = vector.shape_cast %dot_general3A_5 : vector<2000x1024xf32> to vector<2000x8x128xf32>
    %get3A_8 = arith.constant 0 : index
    %get3A_9 = arith.constant 0 : index
    %get3A_10 = vector.load %arg3[%get3A_8, %get3A_9] : memref<8x128xf32, #tpu.memory_space<vmem>>, vector<8x128xf32>
    %broadcast_in_dim3A = vector.shape_cast %get3A_10 : vector<8x128xf32> to vector<1x8x128xf32>
    %mul3A = vector.broadcast %broadcast_in_dim3A : vector<1x8x128xf32> to vector<2000x8x128xf32>
    %mul3A_11 = arith.mulf %reshape3A, %mul3A : vector<2000x8x128xf32>
    %reduce_sum3A = arith.constant dense<0.000000e+00> : vector<2000x8xf32>
    %reduce_sum3A_12 = vector.multi_reduction <add>, %mul3A_11, %reduce_sum3A [2] : vector<2000x8x128xf32> to vector<2000x8xf32>
    %get3A_13 = arith.constant 0 : index
    %get3A_14 = arith.constant 0 : index
    %get3A_15 = vector.load %arg4[%get3A_13, %get3A_14] : memref<8x128xf32, #tpu.memory_space<vmem>>, vector<8x128xf32>
    %broadcast_in_dim3A_16 = vector.shape_cast %get3A_15 : vector<8x128xf32> to vector<1x8x128xf32>
    %mul3A_17 = vector.broadcast %broadcast_in_dim3A_16 : vector<1x8x128xf32> to vector<2000x8x128xf32>
    %mul3A_18 = arith.mulf %reshape3A, %mul3A_17 : vector<2000x8x128xf32>
    %reduce_sum3A_19 = arith.constant dense<0.000000e+00> : vector<2000x8xf32>
    %reduce_sum3A_20 = vector.multi_reduction <add>, %mul3A_18, %reduce_sum3A_19 [2] : vector<2000x8x128xf32> to vector<2000x8xf32>
    %broadcast_in_dim3A_21 = arith.constant 0.000000e+00 : f32
    %broadcast_in_dim3A_22 = vector.broadcast %broadcast_in_dim3A_21 : f32 to vector<2000x8xf32>
    %concatenate3A = tpu.concatenate %reduce_sum3A_12, %broadcast_in_dim3A_22 in 1 : vector<2000x8xf32>, vector<2000x8xf32> -> vector<2000x16xf32>
    %concatenate3A_23 = tpu.concatenate %reduce_sum3A_20, %broadcast_in_dim3A_22 in 1 : vector<2000x8xf32>, vector<2000x8xf32> -> vector<2000x16xf32>
    %swap3A_24 = arith.constant 0 : index
    %swap3A_25 = arith.constant 0 : index
    %swap3A_26 = vector.load %arg6[%swap3A_24, %swap3A_25] : memref<2000x16xf32, #tpu.memory_space<vmem>>, vector<2000x16xf32>
    tpu.vector_store %arg6[%swap3A_24, %swap3A_25], %concatenate3A {strides = array<i32>} : memref<2000x16xf32, #tpu.memory_space<vmem>>, vector<2000x16xf32>,
    %swap3A_27 = arith.constant 0 : index
    %swap3A_28 = arith.constant 0 : index
    %swap3A_29 = vector.load %arg7[%swap3A_27, %swap3A_28] : memref<2000x16xf32, #tpu.memory_space<vmem>>, vector<2000x16xf32>
    tpu.vector_store %arg7[%swap3A_27, %swap3A_28], %concatenate3A_23 {strides = array<i32>} : memref<2000x16xf32, #tpu.memory_space<vmem>>, vector<2000x16xf32>,
    %eq3A = arith.constant 0 : i32
    %eq3A_30 = arith.cmpi eq, %arg0, %eq3A : i32
    %convert_element_type3A_31 = arith.extui %eq3A_30 : i1 to i32
    %cond3A = arith.constant 0 : i32
    %cond3A_32 = arith.cmpi ne, %convert_element_type3A_31, %cond3A : i32
    scf.if %cond3A_32 {
      %broadcast_in_dim3A_51 = arith.constant -1.000000e+30 : f32
      %broadcast_in_dim3A_52 = vector.broadcast %broadcast_in_dim3A_51 : f32 to vector<1x16xf32>
      %swap3A_53 = arith.constant 0 : index
      %swap3A_54 = arith.constant 0 : index
      %swap3A_55 = vector.load %arg8[%swap3A_53, %swap3A_54] : memref<1x16xf32, #tpu.memory_space<vmem>>, vector<1x16xf32>
      tpu.vector_store %arg8[%swap3A_53, %swap3A_54], %broadcast_in_dim3A_52 {strides = array<i32>} : memref<1x16xf32, #tpu.memory_space<vmem>>, vector<1x16xf32>,
      %broadcast_in_dim3A_56 = arith.constant -1.000000e+30 : f32
      %broadcast_in_dim3A_57 = vector.broadcast %broadcast_in_dim3A_56 : f32 to vector<1x16xf32>
      %swap3A_58 = arith.constant 0 : index
      %swap3A_59 = arith.constant 0 : index
      %swap3A_60 = vector.load %arg9[%swap3A_58, %swap3A_59] : memref<1x16xf32, #tpu.memory_space<vmem>>, vector<1x16xf32>
      tpu.vector_store %arg9[%swap3A_58, %swap3A_59], %broadcast_in_dim3A_57 {strides = array<i32>} : memref<1x16xf32, #tpu.memory_space<vmem>>, vector<1x16xf32>,
    } else {
    }
    %get3A_33 = arith.constant 0 : index
    %get3A_34 = arith.constant 0 : index
    %get3A_35 = vector.load %arg8[%get3A_33, %get3A_34] : memref<1x16xf32, #tpu.memory_space<vmem>>, vector<1x16xf32>
    %reduce_max3A = arith.constant dense<0xFF800000> : vector<16xf32>
    %reduce_max3A_36 = vector.multi_reduction <maximumf>, %concatenate3A, %reduce_max3A [0] : vector<2000x16xf32> to vector<16xf32>
    %broadcast_in_dim3A_37 = vector.shape_cast %reduce_max3A_36 : vector<16xf32> to vector<1x16xf32>
    %max3A = arith.maximumf %get3A_35, %broadcast_in_dim3A_37 : vector<1x16xf32>
    %swap3A_38 = arith.constant 0 : index
    %swap3A_39 = arith.constant 0 : index
    %swap3A_40 = vector.load %arg8[%swap3A_38, %swap3A_39] : memref<1x16xf32, #tpu.memory_space<vmem>>, vector<1x16xf32>
    tpu.vector_store %arg8[%swap3A_38, %swap3A_39], %max3A {strides = array<i32>} : memref<1x16xf32, #tpu.memory_space<vmem>>, vector<1x16xf32>,
    %get3A_41 = arith.constant 0 : index
    %get3A_42 = arith.constant 0 : index
    %get3A_43 = vector.load %arg9[%get3A_41, %get3A_42] : memref<1x16xf32, #tpu.memory_space<vmem>>, vector<1x16xf32>
    %reduce_max3A_44 = arith.constant dense<0xFF800000> : vector<16xf32>
    %reduce_max3A_45 = vector.multi_reduction <maximumf>, %concatenate3A_23, %reduce_max3A_44 [0] : vector<2000x16xf32> to vector<16xf32>
    %broadcast_in_dim3A_46 = vector.shape_cast %reduce_max3A_45 : vector<16xf32> to vector<1x16xf32>
    %max3A_47 = arith.maximumf %get3A_43, %broadcast_in_dim3A_46 : vector<1x16xf32>
    %swap3A_48 = arith.constant 0 : index
    %swap3A_49 = arith.constant 0 : index
    %swap3A_50 = vector.load %arg9[%swap3A_48, %swap3A_49] : memref<1x16xf32, #tpu.memory_space<vmem>>, vector<1x16xf32>
    tpu.vector_store %arg9[%swap3A_48, %swap3A_49], %max3A_47 {strides = array<i32>} : memref<1x16xf32, #tpu.memory_space<vmem>>, vector<1x16xf32>,
    return
  }
  func.func @transform_0(%arg0: i32) -> (i32, i32) {
    %c0_i32 = arith.constant 0 : i32
    %c0_i32_0 = arith.constant 0 : i32
    return %arg0, %c0_i32 : i32, i32
  }
  func.func @transform_1(%arg0: i32) -> (i32, i32) {
    %c0_i32 = arith.constant 0 : i32
    %c0_i32_0 = arith.constant 0 : i32
    %c0_i32_1 = arith.constant 0 : i32
    return %c0_i32, %c0_i32_0 : i32, i32
  }
  func.func @transform_2(%arg0: i32) -> (i32, i32) {
    %c0_i32 = arith.constant 0 : i32
    %c0_i32_0 = arith.constant 0 : i32
    %c0_i32_1 = arith.constant 0 : i32
    return %c0_i32, %c0_i32_0 : i32, i32
  }
  func.func @transform_3(%arg0: i32) -> (i32, i32) {
    %c0_i32 = arith.constant 0 : i32
    %c0_i32_0 = arith.constant 0 : i32
    %c0_i32_1 = arith.constant 0 : i32
    return %c0_i32, %c0_i32_0 : i32, i32
  }
  func.func @transform_4(%arg0: i32) -> (i32, i32) {
    %c0_i32 = arith.constant 0 : i32
    %c0_i32_0 = arith.constant 0 : i32
    return %arg0, %c0_i32 : i32, i32
  }
  func.func @transform_5(%arg0: i32) -> (i32, i32) {
    %c0_i32 = arith.constant 0 : i32
    %c0_i32_0 = arith.constant 0 : i32
    return %arg0, %c0_i32 : i32, i32
  }
  func.func @transform_6(%arg0: i32) -> (i32, i32) {
    %c0_i32 = arith.constant 0 : i32
    %c0_i32_0 = arith.constant 0 : i32
    return %arg0, %c0_i32 : i32, i32
  }
  func.func @transform_7(%arg0: i32) -> (i32, i32) {
    %c0_i32 = arith.constant 0 : i32
    %c0_i32_0 = arith.constant 0 : i32
    %c0_i32_1 = arith.constant 0 : i32
    return %c0_i32, %c0_i32_0 : i32, i32
  }
  func.func @transform_8(%arg0: i32) -> (i32, i32) {
    %c0_i32 = arith.constant 0 : i32
    %c0_i32_0 = arith.constant 0 : i32
    %c0_i32_1 = arith.constant 0 : i32
    return %c0_i32, %c0_i32_0 : i32, i32
  }
}

module attributes {stable_mosaic.version = 14 : i64} {
  func.func @_rden_body(%arg0: memref<2x10240x16xf32, #tpu.memory_space<vmem>>, %arg1: memref<10240x16xf32, #tpu.memory_space<vmem>>) attributes {dimension_semantics = [], scalar_prefetch = 0 : i64, scratch_operands = 0 : i64, tpu.core_type = #tpu.core_type<tc>} {
    %get3A = arith.constant 0 : index
    %get3A_0 = arith.constant 0 : index
    %get3A_1 = arith.constant 0 : index
    %get3A_2 = vector.load %arg0[%get3A, %get3A_0, %get3A_1] : memref<2x10240x16xf32, #tpu.memory_space<vmem>>, vector<1x10240x16xf32>
    %get3A_3 = vector.shape_cast %get3A_2 : vector<1x10240x16xf32> to vector<10240x16xf32>
    %get3A_4 = arith.constant 1 : index
    %get3A_5 = arith.constant 0 : index
    %get3A_6 = arith.constant 0 : index
    %get3A_7 = vector.load %arg0[%get3A_4, %get3A_5, %get3A_6] : memref<2x10240x16xf32, #tpu.memory_space<vmem>>, vector<1x10240x16xf32>
    %get3A_8 = vector.shape_cast %get3A_7 : vector<1x10240x16xf32> to vector<10240x16xf32>
    %add3A = arith.addf %get3A_3, %get3A_8 : vector<10240x16xf32>
    %add3A_9 = arith.constant 1.000000e-16 : f32
    %add3A_10 = vector.broadcast %add3A_9 : f32 to vector<10240x16xf32>
    %add3A_11 = arith.addf %add3A, %add3A_10 : vector<10240x16xf32>
    %div3A = arith.constant 1.000000e+00 : f32
    %div3A_12 = vector.broadcast %div3A : f32 to vector<10240x16xf32>
    %div3A_13 = arith.divf %div3A_12, %add3A_11 : vector<10240x16xf32>
    %swap3A = arith.constant 0 : index
    %swap3A_14 = arith.constant 0 : index
    %swap3A_15 = vector.load %arg1[%swap3A, %swap3A_14] : memref<10240x16xf32, #tpu.memory_space<vmem>>, vector<10240x16xf32>
    tpu.vector_store %arg1[%swap3A, %swap3A_14], %div3A_13 {strides = array<i32>} : memref<10240x16xf32, #tpu.memory_space<vmem>>, vector<10240x16xf32>,
    return
  }
}

module attributes {stable_mosaic.version = 14 : i64} {
  func.func @_final_body(%arg0: i32, %arg1: memref<2x2000x128xf32, #tpu.memory_space<vmem>>, %arg2: memref<1x128xf32, #tpu.memory_space<vmem>>, %arg3: memref<2000x128xf32, #tpu.memory_space<vmem>>) attributes {dimension_semantics = [#tpu.dimension_semantics<arbitrary>], iteration_bounds = array<i64: 5>, scalar_prefetch = 0 : i64, scratch_operands = 0 : i64, tpu.core_type = #tpu.core_type<tc>, window_params = [{transform_indices = @transform_0, window_bounds = array<i64: 2, 2000, 128>}, {pipeline_mode = #tpu.pipeline_mode<synchronous>, transform_indices = @transform_1, window_bounds = array<i64: 1, 128>}, {transform_indices = @transform_2, window_bounds = array<i64: 2000, 128>}]} {
    %get3A = arith.constant 0 : index
    %get3A_0 = arith.constant 0 : index
    %get3A_1 = arith.constant 0 : index
    %get3A_2 = vector.load %arg1[%get3A, %get3A_0, %get3A_1] : memref<2x2000x128xf32, #tpu.memory_space<vmem>>, vector<1x2000x128xf32>
    %get3A_3 = vector.shape_cast %get3A_2 : vector<1x2000x128xf32> to vector<2000x128xf32>
    %get3A_4 = arith.constant 1 : index
    %get3A_5 = arith.constant 0 : index
    %get3A_6 = arith.constant 0 : index
    %get3A_7 = vector.load %arg1[%get3A_4, %get3A_5, %get3A_6] : memref<2x2000x128xf32, #tpu.memory_space<vmem>>, vector<1x2000x128xf32>
    %get3A_8 = vector.shape_cast %get3A_7 : vector<1x2000x128xf32> to vector<2000x128xf32>
    %add3A = arith.addf %get3A_3, %get3A_8 : vector<2000x128xf32>
    %mul3A = arith.constant 1.250000e-01 : f32
    %mul3A_9 = vector.broadcast %mul3A : f32 to vector<2000x128xf32>
    %mul3A_10 = arith.mulf %add3A, %mul3A_9 : vector<2000x128xf32>
    %get3A_11 = arith.constant 0 : index
    %get3A_12 = arith.constant 0 : index
    %get3A_13 = vector.load %arg2[%get3A_11, %get3A_12] : memref<1x128xf32, #tpu.memory_space<vmem>>, vector<1x128xf32>
    %add3A_14 = vector.broadcast %get3A_13 : vector<1x128xf32> to vector<2000x128xf32>
    %add3A_15 = arith.addf %mul3A_10, %add3A_14 : vector<2000x128xf32>
    %swap3A = arith.constant 0 : index
    %swap3A_16 = arith.constant 0 : index
    %swap3A_17 = vector.load %arg3[%swap3A, %swap3A_16] : memref<2000x128xf32, #tpu.memory_space<vmem>>, vector<2000x128xf32>
    tpu.vector_store %arg3[%swap3A, %swap3A_16], %add3A_15 {strides = array<i32>} : memref<2000x128xf32, #tpu.memory_space<vmem>>, vector<2000x128xf32>,
    return
  }
  func.func @transform_0(%arg0: i32) -> (i32, i32, i32) {
    %c0_i32 = arith.constant 0 : i32
    %c0_i32_0 = arith.constant 0 : i32
    %c0_i32_1 = arith.constant 0 : i32
    return %c0_i32, %arg0, %c0_i32_0 : i32, i32, i32
  }
  func.func @transform_1(%arg0: i32) -> (i32, i32) {
    %c0_i32 = arith.constant 0 : i32
    %c0_i32_0 = arith.constant 0 : i32
    %c0_i32_1 = arith.constant 0 : i32
    return %c0_i32, %c0_i32_0 : i32, i32
  }
  func.func @transform_2(%arg0: i32) -> (i32, i32) {
    %c0_i32 = arith.constant 0 : i32
    %c0_i32_0 = arith.constant 0 : i32
    return %arg0, %c0_i32 : i32, i32
  }
}

</mosaic_0001>

<sc_bundles>
// kernel: kernel.10.cloned.1.call-start
scs
__scs_entry_jumppad:
0x0: {  	(pc) =	sbr.rel $0x88, $3  }
0x1: {  	(tag) =	ssettag $0x0;
	lr =	simm.s32 $0x1  }
0x2: {  	[smem:$0x3F9B] =	sst lr;
	_ =	strace $0xD0000000  }
0x3: {  	_ = 	snop  }
0x4: {  	_ = 	snop  }
0x5: {  	_ = 	snop  }
0x6: {  	_ = 	snop  }
0x7: {  	_ = 	snop  }
__scs_overlays_trampoline_lowered:
0x8: {  	[smem:$0x3FAA] =	sst s0  }
0x9: {  	[smem:$0x3FAB] =	sst s1  }
0xa: {  	[smem:$0x3FAC] =	sst s2  }
0xb: {  	[smem:$0x3FAD] =	sst s3  }
0xc: {  	[smem:$0x3FAE] =	sst s4  }
0xd: {  	[smem:$0x3FAF] =	sst s5  }
0xe: {  	[smem:$0x3FB0] =	sst s6  }
0xf: {  	[smem:$0x3FB1] =	sst s7  }
0x10: {  	[smem:$0x3FB2] =	sst s8  }
0x11: {  	[smem:$0x3FB3] =	sst s9;
	s0 =	simm.s32 @!p0 $0x0  }
0x12: {  	s1 =	sld [smem:$0x3F99];
	s0 =	simm.s32 @p0 $0x1  }
0x13: {  	[smem:$0x3FB4] =	sst s0;
	s0 =	simm.s32 @!p1 $0x0  }
0x14: {  	s2 =	sld [smem:$0x3F98];
	s0 =	simm.s32 @p1 $0x1  }
0x15: {  	[smem:$0x3FB5] =	sst s0;
	s0 =	simm.s32 @!p2 $0x0  }
0x16: {  	s3 =	sld [smem:$0x3FDB];
	s0 =	simm.s32 @p2 $0x1  }
0x17: {  	s4 =	simm.s32 $0x1BF5;
	[smem:$0x3FB7] =	sst s0  }
0x18: {  	s0 =	sld [smem:$0x3F9A];
	_ =	swait.ge [sflag:s4], $0x0  }
0x19: {  	s7 =	sld [smem:$0x3F9B]  }
0x1a: {  	s8 =	sadd.s32 $0xFFFFE003, lr  }
0x1b: {  	s9 =	sadd.s32 $0xFFFFFEF7, lr;
	s5 =	simm.s32 $0xFFFFFFFF;
	p2 =	slt.u32 s8, $0xFFFFF086  }
0x1c: {  	p1 =	slt.u32 s9, $0xF7A;
	s5 =	simm.s32 @!p2 $0x0  }
0x1d: {  	s5 =	simm.s32 @p1 $0x1;
	p0 =	seq.s32 s7, s2  }
0x1e: {  	s7 =	smul.u32 @!p0 $0xF7A, s2;
	p2 =	seq.s32 @!p0 s5, $0x0  }
0x1f: {  	s9 =	smul.u32 $0xF7A, s1;
	s8 =	simm.s32 @!p0 $0x1BF5;
	p2 =	por !p2, p0  }
0x20: {  	[sflag:s8] =	ssyncset.s32 @!p0 $0xFFFFF086;
	s6 =	sadd.s32 @!p0 s3, s7;
	s7 =	simm.s32 @!p0 $0x108  }
0x21: {  	s3 =	sadd.s32 s3, s9;
	s6 =	sadd.s32 @!p0 $0x88, s6;
	s7 =	simm.s32 @p2 $0x1082  }
0x22: {  	[simem:s7], [sflag:s8] =	dma.local @!p0 [hbm:s6], $0xF7A  }
0x23: {  	s9 =	sor.u32 $0xD0000000, s2;
	s6 =	simm.s32 $0x108;
	_ =	swait.ge @!p0 [sflag:s8], $0x0  }
0x24: {  	s3 =	sadd.s32 $0x88, s3;
	s6 =	simm.s32 @!p1 $0x1082;
	[sflag:s4] =	ssyncset.s32 $0xFFFFF086  }
0x25: {  	[simem:s6], [sflag:s4] =	dma.local [hbm:s3], $0xF7A  }
0x26: {  	[smem:$0x3F9B] =	sst s1;
	(tag) =	ssettag s2;
	_ =	strace s9  }
0x27: {  	s1 =	sld [smem:$0x3FAB]  }
0x28: {  	s2 =	sld [smem:$0x3FAC]  }
0x29: {  	s4 =	sld [smem:$0x3FAE]  }
0x2a: {  	p0 =	seq.s32 s5, $0x0;
	s5 =	sld [smem:$0x3FAF]  }
0x2b: {  	s6 =	sld [smem:$0x3FB0]  }
0x2c: {  	s7 =	sld [smem:$0x3FB1]  }
0x2d: {  	s3 =	simm.s32 $0x108;
	s8 =	sld [smem:$0x3FB2]  }
0x2e: {  	s3 =	simm.s32 @!p0 $0x1082;
	s9 =	sld [smem:$0x3FB3]  }
0x2f: {  	lr =	sadd.s32 s0, s3;
	s0 =	sld [smem:$0x3FAA]  }
0x30: {  	s3 =	sld [smem:$0x3FAD]  }
0x31: {  	[smem:$0x3FB6] =	sst s10  }
0x32: {  	s10 =	sld [smem:$0x3FB4];
	_ =	sdelay $0x3  }
0x33: {  	p0 =	seq.s32 s10, $0x1;
	s10 =	sld [smem:$0x3FB6];
	_ =	sdelay $0x3  }
0x34: {  	[smem:$0x3FB6] =	sst s10  }
0x35: {  	s10 =	sld [smem:$0x3FB5];
	_ =	sdelay $0x3  }
0x36: {  	p1 =	seq.s32 s10, $0x1;
	s10 =	sld [smem:$0x3FB6];
	_ =	sdelay $0x3  }
0x37: {  	[smem:$0x3FB6] =	sst s10  }
0x38: {  	s10 =	sld [smem:$0x3FB7]  }
0x39: {  	_ = 	snop;
	(pc) =	sbr.ind lr, $3  }
0x3a: {  	_ = 	snop  }
0x3b: {  	_ = 	snop  }
0x3c: {  	p2 =	seq.s32 s10, $0x1;
	s10 =	sld [smem:$0x3FB6]  }
0x3d: {  	_ =	shalt  }
0x3e: {  	_ =	shalt  }
0x3f: {  	_ =	shalt  }
0x40: {  	_ =	shalt  }
0x41: {  	_ =	shalt  }
0x42: {  	_ =	shalt  }
0x43: {  	_ =	shalt  }
0x44: {  	_ =	shalt  }
0x45: {  	_ =	shalt  }
0x46: {  	_ =	shalt  }
0x47: {  	_ =	shalt  }
0x48: {  	_ =	shalt  }
0x49: {  	_ =	shalt  }
0x4a: {  	_ =	shalt  }
0x4b: {  	_ =	shalt  }
0x4c: {  	_ =	shalt  }
0x4d: {  	_ =	shalt  }
0x4e: {  	_ =	shalt  }
0x4f: {  	_ =	shalt  }
0x50: {  	_ =	shalt  }
0x51: {  	_ =	shalt  }
0x52: {  	_ =	shalt  }
0x53: {  	_ =	shalt  }
0x54: {  	_ =	shalt  }
0x55: {  	_ =	shalt  }
0x56: {  	_ =	shalt  }
0x57: {  	_ =	shalt  }
0x58: {  	_ =	shalt  }
0x59: {  	_ =	shalt  }
0x5a: {  	_ =	shalt  }
0x5b: {  	_ =	shalt  }
0x5c: {  	_ =	shalt  }
0x5d: {  	_ =	shalt  }
0x5e: {  	_ =	shalt  }
0x5f: {  	_ =	shalt  }
0x60: {  	_ =	shalt  }
0x61: {  	_ =	shalt  }
0x62: {  	_ =	shalt  }
0x63: {  	_ =	shalt  }
0x64: {  	_ =	shalt  }
0x65: {  	_ =	shalt  }
0x66: {  	_ =	shalt  }
0x67: {  	_ =	shalt  }
0x68: {  	_ =	shalt  }
0x69: {  	_ =	shalt  }
0x6a: {  	_ =	shalt  }
0x6b: {  	_ =	shalt  }
0x6c: {  	_ =	shalt  }
0x6d: {  	_ =	shalt  }
0x6e: {  	_ =	shalt  }
0x6f: {  	_ =	shalt  }
0x70: {  	_ =	shalt  }
0x71: {  	_ =	shalt  }
0x72: {  	_ =	shalt  }
0x73: {  	_ =	shalt  }
0x74: {  	_ =	shalt  }
0x75: {  	_ =	shalt  }
0x76: {  	_ =	shalt  }
0x77: {  	_ =	shalt  }
0x78: {  	_ =	shalt  }
0x79: {  	_ =	shalt  }
0x7a: {  	_ =	shalt  }
0x7b: {  	_ =	shalt  }
0x7c: {  	_ =	shalt  }
0x7d: {  	_ =	shalt  }
0x7e: {  	_ =	shalt  }
0x7f: {  	_ =	shalt  }
0x80: {  	_ =	shalt  }
0x81: {  	_ =	shalt  }
0x82: {  	_ =	shalt  }
0x83: {  	_ =	shalt  }
0x84: {  	_ =	shalt  }
0x85: {  	_ =	shalt  }
0x86: {  	_ =	shalt  }
0x87: {  	_ =	shalt  }
.Lfunc_end0:
.L_simem_size_0:
called_computation.1_lowered:
.L_overlay_start_0:
0x88: {  	s2 =	sld [smem:$0x3FD9]  }
0x89: {  	s3 =	sld [smem:$0x3FFE];
	_ =	sdelay $0x1  }
0x8a: {  	s1 =	srdreg.scid  }
0x8b: {  	s0 =	sand.u32 $0x1, s1  }
0x8c: {  	s17 =	sshll.u32 s0, $0xA;
	s2 =	sadd.s32 s3, s2  }
0x8d: {  	s2 =	sadd.s32 s2, s17  }
0x8e: {  	[smem:$0x3FC2] =	sst s2  }
0x8f: {  	_ = 	snop  }
0x90: {  	s2 =	sld [smem:$0x3FD0];
	(tm) =	ssettm $0x1  }
0x91: {  	s18 =	sld [smem:$0x3FFB];
	_ =	sdelay $0x3  }
0x92: {  	_ =	strace s18  }
0x93: {  	s3 =	sld [smem:$0x3FFC];
	_ =	sdelay $0x3  }
0x94: {  	_ =	strace s3  }
0x95: {  	s3 =	sld [smem:$0x3FFD];
	_ =	sdelay $0x3  }
0x96: {  	_ =	strace s3  }
0x97: {  	_ =	strace $0x8FFFFFFF  }
0x98: {  	s19 =	sld [smem:$0x3FDB];
	_ =	sdelay $0x1  }
0x99: {  	s4 =	simm.s32 $_scs_section_size  }
0x9a: {  	s5 =	simm.s32 $_size__tile_overlayer_lowered;
	s6 =	simm.s32 $_tile_overlayer_lowered  }
0x9b: {  	s22 =	simm.s32 $0x1BFF;
	s21 =	sshll.u32 s6, $0x1;
	s3 =	sadd.s32 s4, s19  }
0x9c: {  	s7 =	simm.s32 $0x0;
	s20 =	sshll.u32 s5, $0x1;
	s5 =	sadd.s32 s21, s3  }
0x9d: {  	[timem:s7], [sflag:s22] =	dma.local [hbm:s5], s20  }
0x9e: {  	_ =	swait.ge [sflag:s22], s20  }
0x9f: {  	s4 =	ssub.s32 $0x0, s20;
	[sflag:s22] =	ssyncset.done $0x0  }
0xa0: {  	[sflag:s22] =	ssyncadd.s32 s4;
	_ =	sdelay $0x1  }
0xa1: {  	s23 =	simm.s32 $0x1B8B  }
0xa2: {  	_ =	swait.ge [sflag:s23], $0x1  }
0xa3: {  	[sflag:s23] =	ssyncset.done $0x0  }
0xa4: {  	s25 =	simm.s32 $0x1B8E;
	s24 =	sld [smem:$0x3FFE];
	[sflag:s23] =	ssyncadd.s32 $0xFFFFFFFF  }
0xa5: {  	s26 =	simm.s32 $execute0_lowered;
	[smem:$0x3FD2] =	sst s25  }
0xa6: {  	s5 =	sshll.u32 s26, $0x1;
	_ =	strace $0x80000049;
	[dreg:$0x1] =	wrdreg $0xFFFFFFFF  }
0xa7: {  	s28 =	simm.s32 $_size_execute0_lowered;
	s3 =	sadd.s32 s3, s5;
	[dreg:$0x0] =	wrdreg $0x0  }
0xa8: {  	s5 =	sshll.u32 s28, $0x1;
	[dreg:$0x2] =	wrdreg s3  }
0xa9: {  	[dreg:$0x3] =	wrdreg s5  }
0xaa: {  	[dreg:$0x4] =	wrdreg $0xC0  }
0xab: {  	_ =	task [dreg:s7], $0x5FFFF  }
0xac: {  	[dreg:$0x1] =	wrdreg $0xFFFFFFFF  }
0xad: {  	[dreg:$0x0] =	wrdreg $0x60  }
0xae: {  	[dreg:$0x2] =	wrdreg s2  }
0xaf: {  	[dreg:$0x3] =	wrdreg s24  }
0xb0: {  	[dreg:$0x4] =	wrdreg $0x0  }
0xb1: {  	[dreg:$0x5] =	wrdreg $0x9  }
0xb2: {  	_ =	task.clear_ibuf [dreg:s7], $0x6FFFF;
	_ =	strace $0x90000049  }
0xb3: {  	s29 =	simm.s32 $0x9;
	_ =	strace $0x8000004B  }
0xb4: {  	_ =	swait.ge [sflag:s29], $0x1  }
0xb5: {  	[sflag:s29] =	ssyncadd.s32 $0xFFFFFFFF  }
0xb6: {  	_ =	strace $0x9000004B  }
0xb7: {  	_ =	sfence  }
0xb8: {  	s30 =	sld [smem:$0x0];
	_ =	sdelay $0x2  }
0xb9: {  	s31 =	sshll.u32 s1, $0xD;
	s1 =	sshrl.u32 s1, $0x2  }
0xba: {  	s3 =	sand.u32 $0x4000, s31;
	s1 =	sadd.s32 s1, s30  }
0xbb: {  	s0 =	sor.u32 s3, s0;
	s1 =	sshll.u32 s1, $0x11  }
0xbc: {  	s0 =	sor.u32 s1, s0  }
0xbd: {  	s0 =	sadd.s32 $0x8F2B, s0  }
0xbe: {  	[sflag:s0] =	ssyncadd.remote.s32 $0x1  }
0xbf: {  	_ =	sfence.sel $0xFFFF  }
0xc0: {  	[dreg:$0x0] =	wrdreg $0xFFFFFFFF;
	(pc) =	sbr.abs _section_cstart, $3  }
0xc1: {  	[dreg:$0x1] =	wrdreg $0xFFFFFFFF  }
0xc2: {  	_ =	task.clear_ibuf [dreg:s7], $0x2FFFF;
	_ =	strace $0x9FFFFFFF  }
0xc3: {  	(tm) =	ssettm $0x7FFFFFFF  }
tec
execute0_lowered:
.L_overlay_start_1:
0x0: {  	(tag) =	ssettag $0x1  }
0x1: {  	s0 =	rddreg [dreg:$0x0]  }
0x2: {  	s3 =	rddreg [dreg:$0x1]  }
0x3: {  	s1 =	rddreg [dreg:$0x2];
	s2 =	simm.s32 $0x0;
	s5 =	srdreg.scid  }
0x4: {  	s16 =	stileid.u32;
	s17 =	simm.s32 $0x28;
	s18 =	simm.s32 $0x14028  }
0x5: {  	s21 =	simm.s32 $0x19550;
	s28 =	simm.s32 $0x1;
	s29 =	simm.s32 $0x2  }
0x6: {  	s30 =	simm.s32 $0x3;
	s31 =	simm.s32 $0x1EAA0;
	s19 =	simm.s32 $0x0  }
0x7: {  	[smem:$0x7FF] =	sst s2;
	s4 =	sadd.s32 $0xCAA00, s3;
	s7 =	sand.u32 $0x1, s5  }
0x8: {  	s5 =	sadd.s32 $0x1800, s3;
	s8 =	smul.u32 $0x14000, s16;
	s6 =	sadd.s32 $0x166E00, s3  }
0x9: {  	s23 =	sshll.u32 s16, $0x6;
	_ =	strace $0x8000004A;
	s9 =	sshll.u32 s7, $0x4  }
0xa: {  	s10 =	smul.u32 $0x28000, s7;
	s12 =	ssub.s32 $0x2, s7;
	s20 =	sor.u32 $0x1C07, s23  }
0xb: {  	s23 =	simm.s32 $0x19578;
	s9 =	sor.u32 s16, s9;
	s11 =	sshrl.u32 s8, $0x3  }
0xc: {  	s14 =	sshrl.u32 s12, $0x1;
	s8 =	sadd.s32 s8, s1;
	s16 =	simm.s32 $0x6  }
0xd: {  	[dreg:$0x7] =	wrdreg s20;
	s7 =	smul.u32 $0x2710, s9;
	s13 =	sadd.s32 s11, s3  }
0xe: {  	s15 =	smul.u32 $0x9C4, s9;
	s3 =	sadd.s32 s10, s3;
	s12 =	ssub.s32 s12, s14  }
0xf: {  	s9 =	smul.u32 $0x4E20, s9;
	s14 =	simm.s32 $0x7;
	s22 =	sadd.s32 $0x6800, s13  }
0x10: {  	s25 =	sadd.s32 $0x2E800, s3;
	s26 =	smax.u32 s12, $0x1;
	s3 =	simm.s32 $0x5  }
0x11: {  	[dreg:$0x4] =	wrdreg s22;
	s10 =	sadd.s32 s0, s15;
	s24 =	sadd.s32 s4, s9  }
0x12: {  	[dreg:$0x6] =	wrdreg s26;
	s9 =	sshrl.u32 s8, $0x3;
	s22 =	simm.s32 $0x195A0  }
0x13: {  	s0 =	sadd.s32 s11, s25;
	s25 =	simm.s32 $0x19820;
	[dreg:$0x5] =	wrdreg s24  }
0x14: {  	s26 =	simm.s32 $0x19AA0;
	[dreg:$0x8] =	wrdreg s0;
	s0 =	simm.s32 $0x4  }
.LBB2_1:
0x15: {  	s8 =	rddreg [dreg:$0x4]  }
0x16: {  	[spmem:s9], [sflag:s20] =	dma.local [hbm:s8], $0x2800  }
0x17: {  	_ =	swait.ge [sflag:s14], $0x2800  }
0x18: {  	[sflag:s14] =	ssyncset.done $0x0  }
0x19: {  	[sflag:s14] =	ssyncadd.s32 $0xFFFFD800  }
0x1a: {  	s12 =	simm.s32 $0x14000;
	[bflag:$0x0] =	sbarrier.arrive $0xFFFF  }
0x1b: {  	[tilespmem:s12], [sflag:$0x7] =	stream.linear.gather [hbm4b:s10+s2], $0x50, $0x38;
	[tilespmem:$0x1FEA0] =	vst v63  }
0x1c: {  	_ =	swait.ge [sflag:s14], $0x50  }
0x1d: {  	[sflag:s14] =	ssyncset.done $0x0  }
0x1e: {  	s11 =	simm.s32 $0x14050;
	s15 =	rddreg [dreg:$0x5];
	[sflag:s14] =	ssyncadd.s32 $0xFFFFFFB0  }
0x1f: {  	[tilespmem:s11], [sflag:$0x1] =	stream.linear.gather [hbm4b:s15+s2], $0x280, $0x38;
	[tilespmem:$0x1FEA0] =	vst v63  }
0x20: {  	s20 =	simm.s32 $0x142D0  }
0x21: {  	[tilespmem:s20], [sflag:$0x2] =	stream.indirect.gather [hbm4b:s5+s17], $0x10, s18, s17, $0xb8;
	[tilespmem:$0x1FEA0] =	vst v63  }
0x22: {  	s13 =	smov.u32 s9;
	s24 =	simm.s32 $0x14550;
	s20 =	simm.s32 $0x0  }
0x23: {  	[tilespmem:s24], [sflag:$0x3] =	stream.indirect.gather [hbm4b:s6+s17], $0x200, s12, s17, $0xb8;
	[tilespmem:$0x1FEA0] =	vst v63  }
.LBB2_2:
0x24: {  	s8 =	sshllo.u32 s20, $0x1  }
0x25: {  	s9 =	smul.u32 $0x28, s8  }
0x26: {  	s8 =	smul.u32 $0xA, s8;
	_ =	sdelay $0x1  }
0x27: {  	s9 =	sadd.s32 s7, s9;
	s8 =	sadd.s32 s10, s8  }
0x28: {  	[tilespmem:s21], [sflag:$0x7] =	stream.linear.gather [hbm4b:s8+s2], $0x50, $0x38;
	[tilespmem:$0x1FEA0] =	vst v63  }
0x29: {  	s24 =	sshll.u32 s9, $0x1;
	_ =	swait.ge [sflag:s14], $0x50  }
0x2a: {  	s8 =	sand.u32 $0x1FFFFFF0, s24;
	[sflag:s14] =	ssyncset.done $0x0  }
0x2b: {  	s8 =	sadd.s32 s4, s8;
	[sflag:s14] =	ssyncadd.s32 $0xFFFFFFB0  }
0x2c: {  	[tilespmem:s22], [sflag:$0x4] =	stream.linear.gather [hbm4b:s8+s2], $0x280, $0x38;
	[tilespmem:$0x1FEA0] =	vst v63  }
0x2d: {  	_ = 	snop  }
0x2e: {  	[tilespmem:s25], [sflag:$0x5] =	stream.indirect.gather [hbm4b:s5+s17], $0x10, s23, s17, $0xb8;
	[tilespmem:$0x1FEA0] =	vst v63  }
0x2f: {  	_ = 	snop  }
0x30: {  	[tilespmem:s26], [sflag:$0x6] =	stream.indirect.gather [hbm4b:s6+s17], $0x200, s21, s17, $0xb8;
	[tilespmem:$0x1FEA0] =	vst v63  }
0x31: {  	_ =	swait.ge [sflag:s28], $0x280  }
0x32: {  	[sflag:s28] =	ssyncset.done $0x0  }
0x33: {  	[sflag:s28] =	ssyncadd.s32 $0xFFFFFD80  }
0x34: {  	_ =	swait.ge [sflag:s29], $0x280  }
0x35: {  	[sflag:s29] =	ssyncset.done $0x0  }
0x36: {  	[sflag:s29] =	ssyncadd.s32 $0xFFFFFD80  }
0x37: {  	s15 =	sshll.u32 s20, $0x1;
	s11 =	simm.s32 $0x142E0;
	_ =	swait.ge [sflag:s30], $0x5000  }
0x38: {  	s12 =	simm.s32 $0x14060;
	s9 =	simm.s32 $0x1EB20;
	[sflag:s30] =	ssyncset.done $0x0  }
0x39: {  	s24 =	simm.s32 $0x14750;
	s8 =	simm.s32 $0xFFFFFFFE;
	[sflag:s30] =	ssyncadd.s32 $0xFFFFB000  }
.LBB2_3:
0x3a: {  	v0 =	vld [tilespmem:s12+$0xFFFFFFF0]  }
0x3b: {  	v1 =	vld [tilespmem:s11+$0xFFFFFFF0]  }
0x3c: {  	v2 =	vld [tilespmem:s24+$0xFFFFFE00]  }
0x3d: {  	v3 =	vld [tilespmem:s24+$0xFFFFFE10]  }
0x3e: {  	v55 =	vld [tilespmem:s24+$0xFFFFFE20]  }
0x3f: {  	v6 =	vld [tilespmem:s24+$0xFFFFFE30]  }
0x40: {  	v8 =	vld [tilespmem:s24+$0xFFFFFE40]  }
0x41: {  	v10 =	vld [tilespmem:s24+$0xFFFFFE50]  }
0x42: {  	v13 =	vld [tilespmem:s24+$0xFFFFFE60]  }
0x43: {  	v15 =	vld [tilespmem:s24+$0xFFFFFE70]  }
0x44: {  	v59 =	vld [tilespmem:s24+$0xFFFFFE80];
	v0 =	vmul.f32 v1, v0;
	v5 =	vshll.u32 v2, $0x10;
	v7 =	vshll.u32 v3, $0x10  }
0x45: {  	v16 =	vld [tilespmem:s24+$0xFFFFFE90];
	v9 =	vshll.u32 v55, $0x10;
	v11 =	vshll.u32 v6, $0x10;
	v14 =	vshll.u32 v8, $0x10  }
0x46: {  	v17 =	vld [tilespmem:s24+$0xFFFFFEA0];
	v57 =	vshll.u32 v10, $0x10;
	v4 =	vbroadcast v0, $0x0;
	v12 =	vbroadcast v0, $0x1  }
0x47: {  	v25 =	vld [tilespmem:s24+$0xFFFFFEB0];
	v61 =	vshll.u32 v13, $0x10;
	v20 =	vbroadcast v0, $0x2;
	v33 =	vbroadcast v0, $0x3  }
0x48: {  	v28 =	vld [tilespmem:s24+$0xFFFFFEC0];
	v63 =	vshll.u32 v15, $0x10;
	v47 =	vbroadcast v0, $0x4;
	v5 =	vmul.f32 v5, v4  }
0x49: {  	v30 =	vld [tilespmem:s24+$0xFFFFFED0];
	v22 =	vshll.u32 v59, $0x10;
	v2 =	vmul.f32 v2, v4;
	v7 =	vmul.f32 v7, v4  }
0x4a: {  	v34 =	vld [tilespmem:s24+$0xFFFFFEE0];
	v24 =	vshll.u32 v16, $0x10;
	v3 =	vmul.f32 v3, v4;
	v9 =	vmul.f32 v9, v4  }
0x4b: {  	v36 =	vld [tilespmem:s24+$0xFFFFFEF0];
	v27 =	vshll.u32 v17, $0x10;
	v1 =	vmul.f32 v55, v4;
	v11 =	vmul.f32 v11, v4  }
0x4c: {  	v40 =	vld [tilespmem:s24+$0xFFFFFF00];
	v32 =	vshll.u32 v25, $0x10;
	v4 =	vmul.f32 v6, v4;
	v56 =	vmul.f32 v14, v12  }
0x4d: {  	v42 =	vld [tilespmem:s24+$0xFFFFFF10];
	v35 =	vshll.u32 v28, $0x10;
	v8 =	vmul.f32 v8, v12;
	v58 =	vmul.f32 v57, v12  }
0x4e: {  	v46 =	vld [tilespmem:s24+$0xFFFFFF20];
	v39 =	vshll.u32 v30, $0x10;
	v60 =	vmul.f32 v10, v12;
	v62 =	vmul.f32 v61, v12  }
0x4f: {  	v41 =	vshll.u32 v34, $0x10;
	v18 =	vmul.f32 v13, v12;
	v10 =	vmul.f32 v63, v12  }
0x50: {  	v44 =	vshll.u32 v36, $0x10;
	v19 =	vmul.f32 v15, v12;
	v23 =	vmul.f32 v22, v20  }
0x51: {  	v49 =	vshll.u32 v40, $0x10;
	v26 =	vmul.f32 v59, v20;
	v29 =	vmul.f32 v16, v20  }
0x52: {  	v51 =	vshll.u32 v42, $0x10;
	v14 =	vmul.f32 v27, v20;
	v31 =	vmul.f32 v17, v20  }
0x53: {  	v54 =	vshll.u32 v46, $0x10;
	v13 =	vmul.f32 v32, v20;
	v37 =	vmul.f32 v35, v33  }
0x54: {  	v50 =	vld [tilespmem:s24+$0xFFFFFF30];
	v38 =	vmul.f32 v28, v33;
	v12 =	vmul.f32 v41, v33;
	v5 =	vadd.f32 $0.0e+00, v5  }
0x55: {  	v52 =	vld [tilespmem:s24+$0xFFFFFF40];
	v43 =	vmul.f32 v34, v33;
	v2 =	vadd.f32 $0.0e+00, v2;
	v7 =	vadd.f32 $0.0e+00, v7  }
0x56: {  	v45 =	vmul.f32 v44, v33;
	v3 =	vadd.f32 $0.0e+00, v3;
	v9 =	vadd.f32 $0.0e+00, v9  }
0x57: {  	v48 =	vmul.f32 v36, v33;
	v1 =	vadd.f32 $0.0e+00, v1;
	v11 =	vadd.f32 $0.0e+00, v11  }
0x58: {  	v53 =	vmul.f32 v51, v47;
	v4 =	vadd.f32 $0.0e+00, v4;
	v5 =	vadd.f32 v56, v5  }
0x59: {  	v55 =	vld [tilespmem:s24+$0xFFFFFF50];
	v57 =	vshll.u32 v50, $0x10;
	v2 =	vadd.f32 v8, v2;
	v6 =	vadd.f32 v58, v7  }
0x5a: {  	v59 =	vld [tilespmem:s24+$0xFFFFFF60];
	v61 =	vshll.u32 v52, $0x10;
	v3 =	vadd.f32 v60, v3;
	v7 =	vadd.f32 v62, v9  }
0x5b: {  	v21 =	vadd.f32 v10, v11;
	v10 =	vmul.f32 v24, v20;
	v11 =	vmul.f32 v25, v20  }
0x5c: {  	v1 =	vadd.f32 v18, v1;
	v9 =	vmul.f32 v30, v33;
	v56 =	vmul.f32 v54, v47  }
0x5d: {  	v4 =	vadd.f32 v19, v4;
	v58 =	vbroadcast v0, $0x5;
	v60 =	vmul.f32 v57, v47  }
0x5e: {  	v62 =	vmul.f32 v50, v47;
	v17 =	vshll.u32 v55, $0x10;
	v5 =	vadd.f32 v23, v5  }
0x5f: {  	v22 =	vshll.u32 v59, $0x10;
	v2 =	vadd.f32 v26, v2;
	v6 =	vadd.f32 v10, v6  }
0x60: {  	v3 =	vadd.f32 v29, v3;
	v7 =	vadd.f32 v14, v7;
	v10 =	vmul.f32 v39, v33  }
0x61: {  	v4 =	vadd.f32 v11, v4;
	v14 =	vmul.f32 v49, v47;
	v11 =	vmul.f32 v40, v47  }
0x62: {  	v41 =	vld [tilespmem:s24+$0xFFFFFFF0];
	v8 =	vadd.f32 v13, v21;
	v13 =	vmul.f32 v42, v47;
	v63 =	vmul.f32 v52, v58  }
0x63: {  	v35 =	vld [tilespmem:s24+$0xFFFFFFD0];
	v1 =	vadd.f32 v31, v1;
	v19 =	vmul.f32 v17, v58;
	v21 =	vmul.f32 v55, v58  }
0x64: {  	v18 =	vld [tilespmem:s24+$0xFFFFFF70];
	v24 =	vmul.f32 v22, v58;
	v27 =	vmul.f32 v59, v58;
	v5 =	vadd.f32 v37, v5  }
0x65: {  	v29 =	vbroadcast v0, $0x6;
	v2 =	vadd.f32 v38, v2;
	v6 =	vadd.f32 v10, v6  }
0x66: {  	v20 =	vld [tilespmem:s24+$0xFFFFFF80];
	v0 =	vbroadcast v0, $0x7;
	v3 =	vadd.f32 v9, v3;
	v7 =	vadd.f32 v12, v7  }
0x67: {  	v49 =	vshll.u32 v41, $0x10;
	v1 =	vadd.f32 v43, v1;
	v8 =	vadd.f32 v45, v8  }
0x68: {  	v23 =	vld [tilespmem:s24+$0xFFFFFF90];
	v4 =	vadd.f32 v48, v4;
	v10 =	vmul.f32 v46, v47;
	v43 =	vshll.u32 v35, $0x10  }
0x69: {  	v26 =	vld [tilespmem:s24+$0xFFFFFFA0];
	v45 =	vmul.f32 v35, v0;
	v51 =	vmul.f32 v49, v0;
	v25 =	vshll.u32 v18, $0x10  }
0x6a: {  	v31 =	vld [tilespmem:s24+$0xFFFFFFC0];
	v28 =	vmul.f32 v18, v58;
	v5 =	vadd.f32 v14, v5;
	v2 =	vadd.f32 v11, v2  }
0x6b: {  	v33 =	vld [tilespmem:s24+$0xFFFFFFB0];
	v30 =	vshll.u32 v20, $0x10;
	v6 =	vadd.f32 v53, v6;
	v3 =	vadd.f32 v13, v3  }
0x6c: {  	v39 =	vld [tilespmem:s24+$0xFFFFFFE0];
	v44 =	vmul.f32 v43, v0;
	v7 =	vadd.f32 v56, v7;
	v1 =	vadd.f32 v10, v1  }
0x6d: {  	v11 =	vmul.f32 v61, v58;
	v8 =	vadd.f32 v60, v8;
	v4 =	vadd.f32 v62, v4  }
0x6e: {  	v12 =	vmul.f32 v25, v58;
	v9 =	vmul.f32 v30, v29;
	v32 =	vshll.u32 v23, $0x10  }
0x6f: {  	v34 =	vshll.u32 v26, $0x10;
	v36 =	vmul.f32 v23, v29;
	v38 =	vmul.f32 v26, v29  }
0x70: {  	v40 =	vshll.u32 v31, $0x10;
	v42 =	vshll.u32 v33, $0x10;
	v5 =	vadd.f32 v11, v5  }
0x71: {  	v46 =	vshll.u32 v39, $0x10;
	v2 =	vadd.f32 v63, v2;
	v6 =	vadd.f32 v19, v6  }
0x72: {  	v13 =	vmul.f32 v33, v29;
	v3 =	vadd.f32 v21, v3;
	v7 =	vadd.f32 v24, v7  }
0x73: {  	v1 =	vadd.f32 v27, v1;
	v8 =	vadd.f32 v12, v8;
	v11 =	vmul.f32 v20, v29  }
0x74: {  	v10 =	vmul.f32 v32, v29;
	v5 =	vadd.f32 v9, v5;
	v9 =	vmul.f32 v40, v0  }
0x75: {  	v4 =	vadd.f32 v28, v4;
	v12 =	vmul.f32 v31, v0;
	v2 =	vadd.f32 v11, v2  }
0x76: {  	v37 =	vmul.f32 v34, v29;
	v6 =	vadd.f32 v10, v6;
	v5 =	vadd.f32 v9, v5  }
0x77: {  	v48 =	vmul.f32 v39, v0;
	v3 =	vadd.f32 v36, v3;
	v2 =	vadd.f32 v12, v2  }
0x78: {  	v47 =	vmul.f32 v46, v0;
	v7 =	vadd.f32 v37, v7;
	v6 =	vadd.f32 v44, v6;
	[tilespmem:s9+$0xFFFFFF80] =	vst v5  }
0x79: {  	v1 =	vadd.f32 v38, v1;
	v11 =	vmul.f32 v42, v29;
	v3 =	vadd.f32 v45, v3;
	[tilespmem:s9+$0xFFFFFF90] =	vst v2  }
0x7a: {  	v4 =	vadd.f32 v13, v4;
	v0 =	vmul.f32 v41, v0;
	v7 =	vadd.f32 v47, v7;
	[tilespmem:s9+$0xFFFFFFA0] =	vst v6  }
0x7b: {  	v50 =	vadd.f32 v11, v8;
	v1 =	vadd.f32 v48, v1;
	[tilespmem:s9+$0xFFFFFFB0] =	vst v3  }
0x7c: {  	v0 =	vadd.f32 v0, v4;
	[tilespmem:s9+$0xFFFFFFC0] =	vst v7  }
0x7d: {  	v2 =	vadd.f32 v51, v50;
	[tilespmem:s9+$0xFFFFFFD0] =	vst v1  }
0x7e: {  	[tilespmem:s9+$0xFFFFFFF0] =	vst v0  }
0x7f: {  	[tilespmem:s9+$0xFFFFFFE0] =	vst v2  }
0x80: {  	v0 =	vld [tilespmem:s12+$0x0]  }
0x81: {  	v1 =	vld [tilespmem:s11+$0x0]  }
0x82: {  	v2 =	vld [tilespmem:s24+$0x0]  }
0x83: {  	v3 =	vld [tilespmem:s24+$0x10]  }
0x84: {  	v52 =	vld [tilespmem:s24+$0x20]  }
0x85: {  	v6 =	vld [tilespmem:s24+$0x30]  }
0x86: {  	v56 =	vld [tilespmem:s24+$0x40];
	v0 =	vmul.f32 v1, v0  }
0x87: {  	v58 =	vld [tilespmem:s24+$0x50];
	v54 =	vshll.u32 v2, $0x10  }
0x88: {  	v61 =	vld [tilespmem:s24+$0x60];
	v55 =	vshll.u32 v3, $0x10;
	v53 =	vbroadcast v0, $0x0;
	v60 =	vbroadcast v0, $0x1  }
0x89: {  	v63 =	vld [tilespmem:s24+$0x70];
	v57 =	vshll.u32 v52, $0x10;
	v31 =	vbroadcast v0, $0x2;
	v44 =	vbroadcast v0, $0x3  }
0x8a: {  	v22 =	vld [tilespmem:s24+$0x80];
	v59 =	vshll.u32 v6, $0x10;
	v5 =	vmul.f32 v54, v53;
	v2 =	vmul.f32 v2, v53  }
0x8b: {  	v25 =	vld [tilespmem:s24+$0x90];
	v62 =	vshll.u32 v56, $0x10;
	v7 =	vmul.f32 v55, v53;
	v3 =	vmul.f32 v3, v53  }
0x8c: {  	v28 =	vld [tilespmem:s24+$0xA0];
	v20 =	vshll.u32 v58, $0x10;
	v9 =	vmul.f32 v57, v53;
	v1 =	vmul.f32 v52, v53  }
0x8d: {  	v36 =	vld [tilespmem:s24+$0xB0];
	v24 =	vshll.u32 v61, $0x10;
	v11 =	vmul.f32 v59, v53;
	v4 =	vmul.f32 v6, v53  }
0x8e: {  	v39 =	vld [tilespmem:s24+$0xC0];
	v27 =	vshll.u32 v63, $0x10;
	v19 =	vmul.f32 v62, v60;
	v8 =	vmul.f32 v56, v60  }
0x8f: {  	v41 =	vld [tilespmem:s24+$0xD0];
	v33 =	vshll.u32 v22, $0x10;
	v21 =	vmul.f32 v20, v60;
	v23 =	vmul.f32 v58, v60  }
0x90: {  	v45 =	vld [tilespmem:s24+$0xE0];
	v35 =	vshll.u32 v25, $0x10;
	v26 =	vmul.f32 v24, v60;
	v29 =	vmul.f32 v61, v60  }
0x91: {  	v47 =	vld [tilespmem:s24+$0xF0];
	v38 =	vshll.u32 v28, $0x10;
	v10 =	vmul.f32 v27, v60;
	v30 =	vmul.f32 v63, v60  }
0x92: {  	v43 =	vshll.u32 v36, $0x10;
	v34 =	vmul.f32 v33, v31;
	v37 =	vmul.f32 v22, v31  }
0x93: {  	v46 =	vshll.u32 v39, $0x10;
	v40 =	vmul.f32 v25, v31;
	v14 =	vmul.f32 v38, v31  }
0x94: {  	v51 =	vld [tilespmem:s24+$0x100];
	v50 =	vshll.u32 v41, $0x10;
	v42 =	vmul.f32 v28, v31;
	v13 =	vmul.f32 v43, v31  }
0x95: {  	v48 =	vmul.f32 v46, v44;
	v49 =	vmul.f32 v39, v44;
	v52 =	vshll.u32 v45, $0x10  }
0x96: {  	v53 =	vld [tilespmem:s24+$0x110];
	v54 =	vmul.f32 v45, v44;
	v55 =	vshll.u32 v47, $0x10;
	v5 =	vadd.f32 $0.0e+00, v5  }
0x97: {  	v57 =	vld [tilespmem:s24+$0x120];
	v58 =	vbroadcast v0, $0x4;
	v2 =	vadd.f32 $0.0e+00, v2;
	v7 =	vadd.f32 $0.0e+00, v7  }
0x98: {  	v59 =	vmul.f32 v47, v44;
	v61 =	vld [tilespmem:s24+$0x130];
	v3 =	vadd.f32 $0.0e+00, v3;
	v9 =	vadd.f32 $0.0e+00, v9  }
0x99: {  	v60 =	vshll.u32 v51, $0x10;
	v63 =	vld [tilespmem:s24+$0x140];
	v1 =	vadd.f32 $0.0e+00, v1;
	v11 =	vadd.f32 $0.0e+00, v11  }
0x9a: {  	v24 =	vbroadcast v0, $0x5;
	v25 =	vld [tilespmem:s24+$0x160];
	v4 =	vadd.f32 $0.0e+00, v4;
	v5 =	vadd.f32 v19, v5  }
0x9b: {  	v28 =	vld [tilespmem:s24+$0x170];
	v12 =	vmul.f32 v52, v44;
	v2 =	vadd.f32 v8, v2;
	v6 =	vadd.f32 v21, v7  }
0x9c: {  	v33 =	vld [tilespmem:s24+$0x180];
	v56 =	vmul.f32 v55, v44;
	v3 =	vadd.f32 v23, v3;
	v7 =	vadd.f32 v26, v9  }
0x9d: {  	v39 =	vld [tilespmem:s24+$0x1A0];
	v1 =	vadd.f32 v29, v1;
	v32 =	vadd.f32 v10, v11;
	v10 =	vmul.f32 v35, v31  }
0x9e: {  	v46 =	vld [tilespmem:s24+$0x1B0];
	v4 =	vadd.f32 v30, v4;
	v11 =	vmul.f32 v36, v31;
	v9 =	vmul.f32 v41, v44  }
0x9f: {  	v62 =	vshll.u32 v53, $0x10;
	v20 =	vshll.u32 v57, $0x10;
	v23 =	vshll.u32 v61, $0x10  }
0xa0: {  	v27 =	vshll.u32 v63, $0x10;
	v29 =	vmul.f32 v61, v58;
	v30 =	vmul.f32 v63, v24  }
0xa1: {  	v35 =	vshll.u32 v25, $0x10;
	v38 =	vshll.u32 v28, $0x10;
	v41 =	vmul.f32 v28, v24  }
0xa2: {  	v43 =	vshll.u32 v33, $0x10;
	v47 =	vshll.u32 v39, $0x10;
	v5 =	vadd.f32 v34, v5  }
0xa3: {  	v55 =	vshll.u32 v46, $0x10;
	v2 =	vadd.f32 v37, v2;
	v6 =	vadd.f32 v10, v6  }
0xa4: {  	v7 =	vadd.f32 v14, v7;
	v10 =	vmul.f32 v50, v44;
	v14 =	vmul.f32 v60, v58  }
0xa5: {  	v52 =	vld [tilespmem:s24+$0x1E0];
	v4 =	vadd.f32 v11, v4;
	v11 =	vmul.f32 v51, v58;
	v19 =	vmul.f32 v62, v58  }
0xa6: {  	v8 =	vadd.f32 v13, v32;
	v13 =	vmul.f32 v53, v58;
	v22 =	vmul.f32 v20, v58  }
0xa7: {  	v3 =	vadd.f32 v40, v3;
	v26 =	vmul.f32 v23, v58;
	v37 =	vmul.f32 v35, v24  }
0xa8: {  	v1 =	vadd.f32 v42, v1;
	v40 =	vmul.f32 v25, v24;
	v42 =	vbroadcast v0, $0x6  }
0xa9: {  	v0 =	vbroadcast v0, $0x7;
	v5 =	vadd.f32 v48, v5;
	v2 =	vadd.f32 v49, v2  }
0xaa: {  	v21 =	vld [tilespmem:s24+$0x150];
	v60 =	vshll.u32 v52, $0x10;
	v6 =	vadd.f32 v10, v6;
	v3 =	vadd.f32 v9, v3  }
0xab: {  	v36 =	vld [tilespmem:s24+$0x190];
	v7 =	vadd.f32 v12, v7;
	v10 =	vmul.f32 v57, v58;
	v12 =	vmul.f32 v38, v24  }
0xac: {  	v1 =	vadd.f32 v54, v1;
	v9 =	vmul.f32 v43, v42;
	v50 =	vmul.f32 v47, v42  }
0xad: {  	v8 =	vadd.f32 v56, v8;
	v51 =	vmul.f32 v39, v42;
	v57 =	vmul.f32 v55, v42  }
0xae: {  	v4 =	vadd.f32 v59, v4;
	v61 =	vmul.f32 v60, v0;
	v62 =	vmul.f32 v52, v0  }
0xaf: {  	v31 =	vshll.u32 v21, $0x10;
	v34 =	vmul.f32 v21, v24;
	v5 =	vadd.f32 v14, v5  }
0xb0: {  	v44 =	vld [tilespmem:s24+$0x1C0];
	v45 =	vshll.u32 v36, $0x10;
	v2 =	vadd.f32 v11, v2;
	v6 =	vadd.f32 v19, v6  }
0xb1: {  	v3 =	vadd.f32 v13, v3;
	v7 =	vadd.f32 v22, v7;
	v11 =	vmul.f32 v27, v24  }
0xb2: {  	v1 =	vadd.f32 v10, v1;
	v8 =	vadd.f32 v26, v8;
	v32 =	vmul.f32 v31, v24  }
0xb3: {  	v48 =	vld [tilespmem:s24+$0x1D0];
	v49 =	vmul.f32 v36, v42;
	v4 =	vadd.f32 v29, v4;
	v5 =	vadd.f32 v11, v5  }
0xb4: {  	v10 =	vmul.f32 v45, v42;
	v2 =	vadd.f32 v30, v2;
	v6 =	vadd.f32 v32, v6  }
0xb5: {  	v53 =	vshll.u32 v44, $0x10;
	v3 =	vadd.f32 v34, v3;
	v7 =	vadd.f32 v37, v7  }
0xb6: {  	v1 =	vadd.f32 v40, v1;
	v8 =	vadd.f32 v12, v8;
	v11 =	vmul.f32 v33, v42  }
0xb7: {  	v54 =	vld [tilespmem:s24+$0x1F0];
	v4 =	vadd.f32 v41, v4;
	v5 =	vadd.f32 v9, v5;
	v9 =	vmul.f32 v53, v0  }
0xb8: {  	v12 =	vmul.f32 v44, v0;
	v56 =	vshll.u32 v48, $0x10;
	v2 =	vadd.f32 v11, v2  }
0xb9: {  	v6 =	vadd.f32 v10, v6;
	v58 =	vmul.f32 v56, v0;
	v5 =	vadd.f32 v9, v5  }
0xba: {  	v59 =	vmul.f32 v48, v0;
	v3 =	vadd.f32 v49, v3;
	v2 =	vadd.f32 v12, v2  }
0xbb: {  	v13 =	vmul.f32 v46, v42;
	v1 =	vadd.f32 v51, v1;
	v6 =	vadd.f32 v58, v6;
	[tilespmem:s9+$0x0] =	vst v5  }
0xbc: {  	s8 =	sadd.s32 $0x2, s8;
	v63 =	vshll.u32 v54, $0x10;
	v7 =	vadd.f32 v50, v7;
	v3 =	vadd.f32 v59, v3;
	[tilespmem:s9+$0x10] =	vst v2  }
0xbd: {  	p0 =	slt.u32 s8, $0x26;
	v8 =	vadd.f32 v57, v8;
	v1 =	vadd.f32 v62, v1;
	v2 =	vmul.f32 v63, v0;
	[tilespmem:s9+$0x20] =	vst v6  }
.Ltmp0:
0xbe: {  	v4 =	vadd.f32 v13, v4;
	v5 =	vadd.f32 v61, v7;
	v0 =	vmul.f32 v54, v0;
	[tilespmem:s9+$0x30] =	vst v3;
	(pc) =	sbr.rel @p0 .LBB2_3-.Ltmp0, $4  }
0xbf: {  	[tilespmem:s9+$0x50] =	vst v1;
	v2 =	vadd.f32 v2, v8  }
0xc0: {  	[tilespmem:s9+$0x40] =	vst v5;
	v0 =	vadd.f32 v0, v4  }
0xc1: {  	s11 =	sadd.s32 $0x20, s11;
	[tilespmem:s9+$0x60] =	vst v2  }
0xc2: {  	s12 =	sadd.s32 $0x20, s12;
	s24 =	sadd.s32 $0x400, s24;
	[tilespmem:s9+$0x70] =	vst v0;
	s9 =	sadd.s32 $0x100, s9  }
0xc3: {  	[spmem:s1] =	stream.indirect.scatter.add.f32 [tilespmem:s31], [sflag:$0x7], $0x80, s18, s17, $0xb8;
	[tilespmem:$0x1FEA0] =	vst v63  }
0xc4: {  	p0 =	seq.s32 s20, $0x7C  }
0xc5: {  	s8 =	sadd.s32 @!p0 $0x2, s15  }
0xc6: {  	_ =	swait.ge [sflag:s14], $0x1400;
	s9 =	smul.u32 @!p0 $0xA, s8  }
0xc7: {  	s11 =	simm.s32 @!p0 $0x0;
	s12 =	simm.s32 @!p0 $0x14000;
	[sflag:s14] =	ssyncset.done $0x0  }
0xc8: {  	s8 =	smul.u32 @!p0 $0x28, s8;
	[sflag:s14] =	ssyncadd.s32 $0xFFFFEC00;
	s9 =	sadd.s32 @!p0 s10, s9  }
0xc9: {  	[tilespmem:s12], [sflag:$0x7] =	stream.linear.gather @!p0 [hbm4b:s9+s11], $0x50, $0x38;
	[tilespmem:$0x1FEA0] =	vst v63  }
0xca: {  	s8 =	sadd.s32 @!p0 s7, s8;
	s9 =	simm.s32 @!p0 $0x7  }
0xcb: {  	s8 =	sshll.u32 @!p0 s8, $0x1;
	_ =	swait.ge @!p0 [sflag:s9], $0x50  }
0xcc: {  	s8 =	sand.u32 @!p0 $0x1FFFFFE0, s8;
	[sflag:s9] =	ssyncset.done @!p0 $0x0  }
0xcd: {  	s8 =	sadd.s32 @!p0 s4, s8;
	[sflag:s9] =	ssyncadd.s32 @!p0 $0xFFFFFFB0;
	s9 =	simm.s32 @!p0 $0x14050  }
0xce: {  	[tilespmem:s9], [sflag:$0x1] =	stream.linear.gather @!p0 [hbm4b:s8+s11], $0x280, $0x38;
	[tilespmem:$0x1FEA0] =	vst v63  }
0xcf: {  	s8 =	simm.s32 @!p0 $0x28;
	s9 =	simm.s32 @!p0 $0x14028;
	s11 =	simm.s32 @!p0 $0x142D0  }
0xd0: {  	[tilespmem:s11], [sflag:$0x2] =	stream.indirect.gather @!p0 [hbm4b:s5+s8], $0x10, s9, s8, $0xb8;
	[tilespmem:$0x1FEA0] =	vst v63  }
0xd1: {  	s9 =	simm.s32 @!p0 $0x14550  }
0xd2: {  	[tilespmem:s9], [sflag:$0x3] =	stream.indirect.gather @!p0 [hbm4b:s6+s8], $0x200, s12, s8, $0xb8;
	[tilespmem:$0x1FEA0] =	vst v63  }
0xd3: {  	_ =	swait.ge [sflag:s0], $0x280  }
0xd4: {  	[sflag:s0] =	ssyncset.done $0x0  }
0xd5: {  	[sflag:s0] =	ssyncadd.s32 $0xFFFFFD80  }
0xd6: {  	_ =	swait.ge [sflag:s3], $0x280  }
0xd7: {  	[sflag:s3] =	ssyncset.done $0x0  }
0xd8: {  	[sflag:s3] =	ssyncadd.s32 $0xFFFFFD80  }
0xd9: {  	s15 =	simm.s32 $0x19CA0;
	_ =	swait.ge [sflag:s16], $0x5000  }
0xda: {  	s11 =	simm.s32 $0x19830;
	s8 =	simm.s32 $0xFFFFFFFE;
	[sflag:s16] =	ssyncset.done $0x0  }
0xdb: {  	s12 =	simm.s32 $0x195B0;
	s9 =	simm.s32 $0x1EB20;
	[sflag:s16] =	ssyncadd.s32 $0xFFFFB000  }
.LBB2_5:
0xdc: {  	v0 =	vld [tilespmem:s12+$0xFFFFFFF0]  }
0xdd: {  	v1 =	vld [tilespmem:s11+$0xFFFFFFF0]  }
0xde: {  	v2 =	vld [tilespmem:s15+$0xFFFFFE00]  }
0xdf: {  	v3 =	vld [tilespmem:s15+$0xFFFFFE10]  }
0xe0: {  	v55 =	vld [tilespmem:s15+$0xFFFFFE20]  }
0xe1: {  	v6 =	vld [tilespmem:s15+$0xFFFFFE30]  }
0xe2: {  	v8 =	vld [tilespmem:s15+$0xFFFFFE40]  }
0xe3: {  	v10 =	vld [tilespmem:s15+$0xFFFFFE50]  }
0xe4: {  	v13 =	vld [tilespmem:s15+$0xFFFFFE60]  }
0xe5: {  	v15 =	vld [tilespmem:s15+$0xFFFFFE70]  }
0xe6: {  	v59 =	vld [tilespmem:s15+$0xFFFFFE80];
	v0 =	vmul.f32 v1, v0;
	v5 =	vshll.u32 v2, $0x10;
	v7 =	vshll.u32 v3, $0x10  }
0xe7: {  	v16 =	vld [tilespmem:s15+$0xFFFFFE90];
	v9 =	vshll.u32 v55, $0x10;
	v11 =	vshll.u32 v6, $0x10;
	v14 =	vshll.u32 v8, $0x10  }
0xe8: {  	v17 =	vld [tilespmem:s15+$0xFFFFFEA0];
	v57 =	vshll.u32 v10, $0x10;
	v4 =	vbroadcast v0, $0x0;
	v12 =	vbroadcast v0, $0x1  }
0xe9: {  	v25 =	vld [tilespmem:s15+$0xFFFFFEB0];
	v61 =	vshll.u32 v13, $0x10;
	v20 =	vbroadcast v0, $0x2;
	v33 =	vbroadcast v0, $0x3  }
0xea: {  	v28 =	vld [tilespmem:s15+$0xFFFFFEC0];
	v63 =	vshll.u32 v15, $0x10;
	v47 =	vbroadcast v0, $0x4;
	v5 =	vmul.f32 v5, v4  }
0xeb: {  	v30 =	vld [tilespmem:s15+$0xFFFFFED0];
	v22 =	vshll.u32 v59, $0x10;
	v2 =	vmul.f32 v2, v4;
	v7 =	vmul.f32 v7, v4  }
0xec: {  	v34 =	vld [tilespmem:s15+$0xFFFFFEE0];
	v24 =	vshll.u32 v16, $0x10;
	v3 =	vmul.f32 v3, v4;
	v9 =	vmul.f32 v9, v4  }
0xed: {  	v36 =	vld [tilespmem:s15+$0xFFFFFEF0];
	v27 =	vshll.u32 v17, $0x10;
	v1 =	vmul.f32 v55, v4;
	v11 =	vmul.f32 v11, v4  }
0xee: {  	v40 =	vld [tilespmem:s15+$0xFFFFFF00];
	v32 =	vshll.u32 v25, $0x10;
	v4 =	vmul.f32 v6, v4;
	v56 =	vmul.f32 v14, v12  }
0xef: {  	v42 =	vld [tilespmem:s15+$0xFFFFFF10];
	v35 =	vshll.u32 v28, $0x10;
	v8 =	vmul.f32 v8, v12;
	v58 =	vmul.f32 v57, v12  }
0xf0: {  	v46 =	vld [tilespmem:s15+$0xFFFFFF20];
	v39 =	vshll.u32 v30, $0x10;
	v60 =	vmul.f32 v10, v12;
	v62 =	vmul.f32 v61, v12  }
0xf1: {  	v41 =	vshll.u32 v34, $0x10;
	v18 =	vmul.f32 v13, v12;
	v10 =	vmul.f32 v63, v12  }
0xf2: {  	v44 =	vshll.u32 v36, $0x10;
	v19 =	vmul.f32 v15, v12;
	v23 =	vmul.f32 v22, v20  }
0xf3: {  	v49 =	vshll.u32 v40, $0x10;
	v26 =	vmul.f32 v59, v20;
	v29 =	vmul.f32 v16, v20  }
0xf4: {  	v51 =	vshll.u32 v42, $0x10;
	v14 =	vmul.f32 v27, v20;
	v31 =	vmul.f32 v17, v20  }
0xf5: {  	v54 =	vshll.u32 v46, $0x10;
	v13 =	vmul.f32 v32, v20;
	v37 =	vmul.f32 v35, v33  }
0xf6: {  	v50 =	vld [tilespmem:s15+$0xFFFFFF30];
	v38 =	vmul.f32 v28, v33;
	v12 =	vmul.f32 v41, v33;
	v5 =	vadd.f32 $0.0e+00, v5  }
0xf7: {  	v52 =	vld [tilespmem:s15+$0xFFFFFF40];
	v43 =	vmul.f32 v34, v33;
	v2 =	vadd.f32 $0.0e+00, v2;
	v7 =	vadd.f32 $0.0e+00, v7  }
0xf8: {  	v45 =	vmul.f32 v44, v33;
	v3 =	vadd.f32 $0.0e+00, v3;
	v9 =	vadd.f32 $0.0e+00, v9  }
0xf9: {  	v48 =	vmul.f32 v36, v33;
	v1 =	vadd.f32 $0.0e+00, v1;
	v11 =	vadd.f32 $0.0e+00, v11  }
0xfa: {  	v53 =	vmul.f32 v51, v47;
	v4 =	vadd.f32 $0.0e+00, v4;
	v5 =	vadd.f32 v56, v5  }
0xfb: {  	v55 =	vld [tilespmem:s15+$0xFFFFFF50];
	v57 =	vshll.u32 v50, $0x10;
	v2 =	vadd.f32 v8, v2;
	v6 =	vadd.f32 v58, v7  }
0xfc: {  	v59 =	vld [tilespmem:s15+$0xFFFFFF60];
	v61 =	vshll.u32 v52, $0x10;
	v3 =	vadd.f32 v60, v3;
	v7 =	vadd.f32 v62, v9  }
0xfd: {  	v21 =	vadd.f32 v10, v11;
	v10 =	vmul.f32 v24, v20;
	v11 =	vmul.f32 v25, v20  }
0xfe: {  	v1 =	vadd.f32 v18, v1;
	v9 =	vmul.f32 v30, v33;
	v56 =	vmul.f32 v54, v47  }
0xff: {  	v4 =	vadd.f32 v19, v4;
	v58 =	vbroadcast v0, $0x5;
	v60 =	vmul.f32 v57, v47  }
0x100: {  	v62 =	vmul.f32 v50, v47;
	v17 =	vshll.u32 v55, $0x10;
	v5 =	vadd.f32 v23, v5  }
0x101: {  	v22 =	vshll.u32 v59, $0x10;
	v2 =	vadd.f32 v26, v2;
	v6 =	vadd.f32 v10, v6  }
0x102: {  	v3 =	vadd.f32 v29, v3;
	v7 =	vadd.f32 v14, v7;
	v10 =	vmul.f32 v39, v33  }
0x103: {  	v4 =	vadd.f32 v11, v4;
	v14 =	vmul.f32 v49, v47;
	v11 =	vmul.f32 v40, v47  }
0x104: {  	v41 =	vld [tilespmem:s15+$0xFFFFFFF0];
	v8 =	vadd.f32 v13, v21;
	v13 =	vmul.f32 v42, v47;
	v63 =	vmul.f32 v52, v58  }
0x105: {  	v35 =	vld [tilespmem:s15+$0xFFFFFFD0];
	v1 =	vadd.f32 v31, v1;
	v19 =	vmul.f32 v17, v58;
	v21 =	vmul.f32 v55, v58  }
0x106: {  	v18 =	vld [tilespmem:s15+$0xFFFFFF70];
	v24 =	vmul.f32 v22, v58;
	v27 =	vmul.f32 v59, v58;
	v5 =	vadd.f32 v37, v5  }
0x107: {  	v29 =	vbroadcast v0, $0x6;
	v2 =	vadd.f32 v38, v2;
	v6 =	vadd.f32 v10, v6  }
0x108: {  	v20 =	vld [tilespmem:s15+$0xFFFFFF80];
	v0 =	vbroadcast v0, $0x7;
	v3 =	vadd.f32 v9, v3;
	v7 =	vadd.f32 v12, v7  }
0x109: {  	v49 =	vshll.u32 v41, $0x10;
	v1 =	vadd.f32 v43, v1;
	v8 =	vadd.f32 v45, v8  }
0x10a: {  	v23 =	vld [tilespmem:s15+$0xFFFFFF90];
	v4 =	vadd.f32 v48, v4;
	v10 =	vmul.f32 v46, v47;
	v43 =	vshll.u32 v35, $0x10  }
0x10b: {  	v26 =	vld [tilespmem:s15+$0xFFFFFFA0];
	v45 =	vmul.f32 v35, v0;
	v51 =	vmul.f32 v49, v0;
	v25 =	vshll.u32 v18, $0x10  }
0x10c: {  	v31 =	vld [tilespmem:s15+$0xFFFFFFC0];
	v28 =	vmul.f32 v18, v58;
	v5 =	vadd.f32 v14, v5;
	v2 =	vadd.f32 v11, v2  }
0x10d: {  	v33 =	vld [tilespmem:s15+$0xFFFFFFB0];
	v30 =	vshll.u32 v20, $0x10;
	v6 =	vadd.f32 v53, v6;
	v3 =	vadd.f32 v13, v3  }
0x10e: {  	v39 =	vld [tilespmem:s15+$0xFFFFFFE0];
	v44 =	vmul.f32 v43, v0;
	v7 =	vadd.f32 v56, v7;
	v1 =	vadd.f32 v10, v1  }
0x10f: {  	v11 =	vmul.f32 v61, v58;
	v8 =	vadd.f32 v60, v8;
	v4 =	vadd.f32 v62, v4  }
0x110: {  	v12 =	vmul.f32 v25, v58;
	v9 =	vmul.f32 v30, v29;
	v32 =	vshll.u32 v23, $0x10  }
0x111: {  	v34 =	vshll.u32 v26, $0x10;
	v36 =	vmul.f32 v23, v29;
	v38 =	vmul.f32 v26, v29  }
0x112: {  	v40 =	vshll.u32 v31, $0x10;
	v42 =	vshll.u32 v33, $0x10;
	v5 =	vadd.f32 v11, v5  }
0x113: {  	v46 =	vshll.u32 v39, $0x10;
	v2 =	vadd.f32 v63, v2;
	v6 =	vadd.f32 v19, v6  }
0x114: {  	v13 =	vmul.f32 v33, v29;
	v3 =	vadd.f32 v21, v3;
	v7 =	vadd.f32 v24, v7  }
0x115: {  	v1 =	vadd.f32 v27, v1;
	v8 =	vadd.f32 v12, v8;
	v11 =	vmul.f32 v20, v29  }
0x116: {  	v10 =	vmul.f32 v32, v29;
	v5 =	vadd.f32 v9, v5;
	v9 =	vmul.f32 v40, v0  }
0x117: {  	v4 =	vadd.f32 v28, v4;
	v12 =	vmul.f32 v31, v0;
	v2 =	vadd.f32 v11, v2  }
0x118: {  	v37 =	vmul.f32 v34, v29;
	v6 =	vadd.f32 v10, v6;
	v5 =	vadd.f32 v9, v5  }
0x119: {  	v48 =	vmul.f32 v39, v0;
	v3 =	vadd.f32 v36, v3;
	v2 =	vadd.f32 v12, v2  }
0x11a: {  	v47 =	vmul.f32 v46, v0;
	v7 =	vadd.f32 v37, v7;
	v6 =	vadd.f32 v44, v6;
	[tilespmem:s9+$0xFFFFFF80] =	vst v5  }
0x11b: {  	v1 =	vadd.f32 v38, v1;
	v11 =	vmul.f32 v42, v29;
	v3 =	vadd.f32 v45, v3;
	[tilespmem:s9+$0xFFFFFF90] =	vst v2  }
0x11c: {  	v4 =	vadd.f32 v13, v4;
	v0 =	vmul.f32 v41, v0;
	v7 =	vadd.f32 v47, v7;
	[tilespmem:s9+$0xFFFFFFA0] =	vst v6  }
0x11d: {  	v50 =	vadd.f32 v11, v8;
	v1 =	vadd.f32 v48, v1;
	[tilespmem:s9+$0xFFFFFFB0] =	vst v3  }
0x11e: {  	v0 =	vadd.f32 v0, v4;
	[tilespmem:s9+$0xFFFFFFC0] =	vst v7  }
0x11f: {  	v2 =	vadd.f32 v51, v50;
	[tilespmem:s9+$0xFFFFFFD0] =	vst v1  }
0x120: {  	[tilespmem:s9+$0xFFFFFFF0] =	vst v0  }
0x121: {  	[tilespmem:s9+$0xFFFFFFE0] =	vst v2  }
0x122: {  	v0 =	vld [tilespmem:s12+$0x0]  }
0x123: {  	v1 =	vld [tilespmem:s11+$0x0]  }
0x124: {  	v2 =	vld [tilespmem:s15+$0x0]  }
0x125: {  	v3 =	vld [tilespmem:s15+$0x10]  }
0x126: {  	v52 =	vld [tilespmem:s15+$0x20]  }
0x127: {  	v6 =	vld [tilespmem:s15+$0x30]  }
0x128: {  	v56 =	vld [tilespmem:s15+$0x40];
	v0 =	vmul.f32 v1, v0  }
0x129: {  	v58 =	vld [tilespmem:s15+$0x50];
	v54 =	vshll.u32 v2, $0x10  }
0x12a: {  	v61 =	vld [tilespmem:s15+$0x60];
	v55 =	vshll.u32 v3, $0x10;
	v53 =	vbroadcast v0, $0x0;
	v60 =	vbroadcast v0, $0x1  }
0x12b: {  	v63 =	vld [tilespmem:s15+$0x70];
	v57 =	vshll.u32 v52, $0x10;
	v31 =	vbroadcast v0, $0x2;
	v44 =	vbroadcast v0, $0x3  }
0x12c: {  	v22 =	vld [tilespmem:s15+$0x80];
	v59 =	vshll.u32 v6, $0x10;
	v5 =	vmul.f32 v54, v53;
	v2 =	vmul.f32 v2, v53  }
0x12d: {  	v25 =	vld [tilespmem:s15+$0x90];
	v62 =	vshll.u32 v56, $0x10;
	v7 =	vmul.f32 v55, v53;
	v3 =	vmul.f32 v3, v53  }
0x12e: {  	v28 =	vld [tilespmem:s15+$0xA0];
	v20 =	vshll.u32 v58, $0x10;
	v9 =	vmul.f32 v57, v53;
	v1 =	vmul.f32 v52, v53  }
0x12f: {  	v36 =	vld [tilespmem:s15+$0xB0];
	v24 =	vshll.u32 v61, $0x10;
	v11 =	vmul.f32 v59, v53;
	v4 =	vmul.f32 v6, v53  }
0x130: {  	v39 =	vld [tilespmem:s15+$0xC0];
	v27 =	vshll.u32 v63, $0x10;
	v19 =	vmul.f32 v62, v60;
	v8 =	vmul.f32 v56, v60  }
0x131: {  	v41 =	vld [tilespmem:s15+$0xD0];
	v33 =	vshll.u32 v22, $0x10;
	v21 =	vmul.f32 v20, v60;
	v23 =	vmul.f32 v58, v60  }
0x132: {  	v45 =	vld [tilespmem:s15+$0xE0];
	v35 =	vshll.u32 v25, $0x10;
	v26 =	vmul.f32 v24, v60;
	v29 =	vmul.f32 v61, v60  }
0x133: {  	v47 =	vld [tilespmem:s15+$0xF0];
	v38 =	vshll.u32 v28, $0x10;
	v10 =	vmul.f32 v27, v60;
	v30 =	vmul.f32 v63, v60  }
0x134: {  	v43 =	vshll.u32 v36, $0x10;
	v34 =	vmul.f32 v33, v31;
	v37 =	vmul.f32 v22, v31  }
0x135: {  	v46 =	vshll.u32 v39, $0x10;
	v40 =	vmul.f32 v25, v31;
	v14 =	vmul.f32 v38, v31  }
0x136: {  	v51 =	vld [tilespmem:s15+$0x100];
	v50 =	vshll.u32 v41, $0x10;
	v42 =	vmul.f32 v28, v31;
	v13 =	vmul.f32 v43, v31  }
0x137: {  	v48 =	vmul.f32 v46, v44;
	v49 =	vmul.f32 v39, v44;
	v52 =	vshll.u32 v45, $0x10  }
0x138: {  	v53 =	vld [tilespmem:s15+$0x110];
	v54 =	vmul.f32 v45, v44;
	v55 =	vshll.u32 v47, $0x10;
	v5 =	vadd.f32 $0.0e+00, v5  }
0x139: {  	v57 =	vld [tilespmem:s15+$0x120];
	v58 =	vbroadcast v0, $0x4;
	v2 =	vadd.f32 $0.0e+00, v2;
	v7 =	vadd.f32 $0.0e+00, v7  }
0x13a: {  	v59 =	vmul.f32 v47, v44;
	v61 =	vld [tilespmem:s15+$0x130];
	v3 =	vadd.f32 $0.0e+00, v3;
	v9 =	vadd.f32 $0.0e+00, v9  }
0x13b: {  	v60 =	vshll.u32 v51, $0x10;
	v63 =	vld [tilespmem:s15+$0x140];
	v1 =	vadd.f32 $0.0e+00, v1;
	v11 =	vadd.f32 $0.0e+00, v11  }
0x13c: {  	v24 =	vbroadcast v0, $0x5;
	v25 =	vld [tilespmem:s15+$0x160];
	v4 =	vadd.f32 $0.0e+00, v4;
	v5 =	vadd.f32 v19, v5  }
0x13d: {  	v28 =	vld [tilespmem:s15+$0x170];
	v12 =	vmul.f32 v52, v44;
	v2 =	vadd.f32 v8, v2;
	v6 =	vadd.f32 v21, v7  }
0x13e: {  	v33 =	vld [tilespmem:s15+$0x180];
	v56 =	vmul.f32 v55, v44;
	v3 =	vadd.f32 v23, v3;
	v7 =	vadd.f32 v26, v9  }
0x13f: {  	v39 =	vld [tilespmem:s15+$0x1A0];
	v1 =	vadd.f32 v29, v1;
	v32 =	vadd.f32 v10, v11;
	v10 =	vmul.f32 v35, v31  }
0x140: {  	v46 =	vld [tilespmem:s15+$0x1B0];
	v4 =	vadd.f32 v30, v4;
	v11 =	vmul.f32 v36, v31;
	v9 =	vmul.f32 v41, v44  }
0x141: {  	v62 =	vshll.u32 v53, $0x10;
	v20 =	vshll.u32 v57, $0x10;
	v23 =	vshll.u32 v61, $0x10  }
0x142: {  	v27 =	vshll.u32 v63, $0x10;
	v29 =	vmul.f32 v61, v58;
	v30 =	vmul.f32 v63, v24  }
0x143: {  	v35 =	vshll.u32 v25, $0x10;
	v38 =	vshll.u32 v28, $0x10;
	v41 =	vmul.f32 v28, v24  }
0x144: {  	v43 =	vshll.u32 v33, $0x10;
	v47 =	vshll.u32 v39, $0x10;
	v5 =	vadd.f32 v34, v5  }
0x145: {  	v55 =	vshll.u32 v46, $0x10;
	v2 =	vadd.f32 v37, v2;
	v6 =	vadd.f32 v10, v6  }
0x146: {  	v7 =	vadd.f32 v14, v7;
	v10 =	vmul.f32 v50, v44;
	v14 =	vmul.f32 v60, v58  }
0x147: {  	v52 =	vld [tilespmem:s15+$0x1E0];
	v4 =	vadd.f32 v11, v4;
	v11 =	vmul.f32 v51, v58;
	v19 =	vmul.f32 v62, v58  }
0x148: {  	v8 =	vadd.f32 v13, v32;
	v13 =	vmul.f32 v53, v58;
	v22 =	vmul.f32 v20, v58  }
0x149: {  	v3 =	vadd.f32 v40, v3;
	v26 =	vmul.f32 v23, v58;
	v37 =	vmul.f32 v35, v24  }
0x14a: {  	v1 =	vadd.f32 v42, v1;
	v40 =	vmul.f32 v25, v24;
	v42 =	vbroadcast v0, $0x6  }
0x14b: {  	v0 =	vbroadcast v0, $0x7;
	v5 =	vadd.f32 v48, v5;
	v2 =	vadd.f32 v49, v2  }
0x14c: {  	v21 =	vld [tilespmem:s15+$0x150];
	v60 =	vshll.u32 v52, $0x10;
	v6 =	vadd.f32 v10, v6;
	v3 =	vadd.f32 v9, v3  }
0x14d: {  	v36 =	vld [tilespmem:s15+$0x190];
	v7 =	vadd.f32 v12, v7;
	v10 =	vmul.f32 v57, v58;
	v12 =	vmul.f32 v38, v24  }
0x14e: {  	v1 =	vadd.f32 v54, v1;
	v9 =	vmul.f32 v43, v42;
	v50 =	vmul.f32 v47, v42  }
0x14f: {  	v8 =	vadd.f32 v56, v8;
	v51 =	vmul.f32 v39, v42;
	v57 =	vmul.f32 v55, v42  }
0x150: {  	v4 =	vadd.f32 v59, v4;
	v61 =	vmul.f32 v60, v0;
	v62 =	vmul.f32 v52, v0  }
0x151: {  	v31 =	vshll.u32 v21, $0x10;
	v34 =	vmul.f32 v21, v24;
	v5 =	vadd.f32 v14, v5  }
0x152: {  	v44 =	vld [tilespmem:s15+$0x1C0];
	v45 =	vshll.u32 v36, $0x10;
	v2 =	vadd.f32 v11, v2;
	v6 =	vadd.f32 v19, v6  }
0x153: {  	v3 =	vadd.f32 v13, v3;
	v7 =	vadd.f32 v22, v7;
	v11 =	vmul.f32 v27, v24  }
0x154: {  	v1 =	vadd.f32 v10, v1;
	v8 =	vadd.f32 v26, v8;
	v32 =	vmul.f32 v31, v24  }
0x155: {  	v48 =	vld [tilespmem:s15+$0x1D0];
	v49 =	vmul.f32 v36, v42;
	v4 =	vadd.f32 v29, v4;
	v5 =	vadd.f32 v11, v5  }
0x156: {  	v10 =	vmul.f32 v45, v42;
	v2 =	vadd.f32 v30, v2;
	v6 =	vadd.f32 v32, v6  }
0x157: {  	v53 =	vshll.u32 v44, $0x10;
	v3 =	vadd.f32 v34, v3;
	v7 =	vadd.f32 v37, v7  }
0x158: {  	v1 =	vadd.f32 v40, v1;
	v8 =	vadd.f32 v12, v8;
	v11 =	vmul.f32 v33, v42  }
0x159: {  	v54 =	vld [tilespmem:s15+$0x1F0];
	v4 =	vadd.f32 v41, v4;
	v5 =	vadd.f32 v9, v5;
	v9 =	vmul.f32 v53, v0  }
0x15a: {  	v12 =	vmul.f32 v44, v0;
	v56 =	vshll.u32 v48, $0x10;
	v2 =	vadd.f32 v11, v2  }
0x15b: {  	v6 =	vadd.f32 v10, v6;
	v58 =	vmul.f32 v56, v0;
	v5 =	vadd.f32 v9, v5  }
0x15c: {  	v59 =	vmul.f32 v48, v0;
	v3 =	vadd.f32 v49, v3;
	v2 =	vadd.f32 v12, v2  }
0x15d: {  	v13 =	vmul.f32 v46, v42;
	v1 =	vadd.f32 v51, v1;
	v6 =	vadd.f32 v58, v6;
	[tilespmem:s9+$0x0] =	vst v5  }
0x15e: {  	s8 =	sadd.s32 $0x2, s8;
	v63 =	vshll.u32 v54, $0x10;
	v7 =	vadd.f32 v50, v7;
	v3 =	vadd.f32 v59, v3;
	[tilespmem:s9+$0x10] =	vst v2  }
0x15f: {  	p0 =	slt.u32 s8, $0x26;
	v8 =	vadd.f32 v57, v8;
	v1 =	vadd.f32 v62, v1;
	v2 =	vmul.f32 v63, v0;
	[tilespmem:s9+$0x20] =	vst v6  }
.Ltmp1:
0x160: {  	v4 =	vadd.f32 v13, v4;
	v5 =	vadd.f32 v61, v7;
	v0 =	vmul.f32 v54, v0;
	[tilespmem:s9+$0x30] =	vst v3;
	(pc) =	sbr.rel @p0 .LBB2_5-.Ltmp1, $4  }
0x161: {  	[tilespmem:s9+$0x50] =	vst v1;
	v2 =	vadd.f32 v2, v8  }
0x162: {  	[tilespmem:s9+$0x40] =	vst v5;
	v0 =	vadd.f32 v0, v4  }
0x163: {  	s11 =	sadd.s32 $0x20, s11;
	[tilespmem:s9+$0x60] =	vst v2  }
0x164: {  	s12 =	sadd.s32 $0x20, s12;
	s15 =	sadd.s32 $0x400, s15;
	[tilespmem:s9+$0x70] =	vst v0;
	s9 =	sadd.s32 $0x100, s9  }
0x165: {  	s20 =	sadd.s32 $0x1, s20  }
0x166: {  	p0 =	sne.s32 s20, $0x7D  }
.Ltmp2:
0x167: {  	_ = 	snop;
	(pc) =	sbr.rel @p0 .LBB2_2-.Ltmp2, $4  }
0x168: {  	[spmem:s1] =	stream.indirect.scatter.add.f32 [tilespmem:s31], [sflag:$0x7], $0x80, s23, s17, $0xb8;
	[tilespmem:$0x1FEA0] =	vst v63  }
0x169: {  	_ =	swait.ge [sflag:s14], $0x1400  }
0x16a: {  	[sflag:s14] =	ssyncset.done $0x0  }
0x16b: {  	[sflag:s14] =	ssyncadd.s32 $0xFFFFEC00  }
0x16c: {  	[bflag:$0x0] =	sbarrier.arrive $0xFFFF  }
0x16d: {  	s20 =	rddreg [dreg:$0x7]  }
0x16e: {  	s8 =	rddreg [dreg:$0x8]  }
0x16f: {  	[hbm:s8], [sflag:s20] =	dma.local [spmem:s13], $0x2800  }
0x170: {  	_ =	swait.ge [sflag:s14], $0x2800  }
0x171: {  	s19 =	sadd.s32 $0x1, s19;
	s24 =	rddreg [dreg:$0x6]  }
0x172: {  	p0 =	sne.s32 s19, s24  }
.Ltmp3:
0x173: {  	_ = 	snop;
	(pc) =	sbr.rel @p0 .LBB2_1-.Ltmp3, $3  }
0x174: {  	_ =	sdelay $0x1  }
0x175: {  	[sflag:s14] =	ssyncset.done $0x0  }
0x176: {  	s9 =	smov.u32 s13;
	[sflag:s14] =	ssyncadd.s32 $0xFFFFD800  }
0x177: {  	_ =	sfence.sel $0x180000  }
0x178: {  	[bflag:$0x0] =	sbarrier.arrive $0xFFFF  }
0x179: {  	_ =	strace $0x9000004A  }
0x17a: {  	s0 =	stileid.u32;
	[bflag:$0x2] =	sbarrier.arrive $0xFFFF  }
0x17b: {  	p0 =	sne.s32 s0, $0x0;
	s0 =	rddreg [dreg:$0x3]  }
0x17c: {  	s0 =	sadd.s32 @!p0 $0x100000, s0  }
0x17d: {  	[sflag:s0] =	ssyncadd.tile.s32 @!p0 $0x1;
	_ =	shalt  }
.Lfunc_end2:
_tile_overlayer_lowered:
.L_overlay_start_2:
0x17e: {  	(tag) =	ssettag $0x2  }
0x17f: {  	s0 =	rddreg [dreg:$0x0];
	s2 =	stileid.u32  }
0x180: {  	s1 =	rddreg [dreg:$0x1];
	p0 =	sne.s32 s2, $0x0  }
0x181: {  	s3 =	rddreg [dreg:$0x2];
	[bflag:$0x3] =	sbarrier.arrive $0xFFFF;
	s2 =	simm.s32 @!p0 $0x1C07  }
0x182: {  	[timem:s3], [sflag:s2] =	dma.local @!p0 [hbm:s0], s1  }
0x183: {  	s0 =	simm.s32 @!p0 $0x7  }
0x184: {  	_ =	swait.ge @!p0 [sflag:s0], s1  }
0x185: {  	s1 =	ssub.s32 @!p0 $0x0, s1;
	[sflag:s0] =	ssyncset.done @!p0 $0x0  }
0x186: {  	[sflag:s0] =	ssyncadd.s32 @!p0 s1  }
0x187: {  	[bflag:$0x3] =	sbarrier.arrive $0xFFFF  }
0x188: {  	_ =	shalt  }

// kernel: kernel.7.cloned.1.call-start
scs
__scs_entry_jumppad:
0x0: {  	(pc) =	sbr.rel $0x88, $3  }
0x1: {  	(tag) =	ssettag $0x0;
	lr =	simm.s32 $0x1  }
0x2: {  	[smem:$0x3F9B] =	sst lr;
	_ =	strace $0xD0000000  }
0x3: {  	_ = 	snop  }
0x4: {  	_ = 	snop  }
0x5: {  	_ = 	snop  }
0x6: {  	_ = 	snop  }
0x7: {  	_ = 	snop  }
__scs_overlays_trampoline_lowered:
0x8: {  	[smem:$0x3FAA] =	sst s0  }
0x9: {  	[smem:$0x3FAB] =	sst s1  }
0xa: {  	[smem:$0x3FAC] =	sst s2  }
0xb: {  	[smem:$0x3FAD] =	sst s3  }
0xc: {  	[smem:$0x3FAE] =	sst s4  }
0xd: {  	[smem:$0x3FAF] =	sst s5  }
0xe: {  	[smem:$0x3FB0] =	sst s6  }
0xf: {  	[smem:$0x3FB1] =	sst s7  }
0x10: {  	[smem:$0x3FB2] =	sst s8  }
0x11: {  	[smem:$0x3FB3] =	sst s9;
	s0 =	simm.s32 @!p0 $0x0  }
0x12: {  	s1 =	sld [smem:$0x3F99];
	s0 =	simm.s32 @p0 $0x1  }
0x13: {  	[smem:$0x3FB4] =	sst s0;
	s0 =	simm.s32 @!p1 $0x0  }
0x14: {  	s2 =	sld [smem:$0x3F98];
	s0 =	simm.s32 @p1 $0x1  }
0x15: {  	[smem:$0x3FB5] =	sst s0;
	s0 =	simm.s32 @!p2 $0x0  }
0x16: {  	s3 =	sld [smem:$0x3FDB];
	s0 =	simm.s32 @p2 $0x1  }
0x17: {  	s4 =	simm.s32 $0x1BF5;
	[smem:$0x3FB7] =	sst s0  }
0x18: {  	s0 =	sld [smem:$0x3F9A];
	_ =	swait.ge [sflag:s4], $0x0  }
0x19: {  	s7 =	sld [smem:$0x3F9B]  }
0x1a: {  	s8 =	sadd.s32 $0xFFFFE003, lr  }
0x1b: {  	s9 =	sadd.s32 $0xFFFFFEF7, lr;
	s5 =	simm.s32 $0xFFFFFFFF;
	p2 =	slt.u32 s8, $0xFFFFF086  }
0x1c: {  	p1 =	slt.u32 s9, $0xF7A;
	s5 =	simm.s32 @!p2 $0x0  }
0x1d: {  	s5 =	simm.s32 @p1 $0x1;
	p0 =	seq.s32 s7, s2  }
0x1e: {  	s7 =	smul.u32 @!p0 $0xF7A, s2;
	p2 =	seq.s32 @!p0 s5, $0x0  }
0x1f: {  	s9 =	smul.u32 $0xF7A, s1;
	s8 =	simm.s32 @!p0 $0x1BF5;
	p2 =	por !p2, p0  }
0x20: {  	[sflag:s8] =	ssyncset.s32 @!p0 $0xFFFFF086;
	s6 =	sadd.s32 @!p0 s3, s7;
	s7 =	simm.s32 @!p0 $0x108  }
0x21: {  	s3 =	sadd.s32 s3, s9;
	s6 =	sadd.s32 @!p0 $0x88, s6;
	s7 =	simm.s32 @p2 $0x1082  }
0x22: {  	[simem:s7], [sflag:s8] =	dma.local @!p0 [hbm:s6], $0xF7A  }
0x23: {  	s9 =	sor.u32 $0xD0000000, s2;
	s6 =	simm.s32 $0x108;
	_ =	swait.ge @!p0 [sflag:s8], $0x0  }
0x24: {  	s3 =	sadd.s32 $0x88, s3;
	s6 =	simm.s32 @!p1 $0x1082;
	[sflag:s4] =	ssyncset.s32 $0xFFFFF086  }
0x25: {  	[simem:s6], [sflag:s4] =	dma.local [hbm:s3], $0xF7A  }
0x26: {  	[smem:$0x3F9B] =	sst s1;
	(tag) =	ssettag s2;
	_ =	strace s9  }
0x27: {  	s1 =	sld [smem:$0x3FAB]  }
0x28: {  	s2 =	sld [smem:$0x3FAC]  }
0x29: {  	s4 =	sld [smem:$0x3FAE]  }
0x2a: {  	p0 =	seq.s32 s5, $0x0;
	s5 =	sld [smem:$0x3FAF]  }
0x2b: {  	s6 =	sld [smem:$0x3FB0]  }
0x2c: {  	s7 =	sld [smem:$0x3FB1]  }
0x2d: {  	s3 =	simm.s32 $0x108;
	s8 =	sld [smem:$0x3FB2]  }
0x2e: {  	s3 =	simm.s32 @!p0 $0x1082;
	s9 =	sld [smem:$0x3FB3]  }
0x2f: {  	lr =	sadd.s32 s0, s3;
	s0 =	sld [smem:$0x3FAA]  }
0x30: {  	s3 =	sld [smem:$0x3FAD]  }
0x31: {  	[smem:$0x3FB6] =	sst s10  }
0x32: {  	s10 =	sld [smem:$0x3FB4];
	_ =	sdelay $0x3  }
0x33: {  	p0 =	seq.s32 s10, $0x1;
	s10 =	sld [smem:$0x3FB6];
	_ =	sdelay $0x3  }
0x34: {  	[smem:$0x3FB6] =	sst s10  }
0x35: {  	s10 =	sld [smem:$0x3FB5];
	_ =	sdelay $0x3  }
0x36: {  	p1 =	seq.s32 s10, $0x1;
	s10 =	sld [smem:$0x3FB6];
	_ =	sdelay $0x3  }
0x37: {  	[smem:$0x3FB6] =	sst s10  }
0x38: {  	s10 =	sld [smem:$0x3FB7]  }
0x39: {  	_ = 	snop;
	(pc) =	sbr.ind lr, $3  }
0x3a: {  	_ = 	snop  }
0x3b: {  	_ = 	snop  }
0x3c: {  	p2 =	seq.s32 s10, $0x1;
	s10 =	sld [smem:$0x3FB6]  }
0x3d: {  	_ =	shalt  }
0x3e: {  	_ =	shalt  }
0x3f: {  	_ =	shalt  }
0x40: {  	_ =	shalt  }
0x41: {  	_ =	shalt  }
0x42: {  	_ =	shalt  }
0x43: {  	_ =	shalt  }
0x44: {  	_ =	shalt  }
0x45: {  	_ =	shalt  }
0x46: {  	_ =	shalt  }
0x47: {  	_ =	shalt  }
0x48: {  	_ =	shalt  }
0x49: {  	_ =	shalt  }
0x4a: {  	_ =	shalt  }
0x4b: {  	_ =	shalt  }
0x4c: {  	_ =	shalt  }
0x4d: {  	_ =	shalt  }
0x4e: {  	_ =	shalt  }
0x4f: {  	_ =	shalt  }
0x50: {  	_ =	shalt  }
0x51: {  	_ =	shalt  }
0x52: {  	_ =	shalt  }
0x53: {  	_ =	shalt  }
0x54: {  	_ =	shalt  }
0x55: {  	_ =	shalt  }
0x56: {  	_ =	shalt  }
0x57: {  	_ =	shalt  }
0x58: {  	_ =	shalt  }
0x59: {  	_ =	shalt  }
0x5a: {  	_ =	shalt  }
0x5b: {  	_ =	shalt  }
0x5c: {  	_ =	shalt  }
0x5d: {  	_ =	shalt  }
0x5e: {  	_ =	shalt  }
0x5f: {  	_ =	shalt  }
0x60: {  	_ =	shalt  }
0x61: {  	_ =	shalt  }
0x62: {  	_ =	shalt  }
0x63: {  	_ =	shalt  }
0x64: {  	_ =	shalt  }
0x65: {  	_ =	shalt  }
0x66: {  	_ =	shalt  }
0x67: {  	_ =	shalt  }
0x68: {  	_ =	shalt  }
0x69: {  	_ =	shalt  }
0x6a: {  	_ =	shalt  }
0x6b: {  	_ =	shalt  }
0x6c: {  	_ =	shalt  }
0x6d: {  	_ =	shalt  }
0x6e: {  	_ =	shalt  }
0x6f: {  	_ =	shalt  }
0x70: {  	_ =	shalt  }
0x71: {  	_ =	shalt  }
0x72: {  	_ =	shalt  }
0x73: {  	_ =	shalt  }
0x74: {  	_ =	shalt  }
0x75: {  	_ =	shalt  }
0x76: {  	_ =	shalt  }
0x77: {  	_ =	shalt  }
0x78: {  	_ =	shalt  }
0x79: {  	_ =	shalt  }
0x7a: {  	_ =	shalt  }
0x7b: {  	_ =	shalt  }
0x7c: {  	_ =	shalt  }
0x7d: {  	_ =	shalt  }
0x7e: {  	_ =	shalt  }
0x7f: {  	_ =	shalt  }
0x80: {  	_ =	shalt  }
0x81: {  	_ =	shalt  }
0x82: {  	_ =	shalt  }
0x83: {  	_ =	shalt  }
0x84: {  	_ =	shalt  }
0x85: {  	_ =	shalt  }
0x86: {  	_ =	shalt  }
0x87: {  	_ =	shalt  }
.Lfunc_end0:
.L_simem_size_0:
called_computation_lowered:
.L_overlay_start_0:
0x88: {  	s2 =	sld [smem:$0x3FD9]  }
0x89: {  	s3 =	sld [smem:$0x3FFE];
	_ =	sdelay $0x1  }
0x8a: {  	s1 =	srdreg.scid  }
0x8b: {  	s0 =	sand.u32 $0x1, s1  }
0x8c: {  	s16 =	sshll.u32 s0, $0xA;
	s2 =	sadd.s32 s3, s2  }
0x8d: {  	s2 =	sadd.s32 s2, s16  }
0x8e: {  	[smem:$0x3FC2] =	sst s2  }
0x8f: {  	_ = 	snop  }
0x90: {  	(tm) =	ssettm $0x1  }
0x91: {  	s17 =	sld [smem:$0x3FFB];
	_ =	sdelay $0x3  }
0x92: {  	_ =	strace s17  }
0x93: {  	s2 =	sld [smem:$0x3FFC];
	_ =	sdelay $0x3  }
0x94: {  	_ =	strace s2  }
0x95: {  	s2 =	sld [smem:$0x3FFD];
	_ =	sdelay $0x3  }
0x96: {  	_ =	strace s2  }
0x97: {  	_ =	strace $0x8FFFFFFF  }
0x98: {  	s18 =	sld [smem:$0x3FDB];
	_ =	sdelay $0x1  }
0x99: {  	s19 =	simm.s32 $_scs_section_size  }
0x9a: {  	s4 =	simm.s32 $_size__tile_overlayer_lowered;
	s5 =	simm.s32 $_tile_overlayer_lowered  }
0x9b: {  	s22 =	simm.s32 $0x1BFF;
	s21 =	sshll.u32 s5, $0x1;
	s2 =	sadd.s32 s19, s18  }
0x9c: {  	s6 =	simm.s32 $0x0;
	s20 =	sshll.u32 s4, $0x1;
	s4 =	sadd.s32 s21, s2  }
0x9d: {  	[timem:s6], [sflag:s22] =	dma.local [hbm:s4], s20  }
0x9e: {  	_ =	swait.ge [sflag:s22], s20  }
0x9f: {  	s3 =	ssub.s32 $0x0, s20;
	[sflag:s22] =	ssyncset.done $0x0  }
0xa0: {  	[sflag:s22] =	ssyncadd.s32 s3;
	_ =	sdelay $0x1  }
0xa1: {  	s23 =	simm.s32 $0x1B8B  }
0xa2: {  	_ =	swait.ge [sflag:s23], $0x1  }
0xa3: {  	[sflag:s23] =	ssyncset.done $0x0  }
0xa4: {  	s25 =	simm.s32 $0x1B8E;
	s24 =	sld [smem:$0x3FFE];
	[sflag:s23] =	ssyncadd.s32 $0xFFFFFFFF  }
0xa5: {  	s26 =	simm.s32 $execute0_lowered;
	[smem:$0x3FD2] =	sst s25  }
0xa6: {  	s4 =	sshll.u32 s26, $0x1;
	_ =	strace $0x80000046;
	[dreg:$0x1] =	wrdreg $0xFFFFFFFF  }
0xa7: {  	s28 =	simm.s32 $_size_execute0_lowered;
	s2 =	sadd.s32 s2, s4;
	[dreg:$0x0] =	wrdreg $0x0  }
0xa8: {  	s4 =	sshll.u32 s28, $0x1;
	[dreg:$0x2] =	wrdreg s2  }
0xa9: {  	[dreg:$0x3] =	wrdreg s4  }
0xaa: {  	[dreg:$0x4] =	wrdreg $0xC0  }
0xab: {  	_ =	task [dreg:s6], $0x5FFFF  }
0xac: {  	[dreg:$0x1] =	wrdreg $0xFFFFFFFF  }
0xad: {  	[dreg:$0x0] =	wrdreg $0x60  }
0xae: {  	[dreg:$0x2] =	wrdreg s24  }
0xaf: {  	[dreg:$0x3] =	wrdreg $0x0  }
0xb0: {  	[dreg:$0x4] =	wrdreg $0x9  }
0xb1: {  	_ =	task.clear_ibuf [dreg:s6], $0x5FFFF;
	_ =	strace $0x90000046  }
0xb2: {  	s29 =	simm.s32 $0x9;
	_ =	strace $0x80000048  }
0xb3: {  	_ =	swait.ge [sflag:s29], $0x1  }
0xb4: {  	[sflag:s29] =	ssyncadd.s32 $0xFFFFFFFF  }
0xb5: {  	_ =	strace $0x90000048  }
0xb6: {  	_ =	sfence  }
0xb7: {  	s30 =	sld [smem:$0x0];
	_ =	sdelay $0x2  }
0xb8: {  	s31 =	sshll.u32 s1, $0xD;
	s1 =	sshrl.u32 s1, $0x2  }
0xb9: {  	s3 =	sand.u32 $0x4000, s31;
	s1 =	sadd.s32 s1, s30  }
0xba: {  	s0 =	sor.u32 s3, s0;
	s1 =	sshll.u32 s1, $0x11  }
0xbb: {  	s0 =	sor.u32 s1, s0  }
0xbc: {  	s0 =	sadd.s32 $0x8F2B, s0  }
0xbd: {  	[sflag:s0] =	ssyncadd.remote.s32 $0x1  }
0xbe: {  	_ =	sfence.sel $0xFFFF  }
0xbf: {  	[dreg:$0x0] =	wrdreg $0xFFFFFFFF;
	(pc) =	sbr.abs _section_cstart, $3  }
0xc0: {  	[dreg:$0x1] =	wrdreg $0xFFFFFFFF  }
0xc1: {  	_ =	task.clear_ibuf [dreg:s6], $0x2FFFF;
	_ =	strace $0x9FFFFFFF  }
0xc2: {  	(tm) =	ssettm $0x7FFFFFFF  }
0xc3: {  	_ =	shalt  }
tec
execute0_lowered:
.L_overlay_start_1:
0x0: {  	(tag) =	ssettag $0x1  }
0x1: {  	s1 =	rddreg [dreg:$0x0]  }
0x2: {  	s0 =	srdreg.scid;
	s2 =	rddreg [dreg:$0x1]  }
0x3: {  	s15 =	stileid.u32;
	s3 =	simm.s32 $0x0;
	s17 =	simm.s32 $0x5  }
0x4: {  	s20 =	simm.s32 $0x2800;
	s21 =	simm.s32 $0x50;
	s22 =	simm.s32 $0x28A0  }
0x5: {  	s23 =	simm.s32 $0x2850;
	s29 =	simm.s32 $0x37F0;
	s31 =	simm.s32 $0x1  }
0x6: {  	s18 =	simm.s32 $0x3;
	s19 =	simm.s32 $0x4;
	s28 =	simm.s32 $0x4240  }
0x7: {  	s30 =	simm.s32 $0x0;
	s0 =	sand.u32 $0x1, s0;
	[smem:$0x7FF] =	sst s3  }
0x8: {  	s7 =	smul.u32 $0x2800, s15;
	s5 =	sadd.s32 $0xB6A00, s1;
	s8 =	sadd.s32 $0xB1600, s1  }
0x9: {  	s24 =	sadd.s32 $0xB1800, s1;
	_ =	strace $0x80000047;
	[dreg:$0x3] =	wrdreg s8  }
0xa: {  	s25 =	sshll.u32 s15, $0x6;
	s4 =	sshll.u32 s0, $0x4;
	[dreg:$0x4] =	wrdreg s24  }
0xb: {  	s13 =	smul.u32 $0x5000, s0;
	s0 =	ssub.s32 $0x2, s0;
	s6 =	sor.u32 s15, s4  }
0xc: {  	s8 =	sadd.s32 $0xCAA00, s1;
	s11 =	sshrl.u32 s7, $0x3;
	s4 =	smul.u32 $0x9C4, s6  }
0xd: {  	s14 =	sshrl.u32 s0, $0x1;
	s7 =	sadd.s32 s7, s2;
	s9 =	smul.u32 $0x2710, s6  }
0xe: {  	s12 =	sadd.s32 s11, s1;
	s0 =	ssub.s32 s0, s14;
	s6 =	smul.u32 $0x4E20, s6  }
0xf: {  	s7 =	sshrl.u32 s7, $0x3;
	s12 =	sadd.s32 $0xBBA00, s12;
	s0 =	smax.u32 s0, $0x1  }
0x10: {  	[dreg:$0x9] =	wrdreg s7;
	s10 =	sadd.s32 s4, s1;
	s4 =	sadd.s32 $0xB1A00, s1  }
0x11: {  	s1 =	sadd.s32 s13, s1;
	[dreg:$0x5] =	wrdreg s12;
	s13 =	sor.u32 $0x1C05, s25  }
0x12: {  	s6 =	sadd.s32 s8, s6;
	s14 =	sadd.s32 $0x50, s9;
	[dreg:$0x8] =	wrdreg s0  }
0x13: {  	s25 =	simm.s32 $0x2DA0;
	[dreg:$0x7] =	wrdreg s6;
	s1 =	sadd.s32 $0xC0A00, s1  }
0x14: {  	s0 =	simm.s32 $0x2;
	[dreg:$0x6] =	wrdreg s13;
	s26 =	sadd.s32 s11, s1  }
0x15: {  	s12 =	sadd.s32 $0x1800, s10;
	s1 =	simm.s32 $0x32A0;
	[dreg:$0xa] =	wrdreg s26  }
.LBB2_1:
0x16: {  	s6 =	rddreg [dreg:$0x5]  }
0x17: {  	[spmem:s7], [sflag:s13] =	dma.local [hbm:s6], $0x500  }
0x18: {  	_ =	swait.ge [sflag:s17], $0x500  }
0x19: {  	[sflag:s17] =	ssyncset.done $0x0  }
0x1a: {  	[sflag:s17] =	ssyncadd.s32 $0xFFFFFB00  }
0x1b: {  	[bflag:$0x0] =	sbarrier.arrive $0xFFFF  }
0x1c: {  	s10 =	simm.s32 $0x4740;
	s7 =	rddreg [dreg:$0x3]  }
0x1d: {  	[tilespmem:s10], [sflag:$0x5] =	stream.linear.gather [hbm4b:s7+s3], $0x10, $0x38;
	[tilespmem:$0x4760] =	vst v63  }
0x1e: {  	_ =	swait.ge [sflag:s17], $0x10  }
0x1f: {  	[sflag:s17] =	ssyncset.done $0x0  }
0x20: {  	s13 =	simm.s32 $0x4750;
	s11 =	rddreg [dreg:$0x4];
	[sflag:s17] =	ssyncadd.s32 $0xFFFFFFF0  }
0x21: {  	[tilespmem:s13], [sflag:$0x5] =	stream.linear.gather [hbm4b:s11+s3], $0x10, $0x38;
	[tilespmem:$0x4760] =	vst v63  }
0x22: {  	_ =	swait.ge [sflag:s17], $0x10  }
0x23: {  	[sflag:s17] =	ssyncset.done $0x0  }
0x24: {  	[sflag:s17] =	ssyncadd.s32 $0xFFFFFFF0  }
0x25: {  	v0 =	vld [tilespmem:$0x4740]  }
0x26: {  	v1 =	vld [tilespmem:$0x4750];
	[tilespmem:s20], [sflag:$0x5] =	stream.linear.gather [hbm4b:s12+s3], $0xA0, $0x38  }
0x27: {  	_ =	swait.ge [sflag:s17], $0xA0  }
0x28: {  	[sflag:s17] =	ssyncset.done $0x0  }
0x29: {  	[sflag:s17] =	ssyncadd.s32 $0xFFFFFF60  }
0x2a: {  	[tilespmem:s22], [sflag:$0x1] =	stream.indirect.gather [hbm4b:s4+s21], $0x10, s20, s21, $0xb8;
	[tilespmem:$0x4760] =	vst v63  }
0x2b: {  	_ = 	snop  }
0x2c: {  	[tilespmem:s25], [sflag:$0x2] =	stream.indirect.gather [hbm4b:s5+s21], $0x10, s23, s21, $0xb8;
	[tilespmem:$0x4760] =	vst v63  }
0x2d: {  	s15 =	sadd.s32 $0x14, s12;
	s16 =	simm.s32 $0x37A0  }
0x2e: {  	[tilespmem:s16], [sflag:$0x5] =	stream.linear.gather [hbm4b:s15+s3], $0xA0, $0x38;
	[tilespmem:$0x4760] =	vst v63  }
0x2f: {  	_ =	swait.ge [sflag:s17], $0xA0  }
0x30: {  	[sflag:s17] =	ssyncset.done $0x0  }
0x31: {  	s24 =	simm.s32 $0x3840;
	[sflag:s17] =	ssyncadd.s32 $0xFFFFFF60  }
0x32: {  	[tilespmem:s24], [sflag:$0x3] =	stream.indirect.gather [hbm4b:s4+s21], $0x10, s16, s21, $0xb8;
	[tilespmem:$0x4760] =	vst v63  }
0x33: {  	s26 =	simm.s32 $0x3D40  }
0x34: {  	[tilespmem:s26], [sflag:$0x4] =	stream.indirect.gather [hbm4b:s5+s21], $0x10, s29, s21, $0xb8;
	[tilespmem:$0x4760] =	vst v63  }
0x35: {  	_ =	swait.ge [sflag:s31], $0x500  }
0x36: {  	[sflag:s31] =	ssyncset.done $0x0  }
0x37: {  	[sflag:s31] =	ssyncadd.s32 $0xFFFFFB00  }
0x38: {  	_ =	swait.ge [sflag:s0], $0x500  }
0x39: {  	[sflag:s0] =	ssyncset.done $0x0  }
0x3a: {  	s6 =	simm.s32 $0x0;
	[sflag:s0] =	ssyncadd.s32 $0xFFFFFB00  }
0x3b: {  	v2 =	vld [tilespmem:s6+$0x28A0]  }
0x3c: {  	s7 =	simm.s32 $0x10;
	v3 =	vld [tilespmem:s6+$0x2DA0]  }
0x3d: {  	v4 =	vld [tilespmem:s7+$0x28A0]  }
0x3e: {  	v5 =	vld [tilespmem:s7+$0x2DA0];
	_ =	sdelay $0x2  }
0x3f: {  	v0 =	vadd.f32 v1, v0;
	v1 =	vadd.f32 v3, v2;
	_ =	sdelay $0x1  }
0x40: {  	v3 =	vadd.f32 v5, v4;
	v5 =	vmul.f32 $2.000000030e-01, v0;
	v6 =	vmul.f32 $2.000000030e-01, v1;
	_ =	sdelay $0x1  }
0x41: {  	v0 =	vmax.f32 v0, v5;
	v1 =	vmax.f32 v1, v6  }
0x42: {  	s10 =	simm.s32 $0x20;
	v1 =	vsub.f32 v1, v0  }
0x43: {  	v2 =	vld [tilespmem:s10+$0x28A0];
	v7 =	vmul.f32 $2.000000030e-01, v3  }
0x44: {  	v4 =	vld [tilespmem:s10+$0x2DA0];
	v1 =	vmul.f32 $1.442695020e+00, v1  }
0x45: {  	v3 =	vmax.f32 v3, v7  }
0x46: {  	v3 =	vsub.f32 v3, v0;
	(erf) = vpow2.f32 v1;
	_ =	sdelay $0x1  }
0x47: {  	s13 =	simm.s32 $0x30;
	v3 =	vmul.f32 $1.442695020e+00, v3  }
0x48: {  	v4 =	vadd.f32 v4, v2;
	v2 =	vld [tilespmem:s13+$0x2DA0]  }
0x49: {  	v1 =	vld [tilespmem:s13+$0x28A0];
	(erf) = vpow2.f32 v3  }
0x4a: {  	v5 =	vmul.f32 $2.000000030e-01, v4;
	_ =	sdelay $0x1  }
0x4b: {  	s15 =	simm.s32 $0x100;
	v3 =	vmax.f32 v4, v5  }
.LBB2_2:
0x4c: {  	s11 =	sshra.s32 s15, $0x2;
	v3 =	vsub.f32 v3, v0;
	p0 =	sne.s32 s15, $0x13C0  }
.Ltmp0:
0x4d: {  	s15 =	sadd.s32 $0x40, s15;
	v4 =	vadd.f32 v2, v1;
	v1 =	vld [tilespmem:s11+$0x28A0];
	v5 =	vpop (erf);
	(pc) =	sbr.rel @p0 .LBB2_2-.Ltmp0, $4  }
0x4e: {  	v2 =	vld [tilespmem:s11+$0x2DA0];
	v3 =	vmul.f32 $1.442695020e+00, v3;
	[tilespmem:s6+$0x32A0] =	vst v5;
	s6 =	smov.u32 s7;
	s7 =	smov.u32 s10;
	s10 =	smov.u32 s13  }
0x4f: {  	s13 =	smov.u32 s11;
	v5 =	vmul.f32 $2.000000030e-01, v4  }
0x50: {  	(erf) = vpow2.f32 v3  }
0x51: {  	v3 =	vmax.f32 v4, v5  }
0x52: {  	_ = 	snop  }
0x53: {  	v1 =	vadd.f32 v2, v1;
	_ =	sdelay $0x1  }
0x54: {  	v2 =	vmul.f32 $2.000000030e-01, v1;
	_ =	sdelay $0x1  }
0x55: {  	v3 =	vsub.f32 v3, v0;
	v1 =	vmax.f32 v1, v2  }
0x56: {  	v1 =	vsub.f32 v1, v0  }
0x57: {  	v2 =	vmul.f32 $1.442695020e+00, v3  }
0x58: {  	v1 =	vmul.f32 $1.442695020e+00, v1  }
0x59: {  	(erf) = vpow2.f32 v2  }
0x5a: {  	(erf) = vpow2.f32 v1;
	_ =	sdelay $0x5  }
0x5b: {  	v1 =	vpop (erf)  }
0x5c: {  	v2 =	vpop (erf);
	[tilespmem:s6+$0x32A0] =	vst v1  }
0x5d: {  	[tilespmem:s7+$0x32A0] =	vst v2;
	v1 =	vpop (erf)  }
0x5e: {  	[tilespmem:s10+$0x32A0] =	vst v1;
	v1 =	vpop (erf)  }
0x5f: {  	s26 =	rddreg [dreg:$0x7];
	s6 =	simm.s32 $0x0;
	[tilespmem:s13+$0x32A0] =	vst v1  }
0x60: {  	[hbm4b:s26+s6] =	stream.linear.scatter [tilespmem:s1], [sflag:$0x5], $0x500, $0x38;
	[tilespmem:$0x4760] =	vst v63  }
0x61: {  	_ =	swait.ge [sflag:s17], $0x500  }
0x62: {  	[sflag:s17] =	ssyncset.done $0x0  }
0x63: {  	[sflag:s17] =	ssyncadd.s32 $0xFFFFFB00  }
0x64: {  	[spmem:s2] =	stream.indirect.scatter.add.f32 [tilespmem:s1], [sflag:$0x5], $0x10, s23, s21, $0xb8;
	[tilespmem:$0x4760] =	vst v63  }
0x65: {  	_ =	swait.ge [sflag:s17], $0x500  }
0x66: {  	[sflag:s17] =	ssyncset.done $0x0  }
0x67: {  	s7 =	simm.s32 $0x0;
	[sflag:s17] =	ssyncadd.s32 $0xFFFFFB00  }
.LBB2_4:
0x68: {  	s10 =	sshll.u32 s7, $0x1  }
0x69: {  	s10 =	sadd.s32 $0x2, s10  }
0x6a: {  	s11 =	smul.u32 $0x14, s10;
	_ =	sdelay $0x1  }
0x6b: {  	s11 =	sadd.s32 s12, s11  }
0x6c: {  	[tilespmem:s20], [sflag:$0x5] =	stream.linear.gather [hbm4b:s11+s6], $0xA0, $0x38;
	[tilespmem:$0x4760] =	vst v63  }
0x6d: {  	_ =	swait.ge [sflag:s17], $0xA0  }
0x6e: {  	[sflag:s17] =	ssyncset.done $0x0  }
0x6f: {  	[sflag:s17] =	ssyncadd.s32 $0xFFFFFF60  }
0x70: {  	[tilespmem:s22], [sflag:$0x1] =	stream.indirect.gather [hbm4b:s4+s21], $0x10, s20, s21, $0xb8;
	[tilespmem:$0x4760] =	vst v63  }
0x71: {  	_ = 	snop  }
0x72: {  	[tilespmem:s25], [sflag:$0x2] =	stream.indirect.gather [hbm4b:s5+s21], $0x10, s23, s21, $0xb8;
	[tilespmem:$0x4760] =	vst v63  }
0x73: {  	_ =	swait.ge [sflag:s18], $0x500  }
0x74: {  	[sflag:s18] =	ssyncset.done $0x0  }
0x75: {  	[sflag:s18] =	ssyncadd.s32 $0xFFFFFB00  }
0x76: {  	_ =	swait.ge [sflag:s19], $0x500  }
0x77: {  	[sflag:s19] =	ssyncset.done $0x0  }
0x78: {  	s13 =	simm.s32 $0x0;
	[sflag:s19] =	ssyncadd.s32 $0xFFFFFB00  }
0x79: {  	v1 =	vld [tilespmem:s13+$0x3840]  }
0x7a: {  	v2 =	vld [tilespmem:s13+$0x3D40];
	_ =	sdelay $0x1  }
0x7b: {  	s15 =	simm.s32 $0x10  }
0x7c: {  	v3 =	vld [tilespmem:s15+$0x3840]  }
0x7d: {  	v4 =	vld [tilespmem:s15+$0x3D40]  }
0x7e: {  	v1 =	vadd.f32 v2, v1;
	_ =	sdelay $0x1  }
0x7f: {  	v5 =	vmul.f32 $2.000000030e-01, v1;
	_ =	sdelay $0x1  }
0x80: {  	v3 =	vadd.f32 v4, v3;
	v1 =	vmax.f32 v1, v5  }
0x81: {  	s26 =	simm.s32 $0x20;
	v1 =	vsub.f32 v1, v0  }
0x82: {  	v2 =	vld [tilespmem:s26+$0x3840];
	v6 =	vmul.f32 $2.000000030e-01, v3  }
0x83: {  	v4 =	vld [tilespmem:s26+$0x3D40];
	v1 =	vmul.f32 $1.442695020e+00, v1  }
0x84: {  	v3 =	vmax.f32 v3, v6  }
0x85: {  	v3 =	vsub.f32 v3, v0;
	(erf) = vpow2.f32 v1;
	_ =	sdelay $0x1  }
0x86: {  	s24 =	simm.s32 $0x30;
	v3 =	vmul.f32 $1.442695020e+00, v3  }
0x87: {  	v4 =	vadd.f32 v4, v2;
	v2 =	vld [tilespmem:s24+$0x3D40]  }
0x88: {  	v1 =	vld [tilespmem:s24+$0x3840];
	(erf) = vpow2.f32 v3  }
0x89: {  	v5 =	vmul.f32 $2.000000030e-01, v4;
	_ =	sdelay $0x1  }
0x8a: {  	s11 =	simm.s32 $0x100;
	v3 =	vmax.f32 v4, v5  }
.LBB2_5:
0x8b: {  	s16 =	sshra.s32 s11, $0x2;
	v3 =	vsub.f32 v3, v0;
	p0 =	sne.s32 s11, $0x13C0  }
.Ltmp1:
0x8c: {  	s11 =	sadd.s32 $0x40, s11;
	v4 =	vadd.f32 v2, v1;
	v1 =	vld [tilespmem:s16+$0x3840];
	v5 =	vpop (erf);
	(pc) =	sbr.rel @p0 .LBB2_5-.Ltmp1, $4  }
0x8d: {  	v2 =	vld [tilespmem:s16+$0x3D40];
	v3 =	vmul.f32 $1.442695020e+00, v3;
	[tilespmem:s13+$0x4240] =	vst v5;
	s13 =	smov.u32 s15;
	s15 =	smov.u32 s26;
	s26 =	smov.u32 s24  }
0x8e: {  	s24 =	smov.u32 s16;
	v5 =	vmul.f32 $2.000000030e-01, v4  }
0x8f: {  	(erf) = vpow2.f32 v3  }
0x90: {  	v3 =	vmax.f32 v4, v5  }
0x91: {  	_ = 	snop  }
0x92: {  	v1 =	vadd.f32 v2, v1;
	_ =	sdelay $0x1  }
0x93: {  	v2 =	vmul.f32 $2.000000030e-01, v1;
	_ =	sdelay $0x1  }
0x94: {  	v3 =	vsub.f32 v3, v0;
	v1 =	vmax.f32 v1, v2  }
0x95: {  	v1 =	vsub.f32 v1, v0  }
0x96: {  	v2 =	vmul.f32 $1.442695020e+00, v3  }
0x97: {  	v1 =	vmul.f32 $1.442695020e+00, v1  }
0x98: {  	(erf) = vpow2.f32 v2  }
0x99: {  	(erf) = vpow2.f32 v1;
	_ =	sdelay $0x4  }
0x9a: {  	s11 =	smul.u32 $0xA0, s7  }
0x9b: {  	v1 =	vpop (erf)  }
0x9c: {  	s11 =	sadd.s32 s11, s14;
	v2 =	vpop (erf);
	[tilespmem:s13+$0x4240] =	vst v1  }
0x9d: {  	s11 =	sshll.u32 s11, $0x1;
	[tilespmem:s15+$0x4240] =	vst v2;
	v1 =	vpop (erf)  }
0x9e: {  	s11 =	sand.u32 $0x1FFFFFE0, s11;
	[tilespmem:s26+$0x4240] =	vst v1;
	v1 =	vpop (erf)  }
0x9f: {  	s11 =	sadd.s32 s8, s11;
	[tilespmem:s24+$0x4240] =	vst v1  }
0xa0: {  	[hbm4b:s11+s3] =	stream.linear.scatter [tilespmem:s28], [sflag:$0x5], $0x500, $0x38;
	[tilespmem:$0x4760] =	vst v63  }
0xa1: {  	_ =	swait.ge [sflag:s17], $0x500  }
0xa2: {  	p0 =	seq.s32 s7, $0x3D;
	[sflag:s17] =	ssyncset.done $0x0  }
0xa3: {  	s11 =	smul.u32 @!p0 $0x140, s7;
	[sflag:s17] =	ssyncadd.s32 $0xFFFFFB00  }
0xa4: {  	[spmem:s2] =	stream.indirect.scatter.add.f32 [tilespmem:s28], [sflag:$0x5], $0x10, s29, s21, $0xb8;
	[tilespmem:$0x4760] =	vst v63  }
0xa5: {  	s11 =	sshrl.u32 @!p0 s11, $0x3;
	_ =	swait.ge [sflag:s17], $0x500  }
0xa6: {  	s13 =	simm.s32 @!p0 $0x0;
	s11 =	sadd.s32 @!p0 s12, s11;
	[sflag:s17] =	ssyncset.done $0x0  }
0xa7: {  	s15 =	simm.s32 @!p0 $0x37A0;
	s11 =	sadd.s32 @!p0 $0x3C, s11;
	[sflag:s17] =	ssyncadd.s32 $0xFFFFFB00  }
0xa8: {  	[tilespmem:s15], [sflag:$0x5] =	stream.linear.gather @!p0 [hbm4b:s11+s13], $0xA0, $0x38;
	[tilespmem:$0x4760] =	vst v63  }
0xa9: {  	s11 =	simm.s32 @!p0 $0x5  }
0xaa: {  	_ =	swait.ge @!p0 [sflag:s11], $0xA0  }
0xab: {  	[sflag:s11] =	ssyncset.done @!p0 $0x0  }
0xac: {  	s13 =	simm.s32 @!p0 $0x3840;
	[sflag:s11] =	ssyncadd.s32 @!p0 $0xFFFFFF60;
	s11 =	simm.s32 @!p0 $0x50  }
0xad: {  	[tilespmem:s13], [sflag:$0x3] =	stream.indirect.gather @!p0 [hbm4b:s4+s11], $0x10, s15, s11, $0xb8;
	[tilespmem:$0x4760] =	vst v63  }
0xae: {  	s13 =	simm.s32 @!p0 $0x37F0;
	s15 =	simm.s32 @!p0 $0x3D40  }
0xaf: {  	[tilespmem:s15], [sflag:$0x4] =	stream.indirect.gather @!p0 [hbm4b:s5+s11], $0x10, s13, s11, $0xb8;
	[tilespmem:$0x4760] =	vst v63  }
0xb0: {  	_ =	swait.ge [sflag:s31], $0x500  }
0xb1: {  	[sflag:s31] =	ssyncset.done $0x0  }
0xb2: {  	[sflag:s31] =	ssyncadd.s32 $0xFFFFFB00  }
0xb3: {  	_ =	swait.ge [sflag:s0], $0x500  }
0xb4: {  	[sflag:s0] =	ssyncset.done $0x0  }
0xb5: {  	s13 =	simm.s32 $0x0;
	[sflag:s0] =	ssyncadd.s32 $0xFFFFFB00  }
0xb6: {  	v1 =	vld [tilespmem:s13+$0x28A0]  }
0xb7: {  	v2 =	vld [tilespmem:s13+$0x2DA0];
	_ =	sdelay $0x1  }
0xb8: {  	s15 =	simm.s32 $0x10  }
0xb9: {  	v3 =	vld [tilespmem:s15+$0x28A0]  }
0xba: {  	v4 =	vld [tilespmem:s15+$0x2DA0]  }
0xbb: {  	v1 =	vadd.f32 v2, v1;
	_ =	sdelay $0x1  }
0xbc: {  	v5 =	vmul.f32 $2.000000030e-01, v1;
	_ =	sdelay $0x1  }
0xbd: {  	v3 =	vadd.f32 v4, v3;
	v1 =	vmax.f32 v1, v5  }
0xbe: {  	s26 =	simm.s32 $0x20;
	v1 =	vsub.f32 v1, v0  }
0xbf: {  	v2 =	vld [tilespmem:s26+$0x28A0];
	v6 =	vmul.f32 $2.000000030e-01, v3  }
0xc0: {  	v4 =	vld [tilespmem:s26+$0x2DA0];
	v1 =	vmul.f32 $1.442695020e+00, v1  }
0xc1: {  	v3 =	vmax.f32 v3, v6  }
0xc2: {  	v3 =	vsub.f32 v3, v0;
	(erf) = vpow2.f32 v1;
	_ =	sdelay $0x1  }
0xc3: {  	s24 =	smul.u32 $0x50, s10;
	s10 =	simm.s32 $0x30;
	v3 =	vmul.f32 $1.442695020e+00, v3  }
0xc4: {  	v4 =	vadd.f32 v4, v2;
	v2 =	vld [tilespmem:s10+$0x2DA0]  }
0xc5: {  	v1 =	vld [tilespmem:s10+$0x28A0];
	(erf) = vpow2.f32 v3  }
0xc6: {  	v5 =	vmul.f32 $2.000000030e-01, v4;
	_ =	sdelay $0x1  }
0xc7: {  	s24 =	sadd.s32 s9, s24;
	s11 =	simm.s32 $0x100;
	v3 =	vmax.f32 v4, v5  }
.LBB2_7:
0xc8: {  	s16 =	sshra.s32 s11, $0x2;
	v3 =	vsub.f32 v3, v0;
	p0 =	sne.s32 s11, $0x13C0  }
.Ltmp2:
0xc9: {  	s11 =	sadd.s32 $0x40, s11;
	v4 =	vadd.f32 v2, v1;
	v1 =	vld [tilespmem:s16+$0x28A0];
	v5 =	vpop (erf);
	(pc) =	sbr.rel @p0 .LBB2_7-.Ltmp2, $4  }
0xca: {  	v2 =	vld [tilespmem:s16+$0x2DA0];
	v3 =	vmul.f32 $1.442695020e+00, v3;
	[tilespmem:s13+$0x32A0] =	vst v5;
	s13 =	smov.u32 s15;
	s15 =	smov.u32 s26;
	s26 =	smov.u32 s10  }
0xcb: {  	s10 =	smov.u32 s16;
	v5 =	vmul.f32 $2.000000030e-01, v4  }
0xcc: {  	(erf) = vpow2.f32 v3  }
0xcd: {  	v3 =	vmax.f32 v4, v5  }
0xce: {  	_ = 	snop  }
0xcf: {  	v1 =	vadd.f32 v2, v1;
	_ =	sdelay $0x1  }
0xd0: {  	v2 =	vmul.f32 $2.000000030e-01, v1;
	_ =	sdelay $0x1  }
0xd1: {  	v3 =	vsub.f32 v3, v0;
	v1 =	vmax.f32 v1, v2  }
0xd2: {  	v1 =	vsub.f32 v1, v0  }
0xd3: {  	v2 =	vmul.f32 $1.442695020e+00, v3  }
0xd4: {  	v1 =	vmul.f32 $1.442695020e+00, v1  }
0xd5: {  	(erf) = vpow2.f32 v2  }
0xd6: {  	(erf) = vpow2.f32 v1;
	_ =	sdelay $0x5  }
0xd7: {  	v1 =	vpop (erf)  }
0xd8: {  	v2 =	vpop (erf);
	[tilespmem:s13+$0x32A0] =	vst v1  }
0xd9: {  	s11 =	sshll.u32 s24, $0x1;
	[tilespmem:s15+$0x32A0] =	vst v2;
	v1 =	vpop (erf)  }
0xda: {  	s11 =	sand.u32 $0x1FFFFFE0, s11;
	[tilespmem:s26+$0x32A0] =	vst v1;
	v1 =	vpop (erf)  }
0xdb: {  	s26 =	sadd.s32 s8, s11;
	[tilespmem:s10+$0x32A0] =	vst v1  }
0xdc: {  	[hbm4b:s26+s3] =	stream.linear.scatter [tilespmem:s1], [sflag:$0x5], $0x500, $0x38;
	[tilespmem:$0x4760] =	vst v63  }
0xdd: {  	s7 =	sadd.s32 $0x1, s7;
	_ =	swait.ge [sflag:s17], $0x500  }
0xde: {  	p0 =	sne.s32 s7, $0x3E;
	[sflag:s17] =	ssyncset.done $0x0  }
.Ltmp3:
0xdf: {  	[sflag:s17] =	ssyncadd.s32 $0xFFFFFB00;
	(pc) =	sbr.rel @p0 .LBB2_4-.Ltmp3, $4  }
0xe0: {  	[spmem:s2] =	stream.indirect.scatter.add.f32 [tilespmem:s1], [sflag:$0x5], $0x10, s23, s21, $0xb8;
	[tilespmem:$0x4760] =	vst v63  }
0xe1: {  	_ =	swait.ge [sflag:s17], $0x500  }
0xe2: {  	[sflag:s17] =	ssyncset.done $0x0  }
0xe3: {  	[sflag:s17] =	ssyncadd.s32 $0xFFFFFB00  }
0xe4: {  	[bflag:$0x0] =	sbarrier.arrive $0xFFFF  }
0xe5: {  	s13 =	rddreg [dreg:$0x6]  }
0xe6: {  	s7 =	rddreg [dreg:$0x9]  }
0xe7: {  	s6 =	rddreg [dreg:$0xa]  }
0xe8: {  	[hbm:s6], [sflag:s13] =	dma.local [spmem:s7], $0x500  }
0xe9: {  	_ =	swait.ge [sflag:s17], $0x500  }
0xea: {  	s30 =	sadd.s32 $0x1, s30;
	s26 =	rddreg [dreg:$0x8]  }
0xeb: {  	p0 =	sne.s32 s30, s26  }
.Ltmp4:
0xec: {  	_ = 	snop;
	(pc) =	sbr.rel @p0 .LBB2_1-.Ltmp4, $3  }
0xed: {  	_ =	sdelay $0x1  }
0xee: {  	[sflag:s17] =	ssyncset.done $0x0  }
0xef: {  	[sflag:s17] =	ssyncadd.s32 $0xFFFFFB00  }
0xf0: {  	_ =	sfence.sel $0x180000  }
0xf1: {  	[bflag:$0x0] =	sbarrier.arrive $0xFFFF  }
0xf2: {  	_ =	strace $0x90000047  }
0xf3: {  	s0 =	stileid.u32;
	[bflag:$0x2] =	sbarrier.arrive $0xFFFF  }
0xf4: {  	p0 =	sne.s32 s0, $0x0;
	s0 =	rddreg [dreg:$0x2]  }
0xf5: {  	s0 =	sadd.s32 @!p0 $0x100000, s0  }
0xf6: {  	[sflag:s0] =	ssyncadd.tile.s32 @!p0 $0x1;
	_ =	shalt  }
.Lfunc_end2:
_tile_overlayer_lowered:
.L_overlay_start_2:
0xf7: {  	(tag) =	ssettag $0x2  }
0xf8: {  	s0 =	rddreg [dreg:$0x0];
	s2 =	stileid.u32  }
0xf9: {  	s1 =	rddreg [dreg:$0x1];
	p0 =	sne.s32 s2, $0x0  }
0xfa: {  	s3 =	rddreg [dreg:$0x2];
	[bflag:$0x3] =	sbarrier.arrive $0xFFFF;
	s2 =	simm.s32 @!p0 $0x1C05  }
0xfb: {  	[timem:s3], [sflag:s2] =	dma.local @!p0 [hbm:s0], s1  }
0xfc: {  	s0 =	simm.s32 @!p0 $0x5  }
0xfd: {  	_ =	swait.ge @!p0 [sflag:s0], s1  }
0xfe: {  	s1 =	ssub.s32 @!p0 $0x0, s1;
	[sflag:s0] =	ssyncset.done @!p0 $0x0  }
0xff: {  	[sflag:s0] =	ssyncadd.s32 @!p0 s1  }
0x100: {  	[bflag:$0x3] =	sbarrier.arrive $0xFFFF  }
0x101: {  	_ =	shalt  }

</sc_bundles>
